<compile_context>
chip_gen: v7x
topology: tpu7x:2x2x1
jax: 0.10.2.dev20260603
libtpu: 0.0.44.dev20260713+nightly
codegen_flags: <defaults>
</compile_context>

<pallas_src>
import functools

import jax
import jax.numpy as jnp
from jax import lax
from jax.experimental import pallas as pl
from jax.experimental.pallas import tpu as pltpu
from jax.experimental.pallas import tpu_sc as plsc

EMBED_DIM = 11
NUM_ROWS = 100000
BATCH = 16384

NC = 2
NS = 16
NW = NC * NS
B_PER_W = BATCH // NW


def _gather_body(idx_hbm, tflat_hbm, outT_hbm, idx_v, lists_v, rows_v, sem):
    wid = lax.axis_index("s") * NC + lax.axis_index("c")
    base = wid * B_PER_W
    pltpu.sync_copy(idx_hbm.at[pl.ds(base, B_PER_W)], idx_v)
    copies = []
    for c in range(EMBED_DIM):
        for w in range(B_PER_W // 16):
            iw = idx_v[pl.ds(w * 16, 16)]
            lists_v[pl.ds(c * B_PER_W + w * 16, 16)] = iw + c * NUM_ROWS
        copies.append(
            pltpu.async_copy(
                tflat_hbm.at[lists_v.at[pl.ds(c * B_PER_W, B_PER_W)]],
                rows_v.at[pl.ds(c * B_PER_W, B_PER_W)],
                sem,
            )
        )
    for c, cp in enumerate(copies):
        cp.wait()
        pltpu.sync_copy(
            rows_v.at[pl.ds(c * B_PER_W, B_PER_W)],
            outT_hbm.at[c, pl.ds(base, B_PER_W)],
        )


@jax.jit
def _gather(idx, tflat):
    mesh = plsc.VectorSubcoreMesh(core_axis_name="c", subcore_axis_name="s")
    run = functools.partial(
        pl.kernel,
        mesh=mesh,
        out_type=jax.ShapeDtypeStruct((EMBED_DIM, BATCH), jnp.float32),
        scratch_types=[
            pltpu.VMEM((B_PER_W,), jnp.int32),
            pltpu.VMEM((EMBED_DIM * B_PER_W,), jnp.int32),
            pltpu.VMEM((EMBED_DIM * B_PER_W,), jnp.float32),
            pltpu.SemaphoreType.DMA,
        ],
        compiler_params=pltpu.CompilerParams(use_tc_tiling_on_sc=False),
    )(_gather_body)
    return run(idx, tflat).T


def kernel(device_num_tensor, table):
    idx = device_num_tensor.astype(jnp.int32)
    tflat = table.T.reshape(-1)
    return _gather(idx, tflat)

# --- scband reference (transcript-rebuilt; emitter-appended) ---
"""Pipeline reference for scband-embedding-model-54554674594315 (READ-ONLY COPY).

The authoritative reference and input builder live on the scoring server;
editing this copy changes nothing except your own understanding.
"""

import jax, jax.numpy as jnp
import numpy as np

NUM_DEVICES = 100000
EMBED_DIM = 11
BATCH = 16384

def setup_inputs(seed: int = 0) -> dict:
    key = jax.random.key(seed)
    k1, k2 = jax.random.split(key)
    device_num_tensor = jax.random.randint(k1, (BATCH,), 0, NUM_DEVICES, dtype=jnp.int64 if jax.config.jax_enable_x64 else jnp.int32)
    table = jax.random.normal(k2, (NUM_DEVICES, EMBED_DIM), dtype=jnp.float32)
    return {"device_num_tensor": device_num_tensor, "table": table}

def reference(device_num_tensor, table):
    # nn.Embedding lookup -> gather rows of the table
    return jnp.take(table, device_num_tensor, axis=0)

if __name__ == "__main__":
    import jax
    _d = setup_inputs()
    print(jax.jit(kernel)(*tuple(_d.values())))

</pallas_src>

<mosaic_0001>
#map = affine_map<(d0, d1) -> (0)>
#map1 = affine_map<(d0, d1) -> (0, 0)>
module attributes {stable_mosaic.version = 14 : i64} {
  func.func @_gather_body(%arg0: i32, %arg1: i32, %arg2: memref<16384xi32, #tpu.memory_space<hbm>>, %arg3: memref<1100000xf32, #tpu.memory_space<hbm>>, %arg4: memref<11x16384xf32, #tpu.memory_space<hbm>>, %arg5: memref<512xi32, #tpu.memory_space<vmem>>, %arg6: memref<5632xi32, #tpu.memory_space<vmem>>, %arg7: memref<5632xf32, #tpu.memory_space<vmem>>, %arg8: memref<!tpu.dma_semaphore, #tpu.memory_space<semaphore_mem>>) attributes {dimension_semantics = [#tpu.dimension_semantics<core_parallel>, #tpu.dimension_semantics<subcore_parallel>], iteration_bounds = array<i64: 2, 16>, scalar_prefetch = 0 : i64, scratch_operands = 4 : i64, tpu.core_type = #tpu.core_type<sc_vector_subcore>, window_params = [{transform_indices = #map}, {transform_indices = #map}, {transform_indices = #map1}]} {
    %mul3A = arith.constant 2 : i32
    %mul3A_0 = arith.muli %arg1, %mul3A : i32
    %add3A = arith.addi %mul3A_0, %arg0 : i32
    %mul3A_1 = arith.constant 512 : i32
    %mul3A_2 = arith.muli %add3A, %mul3A_1 : i32
    "tpu.region"() ({
      %run_scoped3A_3661 = tpu.sem_alloc : memref<!tpu.dma_semaphore, #tpu.memory_space<semaphore_mem>>
      %dma_start3A_3662 = tpu.memref_slice %arg2[%mul3A_2] : memref<16384xi32, #tpu.memory_space<hbm>> -> memref<512xi32, #tpu.memory_space<hbm>>
      %dma_start3A_3663 = tpu.memref_slice %arg2[%mul3A_2] : memref<16384xi32, #tpu.memory_space<hbm>> -> memref<512xi32, #tpu.memory_space<hbm>>
      tpu.enqueue_dma source(%dma_start3A_3663 : memref<512xi32, #tpu.memory_space<hbm>>) target(%arg5 : memref<512xi32, #tpu.memory_space<vmem>>) target_semaphore(%run_scoped3A_3661 : memref<!tpu.dma_semaphore, #tpu.memory_space<semaphore_mem>>)
      %dma_wait3A_3664 = tpu.memref_slice %arg2[%mul3A_2] : memref<16384xi32, #tpu.memory_space<hbm>> -> memref<512xi32, #tpu.memory_space<hbm>>
      %dma_wait3A_3665 = tpu.memref_slice %arg2[%mul3A_2] : memref<16384xi32, #tpu.memory_space<hbm>> -> memref<512xi32, #tpu.memory_space<hbm>>
      tpu.wait_dma2 semaphore(%run_scoped3A_3661 : memref<!tpu.dma_semaphore, #tpu.memory_space<semaphore_mem>>) src(%dma_wait3A_3665 : memref<512xi32, #tpu.memory_space<hbm>>) dst(%arg5 : memref<512xi32, #tpu.memory_space<vmem>>)
      tpu.yield
    }) : () -> ()
    %get3A = arith.constant 0 : index
    %get3A_3 = tpu.vector_load %arg5[%get3A] {strides = array<i32>} : memref<512xi32, #tpu.memory_space<vmem>>, vector<16xi32>,
    %get3A_4 = vector.shape_cast %get3A_3 : vector<16xi32> to vector<16xi32>
    %add3A_5 = arith.constant 0 : i32
    %add3A_6 = vector.broadcast %add3A_5 : i32 to vector<16xi32>
    %add3A_7 = arith.addi %get3A_4, %add3A_6 : vector<16xi32>
    %swap3A = arith.constant 0 : index
    %swap3A_8 = tpu.vector_load %arg6[%swap3A] {strides = array<i32>} : memref<5632xi32, #tpu.memory_space<vmem>>, vector<16xi32>,
    %swap3A_9 = vector.shape_cast %swap3A_8 : vector<16xi32> to vector<16xi32>
    %swap3A_10 = vector.shape_cast %add3A_7 : vector<16xi32> to vector<16xi32>
    tpu.vector_store %arg6[%swap3A], %swap3A_10 {strides = array<i32>} : memref<5632xi32, #tpu.memory_space<vmem>>, vector<16xi32>,
    %get3A_11 = arith.constant 16 : index
    %get3A_12 = tpu.vector_load %arg5[%get3A_11] {strides = array<i32>} : memref<512xi32, #tpu.memory_space<vmem>>, vector<16xi32>,
    %get3A_13 = vector.shape_cast %get3A_12 : vector<16xi32> to vector<16xi32>
    %add3A_14 = arith.constant 0 : i32
    %add3A_15 = vector.broadcast %add3A_14 : i32 to vector<16xi32>
    %add3A_16 = arith.addi %get3A_13, %add3A_15 : vector<16xi32>
    %swap3A_17 = arith.constant 16 : index
    %swap3A_18 = tpu.vector_load %arg6[%swap3A_17] {strides = array<i32>} : memref<5632xi32, #tpu.memory_space<vmem>>, vector<16xi32>,
    %swap3A_19 = vector.shape_cast %swap3A_18 : vector<16xi32> to vector<16xi32>
    %swap3A_20 = vector.shape_cast %add3A_16 : vector<16xi32> to vector<16xi32>
    tpu.vector_store %arg6[%swap3A_17], %swap3A_20 {strides = array<i32>} : memref<5632xi32, #tpu.memory_space<vmem>>, vector<16xi32>,
    %get3A_21 = arith.constant 32 : index
    %get3A_22 = tpu.vector_load %arg5[%get3A_21] {strides = array<i32>} : memref<512xi32, #tpu.memory_space<vmem>>, vector<16xi32>,
    %get3A_23 = vector.shape_cast %get3A_22 : vector<16xi32> to vector<16xi32>
    %add3A_24 = arith.constant 0 : i32
    %add3A_25 = vector.broadcast %add3A_24 : i32 to vector<16xi32>
    %add3A_26 = arith.addi %get3A_23, %add3A_25 : vector<16xi32>
    %swap3A_27 = arith.constant 32 : index
    %swap3A_28 = tpu.vector_load %arg6[%swap3A_27] {strides = array<i32>} : memref<5632xi32, #tpu.memory_space<vmem>>, vector<16xi32>,
    %swap3A_29 = vector.shape_cast %swap3A_28 : vector<16xi32> to vector<16xi32>
    %swap3A_30 = vector.shape_cast %add3A_26 : vector<16xi32> to vector<16xi32>
    tpu.vector_store %arg6[%swap3A_27], %swap3A_30 {strides = array<i32>} : memref<5632xi32, #tpu.memory_space<vmem>>, vector<16xi32>,
    %get3A_31 = arith.constant 48 : index
    %get3A_32 = tpu.vector_load %arg5[%get3A_31] {strides = array<i32>} : memref<512xi32, #tpu.memory_space<vmem>>, vector<16xi32>,
    %get3A_33 = vector.shape_cast %get3A_32 : vector<16xi32> to vector<16xi32>
    %add3A_34 = arith.constant 0 : i32
    %add3A_35 = vector.broadcast %add3A_34 : i32 to vector<16xi32>
    %add3A_36 = arith.addi %get3A_33, %add3A_35 : vector<16xi32>
    %swap3A_37 = arith.constant 48 : index
    %swap3A_38 = tpu.vector_load %arg6[%swap3A_37] {strides = array<i32>} : memref<5632xi32, #tpu.memory_space<vmem>>, vector<16xi32>,
    %swap3A_39 = vector.shape_cast %swap3A_38 : vector<16xi32> to vector<16xi32>
    %swap3A_40 = vector.shape_cast %add3A_36 : vector<16xi32> to vector<16xi32>
    tpu.vector_store %arg6[%swap3A_37], %swap3A_40 {strides = array<i32>} : memref<5632xi32, #tpu.memory_space<vmem>>, vector<16xi32>,
    %get3A_41 = arith.constant 64 : index
    %get3A_42 = tpu.vector_load %arg5[%get3A_41] {strides = array<i32>} : memref<512xi32, #tpu.memory_space<vmem>>, vector<16xi32>,
    %get3A_43 = vector.shape_cast %get3A_42 : vector<16xi32> to vector<16xi32>
    %add3A_44 = arith.constant 0 : i32
    %add3A_45 = vector.broadcast %add3A_44 : i32 to vector<16xi32>
    %add3A_46 = arith.addi %get3A_43, %add3A_45 : vector<16xi32>
    %swap3A_47 = arith.constant 64 : index
    %swap3A_48 = tpu.vector_load %arg6[%swap3A_47] {strides = array<i32>} : memref<5632xi32, #tpu.memory_space<vmem>>, vector<16xi32>,
    %swap3A_49 = vector.shape_cast %swap3A_48 : vector<16xi32> to vector<16xi32>
    %swap3A_50 = vector.shape_cast %add3A_46 : vector<16xi32> to vector<16xi32>
    tpu.vector_store %arg6[%swap3A_47], %swap3A_50 {strides = array<i32>} : memref<5632xi32, #tpu.memory_space<vmem>>, vector<16xi32>,
    %get3A_51 = arith.constant 80 : index
    %get3A_52 = tpu.vector_load %arg5[%get3A_51] {strides = array<i32>} : memref<512xi32, #tpu.memory_space<vmem>>, vector<16xi32>,
    %get3A_53 = vector.shape_cast %get3A_52 : vector<16xi32> to vector<16xi32>
    %add3A_54 = arith.constant 0 : i32
    %add3A_55 = vector.broadcast %add3A_54 : i32 to vector<16xi32>
    %add3A_56 = arith.addi %get3A_53, %add3A_55 : vector<16xi32>
    %swap3A_57 = arith.constant 80 : index
    %swap3A_58 = tpu.vector_load %arg6[%swap3A_57] {strides = array<i32>} : memref<5632xi32, #tpu.memory_space<vmem>>, vector<16xi32>,
    %swap3A_59 = vector.shape_cast %swap3A_58 : vector<16xi32> to vector<16xi32>
    %swap3A_60 = vector.shape_cast %add3A_56 : vector<16xi32> to vector<16xi32>
    tpu.vector_store %arg6[%swap3A_57], %swap3A_60 {strides = array<i32>} : memref<5632xi32, #tpu.memory_space<vmem>>, vector<16xi32>,
    %get3A_61 = arith.constant 96 : index
    %get3A_62 = tpu.vector_load %arg5[%get3A_61] {strides = array<i32>} : memref<512xi32, #tpu.memory_space<vmem>>, vector<16xi32>,
    %get3A_63 = vector.shape_cast %get3A_62 : vector<16xi32> to vector<16xi32>
    %add3A_64 = arith.constant 0 : i32
    %add3A_65 = vector.broadcast %add3A_64 : i32 to vector<16xi32>
    %add3A_66 = arith.addi %get3A_63, %add3A_65 : vector<16xi32>
    %swap3A_67 = arith.constant 96 : index
    %swap3A_68 = tpu.vector_load %arg6[%swap3A_67] {strides = array<i32>} : memref<5632xi32, #tpu.memory_space<vmem>>, vector<16xi32>,
    %swap3A_69 = vector.shape_cast %swap3A_68 : vector<16xi32> to vector<16xi32>
    %swap3A_70 = vector.shape_cast %add3A_66 : vector<16xi32> to vector<16xi32>
    tpu.vector_store %arg6[%swap3A_67], %swap3A_70 {strides = array<i32>} : memref<5632xi32, #tpu.memory_space<vmem>>, vector<16xi32>,
    %get3A_71 = arith.constant 112 : index
    %get3A_72 = tpu.vector_load %arg5[%get3A_71] {strides = array<i32>} : memref<512xi32, #tpu.memory_space<vmem>>, vector<16xi32>,
    %get3A_73 = vector.shape_cast %get3A_72 : vector<16xi32> to vector<16xi32>
    %add3A_74 = arith.constant 0 : i32
    %add3A_75 = vector.broadcast %add3A_74 : i32 to vector<16xi32>
    %add3A_76 = arith.addi %get3A_73, %add3A_75 : vector<16xi32>
    %swap3A_77 = arith.constant 112 : index
    %swap3A_78 = tpu.vector_load %arg6[%swap3A_77] {strides = array<i32>} : memref<5632xi32, #tpu.memory_space<vmem>>, vector<16xi32>,
    %swap3A_79 = vector.shape_cast %swap3A_78 : vector<16xi32> to vector<16xi32>
    %swap3A_80 = vector.shape_cast %add3A_76 : vector<16xi32> to vector<16xi32>
    tpu.vector_store %arg6[%swap3A_77], %swap3A_80 {strides = array<i32>} : memref<5632xi32, #tpu.memory_space<vmem>>, vector<16xi32>,
    %get3A_81 = arith.constant 128 : index
    %get3A_82 = tpu.vector_load %arg5[%get3A_81] {strides = array<i32>} : memref<512xi32, #tpu.memory_space<vmem>>, vector<16xi32>,
    %get3A_83 = vector.shape_cast %get3A_82 : vector<16xi32> to vector<16xi32>
    %add3A_84 = arith.constant 0 : i32
    %add3A_85 = vector.broadcast %add3A_84 : i32 to vector<16xi32>
    %add3A_86 = arith.addi %get3A_83, %add3A_85 : vector<16xi32>
    %swap3A_87 = arith.constant 128 : index
    %swap3A_88 = tpu.vector_load %arg6[%swap3A_87] {strides = array<i32>} : memref<5632xi32, #tpu.memory_space<vmem>>, vector<16xi32>,
    %swap3A_89 = vector.shape_cast %swap3A_88 : vector<16xi32> to vector<16xi32>
    %swap3A_90 = vector.shape_cast %add3A_86 : vector<16xi32> to vector<16xi32>
    tpu.vector_store %arg6[%swap3A_87], %swap3A_90 {strides = array<i32>} : memref<5632xi32, #tpu.memory_space<vmem>>, vector<16xi32>,
    %get3A_91 = arith.constant 144 : index
    %get3A_92 = tpu.vector_load %arg5[%get3A_91] {strides = array<i32>} : memref<512xi32, #tpu.memory_space<vmem>>, vector<16xi32>,
    %get3A_93 = vector.shape_cast %get3A_92 : vector<16xi32> to vector<16xi32>
    %add3A_94 = arith.constant 0 : i32
    %add3A_95 = vector.broadcast %add3A_94 : i32 to vector<16xi32>
    %add3A_96 = arith.addi %get3A_93, %add3A_95 : vector<16xi32>
    %swap3A_97 = arith.constant 144 : index
    %swap3A_98 = tpu.vector_load %arg6[%swap3A_97] {strides = array<i32>} : memref<5632xi32, #tpu.memory_space<vmem>>, vector<16xi32>,
    %swap3A_99 = vector.shape_cast %swap3A_98 : vector<16xi32> to vector<16xi32>
    %swap3A_100 = vector.shape_cast %add3A_96 : vector<16xi32> to vector<16xi32>
    tpu.vector_store %arg6[%swap3A_97], %swap3A_100 {strides = array<i32>} : memref<5632xi32, #tpu.memory_space<vmem>>, vector<16xi32>,
    %get3A_101 = arith.constant 160 : index
    %get3A_102 = tpu.vector_load %arg5[%get3A_101] {strides = array<i32>} : memref<512xi32, #tpu.memory_space<vmem>>, vector<16xi32>,
    %get3A_103 = vector.shape_cast %get3A_102 : vector<16xi32> to vector<16xi32>
    %add3A_104 = arith.constant 0 : i32
    %add3A_105 = vector.broadcast %add3A_104 : i32 to vector<16xi32>
    %add3A_106 = arith.addi %get3A_103, %add3A_105 : vector<16xi32>
    %swap3A_107 = arith.constant 160 : index
    %swap3A_108 = tpu.vector_load %arg6[%swap3A_107] {strides = array<i32>} : memref<5632xi32, #tpu.memory_space<vmem>>, vector<16xi32>,
    %swap3A_109 = vector.shape_cast %swap3A_108 : vector<16xi32> to vector<16xi32>
    %swap3A_110 = vector.shape_cast %add3A_106 : vector<16xi32> to vector<16xi32>
    tpu.vector_store %arg6[%swap3A_107], %swap3A_110 {strides = array<i32>} : memref<5632xi32, #tpu.memory_space<vmem>>, vector<16xi32>,
    %get3A_111 = arith.constant 176 : index
    %get3A_112 = tpu.vector_load %arg5[%get3A_111] {strides = array<i32>} : memref<512xi32, #tpu.memory_space<vmem>>, vector<16xi32>,
    %get3A_113 = vector.shape_cast %get3A_112 : vector<16xi32> to vector<16xi32>
    %add3A_114 = arith.constant 0 : i32
    %add3A_115 = vector.broadcast %add3A_114 : i32 to vector<16xi32>
    %add3A_116 = arith.addi %get3A_113, %add3A_115 : vector<16xi32>
    %swap3A_117 = arith.constant 176 : index
    %swap3A_118 = tpu.vector_load %arg6[%swap3A_117] {strides = array<i32>} : memref<5632xi32, #tpu.memory_space<vmem>>, vector<16xi32>,
    %swap3A_119 = vector.shape_cast %swap3A_118 : vector<16xi32> to vector<16xi32>
    %swap3A_120 = vector.shape_cast %add3A_116 : vector<16xi32> to vector<16xi32>
    tpu.vector_store %arg6[%swap3A_117], %swap3A_120 {strides = array<i32>} : memref<5632xi32, #tpu.memory_space<vmem>>, vector<16xi32>,
    %get3A_121 = arith.constant 192 : index
    %get3A_122 = tpu.vector_load %arg5[%get3A_121] {strides = array<i32>} : memref<512xi32, #tpu.memory_space<vmem>>, vector<16xi32>,
    %get3A_123 = vector.shape_cast %get3A_122 : vector<16xi32> to vector<16xi32>
    %add3A_124 = arith.constant 0 : i32
    %add3A_125 = vector.broadcast %add3A_124 : i32 to vector<16xi32>
    %add3A_126 = arith.addi %get3A_123, %add3A_125 : vector<16xi32>
    %swap3A_127 = arith.constant 192 : index
    %swap3A_128 = tpu.vector_load %arg6[%swap3A_127] {strides = array<i32>} : memref<5632xi32, #tpu.memory_space<vmem>>, vector<16xi32>,
    %swap3A_129 = vector.shape_cast %swap3A_128 : vector<16xi32> to vector<16xi32>
    %swap3A_130 = vector.shape_cast %add3A_126 : vector<16xi32> to vector<16xi32>
    tpu.vector_store %arg6[%swap3A_127], %swap3A_130 {strides = array<i32>} : memref<5632xi32, #tpu.memory_space<vmem>>, vector<16xi32>,
    %get3A_131 = arith.constant 208 : index
    %get3A_132 = tpu.vector_load %arg5[%get3A_131] {strides = array<i32>} : memref<512xi32, #tpu.memory_space<vmem>>, vector<16xi32>,
    %get3A_133 = vector.shape_cast %get3A_132 : vector<16xi32> to vector<16xi32>
    %add3A_134 = arith.constant 0 : i32
    %add3A_135 = vector.broadcast %add3A_134 : i32 to vector<16xi32>
    %add3A_136 = arith.addi %get3A_133, %add3A_135 : vector<16xi32>
    %swap3A_137 = arith.constant 208 : index
    %swap3A_138 = tpu.vector_load %arg6[%swap3A_137] {strides = array<i32>} : memref<5632xi32, #tpu.memory_space<vmem>>, vector<16xi32>,
    %swap3A_139 = vector.shape_cast %swap3A_138 : vector<16xi32> to vector<16xi32>
    %swap3A_140 = vector.shape_cast %add3A_136 : vector<16xi32> to vector<16xi32>
    tpu.vector_store %arg6[%swap3A_137], %swap3A_140 {strides = array<i32>} : memref<5632xi32, #tpu.memory_space<vmem>>, vector<16xi32>,
    %get3A_141 = arith.constant 224 : index
    %get3A_142 = tpu.vector_load %arg5[%get3A_141] {strides = array<i32>} : memref<512xi32, #tpu.memory_space<vmem>>, vector<16xi32>,
    %get3A_143 = vector.shape_cast %get3A_142 : vector<16xi32> to vector<16xi32>
    %add3A_144 = arith.constant 0 : i32
    %add3A_145 = vector.broadcast %add3A_144 : i32 to vector<16xi32>
    %add3A_146 = arith.addi %get3A_143, %add3A_145 : vector<16xi32>
    %swap3A_147 = arith.constant 224 : index
    %swap3A_148 = tpu.vector_load %arg6[%swap3A_147] {strides = array<i32>} : memref<5632xi32, #tpu.memory_space<vmem>>, vector<16xi32>,
    %swap3A_149 = vector.shape_cast %swap3A_148 : vector<16xi32> to vector<16xi32>
    %swap3A_150 = vector.shape_cast %add3A_146 : vector<16xi32> to vector<16xi32>
    tpu.vector_store %arg6[%swap3A_147], %swap3A_150 {strides = array<i32>} : memref<5632xi32, #tpu.memory_space<vmem>>, vector<16xi32>,
    %get3A_151 = arith.constant 240 : index
    %get3A_152 = tpu.vector_load %arg5[%get3A_151] {strides = array<i32>} : memref<512xi32, #tpu.memory_space<vmem>>, vector<16xi32>,
    %get3A_153 = vector.shape_cast %get3A_152 : vector<16xi32> to vector<16xi32>
    %add3A_154 = arith.constant 0 : i32
    %add3A_155 = vector.broadcast %add3A_154 : i32 to vector<16xi32>
    %add3A_156 = arith.addi %get3A_153, %add3A_155 : vector<16xi32>
    %swap3A_157 = arith.constant 240 : index
    %swap3A_158 = tpu.vector_load %arg6[%swap3A_157] {strides = array<i32>} : memref<5632xi32, #tpu.memory_space<vmem>>, vector<16xi32>,
    %swap3A_159 = vector.shape_cast %swap3A_158 : vector<16xi32> to vector<16xi32>
    %swap3A_160 = vector.shape_cast %add3A_156 : vector<16xi32> to vector<16xi32>
    tpu.vector_store %arg6[%swap3A_157], %swap3A_160 {strides = array<i32>} : memref<5632xi32, #tpu.memory_space<vmem>>, vector<16xi32>,
    %get3A_161 = arith.constant 256 : index
    %get3A_162 = tpu.vector_load %arg5[%get3A_161] {strides = array<i32>} : memref<512xi32, #tpu.memory_space<vmem>>, vector<16xi32>,
    %get3A_163 = vector.shape_cast %get3A_162 : vector<16xi32> to vector<16xi32>
    %add3A_164 = arith.constant 0 : i32
    %add3A_165 = vector.broadcast %add3A_164 : i32 to vector<16xi32>
    %add3A_166 = arith.addi %get3A_163, %add3A_165 : vector<16xi32>
    %swap3A_167 = arith.constant 256 : index
    %swap3A_168 = tpu.vector_load %arg6[%swap3A_167] {strides = array<i32>} : memref<5632xi32, #tpu.memory_space<vmem>>, vector<16xi32>,
    %swap3A_169 = vector.shape_cast %swap3A_168 : vector<16xi32> to vector<16xi32>
    %swap3A_170 = vector.shape_cast %add3A_166 : vector<16xi32> to vector<16xi32>
    tpu.vector_store %arg6[%swap3A_167], %swap3A_170 {strides = array<i32>} : memref<5632xi32, #tpu.memory_space<vmem>>, vector<16xi32>,
    %get3A_171 = arith.constant 272 : index
    %get3A_172 = tpu.vector_load %arg5[%get3A_171] {strides = array<i32>} : memref<512xi32, #tpu.memory_space<vmem>>, vector<16xi32>,
    %get3A_173 = vector.shape_cast %get3A_172 : vector<16xi32> to vector<16xi32>
    %add3A_174 = arith.constant 0 : i32
    %add3A_175 = vector.broadcast %add3A_174 : i32 to vector<16xi32>
    %add3A_176 = arith.addi %get3A_173, %add3A_175 : vector<16xi32>
    %swap3A_177 = arith.constant 272 : index
    %swap3A_178 = tpu.vector_load %arg6[%swap3A_177] {strides = array<i32>} : memref<5632xi32, #tpu.memory_space<vmem>>, vector<16xi32>,
    %swap3A_179 = vector.shape_cast %swap3A_178 : vector<16xi32> to vector<16xi32>
    %swap3A_180 = vector.shape_cast %add3A_176 : vector<16xi32> to vector<16xi32>
    tpu.vector_store %arg6[%swap3A_177], %swap3A_180 {strides = array<i32>} : memref<5632xi32, #tpu.memory_space<vmem>>, vector<16xi32>,
    %get3A_181 = arith.constant 288 : index
    %get3A_182 = tpu.vector_load %arg5[%get3A_181] {strides = array<i32>} : memref<512xi32, #tpu.memory_space<vmem>>, vector<16xi32>,
    %get3A_183 = vector.shape_cast %get3A_182 : vector<16xi32> to vector<16xi32>
    %add3A_184 = arith.constant 0 : i32
    %add3A_185 = vector.broadcast %add3A_184 : i32 to vector<16xi32>
    %add3A_186 = arith.addi %get3A_183, %add3A_185 : vector<16xi32>
    %swap3A_187 = arith.constant 288 : index
    %swap3A_188 = tpu.vector_load %arg6[%swap3A_187] {strides = array<i32>} : memref<5632xi32, #tpu.memory_space<vmem>>, vector<16xi32>,
    %swap3A_189 = vector.shape_cast %swap3A_188 : vector<16xi32> to vector<16xi32>
    %swap3A_190 = vector.shape_cast %add3A_186 : vector<16xi32> to vector<16xi32>
    tpu.vector_store %arg6[%swap3A_187], %swap3A_190 {strides = array<i32>} : memref<5632xi32, #tpu.memory_space<vmem>>, vector<16xi32>,
    %get3A_191 = arith.constant 304 : index
    %get3A_192 = tpu.vector_load %arg5[%get3A_191] {strides = array<i32>} : memref<512xi32, #tpu.memory_space<vmem>>, vector<16xi32>,
    %get3A_193 = vector.shape_cast %get3A_192 : vector<16xi32> to vector<16xi32>
    %add3A_194 = arith.constant 0 : i32
    %add3A_195 = vector.broadcast %add3A_194 : i32 to vector<16xi32>
    %add3A_196 = arith.addi %get3A_193, %add3A_195 : vector<16xi32>
    %swap3A_197 = arith.constant 304 : index
    %swap3A_198 = tpu.vector_load %arg6[%swap3A_197] {strides = array<i32>} : memref<5632xi32, #tpu.memory_space<vmem>>, vector<16xi32>,
    %swap3A_199 = vector.shape_cast %swap3A_198 : vector<16xi32> to vector<16xi32>
    %swap3A_200 = vector.shape_cast %add3A_196 : vector<16xi32> to vector<16xi32>
    tpu.vector_store %arg6[%swap3A_197], %swap3A_200 {strides = array<i32>} : memref<5632xi32, #tpu.memory_space<vmem>>, vector<16xi32>,
    %get3A_201 = arith.constant 320 : index
    %get3A_202 = tpu.vector_load %arg5[%get3A_201] {strides = array<i32>} : memref<512xi32, #tpu.memory_space<vmem>>, vector<16xi32>,
    %get3A_203 = vector.shape_cast %get3A_202 : vector<16xi32> to vector<16xi32>
    %add3A_204 = arith.constant 0 : i32
    %add3A_205 = vector.broadcast %add3A_204 : i32 to vector<16xi32>
    %add3A_206 = arith.addi %get3A_203, %add3A_205 : vector<16xi32>
    %swap3A_207 = arith.constant 320 : index
    %swap3A_208 = tpu.vector_load %arg6[%swap3A_207] {strides = array<i32>} : memref<5632xi32, #tpu.memory_space<vmem>>, vector<16xi32>,
    %swap3A_209 = vector.shape_cast %swap3A_208 : vector<16xi32> to vector<16xi32>
    %swap3A_210 = vector.shape_cast %add3A_206 : vector<16xi32> to vector<16xi32>
    tpu.vector_store %arg6[%swap3A_207], %swap3A_210 {strides = array<i32>} : memref<5632xi32, #tpu.memory_space<vmem>>, vector<16xi32>,
    %get3A_211 = arith.constant 336 : index
    %get3A_212 = tpu.vector_load %arg5[%get3A_211] {strides = array<i32>} : memref<512xi32, #tpu.memory_space<vmem>>, vector<16xi32>,
    %get3A_213 = vector.shape_cast %get3A_212 : vector<16xi32> to vector<16xi32>
    %add3A_214 = arith.constant 0 : i32
    %add3A_215 = vector.broadcast %add3A_214 : i32 to vector<16xi32>
    %add3A_216 = arith.addi %get3A_213, %add3A_215 : vector<16xi32>
    %swap3A_217 = arith.constant 336 : index
    %swap3A_218 = tpu.vector_load %arg6[%swap3A_217] {strides = array<i32>} : memref<5632xi32, #tpu.memory_space<vmem>>, vector<16xi32>,
    %swap3A_219 = vector.shape_cast %swap3A_218 : vector<16xi32> to vector<16xi32>
    %swap3A_220 = vector.shape_cast %add3A_216 : vector<16xi32> to vector<16xi32>
    tpu.vector_store %arg6[%swap3A_217], %swap3A_220 {strides = array<i32>} : memref<5632xi32, #tpu.memory_space<vmem>>, vector<16xi32>,
    %get3A_221 = arith.constant 352 : index
    %get3A_222 = tpu.vector_load %arg5[%get3A_221] {strides = array<i32>} : memref<512xi32, #tpu.memory_space<vmem>>, vector<16xi32>,
    %get3A_223 = vector.shape_cast %get3A_222 : vector<16xi32> to vector<16xi32>
    %add3A_224 = arith.constant 0 : i32
    %add3A_225 = vector.broadcast %add3A_224 : i32 to vector<16xi32>
    %add3A_226 = arith.addi %get3A_223, %add3A_225 : vector<16xi32>
    %swap3A_227 = arith.constant 352 : index
    %swap3A_228 = tpu.vector_load %arg6[%swap3A_227] {strides = array<i32>} : memref<5632xi32, #tpu.memory_space<vmem>>, vector<16xi32>,
    %swap3A_229 = vector.shape_cast %swap3A_228 : vector<16xi32> to vector<16xi32>
    %swap3A_230 = vector.shape_cast %add3A_226 : vector<16xi32> to vector<16xi32>
    tpu.vector_store %arg6[%swap3A_227], %swap3A_230 {strides = array<i32>} : memref<5632xi32, #tpu.memory_space<vmem>>, vector<16xi32>,
    %get3A_231 = arith.constant 368 : index
    %get3A_232 = tpu.vector_load %arg5[%get3A_231] {strides = array<i32>} : memref<512xi32, #tpu.memory_space<vmem>>, vector<16xi32>,
    %get3A_233 = vector.shape_cast %get3A_232 : vector<16xi32> to vector<16xi32>
    %add3A_234 = arith.constant 0 : i32
    %add3A_235 = vector.broadcast %add3A_234 : i32 to vector<16xi32>
    %add3A_236 = arith.addi %get3A_233, %add3A_235 : vector<16xi32>
    %swap3A_237 = arith.constant 368 : index
    %swap3A_238 = tpu.vector_load %arg6[%swap3A_237] {strides = array<i32>} : memref<5632xi32, #tpu.memory_space<vmem>>, vector<16xi32>,
    %swap3A_239 = vector.shape_cast %swap3A_238 : vector<16xi32> to vector<16xi32>
    %swap3A_240 = vector.shape_cast %add3A_236 : vector<16xi32> to vector<16xi32>
    tpu.vector_store %arg6[%swap3A_237], %swap3A_240 {strides = array<i32>} : memref<5632xi32, #tpu.memory_space<vmem>>, vector<16xi32>,
    %get3A_241 = arith.constant 384 : index
    %get3A_242 = tpu.vector_load %arg5[%get3A_241] {strides = array<i32>} : memref<512xi32, #tpu.memory_space<vmem>>, vector<16xi32>,
    %get3A_243 = vector.shape_cast %get3A_242 : vector<16xi32> to vector<16xi32>
    %add3A_244 = arith.constant 0 : i32
    %add3A_245 = vector.broadcast %add3A_244 : i32 to vector<16xi32>
    %add3A_246 = arith.addi %get3A_243, %add3A_245 : vector<16xi32>
    %swap3A_247 = arith.constant 384 : index
    %swap3A_248 = tpu.vector_load %arg6[%swap3A_247] {strides = array<i32>} : memref<5632xi32, #tpu.memory_space<vmem>>, vector<16xi32>,
    %swap3A_249 = vector.shape_cast %swap3A_248 : vector<16xi32> to vector<16xi32>
    %swap3A_250 = vector.shape_cast %add3A_246 : vector<16xi32> to vector<16xi32>
    tpu.vector_store %arg6[%swap3A_247], %swap3A_250 {strides = array<i32>} : memref<5632xi32, #tpu.memory_space<vmem>>, vector<16xi32>,
    %get3A_251 = arith.constant 400 : index
    %get3A_252 = tpu.vector_load %arg5[%get3A_251] {strides = array<i32>} : memref<512xi32, #tpu.memory_space<vmem>>, vector<16xi32>,
    %get3A_253 = vector.shape_cast %get3A_252 : vector<16xi32> to vector<16xi32>
    %add3A_254 = arith.constant 0 : i32
    %add3A_255 = vector.broadcast %add3A_254 : i32 to vector<16xi32>
    %add3A_256 = arith.addi %get3A_253, %add3A_255 : vector<16xi32>
    %swap3A_257 = arith.constant 400 : index
    %swap3A_258 = tpu.vector_load %arg6[%swap3A_257] {strides = array<i32>} : memref<5632xi32, #tpu.memory_space<vmem>>, vector<16xi32>,
    %swap3A_259 = vector.shape_cast %swap3A_258 : vector<16xi32> to vector<16xi32>
    %swap3A_260 = vector.shape_cast %add3A_256 : vector<16xi32> to vector<16xi32>
    tpu.vector_store %arg6[%swap3A_257], %swap3A_260 {strides = array<i32>} : memref<5632xi32, #tpu.memory_space<vmem>>, vector<16xi32>,
    %get3A_261 = arith.constant 416 : index
    %get3A_262 = tpu.vector_load %arg5[%get3A_261] {strides = array<i32>} : memref<512xi32, #tpu.memory_space<vmem>>, vector<16xi32>,
    %get3A_263 = vector.shape_cast %get3A_262 : vector<16xi32> to vector<16xi32>
    %add3A_264 = arith.constant 0 : i32
    %add3A_265 = vector.broadcast %add3A_264 : i32 to vector<16xi32>
    %add3A_266 = arith.addi %get3A_263, %add3A_265 : vector<16xi32>
    %swap3A_267 = arith.constant 416 : index
    %swap3A_268 = tpu.vector_load %arg6[%swap3A_267] {strides = array<i32>} : memref<5632xi32, #tpu.memory_space<vmem>>, vector<16xi32>,
    %swap3A_269 = vector.shape_cast %swap3A_268 : vector<16xi32> to vector<16xi32>
    %swap3A_270 = vector.shape_cast %add3A_266 : vector<16xi32> to vector<16xi32>
    tpu.vector_store %arg6[%swap3A_267], %swap3A_270 {strides = array<i32>} : memref<5632xi32, #tpu.memory_space<vmem>>, vector<16xi32>,
    %get3A_271 = arith.constant 432 : index
    %get3A_272 = tpu.vector_load %arg5[%get3A_271] {strides = array<i32>} : memref<512xi32, #tpu.memory_space<vmem>>, vector<16xi32>,
    %get3A_273 = vector.shape_cast %get3A_272 : vector<16xi32> to vector<16xi32>
    %add3A_274 = arith.constant 0 : i32
    %add3A_275 = vector.broadcast %add3A_274 : i32 to vector<16xi32>
    %add3A_276 = arith.addi %get3A_273, %add3A_275 : vector<16xi32>
    %swap3A_277 = arith.constant 432 : index
    %swap3A_278 = tpu.vector_load %arg6[%swap3A_277] {strides = array<i32>} : memref<5632xi32, #tpu.memory_space<vmem>>, vector<16xi32>,
    %swap3A_279 = vector.shape_cast %swap3A_278 : vector<16xi32> to vector<16xi32>
    %swap3A_280 = vector.shape_cast %add3A_276 : vector<16xi32> to vector<16xi32>
    tpu.vector_store %arg6[%swap3A_277], %swap3A_280 {strides = array<i32>} : memref<5632xi32, #tpu.memory_space<vmem>>, vector<16xi32>,
    %get3A_281 = arith.constant 448 : index
    %get3A_282 = tpu.vector_load %arg5[%get3A_281] {strides = array<i32>} : memref<512xi32, #tpu.memory_space<vmem>>, vector<16xi32>,
    %get3A_283 = vector.shape_cast %get3A_282 : vector<16xi32> to vector<16xi32>
    %add3A_284 = arith.constant 0 : i32
    %add3A_285 = vector.broadcast %add3A_284 : i32 to vector<16xi32>
    %add3A_286 = arith.addi %get3A_283, %add3A_285 : vector<16xi32>
    %swap3A_287 = arith.constant 448 : index
    %swap3A_288 = tpu.vector_load %arg6[%swap3A_287] {strides = array<i32>} : memref<5632xi32, #tpu.memory_space<vmem>>, vector<16xi32>,
    %swap3A_289 = vector.shape_cast %swap3A_288 : vector<16xi32> to vector<16xi32>
    %swap3A_290 = vector.shape_cast %add3A_286 : vector<16xi32> to vector<16xi32>
    tpu.vector_store %arg6[%swap3A_287], %swap3A_290 {strides = array<i32>} : memref<5632xi32, #tpu.memory_space<vmem>>, vector<16xi32>,
    %get3A_291 = arith.constant 464 : index
    %get3A_292 = tpu.vector_load %arg5[%get3A_291] {strides = array<i32>} : memref<512xi32, #tpu.memory_space<vmem>>, vector<16xi32>,
    %get3A_293 = vector.shape_cast %get3A_292 : vector<16xi32> to vector<16xi32>
    %add3A_294 = arith.constant 0 : i32
    %add3A_295 = vector.broadcast %add3A_294 : i32 to vector<16xi32>
    %add3A_296 = arith.addi %get3A_293, %add3A_295 : vector<16xi32>
    %swap3A_297 = arith.constant 464 : index
    %swap3A_298 = tpu.vector_load %arg6[%swap3A_297] {strides = array<i32>} : memref<5632xi32, #tpu.memory_space<vmem>>, vector<16xi32>,
    %swap3A_299 = vector.shape_cast %swap3A_298 : vector<16xi32> to vector<16xi32>
    %swap3A_300 = vector.shape_cast %add3A_296 : vector<16xi32> to vector<16xi32>
    tpu.vector_store %arg6[%swap3A_297], %swap3A_300 {strides = array<i32>} : memref<5632xi32, #tpu.memory_space<vmem>>, vector<16xi32>,
    %get3A_301 = arith.constant 480 : index
    %get3A_302 = tpu.vector_load %arg5[%get3A_301] {strides = array<i32>} : memref<512xi32, #tpu.memory_space<vmem>>, vector<16xi32>,
    %get3A_303 = vector.shape_cast %get3A_302 : vector<16xi32> to vector<16xi32>
    %add3A_304 = arith.constant 0 : i32
    %add3A_305 = vector.broadcast %add3A_304 : i32 to vector<16xi32>
    %add3A_306 = arith.addi %get3A_303, %add3A_305 : vector<16xi32>
    %swap3A_307 = arith.constant 480 : index
    %swap3A_308 = tpu.vector_load %arg6[%swap3A_307] {strides = array<i32>} : memref<5632xi32, #tpu.memory_space<vmem>>, vector<16xi32>,
    %swap3A_309 = vector.shape_cast %swap3A_308 : vector<16xi32> to vector<16xi32>
    %swap3A_310 = vector.shape_cast %add3A_306 : vector<16xi32> to vector<16xi32>
    tpu.vector_store %arg6[%swap3A_307], %swap3A_310 {strides = array<i32>} : memref<5632xi32, #tpu.memory_space<vmem>>, vector<16xi32>,
    %get3A_311 = arith.constant 496 : index
    %get3A_312 = tpu.vector_load %arg5[%get3A_311] {strides = array<i32>} : memref<512xi32, #tpu.memory_space<vmem>>, vector<16xi32>,
    %get3A_313 = vector.shape_cast %get3A_312 : vector<16xi32> to vector<16xi32>
    %add3A_314 = arith.constant 0 : i32
    %add3A_315 = vector.broadcast %add3A_314 : i32 to vector<16xi32>
    %add3A_316 = arith.addi %get3A_313, %add3A_315 : vector<16xi32>
    %swap3A_317 = arith.constant 496 : index
    %swap3A_318 = tpu.vector_load %arg6[%swap3A_317] {strides = array<i32>} : memref<5632xi32, #tpu.memory_space<vmem>>, vector<16xi32>,
    %swap3A_319 = vector.shape_cast %swap3A_318 : vector<16xi32> to vector<16xi32>
    %swap3A_320 = vector.shape_cast %add3A_316 : vector<16xi32> to vector<16xi32>
    tpu.vector_store %arg6[%swap3A_317], %swap3A_320 {strides = array<i32>} : memref<5632xi32, #tpu.memory_space<vmem>>, vector<16xi32>,
    %dma_start3A = arith.constant 0 : i32
    %dma_start3A_321 = tpu.memref_slice %arg7[%dma_start3A] : memref<5632xf32, #tpu.memory_space<vmem>> -> memref<512xf32, #tpu.memory_space<vmem>>
    %dma_start3A_322 = arith.constant 0 : i32
    %dma_start3A_323 = tpu.memref_slice %arg6[%dma_start3A_322] : memref<5632xi32, #tpu.memory_space<vmem>> -> memref<512xi32, #tpu.memory_space<vmem>>
    %dma_start3A_324 = arith.constant 0 : i32
    %dma_start3A_325 = tpu.memref_slice %arg3[%dma_start3A_324] : memref<1100000xf32, #tpu.memory_space<hbm>> -> memref<1100000xf32, #tpu.memory_space<hbm>>
    tpu.enqueue_indirect_dma source(%dma_start3A_325 : memref<1100000xf32, #tpu.memory_space<hbm>>) target(%dma_start3A_321 : memref<512xf32, #tpu.memory_space<vmem>>) offsets(%dma_start3A_323 : memref<512xi32, #tpu.memory_space<vmem>>) semaphore(%arg8 : memref<!tpu.dma_semaphore, #tpu.memory_space<semaphore_mem>>)
    %get3A_326 = arith.constant 0 : index
    %get3A_327 = tpu.vector_load %arg5[%get3A_326] {strides = array<i32>} : memref<512xi32, #tpu.memory_space<vmem>>, vector<16xi32>,
    %get3A_328 = vector.shape_cast %get3A_327 : vector<16xi32> to vector<16xi32>
    %add3A_329 = arith.constant 100000 : i32
    %add3A_330 = vector.broadcast %add3A_329 : i32 to vector<16xi32>
    %add3A_331 = arith.addi %get3A_328, %add3A_330 : vector<16xi32>
    %swap3A_332 = arith.constant 512 : index
    %swap3A_333 = tpu.vector_load %arg6[%swap3A_332] {strides = array<i32>} : memref<5632xi32, #tpu.memory_space<vmem>>, vector<16xi32>,
    %swap3A_334 = vector.shape_cast %swap3A_333 : vector<16xi32> to vector<16xi32>
    %swap3A_335 = vector.shape_cast %add3A_331 : vector<16xi32> to vector<16xi32>
    tpu.vector_store %arg6[%swap3A_332], %swap3A_335 {strides = array<i32>} : memref<5632xi32, #tpu.memory_space<vmem>>, vector<16xi32>,
    %get3A_336 = arith.constant 16 : index
    %get3A_337 = tpu.vector_load %arg5[%get3A_336] {strides = array<i32>} : memref<512xi32, #tpu.memory_space<vmem>>, vector<16xi32>,
    %get3A_338 = vector.shape_cast %get3A_337 : vector<16xi32> to vector<16xi32>
    %add3A_339 = arith.constant 100000 : i32
    %add3A_340 = vector.broadcast %add3A_339 : i32 to vector<16xi32>
    %add3A_341 = arith.addi %get3A_338, %add3A_340 : vector<16xi32>
    %swap3A_342 = arith.constant 528 : index
    %swap3A_343 = tpu.vector_load %arg6[%swap3A_342] {strides = array<i32>} : memref<5632xi32, #tpu.memory_space<vmem>>, vector<16xi32>,
    %swap3A_344 = vector.shape_cast %swap3A_343 : vector<16xi32> to vector<16xi32>
    %swap3A_345 = vector.shape_cast %add3A_341 : vector<16xi32> to vector<16xi32>
    tpu.vector_store %arg6[%swap3A_342], %swap3A_345 {strides = array<i32>} : memref<5632xi32, #tpu.memory_space<vmem>>, vector<16xi32>,
    %get3A_346 = arith.constant 32 : index
    %get3A_347 = tpu.vector_load %arg5[%get3A_346] {strides = array<i32>} : memref<512xi32, #tpu.memory_space<vmem>>, vector<16xi32>,
    %get3A_348 = vector.shape_cast %get3A_347 : vector<16xi32> to vector<16xi32>
    %add3A_349 = arith.constant 100000 : i32
    %add3A_350 = vector.broadcast %add3A_349 : i32 to vector<16xi32>
    %add3A_351 = arith.addi %get3A_348, %add3A_350 : vector<16xi32>
    %swap3A_352 = arith.constant 544 : index
    %swap3A_353 = tpu.vector_load %arg6[%swap3A_352] {strides = array<i32>} : memref<5632xi32, #tpu.memory_space<vmem>>, vector<16xi32>,
    %swap3A_354 = vector.shape_cast %swap3A_353 : vector<16xi32> to vector<16xi32>
    %swap3A_355 = vector.shape_cast %add3A_351 : vector<16xi32> to vector<16xi32>
    tpu.vector_store %arg6[%swap3A_352], %swap3A_355 {strides = array<i32>} : memref<5632xi32, #tpu.memory_space<vmem>>, vector<16xi32>,
    %get3A_356 = arith.constant 48 : index
    %get3A_357 = tpu.vector_load %arg5[%get3A_356] {strides = array<i32>} : memref<512xi32, #tpu.memory_space<vmem>>, vector<16xi32>,
    %get3A_358 = vector.shape_cast %get3A_357 : vector<16xi32> to vector<16xi32>
    %add3A_359 = arith.constant 100000 : i32
    %add3A_360 = vector.broadcast %add3A_359 : i32 to vector<16xi32>
    %add3A_361 = arith.addi %get3A_358, %add3A_360 : vector<16xi32>
    %swap3A_362 = arith.constant 560 : index
    %swap3A_363 = tpu.vector_load %arg6[%swap3A_362] {strides = array<i32>} : memref<5632xi32, #tpu.memory_space<vmem>>, vector<16xi32>,
    %swap3A_364 = vector.shape_cast %swap3A_363 : vector<16xi32> to vector<16xi32>
    %swap3A_365 = vector.shape_cast %add3A_361 : vector<16xi32> to vector<16xi32>
    tpu.vector_store %arg6[%swap3A_362], %swap3A_365 {strides = array<i32>} : memref<5632xi32, #tpu.memory_space<vmem>>, vector<16xi32>,
    %get3A_366 = arith.constant 64 : index
    %get3A_367 = tpu.vector_load %arg5[%get3A_366] {strides = array<i32>} : memref<512xi32, #tpu.memory_space<vmem>>, vector<16xi32>,
    %get3A_368 = vector.shape_cast %get3A_367 : vector<16xi32> to vector<16xi32>
    %add3A_369 = arith.constant 100000 : i32
    %add3A_370 = vector.broadcast %add3A_369 : i32 to vector<16xi32>
    %add3A_371 = arith.addi %get3A_368, %add3A_370 : vector<16xi32>
    %swap3A_372 = arith.constant 576 : index
    %swap3A_373 = tpu.vector_load %arg6[%swap3A_372] {strides = array<i32>} : memref<5632xi32, #tpu.memory_space<vmem>>, vector<16xi32>,
    %swap3A_374 = vector.shape_cast %swap3A_373 : vector<16xi32> to vector<16xi32>
    %swap3A_375 = vector.shape_cast %add3A_371 : vector<16xi32> to vector<16xi32>
    tpu.vector_store %arg6[%swap3A_372], %swap3A_375 {strides = array<i32>} : memref<5632xi32, #tpu.memory_space<vmem>>, vector<16xi32>,
    %get3A_376 = arith.constant 80 : index
    %get3A_377 = tpu.vector_load %arg5[%get3A_376] {strides = array<i32>} : memref<512xi32, #tpu.memory_space<vmem>>, vector<16xi32>,
    %get3A_378 = vector.shape_cast %get3A_377 : vector<16xi32> to vector<16xi32>
    %add3A_379 = arith.constant 100000 : i32
    %add3A_380 = vector.broadcast %add3A_379 : i32 to vector<16xi32>
    %add3A_381 = arith.addi %get3A_378, %add3A_380 : vector<16xi32>
    %swap3A_382 = arith.constant 592 : index
    %swap3A_383 = tpu.vector_load %arg6[%swap3A_382] {strides = array<i32>} : memref<5632xi32, #tpu.memory_space<vmem>>, vector<16xi32>,
    %swap3A_384 = vector.shape_cast %swap3A_383 : vector<16xi32> to vector<16xi32>
    %swap3A_385 = vector.shape_cast %add3A_381 : vector<16xi32> to vector<16xi32>
    tpu.vector_store %arg6[%swap3A_382], %swap3A_385 {strides = array<i32>} : memref<5632xi32, #tpu.memory_space<vmem>>, vector<16xi32>,
    %get3A_386 = arith.constant 96 : index
    %get3A_387 = tpu.vector_load %arg5[%get3A_386] {strides = array<i32>} : memref<512xi32, #tpu.memory_space<vmem>>, vector<16xi32>,
    %get3A_388 = vector.shape_cast %get3A_387 : vector<16xi32> to vector<16xi32>
    %add3A_389 = arith.constant 100000 : i32
    %add3A_390 = vector.broadcast %add3A_389 : i32 to vector<16xi32>
    %add3A_391 = arith.addi %get3A_388, %add3A_390 : vector<16xi32>
    %swap3A_392 = arith.constant 608 : index
    %swap3A_393 = tpu.vector_load %arg6[%swap3A_392] {strides = array<i32>} : memref<5632xi32, #tpu.memory_space<vmem>>, vector<16xi32>,
    %swap3A_394 = vector.shape_cast %swap3A_393 : vector<16xi32> to vector<16xi32>
    %swap3A_395 = vector.shape_cast %add3A_391 : vector<16xi32> to vector<16xi32>
    tpu.vector_store %arg6[%swap3A_392], %swap3A_395 {strides = array<i32>} : memref<5632xi32, #tpu.memory_space<vmem>>, vector<16xi32>,
    %get3A_396 = arith.constant 112 : index
    %get3A_397 = tpu.vector_load %arg5[%get3A_396] {strides = array<i32>} : memref<512xi32, #tpu.memory_space<vmem>>, vector<16xi32>,
    %get3A_398 = vector.shape_cast %get3A_397 : vector<16xi32> to vector<16xi32>
    %add3A_399 = arith.constant 100000 : i32
    %add3A_400 = vector.broadcast %add3A_399 : i32 to vector<16xi32>
    %add3A_401 = arith.addi %get3A_398, %add3A_400 : vector<16xi32>
    %swap3A_402 = arith.constant 624 : index
    %swap3A_403 = tpu.vector_load %arg6[%swap3A_402] {strides = array<i32>} : memref<5632xi32, #tpu.memory_space<vmem>>, vector<16xi32>,
    %swap3A_404 = vector.shape_cast %swap3A_403 : vector<16xi32> to vector<16xi32>
    %swap3A_405 = vector.shape_cast %add3A_401 : vector<16xi32> to vector<16xi32>
    tpu.vector_store %arg6[%swap3A_402], %swap3A_405 {strides = array<i32>} : memref<5632xi32, #tpu.memory_space<vmem>>, vector<16xi32>,
    %get3A_406 = arith.constant 128 : index
    %get3A_407 = tpu.vector_load %arg5[%get3A_406] {strides = array<i32>} : memref<512xi32, #tpu.memory_space<vmem>>, vector<16xi32>,
    %get3A_408 = vector.shape_cast %get3A_407 : vector<16xi32> to vector<16xi32>
    %add3A_409 = arith.constant 100000 : i32
    %add3A_410 = vector.broadcast %add3A_409 : i32 to vector<16xi32>
    %add3A_411 = arith.addi %get3A_408, %add3A_410 : vector<16xi32>
    %swap3A_412 = arith.constant 640 : index
    %swap3A_413 = tpu.vector_load %arg6[%swap3A_412] {strides = array<i32>} : memref<5632xi32, #tpu.memory_space<vmem>>, vector<16xi32>,
    %swap3A_414 = vector.shape_cast %swap3A_413 : vector<16xi32> to vector<16xi32>
    %swap3A_415 = vector.shape_cast %add3A_411 : vector<16xi32> to vector<16xi32>
    tpu.vector_store %arg6[%swap3A_412], %swap3A_415 {strides = array<i32>} : memref<5632xi32, #tpu.memory_space<vmem>>, vector<16xi32>,
    %get3A_416 = arith.constant 144 : index
    %get3A_417 = tpu.vector_load %arg5[%get3A_416] {strides = array<i32>} : memref<512xi32, #tpu.memory_space<vmem>>, vector<16xi32>,
    %get3A_418 = vector.shape_cast %get3A_417 : vector<16xi32> to vector<16xi32>
    %add3A_419 = arith.constant 100000 : i32
    %add3A_420 = vector.broadcast %add3A_419 : i32 to vector<16xi32>
    %add3A_421 = arith.addi %get3A_418, %add3A_420 : vector<16xi32>
    %swap3A_422 = arith.constant 656 : index
    %swap3A_423 = tpu.vector_load %arg6[%swap3A_422] {strides = array<i32>} : memref<5632xi32, #tpu.memory_space<vmem>>, vector<16xi32>,
    %swap3A_424 = vector.shape_cast %swap3A_423 : vector<16xi32> to vector<16xi32>
    %swap3A_425 = vector.shape_cast %add3A_421 : vector<16xi32> to vector<16xi32>
    tpu.vector_store %arg6[%swap3A_422], %swap3A_425 {strides = array<i32>} : memref<5632xi32, #tpu.memory_space<vmem>>, vector<16xi32>,
    %get3A_426 = arith.constant 160 : index
    %get3A_427 = tpu.vector_load %arg5[%get3A_426] {strides = array<i32>} : memref<512xi32, #tpu.memory_space<vmem>>, vector<16xi32>,
    %get3A_428 = vector.shape_cast %get3A_427 : vector<16xi32> to vector<16xi32>
    %add3A_429 = arith.constant 100000 : i32
    %add3A_430 = vector.broadcast %add3A_429 : i32 to vector<16xi32>
    %add3A_431 = arith.addi %get3A_428, %add3A_430 : vector<16xi32>
    %swap3A_432 = arith.constant 672 : index
    %swap3A_433 = tpu.vector_load %arg6[%swap3A_432] {strides = array<i32>} : memref<5632xi32, #tpu.memory_space<vmem>>, vector<16xi32>,
    %swap3A_434 = vector.shape_cast %swap3A_433 : vector<16xi32> to vector<16xi32>
    %swap3A_435 = vector.shape_cast %add3A_431 : vector<16xi32> to vector<16xi32>
    tpu.vector_store %arg6[%swap3A_432], %swap3A_435 {strides = array<i32>} : memref<5632xi32, #tpu.memory_space<vmem>>, vector<16xi32>,
    %get3A_436 = arith.constant 176 : index
    %get3A_437 = tpu.vector_load %arg5[%get3A_436] {strides = array<i32>} : memref<512xi32, #tpu.memory_space<vmem>>, vector<16xi32>,
    %get3A_438 = vector.shape_cast %get3A_437 : vector<16xi32> to vector<16xi32>
    %add3A_439 = arith.constant 100000 : i32
    %add3A_440 = vector.broadcast %add3A_439 : i32 to vector<16xi32>
    %add3A_441 = arith.addi %get3A_438, %add3A_440 : vector<16xi32>
    %swap3A_442 = arith.constant 688 : index
    %swap3A_443 = tpu.vector_load %arg6[%swap3A_442] {strides = array<i32>} : memref<5632xi32, #tpu.memory_space<vmem>>, vector<16xi32>,
    %swap3A_444 = vector.shape_cast %swap3A_443 : vector<16xi32> to vector<16xi32>
    %swap3A_445 = vector.shape_cast %add3A_441 : vector<16xi32> to vector<16xi32>
    tpu.vector_store %arg6[%swap3A_442], %swap3A_445 {strides = array<i32>} : memref<5632xi32, #tpu.memory_space<vmem>>, vector<16xi32>,
    %get3A_446 = arith.constant 192 : index
    %get3A_447 = tpu.vector_load %arg5[%get3A_446] {strides = array<i32>} : memref<512xi32, #tpu.memory_space<vmem>>, vector<16xi32>,
    %get3A_448 = vector.shape_cast %get3A_447 : vector<16xi32> to vector<16xi32>
    %add3A_449 = arith.constant 100000 : i32
    %add3A_450 = vector.broadcast %add3A_449 : i32 to vector<16xi32>
    %add3A_451 = arith.addi %get3A_448, %add3A_450 : vector<16xi32>
    %swap3A_452 = arith.constant 704 : index
    %swap3A_453 = tpu.vector_load %arg6[%swap3A_452] {strides = array<i32>} : memref<5632xi32, #tpu.memory_space<vmem>>, vector<16xi32>,
    %swap3A_454 = vector.shape_cast %swap3A_453 : vector<16xi32> to vector<16xi32>
    %swap3A_455 = vector.shape_cast %add3A_451 : vector<16xi32> to vector<16xi32>
    tpu.vector_store %arg6[%swap3A_452], %swap3A_455 {strides = array<i32>} : memref<5632xi32, #tpu.memory_space<vmem>>, vector<16xi32>,
    %get3A_456 = arith.constant 208 : index
    %get3A_457 = tpu.vector_load %arg5[%get3A_456] {strides = array<i32>} : memref<512xi32, #tpu.memory_space<vmem>>, vector<16xi32>,
    %get3A_458 = vector.shape_cast %get3A_457 : vector<16xi32> to vector<16xi32>
    %add3A_459 = arith.constant 100000 : i32
    %add3A_460 = vector.broadcast %add3A_459 : i32 to vector<16xi32>
    %add3A_461 = arith.addi %get3A_458, %add3A_460 : vector<16xi32>
    %swap3A_462 = arith.constant 720 : index
    %swap3A_463 = tpu.vector_load %arg6[%swap3A_462] {strides = array<i32>} : memref<5632xi32, #tpu.memory_space<vmem>>, vector<16xi32>,
    %swap3A_464 = vector.shape_cast %swap3A_463 : vector<16xi32> to vector<16xi32>
    %swap3A_465 = vector.shape_cast %add3A_461 : vector<16xi32> to vector<16xi32>
    tpu.vector_store %arg6[%swap3A_462], %swap3A_465 {strides = array<i32>} : memref<5632xi32, #tpu.memory_space<vmem>>, vector<16xi32>,
    %get3A_466 = arith.constant 224 : index
    %get3A_467 = tpu.vector_load %arg5[%get3A_466] {strides = array<i32>} : memref<512xi32, #tpu.memory_space<vmem>>, vector<16xi32>,
    %get3A_468 = vector.shape_cast %get3A_467 : vector<16xi32> to vector<16xi32>
    %add3A_469 = arith.constant 100000 : i32
    %add3A_470 = vector.broadcast %add3A_469 : i32 to vector<16xi32>
    %add3A_471 = arith.addi %get3A_468, %add3A_470 : vector<16xi32>
    %swap3A_472 = arith.constant 736 : index
    %swap3A_473 = tpu.vector_load %arg6[%swap3A_472] {strides = array<i32>} : memref<5632xi32, #tpu.memory_space<vmem>>, vector<16xi32>,
    %swap3A_474 = vector.shape_cast %swap3A_473 : vector<16xi32> to vector<16xi32>
    %swap3A_475 = vector.shape_cast %add3A_471 : vector<16xi32> to vector<16xi32>
    tpu.vector_store %arg6[%swap3A_472], %swap3A_475 {strides = array<i32>} : memref<5632xi32, #tpu.memory_space<vmem>>, vector<16xi32>,
    %get3A_476 = arith.constant 240 : index
    %get3A_477 = tpu.vector_load %arg5[%get3A_476] {strides = array<i32>} : memref<512xi32, #tpu.memory_space<vmem>>, vector<16xi32>,
    %get3A_478 = vector.shape_cast %get3A_477 : vector<16xi32> to vector<16xi32>
    %add3A_479 = arith.constant 100000 : i32
    %add3A_480 = vector.broadcast %add3A_479 : i32 to vector<16xi32>
    %add3A_481 = arith.addi %get3A_478, %add3A_480 : vector<16xi32>
    %swap3A_482 = arith.constant 752 : index
    %swap3A_483 = tpu.vector_load %arg6[%swap3A_482] {strides = array<i32>} : memref<5632xi32, #tpu.memory_space<vmem>>, vector<16xi32>,
    %swap3A_484 = vector.shape_cast %swap3A_483 : vector<16xi32> to vector<16xi32>
    %swap3A_485 = vector.shape_cast %add3A_481 : vector<16xi32> to vector<16xi32>
    tpu.vector_store %arg6[%swap3A_482], %swap3A_485 {strides = array<i32>} : memref<5632xi32, #tpu.memory_space<vmem>>, vector<16xi32>,
    %get3A_486 = arith.constant 256 : index
    %get3A_487 = tpu.vector_load %arg5[%get3A_486] {strides = array<i32>} : memref<512xi32, #tpu.memory_space<vmem>>, vector<16xi32>,
    %get3A_488 = vector.shape_cast %get3A_487 : vector<16xi32> to vector<16xi32>
    %add3A_489 = arith.constant 100000 : i32
    %add3A_490 = vector.broadcast %add3A_489 : i32 to vector<16xi32>
    %add3A_491 = arith.addi %get3A_488, %add3A_490 : vector<16xi32>
    %swap3A_492 = arith.constant 768 : index
    %swap3A_493 = tpu.vector_load %arg6[%swap3A_492] {strides = array<i32>} : memref<5632xi32, #tpu.memory_space<vmem>>, vector<16xi32>,
    %swap3A_494 = vector.shape_cast %swap3A_493 : vector<16xi32> to vector<16xi32>
    %swap3A_495 = vector.shape_cast %add3A_491 : vector<16xi32> to vector<16xi32>
    tpu.vector_store %arg6[%swap3A_492], %swap3A_495 {strides = array<i32>} : memref<5632xi32, #tpu.memory_space<vmem>>, vector<16xi32>,
    %get3A_496 = arith.constant 272 : index
    %get3A_497 = tpu.vector_load %arg5[%get3A_496] {strides = array<i32>} : memref<512xi32, #tpu.memory_space<vmem>>, vector<16xi32>,
    %get3A_498 = vector.shape_cast %get3A_497 : vector<16xi32> to vector<16xi32>
    %add3A_499 = arith.constant 100000 : i32
    %add3A_500 = vector.broadcast %add3A_499 : i32 to vector<16xi32>
    %add3A_501 = arith.addi %get3A_498, %add3A_500 : vector<16xi32>
    %swap3A_502 = arith.constant 784 : index
    %swap3A_503 = tpu.vector_load %arg6[%swap3A_502] {strides = array<i32>} : memref<5632xi32, #tpu.memory_space<vmem>>, vector<16xi32>,
    %swap3A_504 = vector.shape_cast %swap3A_503 : vector<16xi32> to vector<16xi32>
    %swap3A_505 = vector.shape_cast %add3A_501 : vector<16xi32> to vector<16xi32>
    tpu.vector_store %arg6[%swap3A_502], %swap3A_505 {strides = array<i32>} : memref<5632xi32, #tpu.memory_space<vmem>>, vector<16xi32>,
    %get3A_506 = arith.constant 288 : index
    %get3A_507 = tpu.vector_load %arg5[%get3A_506] {strides = array<i32>} : memref<512xi32, #tpu.memory_space<vmem>>, vector<16xi32>,
    %get3A_508 = vector.shape_cast %get3A_507 : vector<16xi32> to vector<16xi32>
    %add3A_509 = arith.constant 100000 : i32
    %add3A_510 = vector.broadcast %add3A_509 : i32 to vector<16xi32>
    %add3A_511 = arith.addi %get3A_508, %add3A_510 : vector<16xi32>
    %swap3A_512 = arith.constant 800 : index
    %swap3A_513 = tpu.vector_load %arg6[%swap3A_512] {strides = array<i32>} : memref<5632xi32, #tpu.memory_space<vmem>>, vector<16xi32>,
    %swap3A_514 = vector.shape_cast %swap3A_513 : vector<16xi32> to vector<16xi32>
    %swap3A_515 = vector.shape_cast %add3A_511 : vector<16xi32> to vector<16xi32>
    tpu.vector_store %arg6[%swap3A_512], %swap3A_515 {strides = array<i32>} : memref<5632xi32, #tpu.memory_space<vmem>>, vector<16xi32>,
    %get3A_516 = arith.constant 304 : index
    %get3A_517 = tpu.vector_load %arg5[%get3A_516] {strides = array<i32>} : memref<512xi32, #tpu.memory_space<vmem>>, vector<16xi32>,
    %get3A_518 = vector.shape_cast %get3A_517 : vector<16xi32> to vector<16xi32>
    %add3A_519 = arith.constant 100000 : i32
    %add3A_520 = vector.broadcast %add3A_519 : i32 to vector<16xi32>
    %add3A_521 = arith.addi %get3A_518, %add3A_520 : vector<16xi32>
    %swap3A_522 = arith.constant 816 : index
    %swap3A_523 = tpu.vector_load %arg6[%swap3A_522] {strides = array<i32>} : memref<5632xi32, #tpu.memory_space<vmem>>, vector<16xi32>,
    %swap3A_524 = vector.shape_cast %swap3A_523 : vector<16xi32> to vector<16xi32>
    %swap3A_525 = vector.shape_cast %add3A_521 : vector<16xi32> to vector<16xi32>
    tpu.vector_store %arg6[%swap3A_522], %swap3A_525 {strides = array<i32>} : memref<5632xi32, #tpu.memory_space<vmem>>, vector<16xi32>,
    %get3A_526 = arith.constant 320 : index
    %get3A_527 = tpu.vector_load %arg5[%get3A_526] {strides = array<i32>} : memref<512xi32, #tpu.memory_space<vmem>>, vector<16xi32>,
    %get3A_528 = vector.shape_cast %get3A_527 : vector<16xi32> to vector<16xi32>
    %add3A_529 = arith.constant 100000 : i32
    %add3A_530 = vector.broadcast %add3A_529 : i32 to vector<16xi32>
    %add3A_531 = arith.addi %get3A_528, %add3A_530 : vector<16xi32>
    %swap3A_532 = arith.constant 832 : index
    %swap3A_533 = tpu.vector_load %arg6[%swap3A_532] {strides = array<i32>} : memref<5632xi32, #tpu.memory_space<vmem>>, vector<16xi32>,
    %swap3A_534 = vector.shape_cast %swap3A_533 : vector<16xi32> to vector<16xi32>
    %swap3A_535 = vector.shape_cast %add3A_531 : vector<16xi32> to vector<16xi32>
    tpu.vector_store %arg6[%swap3A_532], %swap3A_535 {strides = array<i32>} : memref<5632xi32, #tpu.memory_space<vmem>>, vector<16xi32>,
    %get3A_536 = arith.constant 336 : index
    %get3A_537 = tpu.vector_load %arg5[%get3A_536] {strides = array<i32>} : memref<512xi32, #tpu.memory_space<vmem>>, vector<16xi32>,
    %get3A_538 = vector.shape_cast %get3A_537 : vector<16xi32> to vector<16xi32>
    %add3A_539 = arith.constant 100000 : i32
    %add3A_540 = vector.broadcast %add3A_539 : i32 to vector<16xi32>
    %add3A_541 = arith.addi %get3A_538, %add3A_540 : vector<16xi32>
    %swap3A_542 = arith.constant 848 : index
    %swap3A_543 = tpu.vector_load %arg6[%swap3A_542] {strides = array<i32>} : memref<5632xi32, #tpu.memory_space<vmem>>, vector<16xi32>,
    %swap3A_544 = vector.shape_cast %swap3A_543 : vector<16xi32> to vector<16xi32>
    %swap3A_545 = vector.shape_cast %add3A_541 : vector<16xi32> to vector<16xi32>
    tpu.vector_store %arg6[%swap3A_542], %swap3A_545 {strides = array<i32>} : memref<5632xi32, #tpu.memory_space<vmem>>, vector<16xi32>,
    %get3A_546 = arith.constant 352 : index
    %get3A_547 = tpu.vector_load %arg5[%get3A_546] {strides = array<i32>} : memref<512xi32, #tpu.memory_space<vmem>>, vector<16xi32>,
    %get3A_548 = vector.shape_cast %get3A_547 : vector<16xi32> to vector<16xi32>
    %add3A_549 = arith.constant 100000 : i32
    %add3A_550 = vector.broadcast %add3A_549 : i32 to vector<16xi32>
    %add3A_551 = arith.addi %get3A_548, %add3A_550 : vector<16xi32>
    %swap3A_552 = arith.constant 864 : index
    %swap3A_553 = tpu.vector_load %arg6[%swap3A_552] {strides = array<i32>} : memref<5632xi32, #tpu.memory_space<vmem>>, vector<16xi32>,
    %swap3A_554 = vector.shape_cast %swap3A_553 : vector<16xi32> to vector<16xi32>
    %swap3A_555 = vector.shape_cast %add3A_551 : vector<16xi32> to vector<16xi32>
    tpu.vector_store %arg6[%swap3A_552], %swap3A_555 {strides = array<i32>} : memref<5632xi32, #tpu.memory_space<vmem>>, vector<16xi32>,
    %get3A_556 = arith.constant 368 : index
    %get3A_557 = tpu.vector_load %arg5[%get3A_556] {strides = array<i32>} : memref<512xi32, #tpu.memory_space<vmem>>, vector<16xi32>,
    %get3A_558 = vector.shape_cast %get3A_557 : vector<16xi32> to vector<16xi32>
    %add3A_559 = arith.constant 100000 : i32
    %add3A_560 = vector.broadcast %add3A_559 : i32 to vector<16xi32>
    %add3A_561 = arith.addi %get3A_558, %add3A_560 : vector<16xi32>
    %swap3A_562 = arith.constant 880 : index
    %swap3A_563 = tpu.vector_load %arg6[%swap3A_562] {strides = array<i32>} : memref<5632xi32, #tpu.memory_space<vmem>>, vector<16xi32>,
    %swap3A_564 = vector.shape_cast %swap3A_563 : vector<16xi32> to vector<16xi32>
    %swap3A_565 = vector.shape_cast %add3A_561 : vector<16xi32> to vector<16xi32>
    tpu.vector_store %arg6[%swap3A_562], %swap3A_565 {strides = array<i32>} : memref<5632xi32, #tpu.memory_space<vmem>>, vector<16xi32>,
    %get3A_566 = arith.constant 384 : index
    %get3A_567 = tpu.vector_load %arg5[%get3A_566] {strides = array<i32>} : memref<512xi32, #tpu.memory_space<vmem>>, vector<16xi32>,
    %get3A_568 = vector.shape_cast %get3A_567 : vector<16xi32> to vector<16xi32>
    %add3A_569 = arith.constant 100000 : i32
    %add3A_570 = vector.broadcast %add3A_569 : i32 to vector<16xi32>
    %add3A_571 = arith.addi %get3A_568, %add3A_570 : vector<16xi32>
    %swap3A_572 = arith.constant 896 : index
    %swap3A_573 = tpu.vector_load %arg6[%swap3A_572] {strides = array<i32>} : memref<5632xi32, #tpu.memory_space<vmem>>, vector<16xi32>,
    %swap3A_574 = vector.shape_cast %swap3A_573 : vector<16xi32> to vector<16xi32>
    %swap3A_575 = vector.shape_cast %add3A_571 : vector<16xi32> to vector<16xi32>
    tpu.vector_store %arg6[%swap3A_572], %swap3A_575 {strides = array<i32>} : memref<5632xi32, #tpu.memory_space<vmem>>, vector<16xi32>,
    %get3A_576 = arith.constant 400 : index
    %get3A_577 = tpu.vector_load %arg5[%get3A_576] {strides = array<i32>} : memref<512xi32, #tpu.memory_space<vmem>>, vector<16xi32>,
    %get3A_578 = vector.shape_cast %get3A_577 : vector<16xi32> to vector<16xi32>
    %add3A_579 = arith.constant 100000 : i32
    %add3A_580 = vector.broadcast %add3A_579 : i32 to vector<16xi32>
    %add3A_581 = arith.addi %get3A_578, %add3A_580 : vector<16xi32>
    %swap3A_582 = arith.constant 912 : index
    %swap3A_583 = tpu.vector_load %arg6[%swap3A_582] {strides = array<i32>} : memref<5632xi32, #tpu.memory_space<vmem>>, vector<16xi32>,
    %swap3A_584 = vector.shape_cast %swap3A_583 : vector<16xi32> to vector<16xi32>
    %swap3A_585 = vector.shape_cast %add3A_581 : vector<16xi32> to vector<16xi32>
    tpu.vector_store %arg6[%swap3A_582], %swap3A_585 {strides = array<i32>} : memref<5632xi32, #tpu.memory_space<vmem>>, vector<16xi32>,
    %get3A_586 = arith.constant 416 : index
    %get3A_587 = tpu.vector_load %arg5[%get3A_586] {strides = array<i32>} : memref<512xi32, #tpu.memory_space<vmem>>, vector<16xi32>,
    %get3A_588 = vector.shape_cast %get3A_587 : vector<16xi32> to vector<16xi32>
    %add3A_589 = arith.constant 100000 : i32
    %add3A_590 = vector.broadcast %add3A_589 : i32 to vector<16xi32>
    %add3A_591 = arith.addi %get3A_588, %add3A_590 : vector<16xi32>
    %swap3A_592 = arith.constant 928 : index
    %swap3A_593 = tpu.vector_load %arg6[%swap3A_592] {strides = array<i32>} : memref<5632xi32, #tpu.memory_space<vmem>>, vector<16xi32>,
    %swap3A_594 = vector.shape_cast %swap3A_593 : vector<16xi32> to vector<16xi32>
    %swap3A_595 = vector.shape_cast %add3A_591 : vector<16xi32> to vector<16xi32>
    tpu.vector_store %arg6[%swap3A_592], %swap3A_595 {strides = array<i32>} : memref<5632xi32, #tpu.memory_space<vmem>>, vector<16xi32>,
    %get3A_596 = arith.constant 432 : index
    %get3A_597 = tpu.vector_load %arg5[%get3A_596] {strides = array<i32>} : memref<512xi32, #tpu.memory_space<vmem>>, vector<16xi32>,
    %get3A_598 = vector.shape_cast %get3A_597 : vector<16xi32> to vector<16xi32>
    %add3A_599 = arith.constant 100000 : i32
    %add3A_600 = vector.broadcast %add3A_599 : i32 to vector<16xi32>
    %add3A_601 = arith.addi %get3A_598, %add3A_600 : vector<16xi32>
    %swap3A_602 = arith.constant 944 : index
    %swap3A_603 = tpu.vector_load %arg6[%swap3A_602] {strides = array<i32>} : memref<5632xi32, #tpu.memory_space<vmem>>, vector<16xi32>,
    %swap3A_604 = vector.shape_cast %swap3A_603 : vector<16xi32> to vector<16xi32>
    %swap3A_605 = vector.shape_cast %add3A_601 : vector<16xi32> to vector<16xi32>
    tpu.vector_store %arg6[%swap3A_602], %swap3A_605 {strides = array<i32>} : memref<5632xi32, #tpu.memory_space<vmem>>, vector<16xi32>,
    %get3A_606 = arith.constant 448 : index
    %get3A_607 = tpu.vector_load %arg5[%get3A_606] {strides = array<i32>} : memref<512xi32, #tpu.memory_space<vmem>>, vector<16xi32>,
    %get3A_608 = vector.shape_cast %get3A_607 : vector<16xi32> to vector<16xi32>
    %add3A_609 = arith.constant 100000 : i32
    %add3A_610 = vector.broadcast %add3A_609 : i32 to vector<16xi32>
    %add3A_611 = arith.addi %get3A_608, %add3A_610 : vector<16xi32>
    %swap3A_612 = arith.constant 960 : index
    %swap3A_613 = tpu.vector_load %arg6[%swap3A_612] {strides = array<i32>} : memref<5632xi32, #tpu.memory_space<vmem>>, vector<16xi32>,
    %swap3A_614 = vector.shape_cast %swap3A_613 : vector<16xi32> to vector<16xi32>
    %swap3A_615 = vector.shape_cast %add3A_611 : vector<16xi32> to vector<16xi32>
    tpu.vector_store %arg6[%swap3A_612], %swap3A_615 {strides = array<i32>} : memref<5632xi32, #tpu.memory_space<vmem>>, vector<16xi32>,
    %get3A_616 = arith.constant 464 : index
    %get3A_617 = tpu.vector_load %arg5[%get3A_616] {strides = array<i32>} : memref<512xi32, #tpu.memory_space<vmem>>, vector<16xi32>,
    %get3A_618 = vector.shape_cast %get3A_617 : vector<16xi32> to vector<16xi32>
    %add3A_619 = arith.constant 100000 : i32
    %add3A_620 = vector.broadcast %add3A_619 : i32 to vector<16xi32>
    %add3A_621 = arith.addi %get3A_618, %add3A_620 : vector<16xi32>
    %swap3A_622 = arith.constant 976 : index
    %swap3A_623 = tpu.vector_load %arg6[%swap3A_622] {strides = array<i32>} : memref<5632xi32, #tpu.memory_space<vmem>>, vector<16xi32>,
    %swap3A_624 = vector.shape_cast %swap3A_623 : vector<16xi32> to vector<16xi32>
    %swap3A_625 = vector.shape_cast %add3A_621 : vector<16xi32> to vector<16xi32>
    tpu.vector_store %arg6[%swap3A_622], %swap3A_625 {strides = array<i32>} : memref<5632xi32, #tpu.memory_space<vmem>>, vector<16xi32>,
    %get3A_626 = arith.constant 480 : index
    %get3A_627 = tpu.vector_load %arg5[%get3A_626] {strides = array<i32>} : memref<512xi32, #tpu.memory_space<vmem>>, vector<16xi32>,
    %get3A_628 = vector.shape_cast %get3A_627 : vector<16xi32> to vector<16xi32>
    %add3A_629 = arith.constant 100000 : i32
    %add3A_630 = vector.broadcast %add3A_629 : i32 to vector<16xi32>
    %add3A_631 = arith.addi %get3A_628, %add3A_630 : vector<16xi32>
    %swap3A_632 = arith.constant 992 : index
    %swap3A_633 = tpu.vector_load %arg6[%swap3A_632] {strides = array<i32>} : memref<5632xi32, #tpu.memory_space<vmem>>, vector<16xi32>,
    %swap3A_634 = vector.shape_cast %swap3A_633 : vector<16xi32> to vector<16xi32>
    %swap3A_635 = vector.shape_cast %add3A_631 : vector<16xi32> to vector<16xi32>
    tpu.vector_store %arg6[%swap3A_632], %swap3A_635 {strides = array<i32>} : memref<5632xi32, #tpu.memory_space<vmem>>, vector<16xi32>,
    %get3A_636 = arith.constant 496 : index
    %get3A_637 = tpu.vector_load %arg5[%get3A_636] {strides = array<i32>} : memref<512xi32, #tpu.memory_space<vmem>>, vector<16xi32>,
    %get3A_638 = vector.shape_cast %get3A_637 : vector<16xi32> to vector<16xi32>
    %add3A_639 = arith.constant 100000 : i32
    %add3A_640 = vector.broadcast %add3A_639 : i32 to vector<16xi32>
    %add3A_641 = arith.addi %get3A_638, %add3A_640 : vector<16xi32>
    %swap3A_642 = arith.constant 1008 : index
    %swap3A_643 = tpu.vector_load %arg6[%swap3A_642] {strides = array<i32>} : memref<5632xi32, #tpu.memory_space<vmem>>, vector<16xi32>,
    %swap3A_644 = vector.shape_cast %swap3A_643 : vector<16xi32> to vector<16xi32>
    %swap3A_645 = vector.shape_cast %add3A_641 : vector<16xi32> to vector<16xi32>
    tpu.vector_store %arg6[%swap3A_642], %swap3A_645 {strides = array<i32>} : memref<5632xi32, #tpu.memory_space<vmem>>, vector<16xi32>,
    %dma_start3A_646 = arith.constant 512 : i32
    %dma_start3A_647 = tpu.memref_slice %arg7[%dma_start3A_646] : memref<5632xf32, #tpu.memory_space<vmem>> -> memref<512xf32, #tpu.memory_space<vmem>>
    %dma_start3A_648 = arith.constant 512 : i32
    %dma_start3A_649 = tpu.memref_slice %arg6[%dma_start3A_648] : memref<5632xi32, #tpu.memory_space<vmem>> -> memref<512xi32, #tpu.memory_space<vmem>>
    %dma_start3A_650 = arith.constant 0 : i32
    %dma_start3A_651 = tpu.memref_slice %arg3[%dma_start3A_650] : memref<1100000xf32, #tpu.memory_space<hbm>> -> memref<1100000xf32, #tpu.memory_space<hbm>>
    tpu.enqueue_indirect_dma source(%dma_start3A_651 : memref<1100000xf32, #tpu.memory_space<hbm>>) target(%dma_start3A_647 : memref<512xf32, #tpu.memory_space<vmem>>) offsets(%dma_start3A_649 : memref<512xi32, #tpu.memory_space<vmem>>) semaphore(%arg8 : memref<!tpu.dma_semaphore, #tpu.memory_space<semaphore_mem>>)
    %get3A_652 = arith.constant 0 : index
    %get3A_653 = tpu.vector_load %arg5[%get3A_652] {strides = array<i32>} : memref<512xi32, #tpu.memory_space<vmem>>, vector<16xi32>,
    %get3A_654 = vector.shape_cast %get3A_653 : vector<16xi32> to vector<16xi32>
    %add3A_655 = arith.constant 200000 : i32
    %add3A_656 = vector.broadcast %add3A_655 : i32 to vector<16xi32>
    %add3A_657 = arith.addi %get3A_654, %add3A_656 : vector<16xi32>
    %swap3A_658 = arith.constant 1024 : index
    %swap3A_659 = tpu.vector_load %arg6[%swap3A_658] {strides = array<i32>} : memref<5632xi32, #tpu.memory_space<vmem>>, vector<16xi32>,
    %swap3A_660 = vector.shape_cast %swap3A_659 : vector<16xi32> to vector<16xi32>
    %swap3A_661 = vector.shape_cast %add3A_657 : vector<16xi32> to vector<16xi32>
    tpu.vector_store %arg6[%swap3A_658], %swap3A_661 {strides = array<i32>} : memref<5632xi32, #tpu.memory_space<vmem>>, vector<16xi32>,
    %get3A_662 = arith.constant 16 : index
    %get3A_663 = tpu.vector_load %arg5[%get3A_662] {strides = array<i32>} : memref<512xi32, #tpu.memory_space<vmem>>, vector<16xi32>,
    %get3A_664 = vector.shape_cast %get3A_663 : vector<16xi32> to vector<16xi32>
    %add3A_665 = arith.constant 200000 : i32
    %add3A_666 = vector.broadcast %add3A_665 : i32 to vector<16xi32>
    %add3A_667 = arith.addi %get3A_664, %add3A_666 : vector<16xi32>
    %swap3A_668 = arith.constant 1040 : index
    %swap3A_669 = tpu.vector_load %arg6[%swap3A_668] {strides = array<i32>} : memref<5632xi32, #tpu.memory_space<vmem>>, vector<16xi32>,
    %swap3A_670 = vector.shape_cast %swap3A_669 : vector<16xi32> to vector<16xi32>
    %swap3A_671 = vector.shape_cast %add3A_667 : vector<16xi32> to vector<16xi32>
    tpu.vector_store %arg6[%swap3A_668], %swap3A_671 {strides = array<i32>} : memref<5632xi32, #tpu.memory_space<vmem>>, vector<16xi32>,
    %get3A_672 = arith.constant 32 : index
    %get3A_673 = tpu.vector_load %arg5[%get3A_672] {strides = array<i32>} : memref<512xi32, #tpu.memory_space<vmem>>, vector<16xi32>,
    %get3A_674 = vector.shape_cast %get3A_673 : vector<16xi32> to vector<16xi32>
    %add3A_675 = arith.constant 200000 : i32
    %add3A_676 = vector.broadcast %add3A_675 : i32 to vector<16xi32>
    %add3A_677 = arith.addi %get3A_674, %add3A_676 : vector<16xi32>
    %swap3A_678 = arith.constant 1056 : index
    %swap3A_679 = tpu.vector_load %arg6[%swap3A_678] {strides = array<i32>} : memref<5632xi32, #tpu.memory_space<vmem>>, vector<16xi32>,
    %swap3A_680 = vector.shape_cast %swap3A_679 : vector<16xi32> to vector<16xi32>
    %swap3A_681 = vector.shape_cast %add3A_677 : vector<16xi32> to vector<16xi32>
    tpu.vector_store %arg6[%swap3A_678], %swap3A_681 {strides = array<i32>} : memref<5632xi32, #tpu.memory_space<vmem>>, vector<16xi32>,
    %get3A_682 = arith.constant 48 : index
    %get3A_683 = tpu.vector_load %arg5[%get3A_682] {strides = array<i32>} : memref<512xi32, #tpu.memory_space<vmem>>, vector<16xi32>,
    %get3A_684 = vector.shape_cast %get3A_683 : vector<16xi32> to vector<16xi32>
    %add3A_685 = arith.constant 200000 : i32
    %add3A_686 = vector.broadcast %add3A_685 : i32 to vector<16xi32>
    %add3A_687 = arith.addi %get3A_684, %add3A_686 : vector<16xi32>
    %swap3A_688 = arith.constant 1072 : index
    %swap3A_689 = tpu.vector_load %arg6[%swap3A_688] {strides = array<i32>} : memref<5632xi32, #tpu.memory_space<vmem>>, vector<16xi32>,
    %swap3A_690 = vector.shape_cast %swap3A_689 : vector<16xi32> to vector<16xi32>
    %swap3A_691 = vector.shape_cast %add3A_687 : vector<16xi32> to vector<16xi32>
    tpu.vector_store %arg6[%swap3A_688], %swap3A_691 {strides = array<i32>} : memref<5632xi32, #tpu.memory_space<vmem>>, vector<16xi32>,
    %get3A_692 = arith.constant 64 : index
    %get3A_693 = tpu.vector_load %arg5[%get3A_692] {strides = array<i32>} : memref<512xi32, #tpu.memory_space<vmem>>, vector<16xi32>,
    %get3A_694 = vector.shape_cast %get3A_693 : vector<16xi32> to vector<16xi32>
    %add3A_695 = arith.constant 200000 : i32
    %add3A_696 = vector.broadcast %add3A_695 : i32 to vector<16xi32>
    %add3A_697 = arith.addi %get3A_694, %add3A_696 : vector<16xi32>
    %swap3A_698 = arith.constant 1088 : index
    %swap3A_699 = tpu.vector_load %arg6[%swap3A_698] {strides = array<i32>} : memref<5632xi32, #tpu.memory_space<vmem>>, vector<16xi32>,
    %swap3A_700 = vector.shape_cast %swap3A_699 : vector<16xi32> to vector<16xi32>
    %swap3A_701 = vector.shape_cast %add3A_697 : vector<16xi32> to vector<16xi32>
    tpu.vector_store %arg6[%swap3A_698], %swap3A_701 {strides = array<i32>} : memref<5632xi32, #tpu.memory_space<vmem>>, vector<16xi32>,
    %get3A_702 = arith.constant 80 : index
    %get3A_703 = tpu.vector_load %arg5[%get3A_702] {strides = array<i32>} : memref<512xi32, #tpu.memory_space<vmem>>, vector<16xi32>,
    %get3A_704 = vector.shape_cast %get3A_703 : vector<16xi32> to vector<16xi32>
    %add3A_705 = arith.constant 200000 : i32
    %add3A_706 = vector.broadcast %add3A_705 : i32 to vector<16xi32>
    %add3A_707 = arith.addi %get3A_704, %add3A_706 : vector<16xi32>
    %swap3A_708 = arith.constant 1104 : index
    %swap3A_709 = tpu.vector_load %arg6[%swap3A_708] {strides = array<i32>} : memref<5632xi32, #tpu.memory_space<vmem>>, vector<16xi32>,
    %swap3A_710 = vector.shape_cast %swap3A_709 : vector<16xi32> to vector<16xi32>
    %swap3A_711 = vector.shape_cast %add3A_707 : vector<16xi32> to vector<16xi32>
    tpu.vector_store %arg6[%swap3A_708], %swap3A_711 {strides = array<i32>} : memref<5632xi32, #tpu.memory_space<vmem>>, vector<16xi32>,
    %get3A_712 = arith.constant 96 : index
    %get3A_713 = tpu.vector_load %arg5[%get3A_712] {strides = array<i32>} : memref<512xi32, #tpu.memory_space<vmem>>, vector<16xi32>,
    %get3A_714 = vector.shape_cast %get3A_713 : vector<16xi32> to vector<16xi32>
    %add3A_715 = arith.constant 200000 : i32
    %add3A_716 = vector.broadcast %add3A_715 : i32 to vector<16xi32>
    %add3A_717 = arith.addi %get3A_714, %add3A_716 : vector<16xi32>
    %swap3A_718 = arith.constant 1120 : index
    %swap3A_719 = tpu.vector_load %arg6[%swap3A_718] {strides = array<i32>} : memref<5632xi32, #tpu.memory_space<vmem>>, vector<16xi32>,
    %swap3A_720 = vector.shape_cast %swap3A_719 : vector<16xi32> to vector<16xi32>
    %swap3A_721 = vector.shape_cast %add3A_717 : vector<16xi32> to vector<16xi32>
    tpu.vector_store %arg6[%swap3A_718], %swap3A_721 {strides = array<i32>} : memref<5632xi32, #tpu.memory_space<vmem>>, vector<16xi32>,
    %get3A_722 = arith.constant 112 : index
    %get3A_723 = tpu.vector_load %arg5[%get3A_722] {strides = array<i32>} : memref<512xi32, #tpu.memory_space<vmem>>, vector<16xi32>,
    %get3A_724 = vector.shape_cast %get3A_723 : vector<16xi32> to vector<16xi32>
    %add3A_725 = arith.constant 200000 : i32
    %add3A_726 = vector.broadcast %add3A_725 : i32 to vector<16xi32>
    %add3A_727 = arith.addi %get3A_724, %add3A_726 : vector<16xi32>
    %swap3A_728 = arith.constant 1136 : index
    %swap3A_729 = tpu.vector_load %arg6[%swap3A_728] {strides = array<i32>} : memref<5632xi32, #tpu.memory_space<vmem>>, vector<16xi32>,
    %swap3A_730 = vector.shape_cast %swap3A_729 : vector<16xi32> to vector<16xi32>
    %swap3A_731 = vector.shape_cast %add3A_727 : vector<16xi32> to vector<16xi32>
    tpu.vector_store %arg6[%swap3A_728], %swap3A_731 {strides = array<i32>} : memref<5632xi32, #tpu.memory_space<vmem>>, vector<16xi32>,
    %get3A_732 = arith.constant 128 : index
    %get3A_733 = tpu.vector_load %arg5[%get3A_732] {strides = array<i32>} : memref<512xi32, #tpu.memory_space<vmem>>, vector<16xi32>,
    %get3A_734 = vector.shape_cast %get3A_733 : vector<16xi32> to vector<16xi32>
    %add3A_735 = arith.constant 200000 : i32
    %add3A_736 = vector.broadcast %add3A_735 : i32 to vector<16xi32>
    %add3A_737 = arith.addi %get3A_734, %add3A_736 : vector<16xi32>
    %swap3A_738 = arith.constant 1152 : index
    %swap3A_739 = tpu.vector_load %arg6[%swap3A_738] {strides = array<i32>} : memref<5632xi32, #tpu.memory_space<vmem>>, vector<16xi32>,
    %swap3A_740 = vector.shape_cast %swap3A_739 : vector<16xi32> to vector<16xi32>
    %swap3A_741 = vector.shape_cast %add3A_737 : vector<16xi32> to vector<16xi32>
    tpu.vector_store %arg6[%swap3A_738], %swap3A_741 {strides = array<i32>} : memref<5632xi32, #tpu.memory_space<vmem>>, vector<16xi32>,
    %get3A_742 = arith.constant 144 : index
    %get3A_743 = tpu.vector_load %arg5[%get3A_742] {strides = array<i32>} : memref<512xi32, #tpu.memory_space<vmem>>, vector<16xi32>,
    %get3A_744 = vector.shape_cast %get3A_743 : vector<16xi32> to vector<16xi32>
    %add3A_745 = arith.constant 200000 : i32
    %add3A_746 = vector.broadcast %add3A_745 : i32 to vector<16xi32>
    %add3A_747 = arith.addi %get3A_744, %add3A_746 : vector<16xi32>
    %swap3A_748 = arith.constant 1168 : index
    %swap3A_749 = tpu.vector_load %arg6[%swap3A_748] {strides = array<i32>} : memref<5632xi32, #tpu.memory_space<vmem>>, vector<16xi32>,
    %swap3A_750 = vector.shape_cast %swap3A_749 : vector<16xi32> to vector<16xi32>
    %swap3A_751 = vector.shape_cast %add3A_747 : vector<16xi32> to vector<16xi32>
    tpu.vector_store %arg6[%swap3A_748], %swap3A_751 {strides = array<i32>} : memref<5632xi32, #tpu.memory_space<vmem>>, vector<16xi32>,
    %get3A_752 = arith.constant 160 : index
    %get3A_753 = tpu.vector_load %arg5[%get3A_752] {strides = array<i32>} : memref<512xi32, #tpu.memory_space<vmem>>, vector<16xi32>,
    %get3A_754 = vector.shape_cast %get3A_753 : vector<16xi32> to vector<16xi32>
    %add3A_755 = arith.constant 200000 : i32
    %add3A_756 = vector.broadcast %add3A_755 : i32 to vector<16xi32>
    %add3A_757 = arith.addi %get3A_754, %add3A_756 : vector<16xi32>
    %swap3A_758 = arith.constant 1184 : index
    %swap3A_759 = tpu.vector_load %arg6[%swap3A_758] {strides = array<i32>} : memref<5632xi32, #tpu.memory_space<vmem>>, vector<16xi32>,
    %swap3A_760 = vector.shape_cast %swap3A_759 : vector<16xi32> to vector<16xi32>
    %swap3A_761 = vector.shape_cast %add3A_757 : vector<16xi32> to vector<16xi32>
    tpu.vector_store %arg6[%swap3A_758], %swap3A_761 {strides = array<i32>} : memref<5632xi32, #tpu.memory_space<vmem>>, vector<16xi32>,
    %get3A_762 = arith.constant 176 : index
    %get3A_763 = tpu.vector_load %arg5[%get3A_762] {strides = array<i32>} : memref<512xi32, #tpu.memory_space<vmem>>, vector<16xi32>,
    %get3A_764 = vector.shape_cast %get3A_763 : vector<16xi32> to vector<16xi32>
    %add3A_765 = arith.constant 200000 : i32
    %add3A_766 = vector.broadcast %add3A_765 : i32 to vector<16xi32>
    %add3A_767 = arith.addi %get3A_764, %add3A_766 : vector<16xi32>
    %swap3A_768 = arith.constant 1200 : index
    %swap3A_769 = tpu.vector_load %arg6[%swap3A_768] {strides = array<i32>} : memref<5632xi32, #tpu.memory_space<vmem>>, vector<16xi32>,
    %swap3A_770 = vector.shape_cast %swap3A_769 : vector<16xi32> to vector<16xi32>
    %swap3A_771 = vector.shape_cast %add3A_767 : vector<16xi32> to vector<16xi32>
    tpu.vector_store %arg6[%swap3A_768], %swap3A_771 {strides = array<i32>} : memref<5632xi32, #tpu.memory_space<vmem>>, vector<16xi32>,
    %get3A_772 = arith.constant 192 : index
    %get3A_773 = tpu.vector_load %arg5[%get3A_772] {strides = array<i32>} : memref<512xi32, #tpu.memory_space<vmem>>, vector<16xi32>,
    %get3A_774 = vector.shape_cast %get3A_773 : vector<16xi32> to vector<16xi32>
    %add3A_775 = arith.constant 200000 : i32
    %add3A_776 = vector.broadcast %add3A_775 : i32 to vector<16xi32>
    %add3A_777 = arith.addi %get3A_774, %add3A_776 : vector<16xi32>
    %swap3A_778 = arith.constant 1216 : index
    %swap3A_779 = tpu.vector_load %arg6[%swap3A_778] {strides = array<i32>} : memref<5632xi32, #tpu.memory_space<vmem>>, vector<16xi32>,
    %swap3A_780 = vector.shape_cast %swap3A_779 : vector<16xi32> to vector<16xi32>
    %swap3A_781 = vector.shape_cast %add3A_777 : vector<16xi32> to vector<16xi32>
    tpu.vector_store %arg6[%swap3A_778], %swap3A_781 {strides = array<i32>} : memref<5632xi32, #tpu.memory_space<vmem>>, vector<16xi32>,
    %get3A_782 = arith.constant 208 : index
    %get3A_783 = tpu.vector_load %arg5[%get3A_782] {strides = array<i32>} : memref<512xi32, #tpu.memory_space<vmem>>, vector<16xi32>,
    %get3A_784 = vector.shape_cast %get3A_783 : vector<16xi32> to vector<16xi32>
    %add3A_785 = arith.constant 200000 : i32
    %add3A_786 = vector.broadcast %add3A_785 : i32 to vector<16xi32>
    %add3A_787 = arith.addi %get3A_784, %add3A_786 : vector<16xi32>
    %swap3A_788 = arith.constant 1232 : index
    %swap3A_789 = tpu.vector_load %arg6[%swap3A_788] {strides = array<i32>} : memref<5632xi32, #tpu.memory_space<vmem>>, vector<16xi32>,
    %swap3A_790 = vector.shape_cast %swap3A_789 : vector<16xi32> to vector<16xi32>
    %swap3A_791 = vector.shape_cast %add3A_787 : vector<16xi32> to vector<16xi32>
    tpu.vector_store %arg6[%swap3A_788], %swap3A_791 {strides = array<i32>} : memref<5632xi32, #tpu.memory_space<vmem>>, vector<16xi32>,
    %get3A_792 = arith.constant 224 : index
    %get3A_793 = tpu.vector_load %arg5[%get3A_792] {strides = array<i32>} : memref<512xi32, #tpu.memory_space<vmem>>, vector<16xi32>,
    %get3A_794 = vector.shape_cast %get3A_793 : vector<16xi32> to vector<16xi32>
    %add3A_795 = arith.constant 200000 : i32
    %add3A_796 = vector.broadcast %add3A_795 : i32 to vector<16xi32>
    %add3A_797 = arith.addi %get3A_794, %add3A_796 : vector<16xi32>
    %swap3A_798 = arith.constant 1248 : index
    %swap3A_799 = tpu.vector_load %arg6[%swap3A_798] {strides = array<i32>} : memref<5632xi32, #tpu.memory_space<vmem>>, vector<16xi32>,
    %swap3A_800 = vector.shape_cast %swap3A_799 : vector<16xi32> to vector<16xi32>
    %swap3A_801 = vector.shape_cast %add3A_797 : vector<16xi32> to vector<16xi32>
    tpu.vector_store %arg6[%swap3A_798], %swap3A_801 {strides = array<i32>} : memref<5632xi32, #tpu.memory_space<vmem>>, vector<16xi32>,
    %get3A_802 = arith.constant 240 : index
    %get3A_803 = tpu.vector_load %arg5[%get3A_802] {strides = array<i32>} : memref<512xi32, #tpu.memory_space<vmem>>, vector<16xi32>,
    %get3A_804 = vector.shape_cast %get3A_803 : vector<16xi32> to vector<16xi32>
    %add3A_805 = arith.constant 200000 : i32
    %add3A_806 = vector.broadcast %add3A_805 : i32 to vector<16xi32>
    %add3A_807 = arith.addi %get3A_804, %add3A_806 : vector<16xi32>
    %swap3A_808 = arith.constant 1264 : index
    %swap3A_809 = tpu.vector_load %arg6[%swap3A_808] {strides = array<i32>} : memref<5632xi32, #tpu.memory_space<vmem>>, vector<16xi32>,
    %swap3A_810 = vector.shape_cast %swap3A_809 : vector<16xi32> to vector<16xi32>
    %swap3A_811 = vector.shape_cast %add3A_807 : vector<16xi32> to vector<16xi32>
    tpu.vector_store %arg6[%swap3A_808], %swap3A_811 {strides = array<i32>} : memref<5632xi32, #tpu.memory_space<vmem>>, vector<16xi32>,
    %get3A_812 = arith.constant 256 : index
    %get3A_813 = tpu.vector_load %arg5[%get3A_812] {strides = array<i32>} : memref<512xi32, #tpu.memory_space<vmem>>, vector<16xi32>,
    %get3A_814 = vector.shape_cast %get3A_813 : vector<16xi32> to vector<16xi32>
    %add3A_815 = arith.constant 200000 : i32
    %add3A_816 = vector.broadcast %add3A_815 : i32 to vector<16xi32>
    %add3A_817 = arith.addi %get3A_814, %add3A_816 : vector<16xi32>
    %swap3A_818 = arith.constant 1280 : index
    %swap3A_819 = tpu.vector_load %arg6[%swap3A_818] {strides = array<i32>} : memref<5632xi32, #tpu.memory_space<vmem>>, vector<16xi32>,
    %swap3A_820 = vector.shape_cast %swap3A_819 : vector<16xi32> to vector<16xi32>
    %swap3A_821 = vector.shape_cast %add3A_817 : vector<16xi32> to vector<16xi32>
    tpu.vector_store %arg6[%swap3A_818], %swap3A_821 {strides = array<i32>} : memref<5632xi32, #tpu.memory_space<vmem>>, vector<16xi32>,
    %get3A_822 = arith.constant 272 : index
    %get3A_823 = tpu.vector_load %arg5[%get3A_822] {strides = array<i32>} : memref<512xi32, #tpu.memory_space<vmem>>, vector<16xi32>,
    %get3A_824 = vector.shape_cast %get3A_823 : vector<16xi32> to vector<16xi32>
    %add3A_825 = arith.constant 200000 : i32
    %add3A_826 = vector.broadcast %add3A_825 : i32 to vector<16xi32>
    %add3A_827 = arith.addi %get3A_824, %add3A_826 : vector<16xi32>
    %swap3A_828 = arith.constant 1296 : index
    %swap3A_829 = tpu.vector_load %arg6[%swap3A_828] {strides = array<i32>} : memref<5632xi32, #tpu.memory_space<vmem>>, vector<16xi32>,
    %swap3A_830 = vector.shape_cast %swap3A_829 : vector<16xi32> to vector<16xi32>
    %swap3A_831 = vector.shape_cast %add3A_827 : vector<16xi32> to vector<16xi32>
    tpu.vector_store %arg6[%swap3A_828], %swap3A_831 {strides = array<i32>} : memref<5632xi32, #tpu.memory_space<vmem>>, vector<16xi32>,
    %get3A_832 = arith.constant 288 : index
    %get3A_833 = tpu.vector_load %arg5[%get3A_832] {strides = array<i32>} : memref<512xi32, #tpu.memory_space<vmem>>, vector<16xi32>,
    %get3A_834 = vector.shape_cast %get3A_833 : vector<16xi32> to vector<16xi32>
    %add3A_835 = arith.constant 200000 : i32
    %add3A_836 = vector.broadcast %add3A_835 : i32 to vector<16xi32>
    %add3A_837 = arith.addi %get3A_834, %add3A_836 : vector<16xi32>
    %swap3A_838 = arith.constant 1312 : index
    %swap3A_839 = tpu.vector_load %arg6[%swap3A_838] {strides = array<i32>} : memref<5632xi32, #tpu.memory_space<vmem>>, vector<16xi32>,
    %swap3A_840 = vector.shape_cast %swap3A_839 : vector<16xi32> to vector<16xi32>
    %swap3A_841 = vector.shape_cast %add3A_837 : vector<16xi32> to vector<16xi32>
    tpu.vector_store %arg6[%swap3A_838], %swap3A_841 {strides = array<i32>} : memref<5632xi32, #tpu.memory_space<vmem>>, vector<16xi32>,
    %get3A_842 = arith.constant 304 : index
    %get3A_843 = tpu.vector_load %arg5[%get3A_842] {strides = array<i32>} : memref<512xi32, #tpu.memory_space<vmem>>, vector<16xi32>,
    %get3A_844 = vector.shape_cast %get3A_843 : vector<16xi32> to vector<16xi32>
    %add3A_845 = arith.constant 200000 : i32
    %add3A_846 = vector.broadcast %add3A_845 : i32 to vector<16xi32>
    %add3A_847 = arith.addi %get3A_844, %add3A_846 : vector<16xi32>
    %swap3A_848 = arith.constant 1328 : index
    %swap3A_849 = tpu.vector_load %arg6[%swap3A_848] {strides = array<i32>} : memref<5632xi32, #tpu.memory_space<vmem>>, vector<16xi32>,
    %swap3A_850 = vector.shape_cast %swap3A_849 : vector<16xi32> to vector<16xi32>
    %swap3A_851 = vector.shape_cast %add3A_847 : vector<16xi32> to vector<16xi32>
    tpu.vector_store %arg6[%swap3A_848], %swap3A_851 {strides = array<i32>} : memref<5632xi32, #tpu.memory_space<vmem>>, vector<16xi32>,
    %get3A_852 = arith.constant 320 : index
    %get3A_853 = tpu.vector_load %arg5[%get3A_852] {strides = array<i32>} : memref<512xi32, #tpu.memory_space<vmem>>, vector<16xi32>,
    %get3A_854 = vector.shape_cast %get3A_853 : vector<16xi32> to vector<16xi32>
    %add3A_855 = arith.constant 200000 : i32
    %add3A_856 = vector.broadcast %add3A_855 : i32 to vector<16xi32>
    %add3A_857 = arith.addi %get3A_854, %add3A_856 : vector<16xi32>
    %swap3A_858 = arith.constant 1344 : index
    %swap3A_859 = tpu.vector_load %arg6[%swap3A_858] {strides = array<i32>} : memref<5632xi32, #tpu.memory_space<vmem>>, vector<16xi32>,
    %swap3A_860 = vector.shape_cast %swap3A_859 : vector<16xi32> to vector<16xi32>
    %swap3A_861 = vector.shape_cast %add3A_857 : vector<16xi32> to vector<16xi32>
    tpu.vector_store %arg6[%swap3A_858], %swap3A_861 {strides = array<i32>} : memref<5632xi32, #tpu.memory_space<vmem>>, vector<16xi32>,
    %get3A_862 = arith.constant 336 : index
    %get3A_863 = tpu.vector_load %arg5[%get3A_862] {strides = array<i32>} : memref<512xi32, #tpu.memory_space<vmem>>, vector<16xi32>,
    %get3A_864 = vector.shape_cast %get3A_863 : vector<16xi32> to vector<16xi32>
    %add3A_865 = arith.constant 200000 : i32
    %add3A_866 = vector.broadcast %add3A_865 : i32 to vector<16xi32>
    %add3A_867 = arith.addi %get3A_864, %add3A_866 : vector<16xi32>
    %swap3A_868 = arith.constant 1360 : index
    %swap3A_869 = tpu.vector_load %arg6[%swap3A_868] {strides = array<i32>} : memref<5632xi32, #tpu.memory_space<vmem>>, vector<16xi32>,
    %swap3A_870 = vector.shape_cast %swap3A_869 : vector<16xi32> to vector<16xi32>
    %swap3A_871 = vector.shape_cast %add3A_867 : vector<16xi32> to vector<16xi32>
    tpu.vector_store %arg6[%swap3A_868], %swap3A_871 {strides = array<i32>} : memref<5632xi32, #tpu.memory_space<vmem>>, vector<16xi32>,
    %get3A_872 = arith.constant 352 : index
    %get3A_873 = tpu.vector_load %arg5[%get3A_872] {strides = array<i32>} : memref<512xi32, #tpu.memory_space<vmem>>, vector<16xi32>,
    %get3A_874 = vector.shape_cast %get3A_873 : vector<16xi32> to vector<16xi32>
    %add3A_875 = arith.constant 200000 : i32
    %add3A_876 = vector.broadcast %add3A_875 : i32 to vector<16xi32>
    %add3A_877 = arith.addi %get3A_874, %add3A_876 : vector<16xi32>
    %swap3A_878 = arith.constant 1376 : index
    %swap3A_879 = tpu.vector_load %arg6[%swap3A_878] {strides = array<i32>} : memref<5632xi32, #tpu.memory_space<vmem>>, vector<16xi32>,
    %swap3A_880 = vector.shape_cast %swap3A_879 : vector<16xi32> to vector<16xi32>
    %swap3A_881 = vector.shape_cast %add3A_877 : vector<16xi32> to vector<16xi32>
    tpu.vector_store %arg6[%swap3A_878], %swap3A_881 {strides = array<i32>} : memref<5632xi32, #tpu.memory_space<vmem>>, vector<16xi32>,
    %get3A_882 = arith.constant 368 : index
    %get3A_883 = tpu.vector_load %arg5[%get3A_882] {strides = array<i32>} : memref<512xi32, #tpu.memory_space<vmem>>, vector<16xi32>,
    %get3A_884 = vector.shape_cast %get3A_883 : vector<16xi32> to vector<16xi32>
    %add3A_885 = arith.constant 200000 : i32
    %add3A_886 = vector.broadcast %add3A_885 : i32 to vector<16xi32>
    %add3A_887 = arith.addi %get3A_884, %add3A_886 : vector<16xi32>
    %swap3A_888 = arith.constant 1392 : index
    %swap3A_889 = tpu.vector_load %arg6[%swap3A_888] {strides = array<i32>} : memref<5632xi32, #tpu.memory_space<vmem>>, vector<16xi32>,
    %swap3A_890 = vector.shape_cast %swap3A_889 : vector<16xi32> to vector<16xi32>
    %swap3A_891 = vector.shape_cast %add3A_887 : vector<16xi32> to vector<16xi32>
    tpu.vector_store %arg6[%swap3A_888], %swap3A_891 {strides = array<i32>} : memref<5632xi32, #tpu.memory_space<vmem>>, vector<16xi32>,
    %get3A_892 = arith.constant 384 : index
    %get3A_893 = tpu.vector_load %arg5[%get3A_892] {strides = array<i32>} : memref<512xi32, #tpu.memory_space<vmem>>, vector<16xi32>,
    %get3A_894 = vector.shape_cast %get3A_893 : vector<16xi32> to vector<16xi32>
    %add3A_895 = arith.constant 200000 : i32
    %add3A_896 = vector.broadcast %add3A_895 : i32 to vector<16xi32>
    %add3A_897 = arith.addi %get3A_894, %add3A_896 : vector<16xi32>
    %swap3A_898 = arith.constant 1408 : index
    %swap3A_899 = tpu.vector_load %arg6[%swap3A_898] {strides = array<i32>} : memref<5632xi32, #tpu.memory_space<vmem>>, vector<16xi32>,
    %swap3A_900 = vector.shape_cast %swap3A_899 : vector<16xi32> to vector<16xi32>
    %swap3A_901 = vector.shape_cast %add3A_897 : vector<16xi32> to vector<16xi32>
    tpu.vector_store %arg6[%swap3A_898], %swap3A_901 {strides = array<i32>} : memref<5632xi32, #tpu.memory_space<vmem>>, vector<16xi32>,
    %get3A_902 = arith.constant 400 : index
    %get3A_903 = tpu.vector_load %arg5[%get3A_902] {strides = array<i32>} : memref<512xi32, #tpu.memory_space<vmem>>, vector<16xi32>,
    %get3A_904 = vector.shape_cast %get3A_903 : vector<16xi32> to vector<16xi32>
    %add3A_905 = arith.constant 200000 : i32
    %add3A_906 = vector.broadcast %add3A_905 : i32 to vector<16xi32>
    %add3A_907 = arith.addi %get3A_904, %add3A_906 : vector<16xi32>
    %swap3A_908 = arith.constant 1424 : index
    %swap3A_909 = tpu.vector_load %arg6[%swap3A_908] {strides = array<i32>} : memref<5632xi32, #tpu.memory_space<vmem>>, vector<16xi32>,
    %swap3A_910 = vector.shape_cast %swap3A_909 : vector<16xi32> to vector<16xi32>
    %swap3A_911 = vector.shape_cast %add3A_907 : vector<16xi32> to vector<16xi32>
    tpu.vector_store %arg6[%swap3A_908], %swap3A_911 {strides = array<i32>} : memref<5632xi32, #tpu.memory_space<vmem>>, vector<16xi32>,
    %get3A_912 = arith.constant 416 : index
    %get3A_913 = tpu.vector_load %arg5[%get3A_912] {strides = array<i32>} : memref<512xi32, #tpu.memory_space<vmem>>, vector<16xi32>,
    %get3A_914 = vector.shape_cast %get3A_913 : vector<16xi32> to vector<16xi32>
    %add3A_915 = arith.constant 200000 : i32
    %add3A_916 = vector.broadcast %add3A_915 : i32 to vector<16xi32>
    %add3A_917 = arith.addi %get3A_914, %add3A_916 : vector<16xi32>
    %swap3A_918 = arith.constant 1440 : index
    %swap3A_919 = tpu.vector_load %arg6[%swap3A_918] {strides = array<i32>} : memref<5632xi32, #tpu.memory_space<vmem>>, vector<16xi32>,
    %swap3A_920 = vector.shape_cast %swap3A_919 : vector<16xi32> to vector<16xi32>
    %swap3A_921 = vector.shape_cast %add3A_917 : vector<16xi32> to vector<16xi32>
    tpu.vector_store %arg6[%swap3A_918], %swap3A_921 {strides = array<i32>} : memref<5632xi32, #tpu.memory_space<vmem>>, vector<16xi32>,
    %get3A_922 = arith.constant 432 : index
    %get3A_923 = tpu.vector_load %arg5[%get3A_922] {strides = array<i32>} : memref<512xi32, #tpu.memory_space<vmem>>, vector<16xi32>,
    %get3A_924 = vector.shape_cast %get3A_923 : vector<16xi32> to vector<16xi32>
    %add3A_925 = arith.constant 200000 : i32
    %add3A_926 = vector.broadcast %add3A_925 : i32 to vector<16xi32>
    %add3A_927 = arith.addi %get3A_924, %add3A_926 : vector<16xi32>
    %swap3A_928 = arith.constant 1456 : index
    %swap3A_929 = tpu.vector_load %arg6[%swap3A_928] {strides = array<i32>} : memref<5632xi32, #tpu.memory_space<vmem>>, vector<16xi32>,
    %swap3A_930 = vector.shape_cast %swap3A_929 : vector<16xi32> to vector<16xi32>
    %swap3A_931 = vector.shape_cast %add3A_927 : vector<16xi32> to vector<16xi32>
    tpu.vector_store %arg6[%swap3A_928], %swap3A_931 {strides = array<i32>} : memref<5632xi32, #tpu.memory_space<vmem>>, vector<16xi32>,
    %get3A_932 = arith.constant 448 : index
    %get3A_933 = tpu.vector_load %arg5[%get3A_932] {strides = array<i32>} : memref<512xi32, #tpu.memory_space<vmem>>, vector<16xi32>,
    %get3A_934 = vector.shape_cast %get3A_933 : vector<16xi32> to vector<16xi32>
    %add3A_935 = arith.constant 200000 : i32
    %add3A_936 = vector.broadcast %add3A_935 : i32 to vector<16xi32>
    %add3A_937 = arith.addi %get3A_934, %add3A_936 : vector<16xi32>
    %swap3A_938 = arith.constant 1472 : index
    %swap3A_939 = tpu.vector_load %arg6[%swap3A_938] {strides = array<i32>} : memref<5632xi32, #tpu.memory_space<vmem>>, vector<16xi32>,
    %swap3A_940 = vector.shape_cast %swap3A_939 : vector<16xi32> to vector<16xi32>
    %swap3A_941 = vector.shape_cast %add3A_937 : vector<16xi32> to vector<16xi32>
    tpu.vector_store %arg6[%swap3A_938], %swap3A_941 {strides = array<i32>} : memref<5632xi32, #tpu.memory_space<vmem>>, vector<16xi32>,
    %get3A_942 = arith.constant 464 : index
    %get3A_943 = tpu.vector_load %arg5[%get3A_942] {strides = array<i32>} : memref<512xi32, #tpu.memory_space<vmem>>, vector<16xi32>,
    %get3A_944 = vector.shape_cast %get3A_943 : vector<16xi32> to vector<16xi32>
    %add3A_945 = arith.constant 200000 : i32
    %add3A_946 = vector.broadcast %add3A_945 : i32 to vector<16xi32>
    %add3A_947 = arith.addi %get3A_944, %add3A_946 : vector<16xi32>
    %swap3A_948 = arith.constant 1488 : index
    %swap3A_949 = tpu.vector_load %arg6[%swap3A_948] {strides = array<i32>} : memref<5632xi32, #tpu.memory_space<vmem>>, vector<16xi32>,
    %swap3A_950 = vector.shape_cast %swap3A_949 : vector<16xi32> to vector<16xi32>
    %swap3A_951 = vector.shape_cast %add3A_947 : vector<16xi32> to vector<16xi32>
    tpu.vector_store %arg6[%swap3A_948], %swap3A_951 {strides = array<i32>} : memref<5632xi32, #tpu.memory_space<vmem>>, vector<16xi32>,
    %get3A_952 = arith.constant 480 : index
    %get3A_953 = tpu.vector_load %arg5[%get3A_952] {strides = array<i32>} : memref<512xi32, #tpu.memory_space<vmem>>, vector<16xi32>,
    %get3A_954 = vector.shape_cast %get3A_953 : vector<16xi32> to vector<16xi32>
    %add3A_955 = arith.constant 200000 : i32
    %add3A_956 = vector.broadcast %add3A_955 : i32 to vector<16xi32>
    %add3A_957 = arith.addi %get3A_954, %add3A_956 : vector<16xi32>
    %swap3A_958 = arith.constant 1504 : index
    %swap3A_959 = tpu.vector_load %arg6[%swap3A_958] {strides = array<i32>} : memref<5632xi32, #tpu.memory_space<vmem>>, vector<16xi32>,
    %swap3A_960 = vector.shape_cast %swap3A_959 : vector<16xi32> to vector<16xi32>
    %swap3A_961 = vector.shape_cast %add3A_957 : vector<16xi32> to vector<16xi32>
    tpu.vector_store %arg6[%swap3A_958], %swap3A_961 {strides = array<i32>} : memref<5632xi32, #tpu.memory_space<vmem>>, vector<16xi32>,
    %get3A_962 = arith.constant 496 : index
    %get3A_963 = tpu.vector_load %arg5[%get3A_962] {strides = array<i32>} : memref<512xi32, #tpu.memory_space<vmem>>, vector<16xi32>,
    %get3A_964 = vector.shape_cast %get3A_963 : vector<16xi32> to vector<16xi32>
    %add3A_965 = arith.constant 200000 : i32
    %add3A_966 = vector.broadcast %add3A_965 : i32 to vector<16xi32>
    %add3A_967 = arith.addi %get3A_964, %add3A_966 : vector<16xi32>
    %swap3A_968 = arith.constant 1520 : index
    %swap3A_969 = tpu.vector_load %arg6[%swap3A_968] {strides = array<i32>} : memref<5632xi32, #tpu.memory_space<vmem>>, vector<16xi32>,
    %swap3A_970 = vector.shape_cast %swap3A_969 : vector<16xi32> to vector<16xi32>
    %swap3A_971 = vector.shape_cast %add3A_967 : vector<16xi32> to vector<16xi32>
    tpu.vector_store %arg6[%swap3A_968], %swap3A_971 {strides = array<i32>} : memref<5632xi32, #tpu.memory_space<vmem>>, vector<16xi32>,
    %dma_start3A_972 = arith.constant 1024 : i32
    %dma_start3A_973 = tpu.memref_slice %arg7[%dma_start3A_972] : memref<5632xf32, #tpu.memory_space<vmem>> -> memref<512xf32, #tpu.memory_space<vmem>>
    %dma_start3A_974 = arith.constant 1024 : i32
    %dma_start3A_975 = tpu.memref_slice %arg6[%dma_start3A_974] : memref<5632xi32, #tpu.memory_space<vmem>> -> memref<512xi32, #tpu.memory_space<vmem>>
    %dma_start3A_976 = arith.constant 0 : i32
    %dma_start3A_977 = tpu.memref_slice %arg3[%dma_start3A_976] : memref<1100000xf32, #tpu.memory_space<hbm>> -> memref<1100000xf32, #tpu.memory_space<hbm>>
    tpu.enqueue_indirect_dma source(%dma_start3A_977 : memref<1100000xf32, #tpu.memory_space<hbm>>) target(%dma_start3A_973 : memref<512xf32, #tpu.memory_space<vmem>>) offsets(%dma_start3A_975 : memref<512xi32, #tpu.memory_space<vmem>>) semaphore(%arg8 : memref<!tpu.dma_semaphore, #tpu.memory_space<semaphore_mem>>)
    %get3A_978 = arith.constant 0 : index
    %get3A_979 = tpu.vector_load %arg5[%get3A_978] {strides = array<i32>} : memref<512xi32, #tpu.memory_space<vmem>>, vector<16xi32>,
    %get3A_980 = vector.shape_cast %get3A_979 : vector<16xi32> to vector<16xi32>
    %add3A_981 = arith.constant 300000 : i32
    %add3A_982 = vector.broadcast %add3A_981 : i32 to vector<16xi32>
    %add3A_983 = arith.addi %get3A_980, %add3A_982 : vector<16xi32>
    %swap3A_984 = arith.constant 1536 : index
    %swap3A_985 = tpu.vector_load %arg6[%swap3A_984] {strides = array<i32>} : memref<5632xi32, #tpu.memory_space<vmem>>, vector<16xi32>,
    %swap3A_986 = vector.shape_cast %swap3A_985 : vector<16xi32> to vector<16xi32>
    %swap3A_987 = vector.shape_cast %add3A_983 : vector<16xi32> to vector<16xi32>
    tpu.vector_store %arg6[%swap3A_984], %swap3A_987 {strides = array<i32>} : memref<5632xi32, #tpu.memory_space<vmem>>, vector<16xi32>,
    %get3A_988 = arith.constant 16 : index
    %get3A_989 = tpu.vector_load %arg5[%get3A_988] {strides = array<i32>} : memref<512xi32, #tpu.memory_space<vmem>>, vector<16xi32>,
    %get3A_990 = vector.shape_cast %get3A_989 : vector<16xi32> to vector<16xi32>
    %add3A_991 = arith.constant 300000 : i32
    %add3A_992 = vector.broadcast %add3A_991 : i32 to vector<16xi32>
    %add3A_993 = arith.addi %get3A_990, %add3A_992 : vector<16xi32>
    %swap3A_994 = arith.constant 1552 : index
    %swap3A_995 = tpu.vector_load %arg6[%swap3A_994] {strides = array<i32>} : memref<5632xi32, #tpu.memory_space<vmem>>, vector<16xi32>,
    %swap3A_996 = vector.shape_cast %swap3A_995 : vector<16xi32> to vector<16xi32>
    %swap3A_997 = vector.shape_cast %add3A_993 : vector<16xi32> to vector<16xi32>
    tpu.vector_store %arg6[%swap3A_994], %swap3A_997 {strides = array<i32>} : memref<5632xi32, #tpu.memory_space<vmem>>, vector<16xi32>,
    %get3A_998 = arith.constant 32 : index
    %get3A_999 = tpu.vector_load %arg5[%get3A_998] {strides = array<i32>} : memref<512xi32, #tpu.memory_space<vmem>>, vector<16xi32>,
    %get3A_1000 = vector.shape_cast %get3A_999 : vector<16xi32> to vector<16xi32>
    %add3A_1001 = arith.constant 300000 : i32
    %add3A_1002 = vector.broadcast %add3A_1001 : i32 to vector<16xi32>
    %add3A_1003 = arith.addi %get3A_1000, %add3A_1002 : vector<16xi32>
    %swap3A_1004 = arith.constant 1568 : index
    %swap3A_1005 = tpu.vector_load %arg6[%swap3A_1004] {strides = array<i32>} : memref<5632xi32, #tpu.memory_space<vmem>>, vector<16xi32>,
    %swap3A_1006 = vector.shape_cast %swap3A_1005 : vector<16xi32> to vector<16xi32>
    %swap3A_1007 = vector.shape_cast %add3A_1003 : vector<16xi32> to vector<16xi32>
    tpu.vector_store %arg6[%swap3A_1004], %swap3A_1007 {strides = array<i32>} : memref<5632xi32, #tpu.memory_space<vmem>>, vector<16xi32>,
    %get3A_1008 = arith.constant 48 : index
    %get3A_1009 = tpu.vector_load %arg5[%get3A_1008] {strides = array<i32>} : memref<512xi32, #tpu.memory_space<vmem>>, vector<16xi32>,
    %get3A_1010 = vector.shape_cast %get3A_1009 : vector<16xi32> to vector<16xi32>
    %add3A_1011 = arith.constant 300000 : i32
    %add3A_1012 = vector.broadcast %add3A_1011 : i32 to vector<16xi32>
    %add3A_1013 = arith.addi %get3A_1010, %add3A_1012 : vector<16xi32>
    %swap3A_1014 = arith.constant 1584 : index
    %swap3A_1015 = tpu.vector_load %arg6[%swap3A_1014] {strides = array<i32>} : memref<5632xi32, #tpu.memory_space<vmem>>, vector<16xi32>,
    %swap3A_1016 = vector.shape_cast %swap3A_1015 : vector<16xi32> to vector<16xi32>
    %swap3A_1017 = vector.shape_cast %add3A_1013 : vector<16xi32> to vector<16xi32>
    tpu.vector_store %arg6[%swap3A_1014], %swap3A_1017 {strides = array<i32>} : memref<5632xi32, #tpu.memory_space<vmem>>, vector<16xi32>,
    %get3A_1018 = arith.constant 64 : index
    %get3A_1019 = tpu.vector_load %arg5[%get3A_1018] {strides = array<i32>} : memref<512xi32, #tpu.memory_space<vmem>>, vector<16xi32>,
    %get3A_1020 = vector.shape_cast %get3A_1019 : vector<16xi32> to vector<16xi32>
    %add3A_1021 = arith.constant 300000 : i32
    %add3A_1022 = vector.broadcast %add3A_1021 : i32 to vector<16xi32>
    %add3A_1023 = arith.addi %get3A_1020, %add3A_1022 : vector<16xi32>
    %swap3A_1024 = arith.constant 1600 : index
    %swap3A_1025 = tpu.vector_load %arg6[%swap3A_1024] {strides = array<i32>} : memref<5632xi32, #tpu.memory_space<vmem>>, vector<16xi32>,
    %swap3A_1026 = vector.shape_cast %swap3A_1025 : vector<16xi32> to vector<16xi32>
    %swap3A_1027 = vector.shape_cast %add3A_1023 : vector<16xi32> to vector<16xi32>
    tpu.vector_store %arg6[%swap3A_1024], %swap3A_1027 {strides = array<i32>} : memref<5632xi32, #tpu.memory_space<vmem>>, vector<16xi32>,
    %get3A_1028 = arith.constant 80 : index
    %get3A_1029 = tpu.vector_load %arg5[%get3A_1028] {strides = array<i32>} : memref<512xi32, #tpu.memory_space<vmem>>, vector<16xi32>,
    %get3A_1030 = vector.shape_cast %get3A_1029 : vector<16xi32> to vector<16xi32>
    %add3A_1031 = arith.constant 300000 : i32
    %add3A_1032 = vector.broadcast %add3A_1031 : i32 to vector<16xi32>
    %add3A_1033 = arith.addi %get3A_1030, %add3A_1032 : vector<16xi32>
    %swap3A_1034 = arith.constant 1616 : index
    %swap3A_1035 = tpu.vector_load %arg6[%swap3A_1034] {strides = array<i32>} : memref<5632xi32, #tpu.memory_space<vmem>>, vector<16xi32>,
    %swap3A_1036 = vector.shape_cast %swap3A_1035 : vector<16xi32> to vector<16xi32>
    %swap3A_1037 = vector.shape_cast %add3A_1033 : vector<16xi32> to vector<16xi32>
    tpu.vector_store %arg6[%swap3A_1034], %swap3A_1037 {strides = array<i32>} : memref<5632xi32, #tpu.memory_space<vmem>>, vector<16xi32>,
    %get3A_1038 = arith.constant 96 : index
    %get3A_1039 = tpu.vector_load %arg5[%get3A_1038] {strides = array<i32>} : memref<512xi32, #tpu.memory_space<vmem>>, vector<16xi32>,
    %get3A_1040 = vector.shape_cast %get3A_1039 : vector<16xi32> to vector<16xi32>
    %add3A_1041 = arith.constant 300000 : i32
    %add3A_1042 = vector.broadcast %add3A_1041 : i32 to vector<16xi32>
    %add3A_1043 = arith.addi %get3A_1040, %add3A_1042 : vector<16xi32>
    %swap3A_1044 = arith.constant 1632 : index
    %swap3A_1045 = tpu.vector_load %arg6[%swap3A_1044] {strides = array<i32>} : memref<5632xi32, #tpu.memory_space<vmem>>, vector<16xi32>,
    %swap3A_1046 = vector.shape_cast %swap3A_1045 : vector<16xi32> to vector<16xi32>
    %swap3A_1047 = vector.shape_cast %add3A_1043 : vector<16xi32> to vector<16xi32>
    tpu.vector_store %arg6[%swap3A_1044], %swap3A_1047 {strides = array<i32>} : memref<5632xi32, #tpu.memory_space<vmem>>, vector<16xi32>,
    %get3A_1048 = arith.constant 112 : index
    %get3A_1049 = tpu.vector_load %arg5[%get3A_1048] {strides = array<i32>} : memref<512xi32, #tpu.memory_space<vmem>>, vector<16xi32>,
    %get3A_1050 = vector.shape_cast %get3A_1049 : vector<16xi32> to vector<16xi32>
    %add3A_1051 = arith.constant 300000 : i32
    %add3A_1052 = vector.broadcast %add3A_1051 : i32 to vector<16xi32>
    %add3A_1053 = arith.addi %get3A_1050, %add3A_1052 : vector<16xi32>
    %swap3A_1054 = arith.constant 1648 : index
    %swap3A_1055 = tpu.vector_load %arg6[%swap3A_1054] {strides = array<i32>} : memref<5632xi32, #tpu.memory_space<vmem>>, vector<16xi32>,
    %swap3A_1056 = vector.shape_cast %swap3A_1055 : vector<16xi32> to vector<16xi32>
    %swap3A_1057 = vector.shape_cast %add3A_1053 : vector<16xi32> to vector<16xi32>
    tpu.vector_store %arg6[%swap3A_1054], %swap3A_1057 {strides = array<i32>} : memref<5632xi32, #tpu.memory_space<vmem>>, vector<16xi32>,
    %get3A_1058 = arith.constant 128 : index
    %get3A_1059 = tpu.vector_load %arg5[%get3A_1058] {strides = array<i32>} : memref<512xi32, #tpu.memory_space<vmem>>, vector<16xi32>,
    %get3A_1060 = vector.shape_cast %get3A_1059 : vector<16xi32> to vector<16xi32>
    %add3A_1061 = arith.constant 300000 : i32
    %add3A_1062 = vector.broadcast %add3A_1061 : i32 to vector<16xi32>
    %add3A_1063 = arith.addi %get3A_1060, %add3A_1062 : vector<16xi32>
    %swap3A_1064 = arith.constant 1664 : index
    %swap3A_1065 = tpu.vector_load %arg6[%swap3A_1064] {strides = array<i32>} : memref<5632xi32, #tpu.memory_space<vmem>>, vector<16xi32>,
    %swap3A_1066 = vector.shape_cast %swap3A_1065 : vector<16xi32> to vector<16xi32>
    %swap3A_1067 = vector.shape_cast %add3A_1063 : vector<16xi32> to vector<16xi32>
    tpu.vector_store %arg6[%swap3A_1064], %swap3A_1067 {strides = array<i32>} : memref<5632xi32, #tpu.memory_space<vmem>>, vector<16xi32>,
    %get3A_1068 = arith.constant 144 : index
    %get3A_1069 = tpu.vector_load %arg5[%get3A_1068] {strides = array<i32>} : memref<512xi32, #tpu.memory_space<vmem>>, vector<16xi32>,
    %get3A_1070 = vector.shape_cast %get3A_1069 : vector<16xi32> to vector<16xi32>
    %add3A_1071 = arith.constant 300000 : i32
    %add3A_1072 = vector.broadcast %add3A_1071 : i32 to vector<16xi32>
    %add3A_1073 = arith.addi %get3A_1070, %add3A_1072 : vector<16xi32>
    %swap3A_1074 = arith.constant 1680 : index
    %swap3A_1075 = tpu.vector_load %arg6[%swap3A_1074] {strides = array<i32>} : memref<5632xi32, #tpu.memory_space<vmem>>, vector<16xi32>,
    %swap3A_1076 = vector.shape_cast %swap3A_1075 : vector<16xi32> to vector<16xi32>
    %swap3A_1077 = vector.shape_cast %add3A_1073 : vector<16xi32> to vector<16xi32>
    tpu.vector_store %arg6[%swap3A_1074], %swap3A_1077 {strides = array<i32>} : memref<5632xi32, #tpu.memory_space<vmem>>, vector<16xi32>,
    %get3A_1078 = arith.constant 160 : index
    %get3A_1079 = tpu.vector_load %arg5[%get3A_1078] {strides = array<i32>} : memref<512xi32, #tpu.memory_space<vmem>>, vector<16xi32>,
    %get3A_1080 = vector.shape_cast %get3A_1079 : vector<16xi32> to vector<16xi32>
    %add3A_1081 = arith.constant 300000 : i32
    %add3A_1082 = vector.broadcast %add3A_1081 : i32 to vector<16xi32>
    %add3A_1083 = arith.addi %get3A_1080, %add3A_1082 : vector<16xi32>
    %swap3A_1084 = arith.constant 1696 : index
    %swap3A_1085 = tpu.vector_load %arg6[%swap3A_1084] {strides = array<i32>} : memref<5632xi32, #tpu.memory_space<vmem>>, vector<16xi32>,
    %swap3A_1086 = vector.shape_cast %swap3A_1085 : vector<16xi32> to vector<16xi32>
    %swap3A_1087 = vector.shape_cast %add3A_1083 : vector<16xi32> to vector<16xi32>
    tpu.vector_store %arg6[%swap3A_1084], %swap3A_1087 {strides = array<i32>} : memref<5632xi32, #tpu.memory_space<vmem>>, vector<16xi32>,
    %get3A_1088 = arith.constant 176 : index
    %get3A_1089 = tpu.vector_load %arg5[%get3A_1088] {strides = array<i32>} : memref<512xi32, #tpu.memory_space<vmem>>, vector<16xi32>,
    %get3A_1090 = vector.shape_cast %get3A_1089 : vector<16xi32> to vector<16xi32>
    %add3A_1091 = arith.constant 300000 : i32
    %add3A_1092 = vector.broadcast %add3A_1091 : i32 to vector<16xi32>
    %add3A_1093 = arith.addi %get3A_1090, %add3A_1092 : vector<16xi32>
    %swap3A_1094 = arith.constant 1712 : index
    %swap3A_1095 = tpu.vector_load %arg6[%swap3A_1094] {strides = array<i32>} : memref<5632xi32, #tpu.memory_space<vmem>>, vector<16xi32>,
    %swap3A_1096 = vector.shape_cast %swap3A_1095 : vector<16xi32> to vector<16xi32>
    %swap3A_1097 = vector.shape_cast %add3A_1093 : vector<16xi32> to vector<16xi32>
    tpu.vector_store %arg6[%swap3A_1094], %swap3A_1097 {strides = array<i32>} : memref<5632xi32, #tpu.memory_space<vmem>>, vector<16xi32>,
    %get3A_1098 = arith.constant 192 : index
    %get3A_1099 = tpu.vector_load %arg5[%get3A_1098] {strides = array<i32>} : memref<512xi32, #tpu.memory_space<vmem>>, vector<16xi32>,
    %get3A_1100 = vector.shape_cast %get3A_1099 : vector<16xi32> to vector<16xi32>
    %add3A_1101 = arith.constant 300000 : i32
    %add3A_1102 = vector.broadcast %add3A_1101 : i32 to vector<16xi32>
    %add3A_1103 = arith.addi %get3A_1100, %add3A_1102 : vector<16xi32>
    %swap3A_1104 = arith.constant 1728 : index
    %swap3A_1105 = tpu.vector_load %arg6[%swap3A_1104] {strides = array<i32>} : memref<5632xi32, #tpu.memory_space<vmem>>, vector<16xi32>,
    %swap3A_1106 = vector.shape_cast %swap3A_1105 : vector<16xi32> to vector<16xi32>
    %swap3A_1107 = vector.shape_cast %add3A_1103 : vector<16xi32> to vector<16xi32>
    tpu.vector_store %arg6[%swap3A_1104], %swap3A_1107 {strides = array<i32>} : memref<5632xi32, #tpu.memory_space<vmem>>, vector<16xi32>,
    %get3A_1108 = arith.constant 208 : index
    %get3A_1109 = tpu.vector_load %arg5[%get3A_1108] {strides = array<i32>} : memref<512xi32, #tpu.memory_space<vmem>>, vector<16xi32>,
    %get3A_1110 = vector.shape_cast %get3A_1109 : vector<16xi32> to vector<16xi32>
    %add3A_1111 = arith.constant 300000 : i32
    %add3A_1112 = vector.broadcast %add3A_1111 : i32 to vector<16xi32>
    %add3A_1113 = arith.addi %get3A_1110, %add3A_1112 : vector<16xi32>
    %swap3A_1114 = arith.constant 1744 : index
    %swap3A_1115 = tpu.vector_load %arg6[%swap3A_1114] {strides = array<i32>} : memref<5632xi32, #tpu.memory_space<vmem>>, vector<16xi32>,
    %swap3A_1116 = vector.shape_cast %swap3A_1115 : vector<16xi32> to vector<16xi32>
    %swap3A_1117 = vector.shape_cast %add3A_1113 : vector<16xi32> to vector<16xi32>
    tpu.vector_store %arg6[%swap3A_1114], %swap3A_1117 {strides = array<i32>} : memref<5632xi32, #tpu.memory_space<vmem>>, vector<16xi32>,
    %get3A_1118 = arith.constant 224 : index
    %get3A_1119 = tpu.vector_load %arg5[%get3A_1118] {strides = array<i32>} : memref<512xi32, #tpu.memory_space<vmem>>, vector<16xi32>,
    %get3A_1120 = vector.shape_cast %get3A_1119 : vector<16xi32> to vector<16xi32>
    %add3A_1121 = arith.constant 300000 : i32
    %add3A_1122 = vector.broadcast %add3A_1121 : i32 to vector<16xi32>
    %add3A_1123 = arith.addi %get3A_1120, %add3A_1122 : vector<16xi32>
    %swap3A_1124 = arith.constant 1760 : index
    %swap3A_1125 = tpu.vector_load %arg6[%swap3A_1124] {strides = array<i32>} : memref<5632xi32, #tpu.memory_space<vmem>>, vector<16xi32>,
    %swap3A_1126 = vector.shape_cast %swap3A_1125 : vector<16xi32> to vector<16xi32>
    %swap3A_1127 = vector.shape_cast %add3A_1123 : vector<16xi32> to vector<16xi32>
    tpu.vector_store %arg6[%swap3A_1124], %swap3A_1127 {strides = array<i32>} : memref<5632xi32, #tpu.memory_space<vmem>>, vector<16xi32>,
    %get3A_1128 = arith.constant 240 : index
    %get3A_1129 = tpu.vector_load %arg5[%get3A_1128] {strides = array<i32>} : memref<512xi32, #tpu.memory_space<vmem>>, vector<16xi32>,
    %get3A_1130 = vector.shape_cast %get3A_1129 : vector<16xi32> to vector<16xi32>
    %add3A_1131 = arith.constant 300000 : i32
    %add3A_1132 = vector.broadcast %add3A_1131 : i32 to vector<16xi32>
    %add3A_1133 = arith.addi %get3A_1130, %add3A_1132 : vector<16xi32>
    %swap3A_1134 = arith.constant 1776 : index
    %swap3A_1135 = tpu.vector_load %arg6[%swap3A_1134] {strides = array<i32>} : memref<5632xi32, #tpu.memory_space<vmem>>, vector<16xi32>,
    %swap3A_1136 = vector.shape_cast %swap3A_1135 : vector<16xi32> to vector<16xi32>
    %swap3A_1137 = vector.shape_cast %add3A_1133 : vector<16xi32> to vector<16xi32>
    tpu.vector_store %arg6[%swap3A_1134], %swap3A_1137 {strides = array<i32>} : memref<5632xi32, #tpu.memory_space<vmem>>, vector<16xi32>,
    %get3A_1138 = arith.constant 256 : index
    %get3A_1139 = tpu.vector_load %arg5[%get3A_1138] {strides = array<i32>} : memref<512xi32, #tpu.memory_space<vmem>>, vector<16xi32>,
    %get3A_1140 = vector.shape_cast %get3A_1139 : vector<16xi32> to vector<16xi32>
    %add3A_1141 = arith.constant 300000 : i32
    %add3A_1142 = vector.broadcast %add3A_1141 : i32 to vector<16xi32>
    %add3A_1143 = arith.addi %get3A_1140, %add3A_1142 : vector<16xi32>
    %swap3A_1144 = arith.constant 1792 : index
    %swap3A_1145 = tpu.vector_load %arg6[%swap3A_1144] {strides = array<i32>} : memref<5632xi32, #tpu.memory_space<vmem>>, vector<16xi32>,
    %swap3A_1146 = vector.shape_cast %swap3A_1145 : vector<16xi32> to vector<16xi32>
    %swap3A_1147 = vector.shape_cast %add3A_1143 : vector<16xi32> to vector<16xi32>
    tpu.vector_store %arg6[%swap3A_1144], %swap3A_1147 {strides = array<i32>} : memref<5632xi32, #tpu.memory_space<vmem>>, vector<16xi32>,
    %get3A_1148 = arith.constant 272 : index
    %get3A_1149 = tpu.vector_load %arg5[%get3A_1148] {strides = array<i32>} : memref<512xi32, #tpu.memory_space<vmem>>, vector<16xi32>,
    %get3A_1150 = vector.shape_cast %get3A_1149 : vector<16xi32> to vector<16xi32>
    %add3A_1151 = arith.constant 300000 : i32
    %add3A_1152 = vector.broadcast %add3A_1151 : i32 to vector<16xi32>
    %add3A_1153 = arith.addi %get3A_1150, %add3A_1152 : vector<16xi32>
    %swap3A_1154 = arith.constant 1808 : index
    %swap3A_1155 = tpu.vector_load %arg6[%swap3A_1154] {strides = array<i32>} : memref<5632xi32, #tpu.memory_space<vmem>>, vector<16xi32>,
    %swap3A_1156 = vector.shape_cast %swap3A_1155 : vector<16xi32> to vector<16xi32>
    %swap3A_1157 = vector.shape_cast %add3A_1153 : vector<16xi32> to vector<16xi32>
    tpu.vector_store %arg6[%swap3A_1154], %swap3A_1157 {strides = array<i32>} : memref<5632xi32, #tpu.memory_space<vmem>>, vector<16xi32>,
    %get3A_1158 = arith.constant 288 : index
    %get3A_1159 = tpu.vector_load %arg5[%get3A_1158] {strides = array<i32>} : memref<512xi32, #tpu.memory_space<vmem>>, vector<16xi32>,
    %get3A_1160 = vector.shape_cast %get3A_1159 : vector<16xi32> to vector<16xi32>
    %add3A_1161 = arith.constant 300000 : i32
    %add3A_1162 = vector.broadcast %add3A_1161 : i32 to vector<16xi32>
    %add3A_1163 = arith.addi %get3A_1160, %add3A_1162 : vector<16xi32>
    %swap3A_1164 = arith.constant 1824 : index
    %swap3A_1165 = tpu.vector_load %arg6[%swap3A_1164] {strides = array<i32>} : memref<5632xi32, #tpu.memory_space<vmem>>, vector<16xi32>,
    %swap3A_1166 = vector.shape_cast %swap3A_1165 : vector<16xi32> to vector<16xi32>
    %swap3A_1167 = vector.shape_cast %add3A_1163 : vector<16xi32> to vector<16xi32>
    tpu.vector_store %arg6[%swap3A_1164], %swap3A_1167 {strides = array<i32>} : memref<5632xi32, #tpu.memory_space<vmem>>, vector<16xi32>,
    %get3A_1168 = arith.constant 304 : index
    %get3A_1169 = tpu.vector_load %arg5[%get3A_1168] {strides = array<i32>} : memref<512xi32, #tpu.memory_space<vmem>>, vector<16xi32>,
    %get3A_1170 = vector.shape_cast %get3A_1169 : vector<16xi32> to vector<16xi32>
    %add3A_1171 = arith.constant 300000 : i32
    %add3A_1172 = vector.broadcast %add3A_1171 : i32 to vector<16xi32>
    %add3A_1173 = arith.addi %get3A_1170, %add3A_1172 : vector<16xi32>
    %swap3A_1174 = arith.constant 1840 : index
    %swap3A_1175 = tpu.vector_load %arg6[%swap3A_1174] {strides = array<i32>} : memref<5632xi32, #tpu.memory_space<vmem>>, vector<16xi32>,
    %swap3A_1176 = vector.shape_cast %swap3A_1175 : vector<16xi32> to vector<16xi32>
    %swap3A_1177 = vector.shape_cast %add3A_1173 : vector<16xi32> to vector<16xi32>
    tpu.vector_store %arg6[%swap3A_1174], %swap3A_1177 {strides = array<i32>} : memref<5632xi32, #tpu.memory_space<vmem>>, vector<16xi32>,
    %get3A_1178 = arith.constant 320 : index
    %get3A_1179 = tpu.vector_load %arg5[%get3A_1178] {strides = array<i32>} : memref<512xi32, #tpu.memory_space<vmem>>, vector<16xi32>,
    %get3A_1180 = vector.shape_cast %get3A_1179 : vector<16xi32> to vector<16xi32>
    %add3A_1181 = arith.constant 300000 : i32
    %add3A_1182 = vector.broadcast %add3A_1181 : i32 to vector<16xi32>
    %add3A_1183 = arith.addi %get3A_1180, %add3A_1182 : vector<16xi32>
    %swap3A_1184 = arith.constant 1856 : index
    %swap3A_1185 = tpu.vector_load %arg6[%swap3A_1184] {strides = array<i32>} : memref<5632xi32, #tpu.memory_space<vmem>>, vector<16xi32>,
    %swap3A_1186 = vector.shape_cast %swap3A_1185 : vector<16xi32> to vector<16xi32>
    %swap3A_1187 = vector.shape_cast %add3A_1183 : vector<16xi32> to vector<16xi32>
    tpu.vector_store %arg6[%swap3A_1184], %swap3A_1187 {strides = array<i32>} : memref<5632xi32, #tpu.memory_space<vmem>>, vector<16xi32>,
    %get3A_1188 = arith.constant 336 : index
    %get3A_1189 = tpu.vector_load %arg5[%get3A_1188] {strides = array<i32>} : memref<512xi32, #tpu.memory_space<vmem>>, vector<16xi32>,
    %get3A_1190 = vector.shape_cast %get3A_1189 : vector<16xi32> to vector<16xi32>
    %add3A_1191 = arith.constant 300000 : i32
    %add3A_1192 = vector.broadcast %add3A_1191 : i32 to vector<16xi32>
    %add3A_1193 = arith.addi %get3A_1190, %add3A_1192 : vector<16xi32>
    %swap3A_1194 = arith.constant 1872 : index
    %swap3A_1195 = tpu.vector_load %arg6[%swap3A_1194] {strides = array<i32>} : memref<5632xi32, #tpu.memory_space<vmem>>, vector<16xi32>,
    %swap3A_1196 = vector.shape_cast %swap3A_1195 : vector<16xi32> to vector<16xi32>
    %swap3A_1197 = vector.shape_cast %add3A_1193 : vector<16xi32> to vector<16xi32>
    tpu.vector_store %arg6[%swap3A_1194], %swap3A_1197 {strides = array<i32>} : memref<5632xi32, #tpu.memory_space<vmem>>, vector<16xi32>,
    %get3A_1198 = arith.constant 352 : index
    %get3A_1199 = tpu.vector_load %arg5[%get3A_1198] {strides = array<i32>} : memref<512xi32, #tpu.memory_space<vmem>>, vector<16xi32>,
    %get3A_1200 = vector.shape_cast %get3A_1199 : vector<16xi32> to vector<16xi32>
    %add3A_1201 = arith.constant 300000 : i32
    %add3A_1202 = vector.broadcast %add3A_1201 : i32 to vector<16xi32>
    %add3A_1203 = arith.addi %get3A_1200, %add3A_1202 : vector<16xi32>
    %swap3A_1204 = arith.constant 1888 : index
    %swap3A_1205 = tpu.vector_load %arg6[%swap3A_1204] {strides = array<i32>} : memref<5632xi32, #tpu.memory_space<vmem>>, vector<16xi32>,
    %swap3A_1206 = vector.shape_cast %swap3A_1205 : vector<16xi32> to vector<16xi32>
    %swap3A_1207 = vector.shape_cast %add3A_1203 : vector<16xi32> to vector<16xi32>
    tpu.vector_store %arg6[%swap3A_1204], %swap3A_1207 {strides = array<i32>} : memref<5632xi32, #tpu.memory_space<vmem>>, vector<16xi32>,
    %get3A_1208 = arith.constant 368 : index
    %get3A_1209 = tpu.vector_load %arg5[%get3A_1208] {strides = array<i32>} : memref<512xi32, #tpu.memory_space<vmem>>, vector<16xi32>,
    %get3A_1210 = vector.shape_cast %get3A_1209 : vector<16xi32> to vector<16xi32>
    %add3A_1211 = arith.constant 300000 : i32
    %add3A_1212 = vector.broadcast %add3A_1211 : i32 to vector<16xi32>
    %add3A_1213 = arith.addi %get3A_1210, %add3A_1212 : vector<16xi32>
    %swap3A_1214 = arith.constant 1904 : index
    %swap3A_1215 = tpu.vector_load %arg6[%swap3A_1214] {strides = array<i32>} : memref<5632xi32, #tpu.memory_space<vmem>>, vector<16xi32>,
    %swap3A_1216 = vector.shape_cast %swap3A_1215 : vector<16xi32> to vector<16xi32>
    %swap3A_1217 = vector.shape_cast %add3A_1213 : vector<16xi32> to vector<16xi32>
    tpu.vector_store %arg6[%swap3A_1214], %swap3A_1217 {strides = array<i32>} : memref<5632xi32, #tpu.memory_space<vmem>>, vector<16xi32>,
    %get3A_1218 = arith.constant 384 : index
    %get3A_1219 = tpu.vector_load %arg5[%get3A_1218] {strides = array<i32>} : memref<512xi32, #tpu.memory_space<vmem>>, vector<16xi32>,
    %get3A_1220 = vector.shape_cast %get3A_1219 : vector<16xi32> to vector<16xi32>
    %add3A_1221 = arith.constant 300000 : i32
    %add3A_1222 = vector.broadcast %add3A_1221 : i32 to vector<16xi32>
    %add3A_1223 = arith.addi %get3A_1220, %add3A_1222 : vector<16xi32>
    %swap3A_1224 = arith.constant 1920 : index
    %swap3A_1225 = tpu.vector_load %arg6[%swap3A_1224] {strides = array<i32>} : memref<5632xi32, #tpu.memory_space<vmem>>, vector<16xi32>,
    %swap3A_1226 = vector.shape_cast %swap3A_1225 : vector<16xi32> to vector<16xi32>
    %swap3A_1227 = vector.shape_cast %add3A_1223 : vector<16xi32> to vector<16xi32>
    tpu.vector_store %arg6[%swap3A_1224], %swap3A_1227 {strides = array<i32>} : memref<5632xi32, #tpu.memory_space<vmem>>, vector<16xi32>,
    %get3A_1228 = arith.constant 400 : index
    %get3A_1229 = tpu.vector_load %arg5[%get3A_1228] {strides = array<i32>} : memref<512xi32, #tpu.memory_space<vmem>>, vector<16xi32>,
    %get3A_1230 = vector.shape_cast %get3A_1229 : vector<16xi32> to vector<16xi32>
    %add3A_1231 = arith.constant 300000 : i32
    %add3A_1232 = vector.broadcast %add3A_1231 : i32 to vector<16xi32>
    %add3A_1233 = arith.addi %get3A_1230, %add3A_1232 : vector<16xi32>
    %swap3A_1234 = arith.constant 1936 : index
    %swap3A_1235 = tpu.vector_load %arg6[%swap3A_1234] {strides = array<i32>} : memref<5632xi32, #tpu.memory_space<vmem>>, vector<16xi32>,
    %swap3A_1236 = vector.shape_cast %swap3A_1235 : vector<16xi32> to vector<16xi32>
    %swap3A_1237 = vector.shape_cast %add3A_1233 : vector<16xi32> to vector<16xi32>
    tpu.vector_store %arg6[%swap3A_1234], %swap3A_1237 {strides = array<i32>} : memref<5632xi32, #tpu.memory_space<vmem>>, vector<16xi32>,
    %get3A_1238 = arith.constant 416 : index
    %get3A_1239 = tpu.vector_load %arg5[%get3A_1238] {strides = array<i32>} : memref<512xi32, #tpu.memory_space<vmem>>, vector<16xi32>,
    %get3A_1240 = vector.shape_cast %get3A_1239 : vector<16xi32> to vector<16xi32>
    %add3A_1241 = arith.constant 300000 : i32
    %add3A_1242 = vector.broadcast %add3A_1241 : i32 to vector<16xi32>
    %add3A_1243 = arith.addi %get3A_1240, %add3A_1242 : vector<16xi32>
    %swap3A_1244 = arith.constant 1952 : index
    %swap3A_1245 = tpu.vector_load %arg6[%swap3A_1244] {strides = array<i32>} : memref<5632xi32, #tpu.memory_space<vmem>>, vector<16xi32>,
    %swap3A_1246 = vector.shape_cast %swap3A_1245 : vector<16xi32> to vector<16xi32>
    %swap3A_1247 = vector.shape_cast %add3A_1243 : vector<16xi32> to vector<16xi32>
    tpu.vector_store %arg6[%swap3A_1244], %swap3A_1247 {strides = array<i32>} : memref<5632xi32, #tpu.memory_space<vmem>>, vector<16xi32>,
    %get3A_1248 = arith.constant 432 : index
    %get3A_1249 = tpu.vector_load %arg5[%get3A_1248] {strides = array<i32>} : memref<512xi32, #tpu.memory_space<vmem>>, vector<16xi32>,
    %get3A_1250 = vector.shape_cast %get3A_1249 : vector<16xi32> to vector<16xi32>
    %add3A_1251 = arith.constant 300000 : i32
    %add3A_1252 = vector.broadcast %add3A_1251 : i32 to vector<16xi32>
    %add3A_1253 = arith.addi %get3A_1250, %add3A_1252 : vector<16xi32>
    %swap3A_1254 = arith.constant 1968 : index
    %swap3A_1255 = tpu.vector_load %arg6[%swap3A_1254] {strides = array<i32>} : memref<5632xi32, #tpu.memory_space<vmem>>, vector<16xi32>,
    %swap3A_1256 = vector.shape_cast %swap3A_1255 : vector<16xi32> to vector<16xi32>
    %swap3A_1257 = vector.shape_cast %add3A_1253 : vector<16xi32> to vector<16xi32>
    tpu.vector_store %arg6[%swap3A_1254], %swap3A_1257 {strides = array<i32>} : memref<5632xi32, #tpu.memory_space<vmem>>, vector<16xi32>,
    %get3A_1258 = arith.constant 448 : index
    %get3A_1259 = tpu.vector_load %arg5[%get3A_1258] {strides = array<i32>} : memref<512xi32, #tpu.memory_space<vmem>>, vector<16xi32>,
    %get3A_1260 = vector.shape_cast %get3A_1259 : vector<16xi32> to vector<16xi32>
    %add3A_1261 = arith.constant 300000 : i32
    %add3A_1262 = vector.broadcast %add3A_1261 : i32 to vector<16xi32>
    %add3A_1263 = arith.addi %get3A_1260, %add3A_1262 : vector<16xi32>
    %swap3A_1264 = arith.constant 1984 : index
    %swap3A_1265 = tpu.vector_load %arg6[%swap3A_1264] {strides = array<i32>} : memref<5632xi32, #tpu.memory_space<vmem>>, vector<16xi32>,
    %swap3A_1266 = vector.shape_cast %swap3A_1265 : vector<16xi32> to vector<16xi32>
    %swap3A_1267 = vector.shape_cast %add3A_1263 : vector<16xi32> to vector<16xi32>
    tpu.vector_store %arg6[%swap3A_1264], %swap3A_1267 {strides = array<i32>} : memref<5632xi32, #tpu.memory_space<vmem>>, vector<16xi32>,
    %get3A_1268 = arith.constant 464 : index
    %get3A_1269 = tpu.vector_load %arg5[%get3A_1268] {strides = array<i32>} : memref<512xi32, #tpu.memory_space<vmem>>, vector<16xi32>,
    %get3A_1270 = vector.shape_cast %get3A_1269 : vector<16xi32> to vector<16xi32>
    %add3A_1271 = arith.constant 300000 : i32
    %add3A_1272 = vector.broadcast %add3A_1271 : i32 to vector<16xi32>
    %add3A_1273 = arith.addi %get3A_1270, %add3A_1272 : vector<16xi32>
    %swap3A_1274 = arith.constant 2000 : index
    %swap3A_1275 = tpu.vector_load %arg6[%swap3A_1274] {strides = array<i32>} : memref<5632xi32, #tpu.memory_space<vmem>>, vector<16xi32>,
    %swap3A_1276 = vector.shape_cast %swap3A_1275 : vector<16xi32> to vector<16xi32>
    %swap3A_1277 = vector.shape_cast %add3A_1273 : vector<16xi32> to vector<16xi32>
    tpu.vector_store %arg6[%swap3A_1274], %swap3A_1277 {strides = array<i32>} : memref<5632xi32, #tpu.memory_space<vmem>>, vector<16xi32>,
    %get3A_1278 = arith.constant 480 : index
    %get3A_1279 = tpu.vector_load %arg5[%get3A_1278] {strides = array<i32>} : memref<512xi32, #tpu.memory_space<vmem>>, vector<16xi32>,
    %get3A_1280 = vector.shape_cast %get3A_1279 : vector<16xi32> to vector<16xi32>
    %add3A_1281 = arith.constant 300000 : i32
    %add3A_1282 = vector.broadcast %add3A_1281 : i32 to vector<16xi32>
    %add3A_1283 = arith.addi %get3A_1280, %add3A_1282 : vector<16xi32>
    %swap3A_1284 = arith.constant 2016 : index
    %swap3A_1285 = tpu.vector_load %arg6[%swap3A_1284] {strides = array<i32>} : memref<5632xi32, #tpu.memory_space<vmem>>, vector<16xi32>,
    %swap3A_1286 = vector.shape_cast %swap3A_1285 : vector<16xi32> to vector<16xi32>
    %swap3A_1287 = vector.shape_cast %add3A_1283 : vector<16xi32> to vector<16xi32>
    tpu.vector_store %arg6[%swap3A_1284], %swap3A_1287 {strides = array<i32>} : memref<5632xi32, #tpu.memory_space<vmem>>, vector<16xi32>,
    %get3A_1288 = arith.constant 496 : index
    %get3A_1289 = tpu.vector_load %arg5[%get3A_1288] {strides = array<i32>} : memref<512xi32, #tpu.memory_space<vmem>>, vector<16xi32>,
    %get3A_1290 = vector.shape_cast %get3A_1289 : vector<16xi32> to vector<16xi32>
    %add3A_1291 = arith.constant 300000 : i32
    %add3A_1292 = vector.broadcast %add3A_1291 : i32 to vector<16xi32>
    %add3A_1293 = arith.addi %get3A_1290, %add3A_1292 : vector<16xi32>
    %swap3A_1294 = arith.constant 2032 : index
    %swap3A_1295 = tpu.vector_load %arg6[%swap3A_1294] {strides = array<i32>} : memref<5632xi32, #tpu.memory_space<vmem>>, vector<16xi32>,
    %swap3A_1296 = vector.shape_cast %swap3A_1295 : vector<16xi32> to vector<16xi32>
    %swap3A_1297 = vector.shape_cast %add3A_1293 : vector<16xi32> to vector<16xi32>
    tpu.vector_store %arg6[%swap3A_1294], %swap3A_1297 {strides = array<i32>} : memref<5632xi32, #tpu.memory_space<vmem>>, vector<16xi32>,
    %dma_start3A_1298 = arith.constant 1536 : i32
    %dma_start3A_1299 = tpu.memref_slice %arg7[%dma_start3A_1298] : memref<5632xf32, #tpu.memory_space<vmem>> -> memref<512xf32, #tpu.memory_space<vmem>>
    %dma_start3A_1300 = arith.constant 1536 : i32
    %dma_start3A_1301 = tpu.memref_slice %arg6[%dma_start3A_1300] : memref<5632xi32, #tpu.memory_space<vmem>> -> memref<512xi32, #tpu.memory_space<vmem>>
    %dma_start3A_1302 = arith.constant 0 : i32
    %dma_start3A_1303 = tpu.memref_slice %arg3[%dma_start3A_1302] : memref<1100000xf32, #tpu.memory_space<hbm>> -> memref<1100000xf32, #tpu.memory_space<hbm>>
    tpu.enqueue_indirect_dma source(%dma_start3A_1303 : memref<1100000xf32, #tpu.memory_space<hbm>>) target(%dma_start3A_1299 : memref<512xf32, #tpu.memory_space<vmem>>) offsets(%dma_start3A_1301 : memref<512xi32, #tpu.memory_space<vmem>>) semaphore(%arg8 : memref<!tpu.dma_semaphore, #tpu.memory_space<semaphore_mem>>)
    %get3A_1304 = arith.constant 0 : index
    %get3A_1305 = tpu.vector_load %arg5[%get3A_1304] {strides = array<i32>} : memref<512xi32, #tpu.memory_space<vmem>>, vector<16xi32>,
    %get3A_1306 = vector.shape_cast %get3A_1305 : vector<16xi32> to vector<16xi32>
    %add3A_1307 = arith.constant 400000 : i32
    %add3A_1308 = vector.broadcast %add3A_1307 : i32 to vector<16xi32>
    %add3A_1309 = arith.addi %get3A_1306, %add3A_1308 : vector<16xi32>
    %swap3A_1310 = arith.constant 2048 : index
    %swap3A_1311 = tpu.vector_load %arg6[%swap3A_1310] {strides = array<i32>} : memref<5632xi32, #tpu.memory_space<vmem>>, vector<16xi32>,
    %swap3A_1312 = vector.shape_cast %swap3A_1311 : vector<16xi32> to vector<16xi32>
    %swap3A_1313 = vector.shape_cast %add3A_1309 : vector<16xi32> to vector<16xi32>
    tpu.vector_store %arg6[%swap3A_1310], %swap3A_1313 {strides = array<i32>} : memref<5632xi32, #tpu.memory_space<vmem>>, vector<16xi32>,
    %get3A_1314 = arith.constant 16 : index
    %get3A_1315 = tpu.vector_load %arg5[%get3A_1314] {strides = array<i32>} : memref<512xi32, #tpu.memory_space<vmem>>, vector<16xi32>,
    %get3A_1316 = vector.shape_cast %get3A_1315 : vector<16xi32> to vector<16xi32>
    %add3A_1317 = arith.constant 400000 : i32
    %add3A_1318 = vector.broadcast %add3A_1317 : i32 to vector<16xi32>
    %add3A_1319 = arith.addi %get3A_1316, %add3A_1318 : vector<16xi32>
    %swap3A_1320 = arith.constant 2064 : index
    %swap3A_1321 = tpu.vector_load %arg6[%swap3A_1320] {strides = array<i32>} : memref<5632xi32, #tpu.memory_space<vmem>>, vector<16xi32>,
    %swap3A_1322 = vector.shape_cast %swap3A_1321 : vector<16xi32> to vector<16xi32>
    %swap3A_1323 = vector.shape_cast %add3A_1319 : vector<16xi32> to vector<16xi32>
    tpu.vector_store %arg6[%swap3A_1320], %swap3A_1323 {strides = array<i32>} : memref<5632xi32, #tpu.memory_space<vmem>>, vector<16xi32>,
    %get3A_1324 = arith.constant 32 : index
    %get3A_1325 = tpu.vector_load %arg5[%get3A_1324] {strides = array<i32>} : memref<512xi32, #tpu.memory_space<vmem>>, vector<16xi32>,
    %get3A_1326 = vector.shape_cast %get3A_1325 : vector<16xi32> to vector<16xi32>
    %add3A_1327 = arith.constant 400000 : i32
    %add3A_1328 = vector.broadcast %add3A_1327 : i32 to vector<16xi32>
    %add3A_1329 = arith.addi %get3A_1326, %add3A_1328 : vector<16xi32>
    %swap3A_1330 = arith.constant 2080 : index
    %swap3A_1331 = tpu.vector_load %arg6[%swap3A_1330] {strides = array<i32>} : memref<5632xi32, #tpu.memory_space<vmem>>, vector<16xi32>,
    %swap3A_1332 = vector.shape_cast %swap3A_1331 : vector<16xi32> to vector<16xi32>
    %swap3A_1333 = vector.shape_cast %add3A_1329 : vector<16xi32> to vector<16xi32>
    tpu.vector_store %arg6[%swap3A_1330], %swap3A_1333 {strides = array<i32>} : memref<5632xi32, #tpu.memory_space<vmem>>, vector<16xi32>,
    %get3A_1334 = arith.constant 48 : index
    %get3A_1335 = tpu.vector_load %arg5[%get3A_1334] {strides = array<i32>} : memref<512xi32, #tpu.memory_space<vmem>>, vector<16xi32>,
    %get3A_1336 = vector.shape_cast %get3A_1335 : vector<16xi32> to vector<16xi32>
    %add3A_1337 = arith.constant 400000 : i32
    %add3A_1338 = vector.broadcast %add3A_1337 : i32 to vector<16xi32>
    %add3A_1339 = arith.addi %get3A_1336, %add3A_1338 : vector<16xi32>
    %swap3A_1340 = arith.constant 2096 : index
    %swap3A_1341 = tpu.vector_load %arg6[%swap3A_1340] {strides = array<i32>} : memref<5632xi32, #tpu.memory_space<vmem>>, vector<16xi32>,
    %swap3A_1342 = vector.shape_cast %swap3A_1341 : vector<16xi32> to vector<16xi32>
    %swap3A_1343 = vector.shape_cast %add3A_1339 : vector<16xi32> to vector<16xi32>
    tpu.vector_store %arg6[%swap3A_1340], %swap3A_1343 {strides = array<i32>} : memref<5632xi32, #tpu.memory_space<vmem>>, vector<16xi32>,
    %get3A_1344 = arith.constant 64 : index
    %get3A_1345 = tpu.vector_load %arg5[%get3A_1344] {strides = array<i32>} : memref<512xi32, #tpu.memory_space<vmem>>, vector<16xi32>,
    %get3A_1346 = vector.shape_cast %get3A_1345 : vector<16xi32> to vector<16xi32>
    %add3A_1347 = arith.constant 400000 : i32
    %add3A_1348 = vector.broadcast %add3A_1347 : i32 to vector<16xi32>
    %add3A_1349 = arith.addi %get3A_1346, %add3A_1348 : vector<16xi32>
    %swap3A_1350 = arith.constant 2112 : index
    %swap3A_1351 = tpu.vector_load %arg6[%swap3A_1350] {strides = array<i32>} : memref<5632xi32, #tpu.memory_space<vmem>>, vector<16xi32>,
    %swap3A_1352 = vector.shape_cast %swap3A_1351 : vector<16xi32> to vector<16xi32>
    %swap3A_1353 = vector.shape_cast %add3A_1349 : vector<16xi32> to vector<16xi32>
    tpu.vector_store %arg6[%swap3A_1350], %swap3A_1353 {strides = array<i32>} : memref<5632xi32, #tpu.memory_space<vmem>>, vector<16xi32>,
    %get3A_1354 = arith.constant 80 : index
    %get3A_1355 = tpu.vector_load %arg5[%get3A_1354] {strides = array<i32>} : memref<512xi32, #tpu.memory_space<vmem>>, vector<16xi32>,
    %get3A_1356 = vector.shape_cast %get3A_1355 : vector<16xi32> to vector<16xi32>
    %add3A_1357 = arith.constant 400000 : i32
    %add3A_1358 = vector.broadcast %add3A_1357 : i32 to vector<16xi32>
    %add3A_1359 = arith.addi %get3A_1356, %add3A_1358 : vector<16xi32>
    %swap3A_1360 = arith.constant 2128 : index
    %swap3A_1361 = tpu.vector_load %arg6[%swap3A_1360] {strides = array<i32>} : memref<5632xi32, #tpu.memory_space<vmem>>, vector<16xi32>,
    %swap3A_1362 = vector.shape_cast %swap3A_1361 : vector<16xi32> to vector<16xi32>
    %swap3A_1363 = vector.shape_cast %add3A_1359 : vector<16xi32> to vector<16xi32>
    tpu.vector_store %arg6[%swap3A_1360], %swap3A_1363 {strides = array<i32>} : memref<5632xi32, #tpu.memory_space<vmem>>, vector<16xi32>,
    %get3A_1364 = arith.constant 96 : index
    %get3A_1365 = tpu.vector_load %arg5[%get3A_1364] {strides = array<i32>} : memref<512xi32, #tpu.memory_space<vmem>>, vector<16xi32>,
    %get3A_1366 = vector.shape_cast %get3A_1365 : vector<16xi32> to vector<16xi32>
    %add3A_1367 = arith.constant 400000 : i32
    %add3A_1368 = vector.broadcast %add3A_1367 : i32 to vector<16xi32>
    %add3A_1369 = arith.addi %get3A_1366, %add3A_1368 : vector<16xi32>
    %swap3A_1370 = arith.constant 2144 : index
    %swap3A_1371 = tpu.vector_load %arg6[%swap3A_1370] {strides = array<i32>} : memref<5632xi32, #tpu.memory_space<vmem>>, vector<16xi32>,
    %swap3A_1372 = vector.shape_cast %swap3A_1371 : vector<16xi32> to vector<16xi32>
    %swap3A_1373 = vector.shape_cast %add3A_1369 : vector<16xi32> to vector<16xi32>
    tpu.vector_store %arg6[%swap3A_1370], %swap3A_1373 {strides = array<i32>} : memref<5632xi32, #tpu.memory_space<vmem>>, vector<16xi32>,
    %get3A_1374 = arith.constant 112 : index
    %get3A_1375 = tpu.vector_load %arg5[%get3A_1374] {strides = array<i32>} : memref<512xi32, #tpu.memory_space<vmem>>, vector<16xi32>,
    %get3A_1376 = vector.shape_cast %get3A_1375 : vector<16xi32> to vector<16xi32>
    %add3A_1377 = arith.constant 400000 : i32
    %add3A_1378 = vector.broadcast %add3A_1377 : i32 to vector<16xi32>
    %add3A_1379 = arith.addi %get3A_1376, %add3A_1378 : vector<16xi32>
    %swap3A_1380 = arith.constant 2160 : index
    %swap3A_1381 = tpu.vector_load %arg6[%swap3A_1380] {strides = array<i32>} : memref<5632xi32, #tpu.memory_space<vmem>>, vector<16xi32>,
    %swap3A_1382 = vector.shape_cast %swap3A_1381 : vector<16xi32> to vector<16xi32>
    %swap3A_1383 = vector.shape_cast %add3A_1379 : vector<16xi32> to vector<16xi32>
    tpu.vector_store %arg6[%swap3A_1380], %swap3A_1383 {strides = array<i32>} : memref<5632xi32, #tpu.memory_space<vmem>>, vector<16xi32>,
    %get3A_1384 = arith.constant 128 : index
    %get3A_1385 = tpu.vector_load %arg5[%get3A_1384] {strides = array<i32>} : memref<512xi32, #tpu.memory_space<vmem>>, vector<16xi32>,
    %get3A_1386 = vector.shape_cast %get3A_1385 : vector<16xi32> to vector<16xi32>
    %add3A_1387 = arith.constant 400000 : i32
    %add3A_1388 = vector.broadcast %add3A_1387 : i32 to vector<16xi32>
    %add3A_1389 = arith.addi %get3A_1386, %add3A_1388 : vector<16xi32>
    %swap3A_1390 = arith.constant 2176 : index
    %swap3A_1391 = tpu.vector_load %arg6[%swap3A_1390] {strides = array<i32>} : memref<5632xi32, #tpu.memory_space<vmem>>, vector<16xi32>,
    %swap3A_1392 = vector.shape_cast %swap3A_1391 : vector<16xi32> to vector<16xi32>
    %swap3A_1393 = vector.shape_cast %add3A_1389 : vector<16xi32> to vector<16xi32>
    tpu.vector_store %arg6[%swap3A_1390], %swap3A_1393 {strides = array<i32>} : memref<5632xi32, #tpu.memory_space<vmem>>, vector<16xi32>,
    %get3A_1394 = arith.constant 144 : index
    %get3A_1395 = tpu.vector_load %arg5[%get3A_1394] {strides = array<i32>} : memref<512xi32, #tpu.memory_space<vmem>>, vector<16xi32>,
    %get3A_1396 = vector.shape_cast %get3A_1395 : vector<16xi32> to vector<16xi32>
    %add3A_1397 = arith.constant 400000 : i32
    %add3A_1398 = vector.broadcast %add3A_1397 : i32 to vector<16xi32>
    %add3A_1399 = arith.addi %get3A_1396, %add3A_1398 : vector<16xi32>
    %swap3A_1400 = arith.constant 2192 : index
    %swap3A_1401 = tpu.vector_load %arg6[%swap3A_1400] {strides = array<i32>} : memref<5632xi32, #tpu.memory_space<vmem>>, vector<16xi32>,
    %swap3A_1402 = vector.shape_cast %swap3A_1401 : vector<16xi32> to vector<16xi32>
    %swap3A_1403 = vector.shape_cast %add3A_1399 : vector<16xi32> to vector<16xi32>
    tpu.vector_store %arg6[%swap3A_1400], %swap3A_1403 {strides = array<i32>} : memref<5632xi32, #tpu.memory_space<vmem>>, vector<16xi32>,
    %get3A_1404 = arith.constant 160 : index
    %get3A_1405 = tpu.vector_load %arg5[%get3A_1404] {strides = array<i32>} : memref<512xi32, #tpu.memory_space<vmem>>, vector<16xi32>,
    %get3A_1406 = vector.shape_cast %get3A_1405 : vector<16xi32> to vector<16xi32>
    %add3A_1407 = arith.constant 400000 : i32
    %add3A_1408 = vector.broadcast %add3A_1407 : i32 to vector<16xi32>
    %add3A_1409 = arith.addi %get3A_1406, %add3A_1408 : vector<16xi32>
    %swap3A_1410 = arith.constant 2208 : index
    %swap3A_1411 = tpu.vector_load %arg6[%swap3A_1410] {strides = array<i32>} : memref<5632xi32, #tpu.memory_space<vmem>>, vector<16xi32>,
    %swap3A_1412 = vector.shape_cast %swap3A_1411 : vector<16xi32> to vector<16xi32>
    %swap3A_1413 = vector.shape_cast %add3A_1409 : vector<16xi32> to vector<16xi32>
    tpu.vector_store %arg6[%swap3A_1410], %swap3A_1413 {strides = array<i32>} : memref<5632xi32, #tpu.memory_space<vmem>>, vector<16xi32>,
    %get3A_1414 = arith.constant 176 : index
    %get3A_1415 = tpu.vector_load %arg5[%get3A_1414] {strides = array<i32>} : memref<512xi32, #tpu.memory_space<vmem>>, vector<16xi32>,
    %get3A_1416 = vector.shape_cast %get3A_1415 : vector<16xi32> to vector<16xi32>
    %add3A_1417 = arith.constant 400000 : i32
    %add3A_1418 = vector.broadcast %add3A_1417 : i32 to vector<16xi32>
    %add3A_1419 = arith.addi %get3A_1416, %add3A_1418 : vector<16xi32>
    %swap3A_1420 = arith.constant 2224 : index
    %swap3A_1421 = tpu.vector_load %arg6[%swap3A_1420] {strides = array<i32>} : memref<5632xi32, #tpu.memory_space<vmem>>, vector<16xi32>,
    %swap3A_1422 = vector.shape_cast %swap3A_1421 : vector<16xi32> to vector<16xi32>
    %swap3A_1423 = vector.shape_cast %add3A_1419 : vector<16xi32> to vector<16xi32>
    tpu.vector_store %arg6[%swap3A_1420], %swap3A_1423 {strides = array<i32>} : memref<5632xi32, #tpu.memory_space<vmem>>, vector<16xi32>,
    %get3A_1424 = arith.constant 192 : index
    %get3A_1425 = tpu.vector_load %arg5[%get3A_1424] {strides = array<i32>} : memref<512xi32, #tpu.memory_space<vmem>>, vector<16xi32>,
    %get3A_1426 = vector.shape_cast %get3A_1425 : vector<16xi32> to vector<16xi32>
    %add3A_1427 = arith.constant 400000 : i32
    %add3A_1428 = vector.broadcast %add3A_1427 : i32 to vector<16xi32>
    %add3A_1429 = arith.addi %get3A_1426, %add3A_1428 : vector<16xi32>
    %swap3A_1430 = arith.constant 2240 : index
    %swap3A_1431 = tpu.vector_load %arg6[%swap3A_1430] {strides = array<i32>} : memref<5632xi32, #tpu.memory_space<vmem>>, vector<16xi32>,
    %swap3A_1432 = vector.shape_cast %swap3A_1431 : vector<16xi32> to vector<16xi32>
    %swap3A_1433 = vector.shape_cast %add3A_1429 : vector<16xi32> to vector<16xi32>
    tpu.vector_store %arg6[%swap3A_1430], %swap3A_1433 {strides = array<i32>} : memref<5632xi32, #tpu.memory_space<vmem>>, vector<16xi32>,
    %get3A_1434 = arith.constant 208 : index
    %get3A_1435 = tpu.vector_load %arg5[%get3A_1434] {strides = array<i32>} : memref<512xi32, #tpu.memory_space<vmem>>, vector<16xi32>,
    %get3A_1436 = vector.shape_cast %get3A_1435 : vector<16xi32> to vector<16xi32>
    %add3A_1437 = arith.constant 400000 : i32
    %add3A_1438 = vector.broadcast %add3A_1437 : i32 to vector<16xi32>
    %add3A_1439 = arith.addi %get3A_1436, %add3A_1438 : vector<16xi32>
    %swap3A_1440 = arith.constant 2256 : index
    %swap3A_1441 = tpu.vector_load %arg6[%swap3A_1440] {strides = array<i32>} : memref<5632xi32, #tpu.memory_space<vmem>>, vector<16xi32>,
    %swap3A_1442 = vector.shape_cast %swap3A_1441 : vector<16xi32> to vector<16xi32>
    %swap3A_1443 = vector.shape_cast %add3A_1439 : vector<16xi32> to vector<16xi32>
    tpu.vector_store %arg6[%swap3A_1440], %swap3A_1443 {strides = array<i32>} : memref<5632xi32, #tpu.memory_space<vmem>>, vector<16xi32>,
    %get3A_1444 = arith.constant 224 : index
    %get3A_1445 = tpu.vector_load %arg5[%get3A_1444] {strides = array<i32>} : memref<512xi32, #tpu.memory_space<vmem>>, vector<16xi32>,
    %get3A_1446 = vector.shape_cast %get3A_1445 : vector<16xi32> to vector<16xi32>
    %add3A_1447 = arith.constant 400000 : i32
    %add3A_1448 = vector.broadcast %add3A_1447 : i32 to vector<16xi32>
    %add3A_1449 = arith.addi %get3A_1446, %add3A_1448 : vector<16xi32>
    %swap3A_1450 = arith.constant 2272 : index
    %swap3A_1451 = tpu.vector_load %arg6[%swap3A_1450] {strides = array<i32>} : memref<5632xi32, #tpu.memory_space<vmem>>, vector<16xi32>,
    %swap3A_1452 = vector.shape_cast %swap3A_1451 : vector<16xi32> to vector<16xi32>
    %swap3A_1453 = vector.shape_cast %add3A_1449 : vector<16xi32> to vector<16xi32>
    tpu.vector_store %arg6[%swap3A_1450], %swap3A_1453 {strides = array<i32>} : memref<5632xi32, #tpu.memory_space<vmem>>, vector<16xi32>,
    %get3A_1454 = arith.constant 240 : index
    %get3A_1455 = tpu.vector_load %arg5[%get3A_1454] {strides = array<i32>} : memref<512xi32, #tpu.memory_space<vmem>>, vector<16xi32>,
    %get3A_1456 = vector.shape_cast %get3A_1455 : vector<16xi32> to vector<16xi32>
    %add3A_1457 = arith.constant 400000 : i32
    %add3A_1458 = vector.broadcast %add3A_1457 : i32 to vector<16xi32>
    %add3A_1459 = arith.addi %get3A_1456, %add3A_1458 : vector<16xi32>
    %swap3A_1460 = arith.constant 2288 : index
    %swap3A_1461 = tpu.vector_load %arg6[%swap3A_1460] {strides = array<i32>} : memref<5632xi32, #tpu.memory_space<vmem>>, vector<16xi32>,
    %swap3A_1462 = vector.shape_cast %swap3A_1461 : vector<16xi32> to vector<16xi32>
    %swap3A_1463 = vector.shape_cast %add3A_1459 : vector<16xi32> to vector<16xi32>
    tpu.vector_store %arg6[%swap3A_1460], %swap3A_1463 {strides = array<i32>} : memref<5632xi32, #tpu.memory_space<vmem>>, vector<16xi32>,
    %get3A_1464 = arith.constant 256 : index
    %get3A_1465 = tpu.vector_load %arg5[%get3A_1464] {strides = array<i32>} : memref<512xi32, #tpu.memory_space<vmem>>, vector<16xi32>,
    %get3A_1466 = vector.shape_cast %get3A_1465 : vector<16xi32> to vector<16xi32>
    %add3A_1467 = arith.constant 400000 : i32
    %add3A_1468 = vector.broadcast %add3A_1467 : i32 to vector<16xi32>
    %add3A_1469 = arith.addi %get3A_1466, %add3A_1468 : vector<16xi32>
    %swap3A_1470 = arith.constant 2304 : index
    %swap3A_1471 = tpu.vector_load %arg6[%swap3A_1470] {strides = array<i32>} : memref<5632xi32, #tpu.memory_space<vmem>>, vector<16xi32>,
    %swap3A_1472 = vector.shape_cast %swap3A_1471 : vector<16xi32> to vector<16xi32>
    %swap3A_1473 = vector.shape_cast %add3A_1469 : vector<16xi32> to vector<16xi32>
    tpu.vector_store %arg6[%swap3A_1470], %swap3A_1473 {strides = array<i32>} : memref<5632xi32, #tpu.memory_space<vmem>>, vector<16xi32>,
    %get3A_1474 = arith.constant 272 : index
    %get3A_1475 = tpu.vector_load %arg5[%get3A_1474] {strides = array<i32>} : memref<512xi32, #tpu.memory_space<vmem>>, vector<16xi32>,
    %get3A_1476 = vector.shape_cast %get3A_1475 : vector<16xi32> to vector<16xi32>
    %add3A_1477 = arith.constant 400000 : i32
    %add3A_1478 = vector.broadcast %add3A_1477 : i32 to vector<16xi32>
    %add3A_1479 = arith.addi %get3A_1476, %add3A_1478 : vector<16xi32>
    %swap3A_1480 = arith.constant 2320 : index
    %swap3A_1481 = tpu.vector_load %arg6[%swap3A_1480] {strides = array<i32>} : memref<5632xi32, #tpu.memory_space<vmem>>, vector<16xi32>,
    %swap3A_1482 = vector.shape_cast %swap3A_1481 : vector<16xi32> to vector<16xi32>
    %swap3A_1483 = vector.shape_cast %add3A_1479 : vector<16xi32> to vector<16xi32>
    tpu.vector_store %arg6[%swap3A_1480], %swap3A_1483 {strides = array<i32>} : memref<5632xi32, #tpu.memory_space<vmem>>, vector<16xi32>,
    %get3A_1484 = arith.constant 288 : index
    %get3A_1485 = tpu.vector_load %arg5[%get3A_1484] {strides = array<i32>} : memref<512xi32, #tpu.memory_space<vmem>>, vector<16xi32>,
    %get3A_1486 = vector.shape_cast %get3A_1485 : vector<16xi32> to vector<16xi32>
    %add3A_1487 = arith.constant 400000 : i32
    %add3A_1488 = vector.broadcast %add3A_1487 : i32 to vector<16xi32>
    %add3A_1489 = arith.addi %get3A_1486, %add3A_1488 : vector<16xi32>
    %swap3A_1490 = arith.constant 2336 : index
    %swap3A_1491 = tpu.vector_load %arg6[%swap3A_1490] {strides = array<i32>} : memref<5632xi32, #tpu.memory_space<vmem>>, vector<16xi32>,
    %swap3A_1492 = vector.shape_cast %swap3A_1491 : vector<16xi32> to vector<16xi32>
    %swap3A_1493 = vector.shape_cast %add3A_1489 : vector<16xi32> to vector<16xi32>
    tpu.vector_store %arg6[%swap3A_1490], %swap3A_1493 {strides = array<i32>} : memref<5632xi32, #tpu.memory_space<vmem>>, vector<16xi32>,
    %get3A_1494 = arith.constant 304 : index
    %get3A_1495 = tpu.vector_load %arg5[%get3A_1494] {strides = array<i32>} : memref<512xi32, #tpu.memory_space<vmem>>, vector<16xi32>,
    %get3A_1496 = vector.shape_cast %get3A_1495 : vector<16xi32> to vector<16xi32>
    %add3A_1497 = arith.constant 400000 : i32
    %add3A_1498 = vector.broadcast %add3A_1497 : i32 to vector<16xi32>
    %add3A_1499 = arith.addi %get3A_1496, %add3A_1498 : vector<16xi32>
    %swap3A_1500 = arith.constant 2352 : index
    %swap3A_1501 = tpu.vector_load %arg6[%swap3A_1500] {strides = array<i32>} : memref<5632xi32, #tpu.memory_space<vmem>>, vector<16xi32>,
    %swap3A_1502 = vector.shape_cast %swap3A_1501 : vector<16xi32> to vector<16xi32>
    %swap3A_1503 = vector.shape_cast %add3A_1499 : vector<16xi32> to vector<16xi32>
    tpu.vector_store %arg6[%swap3A_1500], %swap3A_1503 {strides = array<i32>} : memref<5632xi32, #tpu.memory_space<vmem>>, vector<16xi32>,
    %get3A_1504 = arith.constant 320 : index
    %get3A_1505 = tpu.vector_load %arg5[%get3A_1504] {strides = array<i32>} : memref<512xi32, #tpu.memory_space<vmem>>, vector<16xi32>,
    %get3A_1506 = vector.shape_cast %get3A_1505 : vector<16xi32> to vector<16xi32>
    %add3A_1507 = arith.constant 400000 : i32
    %add3A_1508 = vector.broadcast %add3A_1507 : i32 to vector<16xi32>
    %add3A_1509 = arith.addi %get3A_1506, %add3A_1508 : vector<16xi32>
    %swap3A_1510 = arith.constant 2368 : index
    %swap3A_1511 = tpu.vector_load %arg6[%swap3A_1510] {strides = array<i32>} : memref<5632xi32, #tpu.memory_space<vmem>>, vector<16xi32>,
    %swap3A_1512 = vector.shape_cast %swap3A_1511 : vector<16xi32> to vector<16xi32>
    %swap3A_1513 = vector.shape_cast %add3A_1509 : vector<16xi32> to vector<16xi32>
    tpu.vector_store %arg6[%swap3A_1510], %swap3A_1513 {strides = array<i32>} : memref<5632xi32, #tpu.memory_space<vmem>>, vector<16xi32>,
    %get3A_1514 = arith.constant 336 : index
    %get3A_1515 = tpu.vector_load %arg5[%get3A_1514] {strides = array<i32>} : memref<512xi32, #tpu.memory_space<vmem>>, vector<16xi32>,
    %get3A_1516 = vector.shape_cast %get3A_1515 : vector<16xi32> to vector<16xi32>
    %add3A_1517 = arith.constant 400000 : i32
    %add3A_1518 = vector.broadcast %add3A_1517 : i32 to vector<16xi32>
    %add3A_1519 = arith.addi %get3A_1516, %add3A_1518 : vector<16xi32>
    %swap3A_1520 = arith.constant 2384 : index
    %swap3A_1521 = tpu.vector_load %arg6[%swap3A_1520] {strides = array<i32>} : memref<5632xi32, #tpu.memory_space<vmem>>, vector<16xi32>,
    %swap3A_1522 = vector.shape_cast %swap3A_1521 : vector<16xi32> to vector<16xi32>
    %swap3A_1523 = vector.shape_cast %add3A_1519 : vector<16xi32> to vector<16xi32>
    tpu.vector_store %arg6[%swap3A_1520], %swap3A_1523 {strides = array<i32>} : memref<5632xi32, #tpu.memory_space<vmem>>, vector<16xi32>,
    %get3A_1524 = arith.constant 352 : index
    %get3A_1525 = tpu.vector_load %arg5[%get3A_1524] {strides = array<i32>} : memref<512xi32, #tpu.memory_space<vmem>>, vector<16xi32>,
    %get3A_1526 = vector.shape_cast %get3A_1525 : vector<16xi32> to vector<16xi32>
    %add3A_1527 = arith.constant 400000 : i32
    %add3A_1528 = vector.broadcast %add3A_1527 : i32 to vector<16xi32>
    %add3A_1529 = arith.addi %get3A_1526, %add3A_1528 : vector<16xi32>
    %swap3A_1530 = arith.constant 2400 : index
    %swap3A_1531 = tpu.vector_load %arg6[%swap3A_1530] {strides = array<i32>} : memref<5632xi32, #tpu.memory_space<vmem>>, vector<16xi32>,
    %swap3A_1532 = vector.shape_cast %swap3A_1531 : vector<16xi32> to vector<16xi32>
    %swap3A_1533 = vector.shape_cast %add3A_1529 : vector<16xi32> to vector<16xi32>
    tpu.vector_store %arg6[%swap3A_1530], %swap3A_1533 {strides = array<i32>} : memref<5632xi32, #tpu.memory_space<vmem>>, vector<16xi32>,
    %get3A_1534 = arith.constant 368 : index
    %get3A_1535 = tpu.vector_load %arg5[%get3A_1534] {strides = array<i32>} : memref<512xi32, #tpu.memory_space<vmem>>, vector<16xi32>,
    %get3A_1536 = vector.shape_cast %get3A_1535 : vector<16xi32> to vector<16xi32>
    %add3A_1537 = arith.constant 400000 : i32
    %add3A_1538 = vector.broadcast %add3A_1537 : i32 to vector<16xi32>
    %add3A_1539 = arith.addi %get3A_1536, %add3A_1538 : vector<16xi32>
    %swap3A_1540 = arith.constant 2416 : index
    %swap3A_1541 = tpu.vector_load %arg6[%swap3A_1540] {strides = array<i32>} : memref<5632xi32, #tpu.memory_space<vmem>>, vector<16xi32>,
    %swap3A_1542 = vector.shape_cast %swap3A_1541 : vector<16xi32> to vector<16xi32>
    %swap3A_1543 = vector.shape_cast %add3A_1539 : vector<16xi32> to vector<16xi32>
    tpu.vector_store %arg6[%swap3A_1540], %swap3A_1543 {strides = array<i32>} : memref<5632xi32, #tpu.memory_space<vmem>>, vector<16xi32>,
    %get3A_1544 = arith.constant 384 : index
    %get3A_1545 = tpu.vector_load %arg5[%get3A_1544] {strides = array<i32>} : memref<512xi32, #tpu.memory_space<vmem>>, vector<16xi32>,
    %get3A_1546 = vector.shape_cast %get3A_1545 : vector<16xi32> to vector<16xi32>
    %add3A_1547 = arith.constant 400000 : i32
    %add3A_1548 = vector.broadcast %add3A_1547 : i32 to vector<16xi32>
    %add3A_1549 = arith.addi %get3A_1546, %add3A_1548 : vector<16xi32>
    %swap3A_1550 = arith.constant 2432 : index
    %swap3A_1551 = tpu.vector_load %arg6[%swap3A_1550] {strides = array<i32>} : memref<5632xi32, #tpu.memory_space<vmem>>, vector<16xi32>,
    %swap3A_1552 = vector.shape_cast %swap3A_1551 : vector<16xi32> to vector<16xi32>
    %swap3A_1553 = vector.shape_cast %add3A_1549 : vector<16xi32> to vector<16xi32>
    tpu.vector_store %arg6[%swap3A_1550], %swap3A_1553 {strides = array<i32>} : memref<5632xi32, #tpu.memory_space<vmem>>, vector<16xi32>,
    %get3A_1554 = arith.constant 400 : index
    %get3A_1555 = tpu.vector_load %arg5[%get3A_1554] {strides = array<i32>} : memref<512xi32, #tpu.memory_space<vmem>>, vector<16xi32>,
    %get3A_1556 = vector.shape_cast %get3A_1555 : vector<16xi32> to vector<16xi32>
    %add3A_1557 = arith.constant 400000 : i32
    %add3A_1558 = vector.broadcast %add3A_1557 : i32 to vector<16xi32>
    %add3A_1559 = arith.addi %get3A_1556, %add3A_1558 : vector<16xi32>
    %swap3A_1560 = arith.constant 2448 : index
    %swap3A_1561 = tpu.vector_load %arg6[%swap3A_1560] {strides = array<i32>} : memref<5632xi32, #tpu.memory_space<vmem>>, vector<16xi32>,
    %swap3A_1562 = vector.shape_cast %swap3A_1561 : vector<16xi32> to vector<16xi32>
    %swap3A_1563 = vector.shape_cast %add3A_1559 : vector<16xi32> to vector<16xi32>
    tpu.vector_store %arg6[%swap3A_1560], %swap3A_1563 {strides = array<i32>} : memref<5632xi32, #tpu.memory_space<vmem>>, vector<16xi32>,
    %get3A_1564 = arith.constant 416 : index
    %get3A_1565 = tpu.vector_load %arg5[%get3A_1564] {strides = array<i32>} : memref<512xi32, #tpu.memory_space<vmem>>, vector<16xi32>,
    %get3A_1566 = vector.shape_cast %get3A_1565 : vector<16xi32> to vector<16xi32>
    %add3A_1567 = arith.constant 400000 : i32
    %add3A_1568 = vector.broadcast %add3A_1567 : i32 to vector<16xi32>
    %add3A_1569 = arith.addi %get3A_1566, %add3A_1568 : vector<16xi32>
    %swap3A_1570 = arith.constant 2464 : index
    %swap3A_1571 = tpu.vector_load %arg6[%swap3A_1570] {strides = array<i32>} : memref<5632xi32, #tpu.memory_space<vmem>>, vector<16xi32>,
    %swap3A_1572 = vector.shape_cast %swap3A_1571 : vector<16xi32> to vector<16xi32>
    %swap3A_1573 = vector.shape_cast %add3A_1569 : vector<16xi32> to vector<16xi32>
    tpu.vector_store %arg6[%swap3A_1570], %swap3A_1573 {strides = array<i32>} : memref<5632xi32, #tpu.memory_space<vmem>>, vector<16xi32>,
    %get3A_1574 = arith.constant 432 : index
    %get3A_1575 = tpu.vector_load %arg5[%get3A_1574] {strides = array<i32>} : memref<512xi32, #tpu.memory_space<vmem>>, vector<16xi32>,
    %get3A_1576 = vector.shape_cast %get3A_1575 : vector<16xi32> to vector<16xi32>
    %add3A_1577 = arith.constant 400000 : i32
    %add3A_1578 = vector.broadcast %add3A_1577 : i32 to vector<16xi32>
    %add3A_1579 = arith.addi %get3A_1576, %add3A_1578 : vector<16xi32>
    %swap3A_1580 = arith.constant 2480 : index
    %swap3A_1581 = tpu.vector_load %arg6[%swap3A_1580] {strides = array<i32>} : memref<5632xi32, #tpu.memory_space<vmem>>, vector<16xi32>,
    %swap3A_1582 = vector.shape_cast %swap3A_1581 : vector<16xi32> to vector<16xi32>
    %swap3A_1583 = vector.shape_cast %add3A_1579 : vector<16xi32> to vector<16xi32>
    tpu.vector_store %arg6[%swap3A_1580], %swap3A_1583 {strides = array<i32>} : memref<5632xi32, #tpu.memory_space<vmem>>, vector<16xi32>,
    %get3A_1584 = arith.constant 448 : index
    %get3A_1585 = tpu.vector_load %arg5[%get3A_1584] {strides = array<i32>} : memref<512xi32, #tpu.memory_space<vmem>>, vector<16xi32>,
    %get3A_1586 = vector.shape_cast %get3A_1585 : vector<16xi32> to vector<16xi32>
    %add3A_1587 = arith.constant 400000 : i32
    %add3A_1588 = vector.broadcast %add3A_1587 : i32 to vector<16xi32>
    %add3A_1589 = arith.addi %get3A_1586, %add3A_1588 : vector<16xi32>
    %swap3A_1590 = arith.constant 2496 : index
    %swap3A_1591 = tpu.vector_load %arg6[%swap3A_1590] {strides = array<i32>} : memref<5632xi32, #tpu.memory_space<vmem>>, vector<16xi32>,
    %swap3A_1592 = vector.shape_cast %swap3A_1591 : vector<16xi32> to vector<16xi32>
    %swap3A_1593 = vector.shape_cast %add3A_1589 : vector<16xi32> to vector<16xi32>
    tpu.vector_store %arg6[%swap3A_1590], %swap3A_1593 {strides = array<i32>} : memref<5632xi32, #tpu.memory_space<vmem>>, vector<16xi32>,
    %get3A_1594 = arith.constant 464 : index
    %get3A_1595 = tpu.vector_load %arg5[%get3A_1594] {strides = array<i32>} : memref<512xi32, #tpu.memory_space<vmem>>, vector<16xi32>,
    %get3A_1596 = vector.shape_cast %get3A_1595 : vector<16xi32> to vector<16xi32>
    %add3A_1597 = arith.constant 400000 : i32
    %add3A_1598 = vector.broadcast %add3A_1597 : i32 to vector<16xi32>
    %add3A_1599 = arith.addi %get3A_1596, %add3A_1598 : vector<16xi32>
    %swap3A_1600 = arith.constant 2512 : index
    %swap3A_1601 = tpu.vector_load %arg6[%swap3A_1600] {strides = array<i32>} : memref<5632xi32, #tpu.memory_space<vmem>>, vector<16xi32>,
    %swap3A_1602 = vector.shape_cast %swap3A_1601 : vector<16xi32> to vector<16xi32>
    %swap3A_1603 = vector.shape_cast %add3A_1599 : vector<16xi32> to vector<16xi32>
    tpu.vector_store %arg6[%swap3A_1600], %swap3A_1603 {strides = array<i32>} : memref<5632xi32, #tpu.memory_space<vmem>>, vector<16xi32>,
    %get3A_1604 = arith.constant 480 : index
    %get3A_1605 = tpu.vector_load %arg5[%get3A_1604] {strides = array<i32>} : memref<512xi32, #tpu.memory_space<vmem>>, vector<16xi32>,
    %get3A_1606 = vector.shape_cast %get3A_1605 : vector<16xi32> to vector<16xi32>
    %add3A_1607 = arith.constant 400000 : i32
    %add3A_1608 = vector.broadcast %add3A_1607 : i32 to vector<16xi32>
    %add3A_1609 = arith.addi %get3A_1606, %add3A_1608 : vector<16xi32>
    %swap3A_1610 = arith.constant 2528 : index
    %swap3A_1611 = tpu.vector_load %arg6[%swap3A_1610] {strides = array<i32>} : memref<5632xi32, #tpu.memory_space<vmem>>, vector<16xi32>,
    %swap3A_1612 = vector.shape_cast %swap3A_1611 : vector<16xi32> to vector<16xi32>
    %swap3A_1613 = vector.shape_cast %add3A_1609 : vector<16xi32> to vector<16xi32>
    tpu.vector_store %arg6[%swap3A_1610], %swap3A_1613 {strides = array<i32>} : memref<5632xi32, #tpu.memory_space<vmem>>, vector<16xi32>,
    %get3A_1614 = arith.constant 496 : index
    %get3A_1615 = tpu.vector_load %arg5[%get3A_1614] {strides = array<i32>} : memref<512xi32, #tpu.memory_space<vmem>>, vector<16xi32>,
    %get3A_1616 = vector.shape_cast %get3A_1615 : vector<16xi32> to vector<16xi32>
    %add3A_1617 = arith.constant 400000 : i32
    %add3A_1618 = vector.broadcast %add3A_1617 : i32 to vector<16xi32>
    %add3A_1619 = arith.addi %get3A_1616, %add3A_1618 : vector<16xi32>
    %swap3A_1620 = arith.constant 2544 : index
    %swap3A_1621 = tpu.vector_load %arg6[%swap3A_1620] {strides = array<i32>} : memref<5632xi32, #tpu.memory_space<vmem>>, vector<16xi32>,
    %swap3A_1622 = vector.shape_cast %swap3A_1621 : vector<16xi32> to vector<16xi32>
    %swap3A_1623 = vector.shape_cast %add3A_1619 : vector<16xi32> to vector<16xi32>
    tpu.vector_store %arg6[%swap3A_1620], %swap3A_1623 {strides = array<i32>} : memref<5632xi32, #tpu.memory_space<vmem>>, vector<16xi32>,
    %dma_start3A_1624 = arith.constant 2048 : i32
    %dma_start3A_1625 = tpu.memref_slice %arg7[%dma_start3A_1624] : memref<5632xf32, #tpu.memory_space<vmem>> -> memref<512xf32, #tpu.memory_space<vmem>>
    %dma_start3A_1626 = arith.constant 2048 : i32
    %dma_start3A_1627 = tpu.memref_slice %arg6[%dma_start3A_1626] : memref<5632xi32, #tpu.memory_space<vmem>> -> memref<512xi32, #tpu.memory_space<vmem>>
    %dma_start3A_1628 = arith.constant 0 : i32
    %dma_start3A_1629 = tpu.memref_slice %arg3[%dma_start3A_1628] : memref<1100000xf32, #tpu.memory_space<hbm>> -> memref<1100000xf32, #tpu.memory_space<hbm>>
    tpu.enqueue_indirect_dma source(%dma_start3A_1629 : memref<1100000xf32, #tpu.memory_space<hbm>>) target(%dma_start3A_1625 : memref<512xf32, #tpu.memory_space<vmem>>) offsets(%dma_start3A_1627 : memref<512xi32, #tpu.memory_space<vmem>>) semaphore(%arg8 : memref<!tpu.dma_semaphore, #tpu.memory_space<semaphore_mem>>)
    %get3A_1630 = arith.constant 0 : index
    %get3A_1631 = tpu.vector_load %arg5[%get3A_1630] {strides = array<i32>} : memref<512xi32, #tpu.memory_space<vmem>>, vector<16xi32>,
    %get3A_1632 = vector.shape_cast %get3A_1631 : vector<16xi32> to vector<16xi32>
    %add3A_1633 = arith.constant 500000 : i32
    %add3A_1634 = vector.broadcast %add3A_1633 : i32 to vector<16xi32>
    %add3A_1635 = arith.addi %get3A_1632, %add3A_1634 : vector<16xi32>
    %swap3A_1636 = arith.constant 2560 : index
    %swap3A_1637 = tpu.vector_load %arg6[%swap3A_1636] {strides = array<i32>} : memref<5632xi32, #tpu.memory_space<vmem>>, vector<16xi32>,
    %swap3A_1638 = vector.shape_cast %swap3A_1637 : vector<16xi32> to vector<16xi32>
    %swap3A_1639 = vector.shape_cast %add3A_1635 : vector<16xi32> to vector<16xi32>
    tpu.vector_store %arg6[%swap3A_1636], %swap3A_1639 {strides = array<i32>} : memref<5632xi32, #tpu.memory_space<vmem>>, vector<16xi32>,
    %get3A_1640 = arith.constant 16 : index
    %get3A_1641 = tpu.vector_load %arg5[%get3A_1640] {strides = array<i32>} : memref<512xi32, #tpu.memory_space<vmem>>, vector<16xi32>,
    %get3A_1642 = vector.shape_cast %get3A_1641 : vector<16xi32> to vector<16xi32>
    %add3A_1643 = arith.constant 500000 : i32
    %add3A_1644 = vector.broadcast %add3A_1643 : i32 to vector<16xi32>
    %add3A_1645 = arith.addi %get3A_1642, %add3A_1644 : vector<16xi32>
    %swap3A_1646 = arith.constant 2576 : index
    %swap3A_1647 = tpu.vector_load %arg6[%swap3A_1646] {strides = array<i32>} : memref<5632xi32, #tpu.memory_space<vmem>>, vector<16xi32>,
    %swap3A_1648 = vector.shape_cast %swap3A_1647 : vector<16xi32> to vector<16xi32>
    %swap3A_1649 = vector.shape_cast %add3A_1645 : vector<16xi32> to vector<16xi32>
    tpu.vector_store %arg6[%swap3A_1646], %swap3A_1649 {strides = array<i32>} : memref<5632xi32, #tpu.memory_space<vmem>>, vector<16xi32>,
    %get3A_1650 = arith.constant 32 : index
    %get3A_1651 = tpu.vector_load %arg5[%get3A_1650] {strides = array<i32>} : memref<512xi32, #tpu.memory_space<vmem>>, vector<16xi32>,
    %get3A_1652 = vector.shape_cast %get3A_1651 : vector<16xi32> to vector<16xi32>
    %add3A_1653 = arith.constant 500000 : i32
    %add3A_1654 = vector.broadcast %add3A_1653 : i32 to vector<16xi32>
    %add3A_1655 = arith.addi %get3A_1652, %add3A_1654 : vector<16xi32>
    %swap3A_1656 = arith.constant 2592 : index
    %swap3A_1657 = tpu.vector_load %arg6[%swap3A_1656] {strides = array<i32>} : memref<5632xi32, #tpu.memory_space<vmem>>, vector<16xi32>,
    %swap3A_1658 = vector.shape_cast %swap3A_1657 : vector<16xi32> to vector<16xi32>
    %swap3A_1659 = vector.shape_cast %add3A_1655 : vector<16xi32> to vector<16xi32>
    tpu.vector_store %arg6[%swap3A_1656], %swap3A_1659 {strides = array<i32>} : memref<5632xi32, #tpu.memory_space<vmem>>, vector<16xi32>,
    %get3A_1660 = arith.constant 48 : index
    %get3A_1661 = tpu.vector_load %arg5[%get3A_1660] {strides = array<i32>} : memref<512xi32, #tpu.memory_space<vmem>>, vector<16xi32>,
    %get3A_1662 = vector.shape_cast %get3A_1661 : vector<16xi32> to vector<16xi32>
    %add3A_1663 = arith.constant 500000 : i32
    %add3A_1664 = vector.broadcast %add3A_1663 : i32 to vector<16xi32>
    %add3A_1665 = arith.addi %get3A_1662, %add3A_1664 : vector<16xi32>
    %swap3A_1666 = arith.constant 2608 : index
    %swap3A_1667 = tpu.vector_load %arg6[%swap3A_1666] {strides = array<i32>} : memref<5632xi32, #tpu.memory_space<vmem>>, vector<16xi32>,
    %swap3A_1668 = vector.shape_cast %swap3A_1667 : vector<16xi32> to vector<16xi32>
    %swap3A_1669 = vector.shape_cast %add3A_1665 : vector<16xi32> to vector<16xi32>
    tpu.vector_store %arg6[%swap3A_1666], %swap3A_1669 {strides = array<i32>} : memref<5632xi32, #tpu.memory_space<vmem>>, vector<16xi32>,
    %get3A_1670 = arith.constant 64 : index
    %get3A_1671 = tpu.vector_load %arg5[%get3A_1670] {strides = array<i32>} : memref<512xi32, #tpu.memory_space<vmem>>, vector<16xi32>,
    %get3A_1672 = vector.shape_cast %get3A_1671 : vector<16xi32> to vector<16xi32>
    %add3A_1673 = arith.constant 500000 : i32
    %add3A_1674 = vector.broadcast %add3A_1673 : i32 to vector<16xi32>
    %add3A_1675 = arith.addi %get3A_1672, %add3A_1674 : vector<16xi32>
    %swap3A_1676 = arith.constant 2624 : index
    %swap3A_1677 = tpu.vector_load %arg6[%swap3A_1676] {strides = array<i32>} : memref<5632xi32, #tpu.memory_space<vmem>>, vector<16xi32>,
    %swap3A_1678 = vector.shape_cast %swap3A_1677 : vector<16xi32> to vector<16xi32>
    %swap3A_1679 = vector.shape_cast %add3A_1675 : vector<16xi32> to vector<16xi32>
    tpu.vector_store %arg6[%swap3A_1676], %swap3A_1679 {strides = array<i32>} : memref<5632xi32, #tpu.memory_space<vmem>>, vector<16xi32>,
    %get3A_1680 = arith.constant 80 : index
    %get3A_1681 = tpu.vector_load %arg5[%get3A_1680] {strides = array<i32>} : memref<512xi32, #tpu.memory_space<vmem>>, vector<16xi32>,
    %get3A_1682 = vector.shape_cast %get3A_1681 : vector<16xi32> to vector<16xi32>
    %add3A_1683 = arith.constant 500000 : i32
    %add3A_1684 = vector.broadcast %add3A_1683 : i32 to vector<16xi32>
    %add3A_1685 = arith.addi %get3A_1682, %add3A_1684 : vector<16xi32>
    %swap3A_1686 = arith.constant 2640 : index
    %swap3A_1687 = tpu.vector_load %arg6[%swap3A_1686] {strides = array<i32>} : memref<5632xi32, #tpu.memory_space<vmem>>, vector<16xi32>,
    %swap3A_1688 = vector.shape_cast %swap3A_1687 : vector<16xi32> to vector<16xi32>
    %swap3A_1689 = vector.shape_cast %add3A_1685 : vector<16xi32> to vector<16xi32>
    tpu.vector_store %arg6[%swap3A_1686], %swap3A_1689 {strides = array<i32>} : memref<5632xi32, #tpu.memory_space<vmem>>, vector<16xi32>,
    %get3A_1690 = arith.constant 96 : index
    %get3A_1691 = tpu.vector_load %arg5[%get3A_1690] {strides = array<i32>} : memref<512xi32, #tpu.memory_space<vmem>>, vector<16xi32>,
    %get3A_1692 = vector.shape_cast %get3A_1691 : vector<16xi32> to vector<16xi32>
    %add3A_1693 = arith.constant 500000 : i32
    %add3A_1694 = vector.broadcast %add3A_1693 : i32 to vector<16xi32>
    %add3A_1695 = arith.addi %get3A_1692, %add3A_1694 : vector<16xi32>
    %swap3A_1696 = arith.constant 2656 : index
    %swap3A_1697 = tpu.vector_load %arg6[%swap3A_1696] {strides = array<i32>} : memref<5632xi32, #tpu.memory_space<vmem>>, vector<16xi32>,
    %swap3A_1698 = vector.shape_cast %swap3A_1697 : vector<16xi32> to vector<16xi32>
    %swap3A_1699 = vector.shape_cast %add3A_1695 : vector<16xi32> to vector<16xi32>
    tpu.vector_store %arg6[%swap3A_1696], %swap3A_1699 {strides = array<i32>} : memref<5632xi32, #tpu.memory_space<vmem>>, vector<16xi32>,
    %get3A_1700 = arith.constant 112 : index
    %get3A_1701 = tpu.vector_load %arg5[%get3A_1700] {strides = array<i32>} : memref<512xi32, #tpu.memory_space<vmem>>, vector<16xi32>,
    %get3A_1702 = vector.shape_cast %get3A_1701 : vector<16xi32> to vector<16xi32>
    %add3A_1703 = arith.constant 500000 : i32
    %add3A_1704 = vector.broadcast %add3A_1703 : i32 to vector<16xi32>
    %add3A_1705 = arith.addi %get3A_1702, %add3A_1704 : vector<16xi32>
    %swap3A_1706 = arith.constant 2672 : index
    %swap3A_1707 = tpu.vector_load %arg6[%swap3A_1706] {strides = array<i32>} : memref<5632xi32, #tpu.memory_space<vmem>>, vector<16xi32>,
    %swap3A_1708 = vector.shape_cast %swap3A_1707 : vector<16xi32> to vector<16xi32>
    %swap3A_1709 = vector.shape_cast %add3A_1705 : vector<16xi32> to vector<16xi32>
    tpu.vector_store %arg6[%swap3A_1706], %swap3A_1709 {strides = array<i32>} : memref<5632xi32, #tpu.memory_space<vmem>>, vector<16xi32>,
    %get3A_1710 = arith.constant 128 : index
    %get3A_1711 = tpu.vector_load %arg5[%get3A_1710] {strides = array<i32>} : memref<512xi32, #tpu.memory_space<vmem>>, vector<16xi32>,
    %get3A_1712 = vector.shape_cast %get3A_1711 : vector<16xi32> to vector<16xi32>
    %add3A_1713 = arith.constant 500000 : i32
    %add3A_1714 = vector.broadcast %add3A_1713 : i32 to vector<16xi32>
    %add3A_1715 = arith.addi %get3A_1712, %add3A_1714 : vector<16xi32>
    %swap3A_1716 = arith.constant 2688 : index
    %swap3A_1717 = tpu.vector_load %arg6[%swap3A_1716] {strides = array<i32>} : memref<5632xi32, #tpu.memory_space<vmem>>, vector<16xi32>,
    %swap3A_1718 = vector.shape_cast %swap3A_1717 : vector<16xi32> to vector<16xi32>
    %swap3A_1719 = vector.shape_cast %add3A_1715 : vector<16xi32> to vector<16xi32>
    tpu.vector_store %arg6[%swap3A_1716], %swap3A_1719 {strides = array<i32>} : memref<5632xi32, #tpu.memory_space<vmem>>, vector<16xi32>,
    %get3A_1720 = arith.constant 144 : index
    %get3A_1721 = tpu.vector_load %arg5[%get3A_1720] {strides = array<i32>} : memref<512xi32, #tpu.memory_space<vmem>>, vector<16xi32>,
    %get3A_1722 = vector.shape_cast %get3A_1721 : vector<16xi32> to vector<16xi32>
    %add3A_1723 = arith.constant 500000 : i32
    %add3A_1724 = vector.broadcast %add3A_1723 : i32 to vector<16xi32>
    %add3A_1725 = arith.addi %get3A_1722, %add3A_1724 : vector<16xi32>
    %swap3A_1726 = arith.constant 2704 : index
    %swap3A_1727 = tpu.vector_load %arg6[%swap3A_1726] {strides = array<i32>} : memref<5632xi32, #tpu.memory_space<vmem>>, vector<16xi32>,
    %swap3A_1728 = vector.shape_cast %swap3A_1727 : vector<16xi32> to vector<16xi32>
    %swap3A_1729 = vector.shape_cast %add3A_1725 : vector<16xi32> to vector<16xi32>
    tpu.vector_store %arg6[%swap3A_1726], %swap3A_1729 {strides = array<i32>} : memref<5632xi32, #tpu.memory_space<vmem>>, vector<16xi32>,
    %get3A_1730 = arith.constant 160 : index
    %get3A_1731 = tpu.vector_load %arg5[%get3A_1730] {strides = array<i32>} : memref<512xi32, #tpu.memory_space<vmem>>, vector<16xi32>,
    %get3A_1732 = vector.shape_cast %get3A_1731 : vector<16xi32> to vector<16xi32>
    %add3A_1733 = arith.constant 500000 : i32
    %add3A_1734 = vector.broadcast %add3A_1733 : i32 to vector<16xi32>
    %add3A_1735 = arith.addi %get3A_1732, %add3A_1734 : vector<16xi32>
    %swap3A_1736 = arith.constant 2720 : index
    %swap3A_1737 = tpu.vector_load %arg6[%swap3A_1736] {strides = array<i32>} : memref<5632xi32, #tpu.memory_space<vmem>>, vector<16xi32>,
    %swap3A_1738 = vector.shape_cast %swap3A_1737 : vector<16xi32> to vector<16xi32>
    %swap3A_1739 = vector.shape_cast %add3A_1735 : vector<16xi32> to vector<16xi32>
    tpu.vector_store %arg6[%swap3A_1736], %swap3A_1739 {strides = array<i32>} : memref<5632xi32, #tpu.memory_space<vmem>>, vector<16xi32>,
    %get3A_1740 = arith.constant 176 : index
    %get3A_1741 = tpu.vector_load %arg5[%get3A_1740] {strides = array<i32>} : memref<512xi32, #tpu.memory_space<vmem>>, vector<16xi32>,
    %get3A_1742 = vector.shape_cast %get3A_1741 : vector<16xi32> to vector<16xi32>
    %add3A_1743 = arith.constant 500000 : i32
    %add3A_1744 = vector.broadcast %add3A_1743 : i32 to vector<16xi32>
    %add3A_1745 = arith.addi %get3A_1742, %add3A_1744 : vector<16xi32>
    %swap3A_1746 = arith.constant 2736 : index
    %swap3A_1747 = tpu.vector_load %arg6[%swap3A_1746] {strides = array<i32>} : memref<5632xi32, #tpu.memory_space<vmem>>, vector<16xi32>,
    %swap3A_1748 = vector.shape_cast %swap3A_1747 : vector<16xi32> to vector<16xi32>
    %swap3A_1749 = vector.shape_cast %add3A_1745 : vector<16xi32> to vector<16xi32>
    tpu.vector_store %arg6[%swap3A_1746], %swap3A_1749 {strides = array<i32>} : memref<5632xi32, #tpu.memory_space<vmem>>, vector<16xi32>,
    %get3A_1750 = arith.constant 192 : index
    %get3A_1751 = tpu.vector_load %arg5[%get3A_1750] {strides = array<i32>} : memref<512xi32, #tpu.memory_space<vmem>>, vector<16xi32>,
    %get3A_1752 = vector.shape_cast %get3A_1751 : vector<16xi32> to vector<16xi32>
    %add3A_1753 = arith.constant 500000 : i32
    %add3A_1754 = vector.broadcast %add3A_1753 : i32 to vector<16xi32>
    %add3A_1755 = arith.addi %get3A_1752, %add3A_1754 : vector<16xi32>
    %swap3A_1756 = arith.constant 2752 : index
    %swap3A_1757 = tpu.vector_load %arg6[%swap3A_1756] {strides = array<i32>} : memref<5632xi32, #tpu.memory_space<vmem>>, vector<16xi32>,
    %swap3A_1758 = vector.shape_cast %swap3A_1757 : vector<16xi32> to vector<16xi32>
    %swap3A_1759 = vector.shape_cast %add3A_1755 : vector<16xi32> to vector<16xi32>
    tpu.vector_store %arg6[%swap3A_1756], %swap3A_1759 {strides = array<i32>} : memref<5632xi32, #tpu.memory_space<vmem>>, vector<16xi32>,
    %get3A_1760 = arith.constant 208 : index
    %get3A_1761 = tpu.vector_load %arg5[%get3A_1760] {strides = array<i32>} : memref<512xi32, #tpu.memory_space<vmem>>, vector<16xi32>,
    %get3A_1762 = vector.shape_cast %get3A_1761 : vector<16xi32> to vector<16xi32>
    %add3A_1763 = arith.constant 500000 : i32
    %add3A_1764 = vector.broadcast %add3A_1763 : i32 to vector<16xi32>
    %add3A_1765 = arith.addi %get3A_1762, %add3A_1764 : vector<16xi32>
    %swap3A_1766 = arith.constant 2768 : index
    %swap3A_1767 = tpu.vector_load %arg6[%swap3A_1766] {strides = array<i32>} : memref<5632xi32, #tpu.memory_space<vmem>>, vector<16xi32>,
    %swap3A_1768 = vector.shape_cast %swap3A_1767 : vector<16xi32> to vector<16xi32>
    %swap3A_1769 = vector.shape_cast %add3A_1765 : vector<16xi32> to vector<16xi32>
    tpu.vector_store %arg6[%swap3A_1766], %swap3A_1769 {strides = array<i32>} : memref<5632xi32, #tpu.memory_space<vmem>>, vector<16xi32>,
    %get3A_1770 = arith.constant 224 : index
    %get3A_1771 = tpu.vector_load %arg5[%get3A_1770] {strides = array<i32>} : memref<512xi32, #tpu.memory_space<vmem>>, vector<16xi32>,
    %get3A_1772 = vector.shape_cast %get3A_1771 : vector<16xi32> to vector<16xi32>
    %add3A_1773 = arith.constant 500000 : i32
    %add3A_1774 = vector.broadcast %add3A_1773 : i32 to vector<16xi32>
    %add3A_1775 = arith.addi %get3A_1772, %add3A_1774 : vector<16xi32>
    %swap3A_1776 = arith.constant 2784 : index
    %swap3A_1777 = tpu.vector_load %arg6[%swap3A_1776] {strides = array<i32>} : memref<5632xi32, #tpu.memory_space<vmem>>, vector<16xi32>,
    %swap3A_1778 = vector.shape_cast %swap3A_1777 : vector<16xi32> to vector<16xi32>
    %swap3A_1779 = vector.shape_cast %add3A_1775 : vector<16xi32> to vector<16xi32>
    tpu.vector_store %arg6[%swap3A_1776], %swap3A_1779 {strides = array<i32>} : memref<5632xi32, #tpu.memory_space<vmem>>, vector<16xi32>,
    %get3A_1780 = arith.constant 240 : index
    %get3A_1781 = tpu.vector_load %arg5[%get3A_1780] {strides = array<i32>} : memref<512xi32, #tpu.memory_space<vmem>>, vector<16xi32>,
    %get3A_1782 = vector.shape_cast %get3A_1781 : vector<16xi32> to vector<16xi32>
    %add3A_1783 = arith.constant 500000 : i32
    %add3A_1784 = vector.broadcast %add3A_1783 : i32 to vector<16xi32>
    %add3A_1785 = arith.addi %get3A_1782, %add3A_1784 : vector<16xi32>
    %swap3A_1786 = arith.constant 2800 : index
    %swap3A_1787 = tpu.vector_load %arg6[%swap3A_1786] {strides = array<i32>} : memref<5632xi32, #tpu.memory_space<vmem>>, vector<16xi32>,
    %swap3A_1788 = vector.shape_cast %swap3A_1787 : vector<16xi32> to vector<16xi32>
    %swap3A_1789 = vector.shape_cast %add3A_1785 : vector<16xi32> to vector<16xi32>
    tpu.vector_store %arg6[%swap3A_1786], %swap3A_1789 {strides = array<i32>} : memref<5632xi32, #tpu.memory_space<vmem>>, vector<16xi32>,
    %get3A_1790 = arith.constant 256 : index
    %get3A_1791 = tpu.vector_load %arg5[%get3A_1790] {strides = array<i32>} : memref<512xi32, #tpu.memory_space<vmem>>, vector<16xi32>,
    %get3A_1792 = vector.shape_cast %get3A_1791 : vector<16xi32> to vector<16xi32>
    %add3A_1793 = arith.constant 500000 : i32
    %add3A_1794 = vector.broadcast %add3A_1793 : i32 to vector<16xi32>
    %add3A_1795 = arith.addi %get3A_1792, %add3A_1794 : vector<16xi32>
    %swap3A_1796 = arith.constant 2816 : index
    %swap3A_1797 = tpu.vector_load %arg6[%swap3A_1796] {strides = array<i32>} : memref<5632xi32, #tpu.memory_space<vmem>>, vector<16xi32>,
    %swap3A_1798 = vector.shape_cast %swap3A_1797 : vector<16xi32> to vector<16xi32>
    %swap3A_1799 = vector.shape_cast %add3A_1795 : vector<16xi32> to vector<16xi32>
    tpu.vector_store %arg6[%swap3A_1796], %swap3A_1799 {strides = array<i32>} : memref<5632xi32, #tpu.memory_space<vmem>>, vector<16xi32>,
    %get3A_1800 = arith.constant 272 : index
    %get3A_1801 = tpu.vector_load %arg5[%get3A_1800] {strides = array<i32>} : memref<512xi32, #tpu.memory_space<vmem>>, vector<16xi32>,
    %get3A_1802 = vector.shape_cast %get3A_1801 : vector<16xi32> to vector<16xi32>
    %add3A_1803 = arith.constant 500000 : i32
    %add3A_1804 = vector.broadcast %add3A_1803 : i32 to vector<16xi32>
    %add3A_1805 = arith.addi %get3A_1802, %add3A_1804 : vector<16xi32>
    %swap3A_1806 = arith.constant 2832 : index
    %swap3A_1807 = tpu.vector_load %arg6[%swap3A_1806] {strides = array<i32>} : memref<5632xi32, #tpu.memory_space<vmem>>, vector<16xi32>,
    %swap3A_1808 = vector.shape_cast %swap3A_1807 : vector<16xi32> to vector<16xi32>
    %swap3A_1809 = vector.shape_cast %add3A_1805 : vector<16xi32> to vector<16xi32>
    tpu.vector_store %arg6[%swap3A_1806], %swap3A_1809 {strides = array<i32>} : memref<5632xi32, #tpu.memory_space<vmem>>, vector<16xi32>,
    %get3A_1810 = arith.constant 288 : index
    %get3A_1811 = tpu.vector_load %arg5[%get3A_1810] {strides = array<i32>} : memref<512xi32, #tpu.memory_space<vmem>>, vector<16xi32>,
    %get3A_1812 = vector.shape_cast %get3A_1811 : vector<16xi32> to vector<16xi32>
    %add3A_1813 = arith.constant 500000 : i32
    %add3A_1814 = vector.broadcast %add3A_1813 : i32 to vector<16xi32>
    %add3A_1815 = arith.addi %get3A_1812, %add3A_1814 : vector<16xi32>
    %swap3A_1816 = arith.constant 2848 : index
    %swap3A_1817 = tpu.vector_load %arg6[%swap3A_1816] {strides = array<i32>} : memref<5632xi32, #tpu.memory_space<vmem>>, vector<16xi32>,
    %swap3A_1818 = vector.shape_cast %swap3A_1817 : vector<16xi32> to vector<16xi32>
    %swap3A_1819 = vector.shape_cast %add3A_1815 : vector<16xi32> to vector<16xi32>
    tpu.vector_store %arg6[%swap3A_1816], %swap3A_1819 {strides = array<i32>} : memref<5632xi32, #tpu.memory_space<vmem>>, vector<16xi32>,
    %get3A_1820 = arith.constant 304 : index
    %get3A_1821 = tpu.vector_load %arg5[%get3A_1820] {strides = array<i32>} : memref<512xi32, #tpu.memory_space<vmem>>, vector<16xi32>,
    %get3A_1822 = vector.shape_cast %get3A_1821 : vector<16xi32> to vector<16xi32>
    %add3A_1823 = arith.constant 500000 : i32
    %add3A_1824 = vector.broadcast %add3A_1823 : i32 to vector<16xi32>
    %add3A_1825 = arith.addi %get3A_1822, %add3A_1824 : vector<16xi32>
    %swap3A_1826 = arith.constant 2864 : index
    %swap3A_1827 = tpu.vector_load %arg6[%swap3A_1826] {strides = array<i32>} : memref<5632xi32, #tpu.memory_space<vmem>>, vector<16xi32>,
    %swap3A_1828 = vector.shape_cast %swap3A_1827 : vector<16xi32> to vector<16xi32>
    %swap3A_1829 = vector.shape_cast %add3A_1825 : vector<16xi32> to vector<16xi32>
    tpu.vector_store %arg6[%swap3A_1826], %swap3A_1829 {strides = array<i32>} : memref<5632xi32, #tpu.memory_space<vmem>>, vector<16xi32>,
    %get3A_1830 = arith.constant 320 : index
    %get3A_1831 = tpu.vector_load %arg5[%get3A_1830] {strides = array<i32>} : memref<512xi32, #tpu.memory_space<vmem>>, vector<16xi32>,
    %get3A_1832 = vector.shape_cast %get3A_1831 : vector<16xi32> to vector<16xi32>
    %add3A_1833 = arith.constant 500000 : i32
    %add3A_1834 = vector.broadcast %add3A_1833 : i32 to vector<16xi32>
    %add3A_1835 = arith.addi %get3A_1832, %add3A_1834 : vector<16xi32>
    %swap3A_1836 = arith.constant 2880 : index
    %swap3A_1837 = tpu.vector_load %arg6[%swap3A_1836] {strides = array<i32>} : memref<5632xi32, #tpu.memory_space<vmem>>, vector<16xi32>,
    %swap3A_1838 = vector.shape_cast %swap3A_1837 : vector<16xi32> to vector<16xi32>
    %swap3A_1839 = vector.shape_cast %add3A_1835 : vector<16xi32> to vector<16xi32>
    tpu.vector_store %arg6[%swap3A_1836], %swap3A_1839 {strides = array<i32>} : memref<5632xi32, #tpu.memory_space<vmem>>, vector<16xi32>,
    %get3A_1840 = arith.constant 336 : index
    %get3A_1841 = tpu.vector_load %arg5[%get3A_1840] {strides = array<i32>} : memref<512xi32, #tpu.memory_space<vmem>>, vector<16xi32>,
    %get3A_1842 = vector.shape_cast %get3A_1841 : vector<16xi32> to vector<16xi32>
    %add3A_1843 = arith.constant 500000 : i32
    %add3A_1844 = vector.broadcast %add3A_1843 : i32 to vector<16xi32>
    %add3A_1845 = arith.addi %get3A_1842, %add3A_1844 : vector<16xi32>
    %swap3A_1846 = arith.constant 2896 : index
    %swap3A_1847 = tpu.vector_load %arg6[%swap3A_1846] {strides = array<i32>} : memref<5632xi32, #tpu.memory_space<vmem>>, vector<16xi32>,
    %swap3A_1848 = vector.shape_cast %swap3A_1847 : vector<16xi32> to vector<16xi32>
    %swap3A_1849 = vector.shape_cast %add3A_1845 : vector<16xi32> to vector<16xi32>
    tpu.vector_store %arg6[%swap3A_1846], %swap3A_1849 {strides = array<i32>} : memref<5632xi32, #tpu.memory_space<vmem>>, vector<16xi32>,
    %get3A_1850 = arith.constant 352 : index
    %get3A_1851 = tpu.vector_load %arg5[%get3A_1850] {strides = array<i32>} : memref<512xi32, #tpu.memory_space<vmem>>, vector<16xi32>,
    %get3A_1852 = vector.shape_cast %get3A_1851 : vector<16xi32> to vector<16xi32>
    %add3A_1853 = arith.constant 500000 : i32
    %add3A_1854 = vector.broadcast %add3A_1853 : i32 to vector<16xi32>
    %add3A_1855 = arith.addi %get3A_1852, %add3A_1854 : vector<16xi32>
    %swap3A_1856 = arith.constant 2912 : index
    %swap3A_1857 = tpu.vector_load %arg6[%swap3A_1856] {strides = array<i32>} : memref<5632xi32, #tpu.memory_space<vmem>>, vector<16xi32>,
    %swap3A_1858 = vector.shape_cast %swap3A_1857 : vector<16xi32> to vector<16xi32>
    %swap3A_1859 = vector.shape_cast %add3A_1855 : vector<16xi32> to vector<16xi32>
    tpu.vector_store %arg6[%swap3A_1856], %swap3A_1859 {strides = array<i32>} : memref<5632xi32, #tpu.memory_space<vmem>>, vector<16xi32>,
    %get3A_1860 = arith.constant 368 : index
    %get3A_1861 = tpu.vector_load %arg5[%get3A_1860] {strides = array<i32>} : memref<512xi32, #tpu.memory_space<vmem>>, vector<16xi32>,
    %get3A_1862 = vector.shape_cast %get3A_1861 : vector<16xi32> to vector<16xi32>
    %add3A_1863 = arith.constant 500000 : i32
    %add3A_1864 = vector.broadcast %add3A_1863 : i32 to vector<16xi32>
    %add3A_1865 = arith.addi %get3A_1862, %add3A_1864 : vector<16xi32>
    %swap3A_1866 = arith.constant 2928 : index
    %swap3A_1867 = tpu.vector_load %arg6[%swap3A_1866] {strides = array<i32>} : memref<5632xi32, #tpu.memory_space<vmem>>, vector<16xi32>,
    %swap3A_1868 = vector.shape_cast %swap3A_1867 : vector<16xi32> to vector<16xi32>
    %swap3A_1869 = vector.shape_cast %add3A_1865 : vector<16xi32> to vector<16xi32>
    tpu.vector_store %arg6[%swap3A_1866], %swap3A_1869 {strides = array<i32>} : memref<5632xi32, #tpu.memory_space<vmem>>, vector<16xi32>,
    %get3A_1870 = arith.constant 384 : index
    %get3A_1871 = tpu.vector_load %arg5[%get3A_1870] {strides = array<i32>} : memref<512xi32, #tpu.memory_space<vmem>>, vector<16xi32>,
    %get3A_1872 = vector.shape_cast %get3A_1871 : vector<16xi32> to vector<16xi32>
    %add3A_1873 = arith.constant 500000 : i32
    %add3A_1874 = vector.broadcast %add3A_1873 : i32 to vector<16xi32>
    %add3A_1875 = arith.addi %get3A_1872, %add3A_1874 : vector<16xi32>
    %swap3A_1876 = arith.constant 2944 : index
    %swap3A_1877 = tpu.vector_load %arg6[%swap3A_1876] {strides = array<i32>} : memref<5632xi32, #tpu.memory_space<vmem>>, vector<16xi32>,
    %swap3A_1878 = vector.shape_cast %swap3A_1877 : vector<16xi32> to vector<16xi32>
    %swap3A_1879 = vector.shape_cast %add3A_1875 : vector<16xi32> to vector<16xi32>
    tpu.vector_store %arg6[%swap3A_1876], %swap3A_1879 {strides = array<i32>} : memref<5632xi32, #tpu.memory_space<vmem>>, vector<16xi32>,
    %get3A_1880 = arith.constant 400 : index
    %get3A_1881 = tpu.vector_load %arg5[%get3A_1880] {strides = array<i32>} : memref<512xi32, #tpu.memory_space<vmem>>, vector<16xi32>,
    %get3A_1882 = vector.shape_cast %get3A_1881 : vector<16xi32> to vector<16xi32>
    %add3A_1883 = arith.constant 500000 : i32
    %add3A_1884 = vector.broadcast %add3A_1883 : i32 to vector<16xi32>
    %add3A_1885 = arith.addi %get3A_1882, %add3A_1884 : vector<16xi32>
    %swap3A_1886 = arith.constant 2960 : index
    %swap3A_1887 = tpu.vector_load %arg6[%swap3A_1886] {strides = array<i32>} : memref<5632xi32, #tpu.memory_space<vmem>>, vector<16xi32>,
    %swap3A_1888 = vector.shape_cast %swap3A_1887 : vector<16xi32> to vector<16xi32>
    %swap3A_1889 = vector.shape_cast %add3A_1885 : vector<16xi32> to vector<16xi32>
    tpu.vector_store %arg6[%swap3A_1886], %swap3A_1889 {strides = array<i32>} : memref<5632xi32, #tpu.memory_space<vmem>>, vector<16xi32>,
    %get3A_1890 = arith.constant 416 : index
    %get3A_1891 = tpu.vector_load %arg5[%get3A_1890] {strides = array<i32>} : memref<512xi32, #tpu.memory_space<vmem>>, vector<16xi32>,
    %get3A_1892 = vector.shape_cast %get3A_1891 : vector<16xi32> to vector<16xi32>
    %add3A_1893 = arith.constant 500000 : i32
    %add3A_1894 = vector.broadcast %add3A_1893 : i32 to vector<16xi32>
    %add3A_1895 = arith.addi %get3A_1892, %add3A_1894 : vector<16xi32>
    %swap3A_1896 = arith.constant 2976 : index
    %swap3A_1897 = tpu.vector_load %arg6[%swap3A_1896] {strides = array<i32>} : memref<5632xi32, #tpu.memory_space<vmem>>, vector<16xi32>,
    %swap3A_1898 = vector.shape_cast %swap3A_1897 : vector<16xi32> to vector<16xi32>
    %swap3A_1899 = vector.shape_cast %add3A_1895 : vector<16xi32> to vector<16xi32>
    tpu.vector_store %arg6[%swap3A_1896], %swap3A_1899 {strides = array<i32>} : memref<5632xi32, #tpu.memory_space<vmem>>, vector<16xi32>,
    %get3A_1900 = arith.constant 432 : index
    %get3A_1901 = tpu.vector_load %arg5[%get3A_1900] {strides = array<i32>} : memref<512xi32, #tpu.memory_space<vmem>>, vector<16xi32>,
    %get3A_1902 = vector.shape_cast %get3A_1901 : vector<16xi32> to vector<16xi32>
    %add3A_1903 = arith.constant 500000 : i32
    %add3A_1904 = vector.broadcast %add3A_1903 : i32 to vector<16xi32>
    %add3A_1905 = arith.addi %get3A_1902, %add3A_1904 : vector<16xi32>
    %swap3A_1906 = arith.constant 2992 : index
    %swap3A_1907 = tpu.vector_load %arg6[%swap3A_1906] {strides = array<i32>} : memref<5632xi32, #tpu.memory_space<vmem>>, vector<16xi32>,
    %swap3A_1908 = vector.shape_cast %swap3A_1907 : vector<16xi32> to vector<16xi32>
    %swap3A_1909 = vector.shape_cast %add3A_1905 : vector<16xi32> to vector<16xi32>
    tpu.vector_store %arg6[%swap3A_1906], %swap3A_1909 {strides = array<i32>} : memref<5632xi32, #tpu.memory_space<vmem>>, vector<16xi32>,
    %get3A_1910 = arith.constant 448 : index
    %get3A_1911 = tpu.vector_load %arg5[%get3A_1910] {strides = array<i32>} : memref<512xi32, #tpu.memory_space<vmem>>, vector<16xi32>,
    %get3A_1912 = vector.shape_cast %get3A_1911 : vector<16xi32> to vector<16xi32>
    %add3A_1913 = arith.constant 500000 : i32
    %add3A_1914 = vector.broadcast %add3A_1913 : i32 to vector<16xi32>
    %add3A_1915 = arith.addi %get3A_1912, %add3A_1914 : vector<16xi32>
    %swap3A_1916 = arith.constant 3008 : index
    %swap3A_1917 = tpu.vector_load %arg6[%swap3A_1916] {strides = array<i32>} : memref<5632xi32, #tpu.memory_space<vmem>>, vector<16xi32>,
    %swap3A_1918 = vector.shape_cast %swap3A_1917 : vector<16xi32> to vector<16xi32>
    %swap3A_1919 = vector.shape_cast %add3A_1915 : vector<16xi32> to vector<16xi32>
    tpu.vector_store %arg6[%swap3A_1916], %swap3A_1919 {strides = array<i32>} : memref<5632xi32, #tpu.memory_space<vmem>>, vector<16xi32>,
    %get3A_1920 = arith.constant 464 : index
    %get3A_1921 = tpu.vector_load %arg5[%get3A_1920] {strides = array<i32>} : memref<512xi32, #tpu.memory_space<vmem>>, vector<16xi32>,
    %get3A_1922 = vector.shape_cast %get3A_1921 : vector<16xi32> to vector<16xi32>
    %add3A_1923 = arith.constant 500000 : i32
    %add3A_1924 = vector.broadcast %add3A_1923 : i32 to vector<16xi32>
    %add3A_1925 = arith.addi %get3A_1922, %add3A_1924 : vector<16xi32>
    %swap3A_1926 = arith.constant 3024 : index
    %swap3A_1927 = tpu.vector_load %arg6[%swap3A_1926] {strides = array<i32>} : memref<5632xi32, #tpu.memory_space<vmem>>, vector<16xi32>,
    %swap3A_1928 = vector.shape_cast %swap3A_1927 : vector<16xi32> to vector<16xi32>
    %swap3A_1929 = vector.shape_cast %add3A_1925 : vector<16xi32> to vector<16xi32>
    tpu.vector_store %arg6[%swap3A_1926], %swap3A_1929 {strides = array<i32>} : memref<5632xi32, #tpu.memory_space<vmem>>, vector<16xi32>,
    %get3A_1930 = arith.constant 480 : index
    %get3A_1931 = tpu.vector_load %arg5[%get3A_1930] {strides = array<i32>} : memref<512xi32, #tpu.memory_space<vmem>>, vector<16xi32>,
    %get3A_1932 = vector.shape_cast %get3A_1931 : vector<16xi32> to vector<16xi32>
    %add3A_1933 = arith.constant 500000 : i32
    %add3A_1934 = vector.broadcast %add3A_1933 : i32 to vector<16xi32>
    %add3A_1935 = arith.addi %get3A_1932, %add3A_1934 : vector<16xi32>
    %swap3A_1936 = arith.constant 3040 : index
    %swap3A_1937 = tpu.vector_load %arg6[%swap3A_1936] {strides = array<i32>} : memref<5632xi32, #tpu.memory_space<vmem>>, vector<16xi32>,
    %swap3A_1938 = vector.shape_cast %swap3A_1937 : vector<16xi32> to vector<16xi32>
    %swap3A_1939 = vector.shape_cast %add3A_1935 : vector<16xi32> to vector<16xi32>
    tpu.vector_store %arg6[%swap3A_1936], %swap3A_1939 {strides = array<i32>} : memref<5632xi32, #tpu.memory_space<vmem>>, vector<16xi32>,
    %get3A_1940 = arith.constant 496 : index
    %get3A_1941 = tpu.vector_load %arg5[%get3A_1940] {strides = array<i32>} : memref<512xi32, #tpu.memory_space<vmem>>, vector<16xi32>,
    %get3A_1942 = vector.shape_cast %get3A_1941 : vector<16xi32> to vector<16xi32>
    %add3A_1943 = arith.constant 500000 : i32
    %add3A_1944 = vector.broadcast %add3A_1943 : i32 to vector<16xi32>
    %add3A_1945 = arith.addi %get3A_1942, %add3A_1944 : vector<16xi32>
    %swap3A_1946 = arith.constant 3056 : index
    %swap3A_1947 = tpu.vector_load %arg6[%swap3A_1946] {strides = array<i32>} : memref<5632xi32, #tpu.memory_space<vmem>>, vector<16xi32>,
    %swap3A_1948 = vector.shape_cast %swap3A_1947 : vector<16xi32> to vector<16xi32>
    %swap3A_1949 = vector.shape_cast %add3A_1945 : vector<16xi32> to vector<16xi32>
    tpu.vector_store %arg6[%swap3A_1946], %swap3A_1949 {strides = array<i32>} : memref<5632xi32, #tpu.memory_space<vmem>>, vector<16xi32>,
    %dma_start3A_1950 = arith.constant 2560 : i32
    %dma_start3A_1951 = tpu.memref_slice %arg7[%dma_start3A_1950] : memref<5632xf32, #tpu.memory_space<vmem>> -> memref<512xf32, #tpu.memory_space<vmem>>
    %dma_start3A_1952 = arith.constant 2560 : i32
    %dma_start3A_1953 = tpu.memref_slice %arg6[%dma_start3A_1952] : memref<5632xi32, #tpu.memory_space<vmem>> -> memref<512xi32, #tpu.memory_space<vmem>>
    %dma_start3A_1954 = arith.constant 0 : i32
    %dma_start3A_1955 = tpu.memref_slice %arg3[%dma_start3A_1954] : memref<1100000xf32, #tpu.memory_space<hbm>> -> memref<1100000xf32, #tpu.memory_space<hbm>>
    tpu.enqueue_indirect_dma source(%dma_start3A_1955 : memref<1100000xf32, #tpu.memory_space<hbm>>) target(%dma_start3A_1951 : memref<512xf32, #tpu.memory_space<vmem>>) offsets(%dma_start3A_1953 : memref<512xi32, #tpu.memory_space<vmem>>) semaphore(%arg8 : memref<!tpu.dma_semaphore, #tpu.memory_space<semaphore_mem>>)
    %get3A_1956 = arith.constant 0 : index
    %get3A_1957 = tpu.vector_load %arg5[%get3A_1956] {strides = array<i32>} : memref<512xi32, #tpu.memory_space<vmem>>, vector<16xi32>,
    %get3A_1958 = vector.shape_cast %get3A_1957 : vector<16xi32> to vector<16xi32>
    %add3A_1959 = arith.constant 600000 : i32
    %add3A_1960 = vector.broadcast %add3A_1959 : i32 to vector<16xi32>
    %add3A_1961 = arith.addi %get3A_1958, %add3A_1960 : vector<16xi32>
    %swap3A_1962 = arith.constant 3072 : index
    %swap3A_1963 = tpu.vector_load %arg6[%swap3A_1962] {strides = array<i32>} : memref<5632xi32, #tpu.memory_space<vmem>>, vector<16xi32>,
    %swap3A_1964 = vector.shape_cast %swap3A_1963 : vector<16xi32> to vector<16xi32>
    %swap3A_1965 = vector.shape_cast %add3A_1961 : vector<16xi32> to vector<16xi32>
    tpu.vector_store %arg6[%swap3A_1962], %swap3A_1965 {strides = array<i32>} : memref<5632xi32, #tpu.memory_space<vmem>>, vector<16xi32>,
    %get3A_1966 = arith.constant 16 : index
    %get3A_1967 = tpu.vector_load %arg5[%get3A_1966] {strides = array<i32>} : memref<512xi32, #tpu.memory_space<vmem>>, vector<16xi32>,
    %get3A_1968 = vector.shape_cast %get3A_1967 : vector<16xi32> to vector<16xi32>
    %add3A_1969 = arith.constant 600000 : i32
    %add3A_1970 = vector.broadcast %add3A_1969 : i32 to vector<16xi32>
    %add3A_1971 = arith.addi %get3A_1968, %add3A_1970 : vector<16xi32>
    %swap3A_1972 = arith.constant 3088 : index
    %swap3A_1973 = tpu.vector_load %arg6[%swap3A_1972] {strides = array<i32>} : memref<5632xi32, #tpu.memory_space<vmem>>, vector<16xi32>,
    %swap3A_1974 = vector.shape_cast %swap3A_1973 : vector<16xi32> to vector<16xi32>
    %swap3A_1975 = vector.shape_cast %add3A_1971 : vector<16xi32> to vector<16xi32>
    tpu.vector_store %arg6[%swap3A_1972], %swap3A_1975 {strides = array<i32>} : memref<5632xi32, #tpu.memory_space<vmem>>, vector<16xi32>,
    %get3A_1976 = arith.constant 32 : index
    %get3A_1977 = tpu.vector_load %arg5[%get3A_1976] {strides = array<i32>} : memref<512xi32, #tpu.memory_space<vmem>>, vector<16xi32>,
    %get3A_1978 = vector.shape_cast %get3A_1977 : vector<16xi32> to vector<16xi32>
    %add3A_1979 = arith.constant 600000 : i32
    %add3A_1980 = vector.broadcast %add3A_1979 : i32 to vector<16xi32>
    %add3A_1981 = arith.addi %get3A_1978, %add3A_1980 : vector<16xi32>
    %swap3A_1982 = arith.constant 3104 : index
    %swap3A_1983 = tpu.vector_load %arg6[%swap3A_1982] {strides = array<i32>} : memref<5632xi32, #tpu.memory_space<vmem>>, vector<16xi32>,
    %swap3A_1984 = vector.shape_cast %swap3A_1983 : vector<16xi32> to vector<16xi32>
    %swap3A_1985 = vector.shape_cast %add3A_1981 : vector<16xi32> to vector<16xi32>
    tpu.vector_store %arg6[%swap3A_1982], %swap3A_1985 {strides = array<i32>} : memref<5632xi32, #tpu.memory_space<vmem>>, vector<16xi32>,
    %get3A_1986 = arith.constant 48 : index
    %get3A_1987 = tpu.vector_load %arg5[%get3A_1986] {strides = array<i32>} : memref<512xi32, #tpu.memory_space<vmem>>, vector<16xi32>,
    %get3A_1988 = vector.shape_cast %get3A_1987 : vector<16xi32> to vector<16xi32>
    %add3A_1989 = arith.constant 600000 : i32
    %add3A_1990 = vector.broadcast %add3A_1989 : i32 to vector<16xi32>
    %add3A_1991 = arith.addi %get3A_1988, %add3A_1990 : vector<16xi32>
    %swap3A_1992 = arith.constant 3120 : index
    %swap3A_1993 = tpu.vector_load %arg6[%swap3A_1992] {strides = array<i32>} : memref<5632xi32, #tpu.memory_space<vmem>>, vector<16xi32>,
    %swap3A_1994 = vector.shape_cast %swap3A_1993 : vector<16xi32> to vector<16xi32>
    %swap3A_1995 = vector.shape_cast %add3A_1991 : vector<16xi32> to vector<16xi32>
    tpu.vector_store %arg6[%swap3A_1992], %swap3A_1995 {strides = array<i32>} : memref<5632xi32, #tpu.memory_space<vmem>>, vector<16xi32>,
    %get3A_1996 = arith.constant 64 : index
    %get3A_1997 = tpu.vector_load %arg5[%get3A_1996] {strides = array<i32>} : memref<512xi32, #tpu.memory_space<vmem>>, vector<16xi32>,
    %get3A_1998 = vector.shape_cast %get3A_1997 : vector<16xi32> to vector<16xi32>
    %add3A_1999 = arith.constant 600000 : i32
    %add3A_2000 = vector.broadcast %add3A_1999 : i32 to vector<16xi32>
    %add3A_2001 = arith.addi %get3A_1998, %add3A_2000 : vector<16xi32>
    %swap3A_2002 = arith.constant 3136 : index
    %swap3A_2003 = tpu.vector_load %arg6[%swap3A_2002] {strides = array<i32>} : memref<5632xi32, #tpu.memory_space<vmem>>, vector<16xi32>,
    %swap3A_2004 = vector.shape_cast %swap3A_2003 : vector<16xi32> to vector<16xi32>
    %swap3A_2005 = vector.shape_cast %add3A_2001 : vector<16xi32> to vector<16xi32>
    tpu.vector_store %arg6[%swap3A_2002], %swap3A_2005 {strides = array<i32>} : memref<5632xi32, #tpu.memory_space<vmem>>, vector<16xi32>,
    %get3A_2006 = arith.constant 80 : index
    %get3A_2007 = tpu.vector_load %arg5[%get3A_2006] {strides = array<i32>} : memref<512xi32, #tpu.memory_space<vmem>>, vector<16xi32>,
    %get3A_2008 = vector.shape_cast %get3A_2007 : vector<16xi32> to vector<16xi32>
    %add3A_2009 = arith.constant 600000 : i32
    %add3A_2010 = vector.broadcast %add3A_2009 : i32 to vector<16xi32>
    %add3A_2011 = arith.addi %get3A_2008, %add3A_2010 : vector<16xi32>
    %swap3A_2012 = arith.constant 3152 : index
    %swap3A_2013 = tpu.vector_load %arg6[%swap3A_2012] {strides = array<i32>} : memref<5632xi32, #tpu.memory_space<vmem>>, vector<16xi32>,
    %swap3A_2014 = vector.shape_cast %swap3A_2013 : vector<16xi32> to vector<16xi32>
    %swap3A_2015 = vector.shape_cast %add3A_2011 : vector<16xi32> to vector<16xi32>
    tpu.vector_store %arg6[%swap3A_2012], %swap3A_2015 {strides = array<i32>} : memref<5632xi32, #tpu.memory_space<vmem>>, vector<16xi32>,
    %get3A_2016 = arith.constant 96 : index
    %get3A_2017 = tpu.vector_load %arg5[%get3A_2016] {strides = array<i32>} : memref<512xi32, #tpu.memory_space<vmem>>, vector<16xi32>,
    %get3A_2018 = vector.shape_cast %get3A_2017 : vector<16xi32> to vector<16xi32>
    %add3A_2019 = arith.constant 600000 : i32
    %add3A_2020 = vector.broadcast %add3A_2019 : i32 to vector<16xi32>
    %add3A_2021 = arith.addi %get3A_2018, %add3A_2020 : vector<16xi32>
    %swap3A_2022 = arith.constant 3168 : index
    %swap3A_2023 = tpu.vector_load %arg6[%swap3A_2022] {strides = array<i32>} : memref<5632xi32, #tpu.memory_space<vmem>>, vector<16xi32>,
    %swap3A_2024 = vector.shape_cast %swap3A_2023 : vector<16xi32> to vector<16xi32>
    %swap3A_2025 = vector.shape_cast %add3A_2021 : vector<16xi32> to vector<16xi32>
    tpu.vector_store %arg6[%swap3A_2022], %swap3A_2025 {strides = array<i32>} : memref<5632xi32, #tpu.memory_space<vmem>>, vector<16xi32>,
    %get3A_2026 = arith.constant 112 : index
    %get3A_2027 = tpu.vector_load %arg5[%get3A_2026] {strides = array<i32>} : memref<512xi32, #tpu.memory_space<vmem>>, vector<16xi32>,
    %get3A_2028 = vector.shape_cast %get3A_2027 : vector<16xi32> to vector<16xi32>
    %add3A_2029 = arith.constant 600000 : i32
    %add3A_2030 = vector.broadcast %add3A_2029 : i32 to vector<16xi32>
    %add3A_2031 = arith.addi %get3A_2028, %add3A_2030 : vector<16xi32>
    %swap3A_2032 = arith.constant 3184 : index
    %swap3A_2033 = tpu.vector_load %arg6[%swap3A_2032] {strides = array<i32>} : memref<5632xi32, #tpu.memory_space<vmem>>, vector<16xi32>,
    %swap3A_2034 = vector.shape_cast %swap3A_2033 : vector<16xi32> to vector<16xi32>
    %swap3A_2035 = vector.shape_cast %add3A_2031 : vector<16xi32> to vector<16xi32>
    tpu.vector_store %arg6[%swap3A_2032], %swap3A_2035 {strides = array<i32>} : memref<5632xi32, #tpu.memory_space<vmem>>, vector<16xi32>,
    %get3A_2036 = arith.constant 128 : index
    %get3A_2037 = tpu.vector_load %arg5[%get3A_2036] {strides = array<i32>} : memref<512xi32, #tpu.memory_space<vmem>>, vector<16xi32>,
    %get3A_2038 = vector.shape_cast %get3A_2037 : vector<16xi32> to vector<16xi32>
    %add3A_2039 = arith.constant 600000 : i32
    %add3A_2040 = vector.broadcast %add3A_2039 : i32 to vector<16xi32>
    %add3A_2041 = arith.addi %get3A_2038, %add3A_2040 : vector<16xi32>
    %swap3A_2042 = arith.constant 3200 : index
    %swap3A_2043 = tpu.vector_load %arg6[%swap3A_2042] {strides = array<i32>} : memref<5632xi32, #tpu.memory_space<vmem>>, vector<16xi32>,
    %swap3A_2044 = vector.shape_cast %swap3A_2043 : vector<16xi32> to vector<16xi32>
    %swap3A_2045 = vector.shape_cast %add3A_2041 : vector<16xi32> to vector<16xi32>
    tpu.vector_store %arg6[%swap3A_2042], %swap3A_2045 {strides = array<i32>} : memref<5632xi32, #tpu.memory_space<vmem>>, vector<16xi32>,
    %get3A_2046 = arith.constant 144 : index
    %get3A_2047 = tpu.vector_load %arg5[%get3A_2046] {strides = array<i32>} : memref<512xi32, #tpu.memory_space<vmem>>, vector<16xi32>,
    %get3A_2048 = vector.shape_cast %get3A_2047 : vector<16xi32> to vector<16xi32>
    %add3A_2049 = arith.constant 600000 : i32
    %add3A_2050 = vector.broadcast %add3A_2049 : i32 to vector<16xi32>
    %add3A_2051 = arith.addi %get3A_2048, %add3A_2050 : vector<16xi32>
    %swap3A_2052 = arith.constant 3216 : index
    %swap3A_2053 = tpu.vector_load %arg6[%swap3A_2052] {strides = array<i32>} : memref<5632xi32, #tpu.memory_space<vmem>>, vector<16xi32>,
    %swap3A_2054 = vector.shape_cast %swap3A_2053 : vector<16xi32> to vector<16xi32>
    %swap3A_2055 = vector.shape_cast %add3A_2051 : vector<16xi32> to vector<16xi32>
    tpu.vector_store %arg6[%swap3A_2052], %swap3A_2055 {strides = array<i32>} : memref<5632xi32, #tpu.memory_space<vmem>>, vector<16xi32>,
    %get3A_2056 = arith.constant 160 : index
    %get3A_2057 = tpu.vector_load %arg5[%get3A_2056] {strides = array<i32>} : memref<512xi32, #tpu.memory_space<vmem>>, vector<16xi32>,
    %get3A_2058 = vector.shape_cast %get3A_2057 : vector<16xi32> to vector<16xi32>
    %add3A_2059 = arith.constant 600000 : i32
    %add3A_2060 = vector.broadcast %add3A_2059 : i32 to vector<16xi32>
    %add3A_2061 = arith.addi %get3A_2058, %add3A_2060 : vector<16xi32>
    %swap3A_2062 = arith.constant 3232 : index
    %swap3A_2063 = tpu.vector_load %arg6[%swap3A_2062] {strides = array<i32>} : memref<5632xi32, #tpu.memory_space<vmem>>, vector<16xi32>,
    %swap3A_2064 = vector.shape_cast %swap3A_2063 : vector<16xi32> to vector<16xi32>
    %swap3A_2065 = vector.shape_cast %add3A_2061 : vector<16xi32> to vector<16xi32>
    tpu.vector_store %arg6[%swap3A_2062], %swap3A_2065 {strides = array<i32>} : memref<5632xi32, #tpu.memory_space<vmem>>, vector<16xi32>,
    %get3A_2066 = arith.constant 176 : index
    %get3A_2067 = tpu.vector_load %arg5[%get3A_2066] {strides = array<i32>} : memref<512xi32, #tpu.memory_space<vmem>>, vector<16xi32>,
    %get3A_2068 = vector.shape_cast %get3A_2067 : vector<16xi32> to vector<16xi32>
    %add3A_2069 = arith.constant 600000 : i32
    %add3A_2070 = vector.broadcast %add3A_2069 : i32 to vector<16xi32>
    %add3A_2071 = arith.addi %get3A_2068, %add3A_2070 : vector<16xi32>
    %swap3A_2072 = arith.constant 3248 : index
    %swap3A_2073 = tpu.vector_load %arg6[%swap3A_2072] {strides = array<i32>} : memref<5632xi32, #tpu.memory_space<vmem>>, vector<16xi32>,
    %swap3A_2074 = vector.shape_cast %swap3A_2073 : vector<16xi32> to vector<16xi32>
    %swap3A_2075 = vector.shape_cast %add3A_2071 : vector<16xi32> to vector<16xi32>
    tpu.vector_store %arg6[%swap3A_2072], %swap3A_2075 {strides = array<i32>} : memref<5632xi32, #tpu.memory_space<vmem>>, vector<16xi32>,
    %get3A_2076 = arith.constant 192 : index
    %get3A_2077 = tpu.vector_load %arg5[%get3A_2076] {strides = array<i32>} : memref<512xi32, #tpu.memory_space<vmem>>, vector<16xi32>,
    %get3A_2078 = vector.shape_cast %get3A_2077 : vector<16xi32> to vector<16xi32>
    %add3A_2079 = arith.constant 600000 : i32
    %add3A_2080 = vector.broadcast %add3A_2079 : i32 to vector<16xi32>
    %add3A_2081 = arith.addi %get3A_2078, %add3A_2080 : vector<16xi32>
    %swap3A_2082 = arith.constant 3264 : index
    %swap3A_2083 = tpu.vector_load %arg6[%swap3A_2082] {strides = array<i32>} : memref<5632xi32, #tpu.memory_space<vmem>>, vector<16xi32>,
    %swap3A_2084 = vector.shape_cast %swap3A_2083 : vector<16xi32> to vector<16xi32>
    %swap3A_2085 = vector.shape_cast %add3A_2081 : vector<16xi32> to vector<16xi32>
    tpu.vector_store %arg6[%swap3A_2082], %swap3A_2085 {strides = array<i32>} : memref<5632xi32, #tpu.memory_space<vmem>>, vector<16xi32>,
    %get3A_2086 = arith.constant 208 : index
    %get3A_2087 = tpu.vector_load %arg5[%get3A_2086] {strides = array<i32>} : memref<512xi32, #tpu.memory_space<vmem>>, vector<16xi32>,
    %get3A_2088 = vector.shape_cast %get3A_2087 : vector<16xi32> to vector<16xi32>
    %add3A_2089 = arith.constant 600000 : i32
    %add3A_2090 = vector.broadcast %add3A_2089 : i32 to vector<16xi32>
    %add3A_2091 = arith.addi %get3A_2088, %add3A_2090 : vector<16xi32>
    %swap3A_2092 = arith.constant 3280 : index
    %swap3A_2093 = tpu.vector_load %arg6[%swap3A_2092] {strides = array<i32>} : memref<5632xi32, #tpu.memory_space<vmem>>, vector<16xi32>,
    %swap3A_2094 = vector.shape_cast %swap3A_2093 : vector<16xi32> to vector<16xi32>
    %swap3A_2095 = vector.shape_cast %add3A_2091 : vector<16xi32> to vector<16xi32>
    tpu.vector_store %arg6[%swap3A_2092], %swap3A_2095 {strides = array<i32>} : memref<5632xi32, #tpu.memory_space<vmem>>, vector<16xi32>,
    %get3A_2096 = arith.constant 224 : index
    %get3A_2097 = tpu.vector_load %arg5[%get3A_2096] {strides = array<i32>} : memref<512xi32, #tpu.memory_space<vmem>>, vector<16xi32>,
    %get3A_2098 = vector.shape_cast %get3A_2097 : vector<16xi32> to vector<16xi32>
    %add3A_2099 = arith.constant 600000 : i32
    %add3A_2100 = vector.broadcast %add3A_2099 : i32 to vector<16xi32>
    %add3A_2101 = arith.addi %get3A_2098, %add3A_2100 : vector<16xi32>
    %swap3A_2102 = arith.constant 3296 : index
    %swap3A_2103 = tpu.vector_load %arg6[%swap3A_2102] {strides = array<i32>} : memref<5632xi32, #tpu.memory_space<vmem>>, vector<16xi32>,
    %swap3A_2104 = vector.shape_cast %swap3A_2103 : vector<16xi32> to vector<16xi32>
    %swap3A_2105 = vector.shape_cast %add3A_2101 : vector<16xi32> to vector<16xi32>
    tpu.vector_store %arg6[%swap3A_2102], %swap3A_2105 {strides = array<i32>} : memref<5632xi32, #tpu.memory_space<vmem>>, vector<16xi32>,
    %get3A_2106 = arith.constant 240 : index
    %get3A_2107 = tpu.vector_load %arg5[%get3A_2106] {strides = array<i32>} : memref<512xi32, #tpu.memory_space<vmem>>, vector<16xi32>,
    %get3A_2108 = vector.shape_cast %get3A_2107 : vector<16xi32> to vector<16xi32>
    %add3A_2109 = arith.constant 600000 : i32
    %add3A_2110 = vector.broadcast %add3A_2109 : i32 to vector<16xi32>
    %add3A_2111 = arith.addi %get3A_2108, %add3A_2110 : vector<16xi32>
    %swap3A_2112 = arith.constant 3312 : index
    %swap3A_2113 = tpu.vector_load %arg6[%swap3A_2112] {strides = array<i32>} : memref<5632xi32, #tpu.memory_space<vmem>>, vector<16xi32>,
    %swap3A_2114 = vector.shape_cast %swap3A_2113 : vector<16xi32> to vector<16xi32>
    %swap3A_2115 = vector.shape_cast %add3A_2111 : vector<16xi32> to vector<16xi32>
    tpu.vector_store %arg6[%swap3A_2112], %swap3A_2115 {strides = array<i32>} : memref<5632xi32, #tpu.memory_space<vmem>>, vector<16xi32>,
    %get3A_2116 = arith.constant 256 : index
    %get3A_2117 = tpu.vector_load %arg5[%get3A_2116] {strides = array<i32>} : memref<512xi32, #tpu.memory_space<vmem>>, vector<16xi32>,
    %get3A_2118 = vector.shape_cast %get3A_2117 : vector<16xi32> to vector<16xi32>
    %add3A_2119 = arith.constant 600000 : i32
    %add3A_2120 = vector.broadcast %add3A_2119 : i32 to vector<16xi32>
    %add3A_2121 = arith.addi %get3A_2118, %add3A_2120 : vector<16xi32>
    %swap3A_2122 = arith.constant 3328 : index
    %swap3A_2123 = tpu.vector_load %arg6[%swap3A_2122] {strides = array<i32>} : memref<5632xi32, #tpu.memory_space<vmem>>, vector<16xi32>,
    %swap3A_2124 = vector.shape_cast %swap3A_2123 : vector<16xi32> to vector<16xi32>
    %swap3A_2125 = vector.shape_cast %add3A_2121 : vector<16xi32> to vector<16xi32>
    tpu.vector_store %arg6[%swap3A_2122], %swap3A_2125 {strides = array<i32>} : memref<5632xi32, #tpu.memory_space<vmem>>, vector<16xi32>,
    %get3A_2126 = arith.constant 272 : index
    %get3A_2127 = tpu.vector_load %arg5[%get3A_2126] {strides = array<i32>} : memref<512xi32, #tpu.memory_space<vmem>>, vector<16xi32>,
    %get3A_2128 = vector.shape_cast %get3A_2127 : vector<16xi32> to vector<16xi32>
    %add3A_2129 = arith.constant 600000 : i32
    %add3A_2130 = vector.broadcast %add3A_2129 : i32 to vector<16xi32>
    %add3A_2131 = arith.addi %get3A_2128, %add3A_2130 : vector<16xi32>
    %swap3A_2132 = arith.constant 3344 : index
    %swap3A_2133 = tpu.vector_load %arg6[%swap3A_2132] {strides = array<i32>} : memref<5632xi32, #tpu.memory_space<vmem>>, vector<16xi32>,
    %swap3A_2134 = vector.shape_cast %swap3A_2133 : vector<16xi32> to vector<16xi32>
    %swap3A_2135 = vector.shape_cast %add3A_2131 : vector<16xi32> to vector<16xi32>
    tpu.vector_store %arg6[%swap3A_2132], %swap3A_2135 {strides = array<i32>} : memref<5632xi32, #tpu.memory_space<vmem>>, vector<16xi32>,
    %get3A_2136 = arith.constant 288 : index
    %get3A_2137 = tpu.vector_load %arg5[%get3A_2136] {strides = array<i32>} : memref<512xi32, #tpu.memory_space<vmem>>, vector<16xi32>,
    %get3A_2138 = vector.shape_cast %get3A_2137 : vector<16xi32> to vector<16xi32>
    %add3A_2139 = arith.constant 600000 : i32
    %add3A_2140 = vector.broadcast %add3A_2139 : i32 to vector<16xi32>
    %add3A_2141 = arith.addi %get3A_2138, %add3A_2140 : vector<16xi32>
    %swap3A_2142 = arith.constant 3360 : index
    %swap3A_2143 = tpu.vector_load %arg6[%swap3A_2142] {strides = array<i32>} : memref<5632xi32, #tpu.memory_space<vmem>>, vector<16xi32>,
    %swap3A_2144 = vector.shape_cast %swap3A_2143 : vector<16xi32> to vector<16xi32>
    %swap3A_2145 = vector.shape_cast %add3A_2141 : vector<16xi32> to vector<16xi32>
    tpu.vector_store %arg6[%swap3A_2142], %swap3A_2145 {strides = array<i32>} : memref<5632xi32, #tpu.memory_space<vmem>>, vector<16xi32>,
    %get3A_2146 = arith.constant 304 : index
    %get3A_2147 = tpu.vector_load %arg5[%get3A_2146] {strides = array<i32>} : memref<512xi32, #tpu.memory_space<vmem>>, vector<16xi32>,
    %get3A_2148 = vector.shape_cast %get3A_2147 : vector<16xi32> to vector<16xi32>
    %add3A_2149 = arith.constant 600000 : i32
    %add3A_2150 = vector.broadcast %add3A_2149 : i32 to vector<16xi32>
    %add3A_2151 = arith.addi %get3A_2148, %add3A_2150 : vector<16xi32>
    %swap3A_2152 = arith.constant 3376 : index
    %swap3A_2153 = tpu.vector_load %arg6[%swap3A_2152] {strides = array<i32>} : memref<5632xi32, #tpu.memory_space<vmem>>, vector<16xi32>,
    %swap3A_2154 = vector.shape_cast %swap3A_2153 : vector<16xi32> to vector<16xi32>
    %swap3A_2155 = vector.shape_cast %add3A_2151 : vector<16xi32> to vector<16xi32>
    tpu.vector_store %arg6[%swap3A_2152], %swap3A_2155 {strides = array<i32>} : memref<5632xi32, #tpu.memory_space<vmem>>, vector<16xi32>,
    %get3A_2156 = arith.constant 320 : index
    %get3A_2157 = tpu.vector_load %arg5[%get3A_2156] {strides = array<i32>} : memref<512xi32, #tpu.memory_space<vmem>>, vector<16xi32>,
    %get3A_2158 = vector.shape_cast %get3A_2157 : vector<16xi32> to vector<16xi32>
    %add3A_2159 = arith.constant 600000 : i32
    %add3A_2160 = vector.broadcast %add3A_2159 : i32 to vector<16xi32>
    %add3A_2161 = arith.addi %get3A_2158, %add3A_2160 : vector<16xi32>
    %swap3A_2162 = arith.constant 3392 : index
    %swap3A_2163 = tpu.vector_load %arg6[%swap3A_2162] {strides = array<i32>} : memref<5632xi32, #tpu.memory_space<vmem>>, vector<16xi32>,
    %swap3A_2164 = vector.shape_cast %swap3A_2163 : vector<16xi32> to vector<16xi32>
    %swap3A_2165 = vector.shape_cast %add3A_2161 : vector<16xi32> to vector<16xi32>
    tpu.vector_store %arg6[%swap3A_2162], %swap3A_2165 {strides = array<i32>} : memref<5632xi32, #tpu.memory_space<vmem>>, vector<16xi32>,
    %get3A_2166 = arith.constant 336 : index
    %get3A_2167 = tpu.vector_load %arg5[%get3A_2166] {strides = array<i32>} : memref<512xi32, #tpu.memory_space<vmem>>, vector<16xi32>,
    %get3A_2168 = vector.shape_cast %get3A_2167 : vector<16xi32> to vector<16xi32>
    %add3A_2169 = arith.constant 600000 : i32
    %add3A_2170 = vector.broadcast %add3A_2169 : i32 to vector<16xi32>
    %add3A_2171 = arith.addi %get3A_2168, %add3A_2170 : vector<16xi32>
    %swap3A_2172 = arith.constant 3408 : index
    %swap3A_2173 = tpu.vector_load %arg6[%swap3A_2172] {strides = array<i32>} : memref<5632xi32, #tpu.memory_space<vmem>>, vector<16xi32>,
    %swap3A_2174 = vector.shape_cast %swap3A_2173 : vector<16xi32> to vector<16xi32>
    %swap3A_2175 = vector.shape_cast %add3A_2171 : vector<16xi32> to vector<16xi32>
    tpu.vector_store %arg6[%swap3A_2172], %swap3A_2175 {strides = array<i32>} : memref<5632xi32, #tpu.memory_space<vmem>>, vector<16xi32>,
    %get3A_2176 = arith.constant 352 : index
    %get3A_2177 = tpu.vector_load %arg5[%get3A_2176] {strides = array<i32>} : memref<512xi32, #tpu.memory_space<vmem>>, vector<16xi32>,
    %get3A_2178 = vector.shape_cast %get3A_2177 : vector<16xi32> to vector<16xi32>
    %add3A_2179 = arith.constant 600000 : i32
    %add3A_2180 = vector.broadcast %add3A_2179 : i32 to vector<16xi32>
    %add3A_2181 = arith.addi %get3A_2178, %add3A_2180 : vector<16xi32>
    %swap3A_2182 = arith.constant 3424 : index
    %swap3A_2183 = tpu.vector_load %arg6[%swap3A_2182] {strides = array<i32>} : memref<5632xi32, #tpu.memory_space<vmem>>, vector<16xi32>,
    %swap3A_2184 = vector.shape_cast %swap3A_2183 : vector<16xi32> to vector<16xi32>
    %swap3A_2185 = vector.shape_cast %add3A_2181 : vector<16xi32> to vector<16xi32>
    tpu.vector_store %arg6[%swap3A_2182], %swap3A_2185 {strides = array<i32>} : memref<5632xi32, #tpu.memory_space<vmem>>, vector<16xi32>,
    %get3A_2186 = arith.constant 368 : index
    %get3A_2187 = tpu.vector_load %arg5[%get3A_2186] {strides = array<i32>} : memref<512xi32, #tpu.memory_space<vmem>>, vector<16xi32>,
    %get3A_2188 = vector.shape_cast %get3A_2187 : vector<16xi32> to vector<16xi32>
    %add3A_2189 = arith.constant 600000 : i32
    %add3A_2190 = vector.broadcast %add3A_2189 : i32 to vector<16xi32>
    %add3A_2191 = arith.addi %get3A_2188, %add3A_2190 : vector<16xi32>
    %swap3A_2192 = arith.constant 3440 : index
    %swap3A_2193 = tpu.vector_load %arg6[%swap3A_2192] {strides = array<i32>} : memref<5632xi32, #tpu.memory_space<vmem>>, vector<16xi32>,
    %swap3A_2194 = vector.shape_cast %swap3A_2193 : vector<16xi32> to vector<16xi32>
    %swap3A_2195 = vector.shape_cast %add3A_2191 : vector<16xi32> to vector<16xi32>
    tpu.vector_store %arg6[%swap3A_2192], %swap3A_2195 {strides = array<i32>} : memref<5632xi32, #tpu.memory_space<vmem>>, vector<16xi32>,
    %get3A_2196 = arith.constant 384 : index
    %get3A_2197 = tpu.vector_load %arg5[%get3A_2196] {strides = array<i32>} : memref<512xi32, #tpu.memory_space<vmem>>, vector<16xi32>,
    %get3A_2198 = vector.shape_cast %get3A_2197 : vector<16xi32> to vector<16xi32>
    %add3A_2199 = arith.constant 600000 : i32
    %add3A_2200 = vector.broadcast %add3A_2199 : i32 to vector<16xi32>
    %add3A_2201 = arith.addi %get3A_2198, %add3A_2200 : vector<16xi32>
    %swap3A_2202 = arith.constant 3456 : index
    %swap3A_2203 = tpu.vector_load %arg6[%swap3A_2202] {strides = array<i32>} : memref<5632xi32, #tpu.memory_space<vmem>>, vector<16xi32>,
    %swap3A_2204 = vector.shape_cast %swap3A_2203 : vector<16xi32> to vector<16xi32>
    %swap3A_2205 = vector.shape_cast %add3A_2201 : vector<16xi32> to vector<16xi32>
    tpu.vector_store %arg6[%swap3A_2202], %swap3A_2205 {strides = array<i32>} : memref<5632xi32, #tpu.memory_space<vmem>>, vector<16xi32>,
    %get3A_2206 = arith.constant 400 : index
    %get3A_2207 = tpu.vector_load %arg5[%get3A_2206] {strides = array<i32>} : memref<512xi32, #tpu.memory_space<vmem>>, vector<16xi32>,
    %get3A_2208 = vector.shape_cast %get3A_2207 : vector<16xi32> to vector<16xi32>
    %add3A_2209 = arith.constant 600000 : i32
    %add3A_2210 = vector.broadcast %add3A_2209 : i32 to vector<16xi32>
    %add3A_2211 = arith.addi %get3A_2208, %add3A_2210 : vector<16xi32>
    %swap3A_2212 = arith.constant 3472 : index
    %swap3A_2213 = tpu.vector_load %arg6[%swap3A_2212] {strides = array<i32>} : memref<5632xi32, #tpu.memory_space<vmem>>, vector<16xi32>,
    %swap3A_2214 = vector.shape_cast %swap3A_2213 : vector<16xi32> to vector<16xi32>
    %swap3A_2215 = vector.shape_cast %add3A_2211 : vector<16xi32> to vector<16xi32>
    tpu.vector_store %arg6[%swap3A_2212], %swap3A_2215 {strides = array<i32>} : memref<5632xi32, #tpu.memory_space<vmem>>, vector<16xi32>,
    %get3A_2216 = arith.constant 416 : index
    %get3A_2217 = tpu.vector_load %arg5[%get3A_2216] {strides = array<i32>} : memref<512xi32, #tpu.memory_space<vmem>>, vector<16xi32>,
    %get3A_2218 = vector.shape_cast %get3A_2217 : vector<16xi32> to vector<16xi32>
    %add3A_2219 = arith.constant 600000 : i32
    %add3A_2220 = vector.broadcast %add3A_2219 : i32 to vector<16xi32>
    %add3A_2221 = arith.addi %get3A_2218, %add3A_2220 : vector<16xi32>
    %swap3A_2222 = arith.constant 3488 : index
    %swap3A_2223 = tpu.vector_load %arg6[%swap3A_2222] {strides = array<i32>} : memref<5632xi32, #tpu.memory_space<vmem>>, vector<16xi32>,
    %swap3A_2224 = vector.shape_cast %swap3A_2223 : vector<16xi32> to vector<16xi32>
    %swap3A_2225 = vector.shape_cast %add3A_2221 : vector<16xi32> to vector<16xi32>
    tpu.vector_store %arg6[%swap3A_2222], %swap3A_2225 {strides = array<i32>} : memref<5632xi32, #tpu.memory_space<vmem>>, vector<16xi32>,
    %get3A_2226 = arith.constant 432 : index
    %get3A_2227 = tpu.vector_load %arg5[%get3A_2226] {strides = array<i32>} : memref<512xi32, #tpu.memory_space<vmem>>, vector<16xi32>,
    %get3A_2228 = vector.shape_cast %get3A_2227 : vector<16xi32> to vector<16xi32>
    %add3A_2229 = arith.constant 600000 : i32
    %add3A_2230 = vector.broadcast %add3A_2229 : i32 to vector<16xi32>
    %add3A_2231 = arith.addi %get3A_2228, %add3A_2230 : vector<16xi32>
    %swap3A_2232 = arith.constant 3504 : index
    %swap3A_2233 = tpu.vector_load %arg6[%swap3A_2232] {strides = array<i32>} : memref<5632xi32, #tpu.memory_space<vmem>>, vector<16xi32>,
    %swap3A_2234 = vector.shape_cast %swap3A_2233 : vector<16xi32> to vector<16xi32>
    %swap3A_2235 = vector.shape_cast %add3A_2231 : vector<16xi32> to vector<16xi32>
    tpu.vector_store %arg6[%swap3A_2232], %swap3A_2235 {strides = array<i32>} : memref<5632xi32, #tpu.memory_space<vmem>>, vector<16xi32>,
    %get3A_2236 = arith.constant 448 : index
    %get3A_2237 = tpu.vector_load %arg5[%get3A_2236] {strides = array<i32>} : memref<512xi32, #tpu.memory_space<vmem>>, vector<16xi32>,
    %get3A_2238 = vector.shape_cast %get3A_2237 : vector<16xi32> to vector<16xi32>
    %add3A_2239 = arith.constant 600000 : i32
    %add3A_2240 = vector.broadcast %add3A_2239 : i32 to vector<16xi32>
    %add3A_2241 = arith.addi %get3A_2238, %add3A_2240 : vector<16xi32>
    %swap3A_2242 = arith.constant 3520 : index
    %swap3A_2243 = tpu.vector_load %arg6[%swap3A_2242] {strides = array<i32>} : memref<5632xi32, #tpu.memory_space<vmem>>, vector<16xi32>,
    %swap3A_2244 = vector.shape_cast %swap3A_2243 : vector<16xi32> to vector<16xi32>
    %swap3A_2245 = vector.shape_cast %add3A_2241 : vector<16xi32> to vector<16xi32>
    tpu.vector_store %arg6[%swap3A_2242], %swap3A_2245 {strides = array<i32>} : memref<5632xi32, #tpu.memory_space<vmem>>, vector<16xi32>,
    %get3A_2246 = arith.constant 464 : index
    %get3A_2247 = tpu.vector_load %arg5[%get3A_2246] {strides = array<i32>} : memref<512xi32, #tpu.memory_space<vmem>>, vector<16xi32>,
    %get3A_2248 = vector.shape_cast %get3A_2247 : vector<16xi32> to vector<16xi32>
    %add3A_2249 = arith.constant 600000 : i32
    %add3A_2250 = vector.broadcast %add3A_2249 : i32 to vector<16xi32>
    %add3A_2251 = arith.addi %get3A_2248, %add3A_2250 : vector<16xi32>
    %swap3A_2252 = arith.constant 3536 : index
    %swap3A_2253 = tpu.vector_load %arg6[%swap3A_2252] {strides = array<i32>} : memref<5632xi32, #tpu.memory_space<vmem>>, vector<16xi32>,
    %swap3A_2254 = vector.shape_cast %swap3A_2253 : vector<16xi32> to vector<16xi32>
    %swap3A_2255 = vector.shape_cast %add3A_2251 : vector<16xi32> to vector<16xi32>
    tpu.vector_store %arg6[%swap3A_2252], %swap3A_2255 {strides = array<i32>} : memref<5632xi32, #tpu.memory_space<vmem>>, vector<16xi32>,
    %get3A_2256 = arith.constant 480 : index
    %get3A_2257 = tpu.vector_load %arg5[%get3A_2256] {strides = array<i32>} : memref<512xi32, #tpu.memory_space<vmem>>, vector<16xi32>,
    %get3A_2258 = vector.shape_cast %get3A_2257 : vector<16xi32> to vector<16xi32>
    %add3A_2259 = arith.constant 600000 : i32
    %add3A_2260 = vector.broadcast %add3A_2259 : i32 to vector<16xi32>
    %add3A_2261 = arith.addi %get3A_2258, %add3A_2260 : vector<16xi32>
    %swap3A_2262 = arith.constant 3552 : index
    %swap3A_2263 = tpu.vector_load %arg6[%swap3A_2262] {strides = array<i32>} : memref<5632xi32, #tpu.memory_space<vmem>>, vector<16xi32>,
    %swap3A_2264 = vector.shape_cast %swap3A_2263 : vector<16xi32> to vector<16xi32>
    %swap3A_2265 = vector.shape_cast %add3A_2261 : vector<16xi32> to vector<16xi32>
    tpu.vector_store %arg6[%swap3A_2262], %swap3A_2265 {strides = array<i32>} : memref<5632xi32, #tpu.memory_space<vmem>>, vector<16xi32>,
    %get3A_2266 = arith.constant 496 : index
    %get3A_2267 = tpu.vector_load %arg5[%get3A_2266] {strides = array<i32>} : memref<512xi32, #tpu.memory_space<vmem>>, vector<16xi32>,
    %get3A_2268 = vector.shape_cast %get3A_2267 : vector<16xi32> to vector<16xi32>
    %add3A_2269 = arith.constant 600000 : i32
    %add3A_2270 = vector.broadcast %add3A_2269 : i32 to vector<16xi32>
    %add3A_2271 = arith.addi %get3A_2268, %add3A_2270 : vector<16xi32>
    %swap3A_2272 = arith.constant 3568 : index
    %swap3A_2273 = tpu.vector_load %arg6[%swap3A_2272] {strides = array<i32>} : memref<5632xi32, #tpu.memory_space<vmem>>, vector<16xi32>,
    %swap3A_2274 = vector.shape_cast %swap3A_2273 : vector<16xi32> to vector<16xi32>
    %swap3A_2275 = vector.shape_cast %add3A_2271 : vector<16xi32> to vector<16xi32>
    tpu.vector_store %arg6[%swap3A_2272], %swap3A_2275 {strides = array<i32>} : memref<5632xi32, #tpu.memory_space<vmem>>, vector<16xi32>,
    %dma_start3A_2276 = arith.constant 3072 : i32
    %dma_start3A_2277 = tpu.memref_slice %arg7[%dma_start3A_2276] : memref<5632xf32, #tpu.memory_space<vmem>> -> memref<512xf32, #tpu.memory_space<vmem>>
    %dma_start3A_2278 = arith.constant 3072 : i32
    %dma_start3A_2279 = tpu.memref_slice %arg6[%dma_start3A_2278] : memref<5632xi32, #tpu.memory_space<vmem>> -> memref<512xi32, #tpu.memory_space<vmem>>
    %dma_start3A_2280 = arith.constant 0 : i32
    %dma_start3A_2281 = tpu.memref_slice %arg3[%dma_start3A_2280] : memref<1100000xf32, #tpu.memory_space<hbm>> -> memref<1100000xf32, #tpu.memory_space<hbm>>
    tpu.enqueue_indirect_dma source(%dma_start3A_2281 : memref<1100000xf32, #tpu.memory_space<hbm>>) target(%dma_start3A_2277 : memref<512xf32, #tpu.memory_space<vmem>>) offsets(%dma_start3A_2279 : memref<512xi32, #tpu.memory_space<vmem>>) semaphore(%arg8 : memref<!tpu.dma_semaphore, #tpu.memory_space<semaphore_mem>>)
    %get3A_2282 = arith.constant 0 : index
    %get3A_2283 = tpu.vector_load %arg5[%get3A_2282] {strides = array<i32>} : memref<512xi32, #tpu.memory_space<vmem>>, vector<16xi32>,
    %get3A_2284 = vector.shape_cast %get3A_2283 : vector<16xi32> to vector<16xi32>
    %add3A_2285 = arith.constant 700000 : i32
    %add3A_2286 = vector.broadcast %add3A_2285 : i32 to vector<16xi32>
    %add3A_2287 = arith.addi %get3A_2284, %add3A_2286 : vector<16xi32>
    %swap3A_2288 = arith.constant 3584 : index
    %swap3A_2289 = tpu.vector_load %arg6[%swap3A_2288] {strides = array<i32>} : memref<5632xi32, #tpu.memory_space<vmem>>, vector<16xi32>,
    %swap3A_2290 = vector.shape_cast %swap3A_2289 : vector<16xi32> to vector<16xi32>
    %swap3A_2291 = vector.shape_cast %add3A_2287 : vector<16xi32> to vector<16xi32>
    tpu.vector_store %arg6[%swap3A_2288], %swap3A_2291 {strides = array<i32>} : memref<5632xi32, #tpu.memory_space<vmem>>, vector<16xi32>,
    %get3A_2292 = arith.constant 16 : index
    %get3A_2293 = tpu.vector_load %arg5[%get3A_2292] {strides = array<i32>} : memref<512xi32, #tpu.memory_space<vmem>>, vector<16xi32>,
    %get3A_2294 = vector.shape_cast %get3A_2293 : vector<16xi32> to vector<16xi32>
    %add3A_2295 = arith.constant 700000 : i32
    %add3A_2296 = vector.broadcast %add3A_2295 : i32 to vector<16xi32>
    %add3A_2297 = arith.addi %get3A_2294, %add3A_2296 : vector<16xi32>
    %swap3A_2298 = arith.constant 3600 : index
    %swap3A_2299 = tpu.vector_load %arg6[%swap3A_2298] {strides = array<i32>} : memref<5632xi32, #tpu.memory_space<vmem>>, vector<16xi32>,
    %swap3A_2300 = vector.shape_cast %swap3A_2299 : vector<16xi32> to vector<16xi32>
    %swap3A_2301 = vector.shape_cast %add3A_2297 : vector<16xi32> to vector<16xi32>
    tpu.vector_store %arg6[%swap3A_2298], %swap3A_2301 {strides = array<i32>} : memref<5632xi32, #tpu.memory_space<vmem>>, vector<16xi32>,
    %get3A_2302 = arith.constant 32 : index
    %get3A_2303 = tpu.vector_load %arg5[%get3A_2302] {strides = array<i32>} : memref<512xi32, #tpu.memory_space<vmem>>, vector<16xi32>,
    %get3A_2304 = vector.shape_cast %get3A_2303 : vector<16xi32> to vector<16xi32>
    %add3A_2305 = arith.constant 700000 : i32
    %add3A_2306 = vector.broadcast %add3A_2305 : i32 to vector<16xi32>
    %add3A_2307 = arith.addi %get3A_2304, %add3A_2306 : vector<16xi32>
    %swap3A_2308 = arith.constant 3616 : index
    %swap3A_2309 = tpu.vector_load %arg6[%swap3A_2308] {strides = array<i32>} : memref<5632xi32, #tpu.memory_space<vmem>>, vector<16xi32>,
    %swap3A_2310 = vector.shape_cast %swap3A_2309 : vector<16xi32> to vector<16xi32>
    %swap3A_2311 = vector.shape_cast %add3A_2307 : vector<16xi32> to vector<16xi32>
    tpu.vector_store %arg6[%swap3A_2308], %swap3A_2311 {strides = array<i32>} : memref<5632xi32, #tpu.memory_space<vmem>>, vector<16xi32>,
    %get3A_2312 = arith.constant 48 : index
    %get3A_2313 = tpu.vector_load %arg5[%get3A_2312] {strides = array<i32>} : memref<512xi32, #tpu.memory_space<vmem>>, vector<16xi32>,
    %get3A_2314 = vector.shape_cast %get3A_2313 : vector<16xi32> to vector<16xi32>
    %add3A_2315 = arith.constant 700000 : i32
    %add3A_2316 = vector.broadcast %add3A_2315 : i32 to vector<16xi32>
    %add3A_2317 = arith.addi %get3A_2314, %add3A_2316 : vector<16xi32>
    %swap3A_2318 = arith.constant 3632 : index
    %swap3A_2319 = tpu.vector_load %arg6[%swap3A_2318] {strides = array<i32>} : memref<5632xi32, #tpu.memory_space<vmem>>, vector<16xi32>,
    %swap3A_2320 = vector.shape_cast %swap3A_2319 : vector<16xi32> to vector<16xi32>
    %swap3A_2321 = vector.shape_cast %add3A_2317 : vector<16xi32> to vector<16xi32>
    tpu.vector_store %arg6[%swap3A_2318], %swap3A_2321 {strides = array<i32>} : memref<5632xi32, #tpu.memory_space<vmem>>, vector<16xi32>,
    %get3A_2322 = arith.constant 64 : index
    %get3A_2323 = tpu.vector_load %arg5[%get3A_2322] {strides = array<i32>} : memref<512xi32, #tpu.memory_space<vmem>>, vector<16xi32>,
    %get3A_2324 = vector.shape_cast %get3A_2323 : vector<16xi32> to vector<16xi32>
    %add3A_2325 = arith.constant 700000 : i32
    %add3A_2326 = vector.broadcast %add3A_2325 : i32 to vector<16xi32>
    %add3A_2327 = arith.addi %get3A_2324, %add3A_2326 : vector<16xi32>
    %swap3A_2328 = arith.constant 3648 : index
    %swap3A_2329 = tpu.vector_load %arg6[%swap3A_2328] {strides = array<i32>} : memref<5632xi32, #tpu.memory_space<vmem>>, vector<16xi32>,
    %swap3A_2330 = vector.shape_cast %swap3A_2329 : vector<16xi32> to vector<16xi32>
    %swap3A_2331 = vector.shape_cast %add3A_2327 : vector<16xi32> to vector<16xi32>
    tpu.vector_store %arg6[%swap3A_2328], %swap3A_2331 {strides = array<i32>} : memref<5632xi32, #tpu.memory_space<vmem>>, vector<16xi32>,
    %get3A_2332 = arith.constant 80 : index
    %get3A_2333 = tpu.vector_load %arg5[%get3A_2332] {strides = array<i32>} : memref<512xi32, #tpu.memory_space<vmem>>, vector<16xi32>,
    %get3A_2334 = vector.shape_cast %get3A_2333 : vector<16xi32> to vector<16xi32>
    %add3A_2335 = arith.constant 700000 : i32
    %add3A_2336 = vector.broadcast %add3A_2335 : i32 to vector<16xi32>
    %add3A_2337 = arith.addi %get3A_2334, %add3A_2336 : vector<16xi32>
    %swap3A_2338 = arith.constant 3664 : index
    %swap3A_2339 = tpu.vector_load %arg6[%swap3A_2338] {strides = array<i32>} : memref<5632xi32, #tpu.memory_space<vmem>>, vector<16xi32>,
    %swap3A_2340 = vector.shape_cast %swap3A_2339 : vector<16xi32> to vector<16xi32>
    %swap3A_2341 = vector.shape_cast %add3A_2337 : vector<16xi32> to vector<16xi32>
    tpu.vector_store %arg6[%swap3A_2338], %swap3A_2341 {strides = array<i32>} : memref<5632xi32, #tpu.memory_space<vmem>>, vector<16xi32>,
    %get3A_2342 = arith.constant 96 : index
    %get3A_2343 = tpu.vector_load %arg5[%get3A_2342] {strides = array<i32>} : memref<512xi32, #tpu.memory_space<vmem>>, vector<16xi32>,
    %get3A_2344 = vector.shape_cast %get3A_2343 : vector<16xi32> to vector<16xi32>
    %add3A_2345 = arith.constant 700000 : i32
    %add3A_2346 = vector.broadcast %add3A_2345 : i32 to vector<16xi32>
    %add3A_2347 = arith.addi %get3A_2344, %add3A_2346 : vector<16xi32>
    %swap3A_2348 = arith.constant 3680 : index
    %swap3A_2349 = tpu.vector_load %arg6[%swap3A_2348] {strides = array<i32>} : memref<5632xi32, #tpu.memory_space<vmem>>, vector<16xi32>,
    %swap3A_2350 = vector.shape_cast %swap3A_2349 : vector<16xi32> to vector<16xi32>
    %swap3A_2351 = vector.shape_cast %add3A_2347 : vector<16xi32> to vector<16xi32>
    tpu.vector_store %arg6[%swap3A_2348], %swap3A_2351 {strides = array<i32>} : memref<5632xi32, #tpu.memory_space<vmem>>, vector<16xi32>,
    %get3A_2352 = arith.constant 112 : index
    %get3A_2353 = tpu.vector_load %arg5[%get3A_2352] {strides = array<i32>} : memref<512xi32, #tpu.memory_space<vmem>>, vector<16xi32>,
    %get3A_2354 = vector.shape_cast %get3A_2353 : vector<16xi32> to vector<16xi32>
    %add3A_2355 = arith.constant 700000 : i32
    %add3A_2356 = vector.broadcast %add3A_2355 : i32 to vector<16xi32>
    %add3A_2357 = arith.addi %get3A_2354, %add3A_2356 : vector<16xi32>
    %swap3A_2358 = arith.constant 3696 : index
    %swap3A_2359 = tpu.vector_load %arg6[%swap3A_2358] {strides = array<i32>} : memref<5632xi32, #tpu.memory_space<vmem>>, vector<16xi32>,
    %swap3A_2360 = vector.shape_cast %swap3A_2359 : vector<16xi32> to vector<16xi32>
    %swap3A_2361 = vector.shape_cast %add3A_2357 : vector<16xi32> to vector<16xi32>
    tpu.vector_store %arg6[%swap3A_2358], %swap3A_2361 {strides = array<i32>} : memref<5632xi32, #tpu.memory_space<vmem>>, vector<16xi32>,
    %get3A_2362 = arith.constant 128 : index
    %get3A_2363 = tpu.vector_load %arg5[%get3A_2362] {strides = array<i32>} : memref<512xi32, #tpu.memory_space<vmem>>, vector<16xi32>,
    %get3A_2364 = vector.shape_cast %get3A_2363 : vector<16xi32> to vector<16xi32>
    %add3A_2365 = arith.constant 700000 : i32
    %add3A_2366 = vector.broadcast %add3A_2365 : i32 to vector<16xi32>
    %add3A_2367 = arith.addi %get3A_2364, %add3A_2366 : vector<16xi32>
    %swap3A_2368 = arith.constant 3712 : index
    %swap3A_2369 = tpu.vector_load %arg6[%swap3A_2368] {strides = array<i32>} : memref<5632xi32, #tpu.memory_space<vmem>>, vector<16xi32>,
    %swap3A_2370 = vector.shape_cast %swap3A_2369 : vector<16xi32> to vector<16xi32>
    %swap3A_2371 = vector.shape_cast %add3A_2367 : vector<16xi32> to vector<16xi32>
    tpu.vector_store %arg6[%swap3A_2368], %swap3A_2371 {strides = array<i32>} : memref<5632xi32, #tpu.memory_space<vmem>>, vector<16xi32>,
    %get3A_2372 = arith.constant 144 : index
    %get3A_2373 = tpu.vector_load %arg5[%get3A_2372] {strides = array<i32>} : memref<512xi32, #tpu.memory_space<vmem>>, vector<16xi32>,
    %get3A_2374 = vector.shape_cast %get3A_2373 : vector<16xi32> to vector<16xi32>
    %add3A_2375 = arith.constant 700000 : i32
    %add3A_2376 = vector.broadcast %add3A_2375 : i32 to vector<16xi32>
    %add3A_2377 = arith.addi %get3A_2374, %add3A_2376 : vector<16xi32>
    %swap3A_2378 = arith.constant 3728 : index
    %swap3A_2379 = tpu.vector_load %arg6[%swap3A_2378] {strides = array<i32>} : memref<5632xi32, #tpu.memory_space<vmem>>, vector<16xi32>,
    %swap3A_2380 = vector.shape_cast %swap3A_2379 : vector<16xi32> to vector<16xi32>
    %swap3A_2381 = vector.shape_cast %add3A_2377 : vector<16xi32> to vector<16xi32>
    tpu.vector_store %arg6[%swap3A_2378], %swap3A_2381 {strides = array<i32>} : memref<5632xi32, #tpu.memory_space<vmem>>, vector<16xi32>,
    %get3A_2382 = arith.constant 160 : index
    %get3A_2383 = tpu.vector_load %arg5[%get3A_2382] {strides = array<i32>} : memref<512xi32, #tpu.memory_space<vmem>>, vector<16xi32>,
    %get3A_2384 = vector.shape_cast %get3A_2383 : vector<16xi32> to vector<16xi32>
    %add3A_2385 = arith.constant 700000 : i32
    %add3A_2386 = vector.broadcast %add3A_2385 : i32 to vector<16xi32>
    %add3A_2387 = arith.addi %get3A_2384, %add3A_2386 : vector<16xi32>
    %swap3A_2388 = arith.constant 3744 : index
    %swap3A_2389 = tpu.vector_load %arg6[%swap3A_2388] {strides = array<i32>} : memref<5632xi32, #tpu.memory_space<vmem>>, vector<16xi32>,
    %swap3A_2390 = vector.shape_cast %swap3A_2389 : vector<16xi32> to vector<16xi32>
    %swap3A_2391 = vector.shape_cast %add3A_2387 : vector<16xi32> to vector<16xi32>
    tpu.vector_store %arg6[%swap3A_2388], %swap3A_2391 {strides = array<i32>} : memref<5632xi32, #tpu.memory_space<vmem>>, vector<16xi32>,
    %get3A_2392 = arith.constant 176 : index
    %get3A_2393 = tpu.vector_load %arg5[%get3A_2392] {strides = array<i32>} : memref<512xi32, #tpu.memory_space<vmem>>, vector<16xi32>,
    %get3A_2394 = vector.shape_cast %get3A_2393 : vector<16xi32> to vector<16xi32>
    %add3A_2395 = arith.constant 700000 : i32
    %add3A_2396 = vector.broadcast %add3A_2395 : i32 to vector<16xi32>
    %add3A_2397 = arith.addi %get3A_2394, %add3A_2396 : vector<16xi32>
    %swap3A_2398 = arith.constant 3760 : index
    %swap3A_2399 = tpu.vector_load %arg6[%swap3A_2398] {strides = array<i32>} : memref<5632xi32, #tpu.memory_space<vmem>>, vector<16xi32>,
    %swap3A_2400 = vector.shape_cast %swap3A_2399 : vector<16xi32> to vector<16xi32>
    %swap3A_2401 = vector.shape_cast %add3A_2397 : vector<16xi32> to vector<16xi32>
    tpu.vector_store %arg6[%swap3A_2398], %swap3A_2401 {strides = array<i32>} : memref<5632xi32, #tpu.memory_space<vmem>>, vector<16xi32>,
    %get3A_2402 = arith.constant 192 : index
    %get3A_2403 = tpu.vector_load %arg5[%get3A_2402] {strides = array<i32>} : memref<512xi32, #tpu.memory_space<vmem>>, vector<16xi32>,
    %get3A_2404 = vector.shape_cast %get3A_2403 : vector<16xi32> to vector<16xi32>
    %add3A_2405 = arith.constant 700000 : i32
    %add3A_2406 = vector.broadcast %add3A_2405 : i32 to vector<16xi32>
    %add3A_2407 = arith.addi %get3A_2404, %add3A_2406 : vector<16xi32>
    %swap3A_2408 = arith.constant 3776 : index
    %swap3A_2409 = tpu.vector_load %arg6[%swap3A_2408] {strides = array<i32>} : memref<5632xi32, #tpu.memory_space<vmem>>, vector<16xi32>,
    %swap3A_2410 = vector.shape_cast %swap3A_2409 : vector<16xi32> to vector<16xi32>
    %swap3A_2411 = vector.shape_cast %add3A_2407 : vector<16xi32> to vector<16xi32>
    tpu.vector_store %arg6[%swap3A_2408], %swap3A_2411 {strides = array<i32>} : memref<5632xi32, #tpu.memory_space<vmem>>, vector<16xi32>,
    %get3A_2412 = arith.constant 208 : index
    %get3A_2413 = tpu.vector_load %arg5[%get3A_2412] {strides = array<i32>} : memref<512xi32, #tpu.memory_space<vmem>>, vector<16xi32>,
    %get3A_2414 = vector.shape_cast %get3A_2413 : vector<16xi32> to vector<16xi32>
    %add3A_2415 = arith.constant 700000 : i32
    %add3A_2416 = vector.broadcast %add3A_2415 : i32 to vector<16xi32>
    %add3A_2417 = arith.addi %get3A_2414, %add3A_2416 : vector<16xi32>
    %swap3A_2418 = arith.constant 3792 : index
    %swap3A_2419 = tpu.vector_load %arg6[%swap3A_2418] {strides = array<i32>} : memref<5632xi32, #tpu.memory_space<vmem>>, vector<16xi32>,
    %swap3A_2420 = vector.shape_cast %swap3A_2419 : vector<16xi32> to vector<16xi32>
    %swap3A_2421 = vector.shape_cast %add3A_2417 : vector<16xi32> to vector<16xi32>
    tpu.vector_store %arg6[%swap3A_2418], %swap3A_2421 {strides = array<i32>} : memref<5632xi32, #tpu.memory_space<vmem>>, vector<16xi32>,
    %get3A_2422 = arith.constant 224 : index
    %get3A_2423 = tpu.vector_load %arg5[%get3A_2422] {strides = array<i32>} : memref<512xi32, #tpu.memory_space<vmem>>, vector<16xi32>,
    %get3A_2424 = vector.shape_cast %get3A_2423 : vector<16xi32> to vector<16xi32>
    %add3A_2425 = arith.constant 700000 : i32
    %add3A_2426 = vector.broadcast %add3A_2425 : i32 to vector<16xi32>
    %add3A_2427 = arith.addi %get3A_2424, %add3A_2426 : vector<16xi32>
    %swap3A_2428 = arith.constant 3808 : index
    %swap3A_2429 = tpu.vector_load %arg6[%swap3A_2428] {strides = array<i32>} : memref<5632xi32, #tpu.memory_space<vmem>>, vector<16xi32>,
    %swap3A_2430 = vector.shape_cast %swap3A_2429 : vector<16xi32> to vector<16xi32>
    %swap3A_2431 = vector.shape_cast %add3A_2427 : vector<16xi32> to vector<16xi32>
    tpu.vector_store %arg6[%swap3A_2428], %swap3A_2431 {strides = array<i32>} : memref<5632xi32, #tpu.memory_space<vmem>>, vector<16xi32>,
    %get3A_2432 = arith.constant 240 : index
    %get3A_2433 = tpu.vector_load %arg5[%get3A_2432] {strides = array<i32>} : memref<512xi32, #tpu.memory_space<vmem>>, vector<16xi32>,
    %get3A_2434 = vector.shape_cast %get3A_2433 : vector<16xi32> to vector<16xi32>
    %add3A_2435 = arith.constant 700000 : i32
    %add3A_2436 = vector.broadcast %add3A_2435 : i32 to vector<16xi32>
    %add3A_2437 = arith.addi %get3A_2434, %add3A_2436 : vector<16xi32>
    %swap3A_2438 = arith.constant 3824 : index
    %swap3A_2439 = tpu.vector_load %arg6[%swap3A_2438] {strides = array<i32>} : memref<5632xi32, #tpu.memory_space<vmem>>, vector<16xi32>,
    %swap3A_2440 = vector.shape_cast %swap3A_2439 : vector<16xi32> to vector<16xi32>
    %swap3A_2441 = vector.shape_cast %add3A_2437 : vector<16xi32> to vector<16xi32>
    tpu.vector_store %arg6[%swap3A_2438], %swap3A_2441 {strides = array<i32>} : memref<5632xi32, #tpu.memory_space<vmem>>, vector<16xi32>,
    %get3A_2442 = arith.constant 256 : index
    %get3A_2443 = tpu.vector_load %arg5[%get3A_2442] {strides = array<i32>} : memref<512xi32, #tpu.memory_space<vmem>>, vector<16xi32>,
    %get3A_2444 = vector.shape_cast %get3A_2443 : vector<16xi32> to vector<16xi32>
    %add3A_2445 = arith.constant 700000 : i32
    %add3A_2446 = vector.broadcast %add3A_2445 : i32 to vector<16xi32>
    %add3A_2447 = arith.addi %get3A_2444, %add3A_2446 : vector<16xi32>
    %swap3A_2448 = arith.constant 3840 : index
    %swap3A_2449 = tpu.vector_load %arg6[%swap3A_2448] {strides = array<i32>} : memref<5632xi32, #tpu.memory_space<vmem>>, vector<16xi32>,
    %swap3A_2450 = vector.shape_cast %swap3A_2449 : vector<16xi32> to vector<16xi32>
    %swap3A_2451 = vector.shape_cast %add3A_2447 : vector<16xi32> to vector<16xi32>
    tpu.vector_store %arg6[%swap3A_2448], %swap3A_2451 {strides = array<i32>} : memref<5632xi32, #tpu.memory_space<vmem>>, vector<16xi32>,
    %get3A_2452 = arith.constant 272 : index
    %get3A_2453 = tpu.vector_load %arg5[%get3A_2452] {strides = array<i32>} : memref<512xi32, #tpu.memory_space<vmem>>, vector<16xi32>,
    %get3A_2454 = vector.shape_cast %get3A_2453 : vector<16xi32> to vector<16xi32>
    %add3A_2455 = arith.constant 700000 : i32
    %add3A_2456 = vector.broadcast %add3A_2455 : i32 to vector<16xi32>
    %add3A_2457 = arith.addi %get3A_2454, %add3A_2456 : vector<16xi32>
    %swap3A_2458 = arith.constant 3856 : index
    %swap3A_2459 = tpu.vector_load %arg6[%swap3A_2458] {strides = array<i32>} : memref<5632xi32, #tpu.memory_space<vmem>>, vector<16xi32>,
    %swap3A_2460 = vector.shape_cast %swap3A_2459 : vector<16xi32> to vector<16xi32>
    %swap3A_2461 = vector.shape_cast %add3A_2457 : vector<16xi32> to vector<16xi32>
    tpu.vector_store %arg6[%swap3A_2458], %swap3A_2461 {strides = array<i32>} : memref<5632xi32, #tpu.memory_space<vmem>>, vector<16xi32>,
    %get3A_2462 = arith.constant 288 : index
    %get3A_2463 = tpu.vector_load %arg5[%get3A_2462] {strides = array<i32>} : memref<512xi32, #tpu.memory_space<vmem>>, vector<16xi32>,
    %get3A_2464 = vector.shape_cast %get3A_2463 : vector<16xi32> to vector<16xi32>
    %add3A_2465 = arith.constant 700000 : i32
    %add3A_2466 = vector.broadcast %add3A_2465 : i32 to vector<16xi32>
    %add3A_2467 = arith.addi %get3A_2464, %add3A_2466 : vector<16xi32>
    %swap3A_2468 = arith.constant 3872 : index
    %swap3A_2469 = tpu.vector_load %arg6[%swap3A_2468] {strides = array<i32>} : memref<5632xi32, #tpu.memory_space<vmem>>, vector<16xi32>,
    %swap3A_2470 = vector.shape_cast %swap3A_2469 : vector<16xi32> to vector<16xi32>
    %swap3A_2471 = vector.shape_cast %add3A_2467 : vector<16xi32> to vector<16xi32>
    tpu.vector_store %arg6[%swap3A_2468], %swap3A_2471 {strides = array<i32>} : memref<5632xi32, #tpu.memory_space<vmem>>, vector<16xi32>,
    %get3A_2472 = arith.constant 304 : index
    %get3A_2473 = tpu.vector_load %arg5[%get3A_2472] {strides = array<i32>} : memref<512xi32, #tpu.memory_space<vmem>>, vector<16xi32>,
    %get3A_2474 = vector.shape_cast %get3A_2473 : vector<16xi32> to vector<16xi32>
    %add3A_2475 = arith.constant 700000 : i32
    %add3A_2476 = vector.broadcast %add3A_2475 : i32 to vector<16xi32>
    %add3A_2477 = arith.addi %get3A_2474, %add3A_2476 : vector<16xi32>
    %swap3A_2478 = arith.constant 3888 : index
    %swap3A_2479 = tpu.vector_load %arg6[%swap3A_2478] {strides = array<i32>} : memref<5632xi32, #tpu.memory_space<vmem>>, vector<16xi32>,
    %swap3A_2480 = vector.shape_cast %swap3A_2479 : vector<16xi32> to vector<16xi32>
    %swap3A_2481 = vector.shape_cast %add3A_2477 : vector<16xi32> to vector<16xi32>
    tpu.vector_store %arg6[%swap3A_2478], %swap3A_2481 {strides = array<i32>} : memref<5632xi32, #tpu.memory_space<vmem>>, vector<16xi32>,
    %get3A_2482 = arith.constant 320 : index
    %get3A_2483 = tpu.vector_load %arg5[%get3A_2482] {strides = array<i32>} : memref<512xi32, #tpu.memory_space<vmem>>, vector<16xi32>,
    %get3A_2484 = vector.shape_cast %get3A_2483 : vector<16xi32> to vector<16xi32>
    %add3A_2485 = arith.constant 700000 : i32
    %add3A_2486 = vector.broadcast %add3A_2485 : i32 to vector<16xi32>
    %add3A_2487 = arith.addi %get3A_2484, %add3A_2486 : vector<16xi32>
    %swap3A_2488 = arith.constant 3904 : index
    %swap3A_2489 = tpu.vector_load %arg6[%swap3A_2488] {strides = array<i32>} : memref<5632xi32, #tpu.memory_space<vmem>>, vector<16xi32>,
    %swap3A_2490 = vector.shape_cast %swap3A_2489 : vector<16xi32> to vector<16xi32>
    %swap3A_2491 = vector.shape_cast %add3A_2487 : vector<16xi32> to vector<16xi32>
    tpu.vector_store %arg6[%swap3A_2488], %swap3A_2491 {strides = array<i32>} : memref<5632xi32, #tpu.memory_space<vmem>>, vector<16xi32>,
    %get3A_2492 = arith.constant 336 : index
    %get3A_2493 = tpu.vector_load %arg5[%get3A_2492] {strides = array<i32>} : memref<512xi32, #tpu.memory_space<vmem>>, vector<16xi32>,
    %get3A_2494 = vector.shape_cast %get3A_2493 : vector<16xi32> to vector<16xi32>
    %add3A_2495 = arith.constant 700000 : i32
    %add3A_2496 = vector.broadcast %add3A_2495 : i32 to vector<16xi32>
    %add3A_2497 = arith.addi %get3A_2494, %add3A_2496 : vector<16xi32>
    %swap3A_2498 = arith.constant 3920 : index
    %swap3A_2499 = tpu.vector_load %arg6[%swap3A_2498] {strides = array<i32>} : memref<5632xi32, #tpu.memory_space<vmem>>, vector<16xi32>,
    %swap3A_2500 = vector.shape_cast %swap3A_2499 : vector<16xi32> to vector<16xi32>
    %swap3A_2501 = vector.shape_cast %add3A_2497 : vector<16xi32> to vector<16xi32>
    tpu.vector_store %arg6[%swap3A_2498], %swap3A_2501 {strides = array<i32>} : memref<5632xi32, #tpu.memory_space<vmem>>, vector<16xi32>,
    %get3A_2502 = arith.constant 352 : index
    %get3A_2503 = tpu.vector_load %arg5[%get3A_2502] {strides = array<i32>} : memref<512xi32, #tpu.memory_space<vmem>>, vector<16xi32>,
    %get3A_2504 = vector.shape_cast %get3A_2503 : vector<16xi32> to vector<16xi32>
    %add3A_2505 = arith.constant 700000 : i32
    %add3A_2506 = vector.broadcast %add3A_2505 : i32 to vector<16xi32>
    %add3A_2507 = arith.addi %get3A_2504, %add3A_2506 : vector<16xi32>
    %swap3A_2508 = arith.constant 3936 : index
    %swap3A_2509 = tpu.vector_load %arg6[%swap3A_2508] {strides = array<i32>} : memref<5632xi32, #tpu.memory_space<vmem>>, vector<16xi32>,
    %swap3A_2510 = vector.shape_cast %swap3A_2509 : vector<16xi32> to vector<16xi32>
    %swap3A_2511 = vector.shape_cast %add3A_2507 : vector<16xi32> to vector<16xi32>
    tpu.vector_store %arg6[%swap3A_2508], %swap3A_2511 {strides = array<i32>} : memref<5632xi32, #tpu.memory_space<vmem>>, vector<16xi32>,
    %get3A_2512 = arith.constant 368 : index
    %get3A_2513 = tpu.vector_load %arg5[%get3A_2512] {strides = array<i32>} : memref<512xi32, #tpu.memory_space<vmem>>, vector<16xi32>,
    %get3A_2514 = vector.shape_cast %get3A_2513 : vector<16xi32> to vector<16xi32>
    %add3A_2515 = arith.constant 700000 : i32
    %add3A_2516 = vector.broadcast %add3A_2515 : i32 to vector<16xi32>
    %add3A_2517 = arith.addi %get3A_2514, %add3A_2516 : vector<16xi32>
    %swap3A_2518 = arith.constant 3952 : index
    %swap3A_2519 = tpu.vector_load %arg6[%swap3A_2518] {strides = array<i32>} : memref<5632xi32, #tpu.memory_space<vmem>>, vector<16xi32>,
    %swap3A_2520 = vector.shape_cast %swap3A_2519 : vector<16xi32> to vector<16xi32>
    %swap3A_2521 = vector.shape_cast %add3A_2517 : vector<16xi32> to vector<16xi32>
    tpu.vector_store %arg6[%swap3A_2518], %swap3A_2521 {strides = array<i32>} : memref<5632xi32, #tpu.memory_space<vmem>>, vector<16xi32>,
    %get3A_2522 = arith.constant 384 : index
    %get3A_2523 = tpu.vector_load %arg5[%get3A_2522] {strides = array<i32>} : memref<512xi32, #tpu.memory_space<vmem>>, vector<16xi32>,
    %get3A_2524 = vector.shape_cast %get3A_2523 : vector<16xi32> to vector<16xi32>
    %add3A_2525 = arith.constant 700000 : i32
    %add3A_2526 = vector.broadcast %add3A_2525 : i32 to vector<16xi32>
    %add3A_2527 = arith.addi %get3A_2524, %add3A_2526 : vector<16xi32>
    %swap3A_2528 = arith.constant 3968 : index
    %swap3A_2529 = tpu.vector_load %arg6[%swap3A_2528] {strides = array<i32>} : memref<5632xi32, #tpu.memory_space<vmem>>, vector<16xi32>,
    %swap3A_2530 = vector.shape_cast %swap3A_2529 : vector<16xi32> to vector<16xi32>
    %swap3A_2531 = vector.shape_cast %add3A_2527 : vector<16xi32> to vector<16xi32>
    tpu.vector_store %arg6[%swap3A_2528], %swap3A_2531 {strides = array<i32>} : memref<5632xi32, #tpu.memory_space<vmem>>, vector<16xi32>,
    %get3A_2532 = arith.constant 400 : index
    %get3A_2533 = tpu.vector_load %arg5[%get3A_2532] {strides = array<i32>} : memref<512xi32, #tpu.memory_space<vmem>>, vector<16xi32>,
    %get3A_2534 = vector.shape_cast %get3A_2533 : vector<16xi32> to vector<16xi32>
    %add3A_2535 = arith.constant 700000 : i32
    %add3A_2536 = vector.broadcast %add3A_2535 : i32 to vector<16xi32>
    %add3A_2537 = arith.addi %get3A_2534, %add3A_2536 : vector<16xi32>
    %swap3A_2538 = arith.constant 3984 : index
    %swap3A_2539 = tpu.vector_load %arg6[%swap3A_2538] {strides = array<i32>} : memref<5632xi32, #tpu.memory_space<vmem>>, vector<16xi32>,
    %swap3A_2540 = vector.shape_cast %swap3A_2539 : vector<16xi32> to vector<16xi32>
    %swap3A_2541 = vector.shape_cast %add3A_2537 : vector<16xi32> to vector<16xi32>
    tpu.vector_store %arg6[%swap3A_2538], %swap3A_2541 {strides = array<i32>} : memref<5632xi32, #tpu.memory_space<vmem>>, vector<16xi32>,
    %get3A_2542 = arith.constant 416 : index
    %get3A_2543 = tpu.vector_load %arg5[%get3A_2542] {strides = array<i32>} : memref<512xi32, #tpu.memory_space<vmem>>, vector<16xi32>,
    %get3A_2544 = vector.shape_cast %get3A_2543 : vector<16xi32> to vector<16xi32>
    %add3A_2545 = arith.constant 700000 : i32
    %add3A_2546 = vector.broadcast %add3A_2545 : i32 to vector<16xi32>
    %add3A_2547 = arith.addi %get3A_2544, %add3A_2546 : vector<16xi32>
    %swap3A_2548 = arith.constant 4000 : index
    %swap3A_2549 = tpu.vector_load %arg6[%swap3A_2548] {strides = array<i32>} : memref<5632xi32, #tpu.memory_space<vmem>>, vector<16xi32>,
    %swap3A_2550 = vector.shape_cast %swap3A_2549 : vector<16xi32> to vector<16xi32>
    %swap3A_2551 = vector.shape_cast %add3A_2547 : vector<16xi32> to vector<16xi32>
    tpu.vector_store %arg6[%swap3A_2548], %swap3A_2551 {strides = array<i32>} : memref<5632xi32, #tpu.memory_space<vmem>>, vector<16xi32>,
    %get3A_2552 = arith.constant 432 : index
    %get3A_2553 = tpu.vector_load %arg5[%get3A_2552] {strides = array<i32>} : memref<512xi32, #tpu.memory_space<vmem>>, vector<16xi32>,
    %get3A_2554 = vector.shape_cast %get3A_2553 : vector<16xi32> to vector<16xi32>
    %add3A_2555 = arith.constant 700000 : i32
    %add3A_2556 = vector.broadcast %add3A_2555 : i32 to vector<16xi32>
    %add3A_2557 = arith.addi %get3A_2554, %add3A_2556 : vector<16xi32>
    %swap3A_2558 = arith.constant 4016 : index
    %swap3A_2559 = tpu.vector_load %arg6[%swap3A_2558] {strides = array<i32>} : memref<5632xi32, #tpu.memory_space<vmem>>, vector<16xi32>,
    %swap3A_2560 = vector.shape_cast %swap3A_2559 : vector<16xi32> to vector<16xi32>
    %swap3A_2561 = vector.shape_cast %add3A_2557 : vector<16xi32> to vector<16xi32>
    tpu.vector_store %arg6[%swap3A_2558], %swap3A_2561 {strides = array<i32>} : memref<5632xi32, #tpu.memory_space<vmem>>, vector<16xi32>,
    %get3A_2562 = arith.constant 448 : index
    %get3A_2563 = tpu.vector_load %arg5[%get3A_2562] {strides = array<i32>} : memref<512xi32, #tpu.memory_space<vmem>>, vector<16xi32>,
    %get3A_2564 = vector.shape_cast %get3A_2563 : vector<16xi32> to vector<16xi32>
    %add3A_2565 = arith.constant 700000 : i32
    %add3A_2566 = vector.broadcast %add3A_2565 : i32 to vector<16xi32>
    %add3A_2567 = arith.addi %get3A_2564, %add3A_2566 : vector<16xi32>
    %swap3A_2568 = arith.constant 4032 : index
    %swap3A_2569 = tpu.vector_load %arg6[%swap3A_2568] {strides = array<i32>} : memref<5632xi32, #tpu.memory_space<vmem>>, vector<16xi32>,
    %swap3A_2570 = vector.shape_cast %swap3A_2569 : vector<16xi32> to vector<16xi32>
    %swap3A_2571 = vector.shape_cast %add3A_2567 : vector<16xi32> to vector<16xi32>
    tpu.vector_store %arg6[%swap3A_2568], %swap3A_2571 {strides = array<i32>} : memref<5632xi32, #tpu.memory_space<vmem>>, vector<16xi32>,
    %get3A_2572 = arith.constant 464 : index
    %get3A_2573 = tpu.vector_load %arg5[%get3A_2572] {strides = array<i32>} : memref<512xi32, #tpu.memory_space<vmem>>, vector<16xi32>,
    %get3A_2574 = vector.shape_cast %get3A_2573 : vector<16xi32> to vector<16xi32>
    %add3A_2575 = arith.constant 700000 : i32
    %add3A_2576 = vector.broadcast %add3A_2575 : i32 to vector<16xi32>
    %add3A_2577 = arith.addi %get3A_2574, %add3A_2576 : vector<16xi32>
    %swap3A_2578 = arith.constant 4048 : index
    %swap3A_2579 = tpu.vector_load %arg6[%swap3A_2578] {strides = array<i32>} : memref<5632xi32, #tpu.memory_space<vmem>>, vector<16xi32>,
    %swap3A_2580 = vector.shape_cast %swap3A_2579 : vector<16xi32> to vector<16xi32>
    %swap3A_2581 = vector.shape_cast %add3A_2577 : vector<16xi32> to vector<16xi32>
    tpu.vector_store %arg6[%swap3A_2578], %swap3A_2581 {strides = array<i32>} : memref<5632xi32, #tpu.memory_space<vmem>>, vector<16xi32>,
    %get3A_2582 = arith.constant 480 : index
    %get3A_2583 = tpu.vector_load %arg5[%get3A_2582] {strides = array<i32>} : memref<512xi32, #tpu.memory_space<vmem>>, vector<16xi32>,
    %get3A_2584 = vector.shape_cast %get3A_2583 : vector<16xi32> to vector<16xi32>
    %add3A_2585 = arith.constant 700000 : i32
    %add3A_2586 = vector.broadcast %add3A_2585 : i32 to vector<16xi32>
    %add3A_2587 = arith.addi %get3A_2584, %add3A_2586 : vector<16xi32>
    %swap3A_2588 = arith.constant 4064 : index
    %swap3A_2589 = tpu.vector_load %arg6[%swap3A_2588] {strides = array<i32>} : memref<5632xi32, #tpu.memory_space<vmem>>, vector<16xi32>,
    %swap3A_2590 = vector.shape_cast %swap3A_2589 : vector<16xi32> to vector<16xi32>
    %swap3A_2591 = vector.shape_cast %add3A_2587 : vector<16xi32> to vector<16xi32>
    tpu.vector_store %arg6[%swap3A_2588], %swap3A_2591 {strides = array<i32>} : memref<5632xi32, #tpu.memory_space<vmem>>, vector<16xi32>,
    %get3A_2592 = arith.constant 496 : index
    %get3A_2593 = tpu.vector_load %arg5[%get3A_2592] {strides = array<i32>} : memref<512xi32, #tpu.memory_space<vmem>>, vector<16xi32>,
    %get3A_2594 = vector.shape_cast %get3A_2593 : vector<16xi32> to vector<16xi32>
    %add3A_2595 = arith.constant 700000 : i32
    %add3A_2596 = vector.broadcast %add3A_2595 : i32 to vector<16xi32>
    %add3A_2597 = arith.addi %get3A_2594, %add3A_2596 : vector<16xi32>
    %swap3A_2598 = arith.constant 4080 : index
    %swap3A_2599 = tpu.vector_load %arg6[%swap3A_2598] {strides = array<i32>} : memref<5632xi32, #tpu.memory_space<vmem>>, vector<16xi32>,
    %swap3A_2600 = vector.shape_cast %swap3A_2599 : vector<16xi32> to vector<16xi32>
    %swap3A_2601 = vector.shape_cast %add3A_2597 : vector<16xi32> to vector<16xi32>
    tpu.vector_store %arg6[%swap3A_2598], %swap3A_2601 {strides = array<i32>} : memref<5632xi32, #tpu.memory_space<vmem>>, vector<16xi32>,
    %dma_start3A_2602 = arith.constant 3584 : i32
    %dma_start3A_2603 = tpu.memref_slice %arg7[%dma_start3A_2602] : memref<5632xf32, #tpu.memory_space<vmem>> -> memref<512xf32, #tpu.memory_space<vmem>>
    %dma_start3A_2604 = arith.constant 3584 : i32
    %dma_start3A_2605 = tpu.memref_slice %arg6[%dma_start3A_2604] : memref<5632xi32, #tpu.memory_space<vmem>> -> memref<512xi32, #tpu.memory_space<vmem>>
    %dma_start3A_2606 = arith.constant 0 : i32
    %dma_start3A_2607 = tpu.memref_slice %arg3[%dma_start3A_2606] : memref<1100000xf32, #tpu.memory_space<hbm>> -> memref<1100000xf32, #tpu.memory_space<hbm>>
    tpu.enqueue_indirect_dma source(%dma_start3A_2607 : memref<1100000xf32, #tpu.memory_space<hbm>>) target(%dma_start3A_2603 : memref<512xf32, #tpu.memory_space<vmem>>) offsets(%dma_start3A_2605 : memref<512xi32, #tpu.memory_space<vmem>>) semaphore(%arg8 : memref<!tpu.dma_semaphore, #tpu.memory_space<semaphore_mem>>)
    %get3A_2608 = arith.constant 0 : index
    %get3A_2609 = tpu.vector_load %arg5[%get3A_2608] {strides = array<i32>} : memref<512xi32, #tpu.memory_space<vmem>>, vector<16xi32>,
    %get3A_2610 = vector.shape_cast %get3A_2609 : vector<16xi32> to vector<16xi32>
    %add3A_2611 = arith.constant 800000 : i32
    %add3A_2612 = vector.broadcast %add3A_2611 : i32 to vector<16xi32>
    %add3A_2613 = arith.addi %get3A_2610, %add3A_2612 : vector<16xi32>
    %swap3A_2614 = arith.constant 4096 : index
    %swap3A_2615 = tpu.vector_load %arg6[%swap3A_2614] {strides = array<i32>} : memref<5632xi32, #tpu.memory_space<vmem>>, vector<16xi32>,
    %swap3A_2616 = vector.shape_cast %swap3A_2615 : vector<16xi32> to vector<16xi32>
    %swap3A_2617 = vector.shape_cast %add3A_2613 : vector<16xi32> to vector<16xi32>
    tpu.vector_store %arg6[%swap3A_2614], %swap3A_2617 {strides = array<i32>} : memref<5632xi32, #tpu.memory_space<vmem>>, vector<16xi32>,
    %get3A_2618 = arith.constant 16 : index
    %get3A_2619 = tpu.vector_load %arg5[%get3A_2618] {strides = array<i32>} : memref<512xi32, #tpu.memory_space<vmem>>, vector<16xi32>,
    %get3A_2620 = vector.shape_cast %get3A_2619 : vector<16xi32> to vector<16xi32>
    %add3A_2621 = arith.constant 800000 : i32
    %add3A_2622 = vector.broadcast %add3A_2621 : i32 to vector<16xi32>
    %add3A_2623 = arith.addi %get3A_2620, %add3A_2622 : vector<16xi32>
    %swap3A_2624 = arith.constant 4112 : index
    %swap3A_2625 = tpu.vector_load %arg6[%swap3A_2624] {strides = array<i32>} : memref<5632xi32, #tpu.memory_space<vmem>>, vector<16xi32>,
    %swap3A_2626 = vector.shape_cast %swap3A_2625 : vector<16xi32> to vector<16xi32>
    %swap3A_2627 = vector.shape_cast %add3A_2623 : vector<16xi32> to vector<16xi32>
    tpu.vector_store %arg6[%swap3A_2624], %swap3A_2627 {strides = array<i32>} : memref<5632xi32, #tpu.memory_space<vmem>>, vector<16xi32>,
    %get3A_2628 = arith.constant 32 : index
    %get3A_2629 = tpu.vector_load %arg5[%get3A_2628] {strides = array<i32>} : memref<512xi32, #tpu.memory_space<vmem>>, vector<16xi32>,
    %get3A_2630 = vector.shape_cast %get3A_2629 : vector<16xi32> to vector<16xi32>
    %add3A_2631 = arith.constant 800000 : i32
    %add3A_2632 = vector.broadcast %add3A_2631 : i32 to vector<16xi32>
    %add3A_2633 = arith.addi %get3A_2630, %add3A_2632 : vector<16xi32>
    %swap3A_2634 = arith.constant 4128 : index
    %swap3A_2635 = tpu.vector_load %arg6[%swap3A_2634] {strides = array<i32>} : memref<5632xi32, #tpu.memory_space<vmem>>, vector<16xi32>,
    %swap3A_2636 = vector.shape_cast %swap3A_2635 : vector<16xi32> to vector<16xi32>
    %swap3A_2637 = vector.shape_cast %add3A_2633 : vector<16xi32> to vector<16xi32>
    tpu.vector_store %arg6[%swap3A_2634], %swap3A_2637 {strides = array<i32>} : memref<5632xi32, #tpu.memory_space<vmem>>, vector<16xi32>,
    %get3A_2638 = arith.constant 48 : index
    %get3A_2639 = tpu.vector_load %arg5[%get3A_2638] {strides = array<i32>} : memref<512xi32, #tpu.memory_space<vmem>>, vector<16xi32>,
    %get3A_2640 = vector.shape_cast %get3A_2639 : vector<16xi32> to vector<16xi32>
    %add3A_2641 = arith.constant 800000 : i32
    %add3A_2642 = vector.broadcast %add3A_2641 : i32 to vector<16xi32>
    %add3A_2643 = arith.addi %get3A_2640, %add3A_2642 : vector<16xi32>
    %swap3A_2644 = arith.constant 4144 : index
    %swap3A_2645 = tpu.vector_load %arg6[%swap3A_2644] {strides = array<i32>} : memref<5632xi32, #tpu.memory_space<vmem>>, vector<16xi32>,
    %swap3A_2646 = vector.shape_cast %swap3A_2645 : vector<16xi32> to vector<16xi32>
    %swap3A_2647 = vector.shape_cast %add3A_2643 : vector<16xi32> to vector<16xi32>
    tpu.vector_store %arg6[%swap3A_2644], %swap3A_2647 {strides = array<i32>} : memref<5632xi32, #tpu.memory_space<vmem>>, vector<16xi32>,
    %get3A_2648 = arith.constant 64 : index
    %get3A_2649 = tpu.vector_load %arg5[%get3A_2648] {strides = array<i32>} : memref<512xi32, #tpu.memory_space<vmem>>, vector<16xi32>,
    %get3A_2650 = vector.shape_cast %get3A_2649 : vector<16xi32> to vector<16xi32>
    %add3A_2651 = arith.constant 800000 : i32
    %add3A_2652 = vector.broadcast %add3A_2651 : i32 to vector<16xi32>
    %add3A_2653 = arith.addi %get3A_2650, %add3A_2652 : vector<16xi32>
    %swap3A_2654 = arith.constant 4160 : index
    %swap3A_2655 = tpu.vector_load %arg6[%swap3A_2654] {strides = array<i32>} : memref<5632xi32, #tpu.memory_space<vmem>>, vector<16xi32>,
    %swap3A_2656 = vector.shape_cast %swap3A_2655 : vector<16xi32> to vector<16xi32>
    %swap3A_2657 = vector.shape_cast %add3A_2653 : vector<16xi32> to vector<16xi32>
    tpu.vector_store %arg6[%swap3A_2654], %swap3A_2657 {strides = array<i32>} : memref<5632xi32, #tpu.memory_space<vmem>>, vector<16xi32>,
    %get3A_2658 = arith.constant 80 : index
    %get3A_2659 = tpu.vector_load %arg5[%get3A_2658] {strides = array<i32>} : memref<512xi32, #tpu.memory_space<vmem>>, vector<16xi32>,
    %get3A_2660 = vector.shape_cast %get3A_2659 : vector<16xi32> to vector<16xi32>
    %add3A_2661 = arith.constant 800000 : i32
    %add3A_2662 = vector.broadcast %add3A_2661 : i32 to vector<16xi32>
    %add3A_2663 = arith.addi %get3A_2660, %add3A_2662 : vector<16xi32>
    %swap3A_2664 = arith.constant 4176 : index
    %swap3A_2665 = tpu.vector_load %arg6[%swap3A_2664] {strides = array<i32>} : memref<5632xi32, #tpu.memory_space<vmem>>, vector<16xi32>,
    %swap3A_2666 = vector.shape_cast %swap3A_2665 : vector<16xi32> to vector<16xi32>
    %swap3A_2667 = vector.shape_cast %add3A_2663 : vector<16xi32> to vector<16xi32>
    tpu.vector_store %arg6[%swap3A_2664], %swap3A_2667 {strides = array<i32>} : memref<5632xi32, #tpu.memory_space<vmem>>, vector<16xi32>,
    %get3A_2668 = arith.constant 96 : index
    %get3A_2669 = tpu.vector_load %arg5[%get3A_2668] {strides = array<i32>} : memref<512xi32, #tpu.memory_space<vmem>>, vector<16xi32>,
    %get3A_2670 = vector.shape_cast %get3A_2669 : vector<16xi32> to vector<16xi32>
    %add3A_2671 = arith.constant 800000 : i32
    %add3A_2672 = vector.broadcast %add3A_2671 : i32 to vector<16xi32>
    %add3A_2673 = arith.addi %get3A_2670, %add3A_2672 : vector<16xi32>
    %swap3A_2674 = arith.constant 4192 : index
    %swap3A_2675 = tpu.vector_load %arg6[%swap3A_2674] {strides = array<i32>} : memref<5632xi32, #tpu.memory_space<vmem>>, vector<16xi32>,
    %swap3A_2676 = vector.shape_cast %swap3A_2675 : vector<16xi32> to vector<16xi32>
    %swap3A_2677 = vector.shape_cast %add3A_2673 : vector<16xi32> to vector<16xi32>
    tpu.vector_store %arg6[%swap3A_2674], %swap3A_2677 {strides = array<i32>} : memref<5632xi32, #tpu.memory_space<vmem>>, vector<16xi32>,
    %get3A_2678 = arith.constant 112 : index
    %get3A_2679 = tpu.vector_load %arg5[%get3A_2678] {strides = array<i32>} : memref<512xi32, #tpu.memory_space<vmem>>, vector<16xi32>,
    %get3A_2680 = vector.shape_cast %get3A_2679 : vector<16xi32> to vector<16xi32>
    %add3A_2681 = arith.constant 800000 : i32
    %add3A_2682 = vector.broadcast %add3A_2681 : i32 to vector<16xi32>
    %add3A_2683 = arith.addi %get3A_2680, %add3A_2682 : vector<16xi32>
    %swap3A_2684 = arith.constant 4208 : index
    %swap3A_2685 = tpu.vector_load %arg6[%swap3A_2684] {strides = array<i32>} : memref<5632xi32, #tpu.memory_space<vmem>>, vector<16xi32>,
    %swap3A_2686 = vector.shape_cast %swap3A_2685 : vector<16xi32> to vector<16xi32>
    %swap3A_2687 = vector.shape_cast %add3A_2683 : vector<16xi32> to vector<16xi32>
    tpu.vector_store %arg6[%swap3A_2684], %swap3A_2687 {strides = array<i32>} : memref<5632xi32, #tpu.memory_space<vmem>>, vector<16xi32>,
    %get3A_2688 = arith.constant 128 : index
    %get3A_2689 = tpu.vector_load %arg5[%get3A_2688] {strides = array<i32>} : memref<512xi32, #tpu.memory_space<vmem>>, vector<16xi32>,
    %get3A_2690 = vector.shape_cast %get3A_2689 : vector<16xi32> to vector<16xi32>
    %add3A_2691 = arith.constant 800000 : i32
    %add3A_2692 = vector.broadcast %add3A_2691 : i32 to vector<16xi32>
    %add3A_2693 = arith.addi %get3A_2690, %add3A_2692 : vector<16xi32>
    %swap3A_2694 = arith.constant 4224 : index
    %swap3A_2695 = tpu.vector_load %arg6[%swap3A_2694] {strides = array<i32>} : memref<5632xi32, #tpu.memory_space<vmem>>, vector<16xi32>,
    %swap3A_2696 = vector.shape_cast %swap3A_2695 : vector<16xi32> to vector<16xi32>
    %swap3A_2697 = vector.shape_cast %add3A_2693 : vector<16xi32> to vector<16xi32>
    tpu.vector_store %arg6[%swap3A_2694], %swap3A_2697 {strides = array<i32>} : memref<5632xi32, #tpu.memory_space<vmem>>, vector<16xi32>,
    %get3A_2698 = arith.constant 144 : index
    %get3A_2699 = tpu.vector_load %arg5[%get3A_2698] {strides = array<i32>} : memref<512xi32, #tpu.memory_space<vmem>>, vector<16xi32>,
    %get3A_2700 = vector.shape_cast %get3A_2699 : vector<16xi32> to vector<16xi32>
    %add3A_2701 = arith.constant 800000 : i32
    %add3A_2702 = vector.broadcast %add3A_2701 : i32 to vector<16xi32>
    %add3A_2703 = arith.addi %get3A_2700, %add3A_2702 : vector<16xi32>
    %swap3A_2704 = arith.constant 4240 : index
    %swap3A_2705 = tpu.vector_load %arg6[%swap3A_2704] {strides = array<i32>} : memref<5632xi32, #tpu.memory_space<vmem>>, vector<16xi32>,
    %swap3A_2706 = vector.shape_cast %swap3A_2705 : vector<16xi32> to vector<16xi32>
    %swap3A_2707 = vector.shape_cast %add3A_2703 : vector<16xi32> to vector<16xi32>
    tpu.vector_store %arg6[%swap3A_2704], %swap3A_2707 {strides = array<i32>} : memref<5632xi32, #tpu.memory_space<vmem>>, vector<16xi32>,
    %get3A_2708 = arith.constant 160 : index
    %get3A_2709 = tpu.vector_load %arg5[%get3A_2708] {strides = array<i32>} : memref<512xi32, #tpu.memory_space<vmem>>, vector<16xi32>,
    %get3A_2710 = vector.shape_cast %get3A_2709 : vector<16xi32> to vector<16xi32>
    %add3A_2711 = arith.constant 800000 : i32
    %add3A_2712 = vector.broadcast %add3A_2711 : i32 to vector<16xi32>
    %add3A_2713 = arith.addi %get3A_2710, %add3A_2712 : vector<16xi32>
    %swap3A_2714 = arith.constant 4256 : index
    %swap3A_2715 = tpu.vector_load %arg6[%swap3A_2714] {strides = array<i32>} : memref<5632xi32, #tpu.memory_space<vmem>>, vector<16xi32>,
    %swap3A_2716 = vector.shape_cast %swap3A_2715 : vector<16xi32> to vector<16xi32>
    %swap3A_2717 = vector.shape_cast %add3A_2713 : vector<16xi32> to vector<16xi32>
    tpu.vector_store %arg6[%swap3A_2714], %swap3A_2717 {strides = array<i32>} : memref<5632xi32, #tpu.memory_space<vmem>>, vector<16xi32>,
    %get3A_2718 = arith.constant 176 : index
    %get3A_2719 = tpu.vector_load %arg5[%get3A_2718] {strides = array<i32>} : memref<512xi32, #tpu.memory_space<vmem>>, vector<16xi32>,
    %get3A_2720 = vector.shape_cast %get3A_2719 : vector<16xi32> to vector<16xi32>
    %add3A_2721 = arith.constant 800000 : i32
    %add3A_2722 = vector.broadcast %add3A_2721 : i32 to vector<16xi32>
    %add3A_2723 = arith.addi %get3A_2720, %add3A_2722 : vector<16xi32>
    %swap3A_2724 = arith.constant 4272 : index
    %swap3A_2725 = tpu.vector_load %arg6[%swap3A_2724] {strides = array<i32>} : memref<5632xi32, #tpu.memory_space<vmem>>, vector<16xi32>,
    %swap3A_2726 = vector.shape_cast %swap3A_2725 : vector<16xi32> to vector<16xi32>
    %swap3A_2727 = vector.shape_cast %add3A_2723 : vector<16xi32> to vector<16xi32>
    tpu.vector_store %arg6[%swap3A_2724], %swap3A_2727 {strides = array<i32>} : memref<5632xi32, #tpu.memory_space<vmem>>, vector<16xi32>,
    %get3A_2728 = arith.constant 192 : index
    %get3A_2729 = tpu.vector_load %arg5[%get3A_2728] {strides = array<i32>} : memref<512xi32, #tpu.memory_space<vmem>>, vector<16xi32>,
    %get3A_2730 = vector.shape_cast %get3A_2729 : vector<16xi32> to vector<16xi32>
    %add3A_2731 = arith.constant 800000 : i32
    %add3A_2732 = vector.broadcast %add3A_2731 : i32 to vector<16xi32>
    %add3A_2733 = arith.addi %get3A_2730, %add3A_2732 : vector<16xi32>
    %swap3A_2734 = arith.constant 4288 : index
    %swap3A_2735 = tpu.vector_load %arg6[%swap3A_2734] {strides = array<i32>} : memref<5632xi32, #tpu.memory_space<vmem>>, vector<16xi32>,
    %swap3A_2736 = vector.shape_cast %swap3A_2735 : vector<16xi32> to vector<16xi32>
    %swap3A_2737 = vector.shape_cast %add3A_2733 : vector<16xi32> to vector<16xi32>
    tpu.vector_store %arg6[%swap3A_2734], %swap3A_2737 {strides = array<i32>} : memref<5632xi32, #tpu.memory_space<vmem>>, vector<16xi32>,
    %get3A_2738 = arith.constant 208 : index
    %get3A_2739 = tpu.vector_load %arg5[%get3A_2738] {strides = array<i32>} : memref<512xi32, #tpu.memory_space<vmem>>, vector<16xi32>,
    %get3A_2740 = vector.shape_cast %get3A_2739 : vector<16xi32> to vector<16xi32>
    %add3A_2741 = arith.constant 800000 : i32
    %add3A_2742 = vector.broadcast %add3A_2741 : i32 to vector<16xi32>
    %add3A_2743 = arith.addi %get3A_2740, %add3A_2742 : vector<16xi32>
    %swap3A_2744 = arith.constant 4304 : index
    %swap3A_2745 = tpu.vector_load %arg6[%swap3A_2744] {strides = array<i32>} : memref<5632xi32, #tpu.memory_space<vmem>>, vector<16xi32>,
    %swap3A_2746 = vector.shape_cast %swap3A_2745 : vector<16xi32> to vector<16xi32>
    %swap3A_2747 = vector.shape_cast %add3A_2743 : vector<16xi32> to vector<16xi32>
    tpu.vector_store %arg6[%swap3A_2744], %swap3A_2747 {strides = array<i32>} : memref<5632xi32, #tpu.memory_space<vmem>>, vector<16xi32>,
    %get3A_2748 = arith.constant 224 : index
    %get3A_2749 = tpu.vector_load %arg5[%get3A_2748] {strides = array<i32>} : memref<512xi32, #tpu.memory_space<vmem>>, vector<16xi32>,
    %get3A_2750 = vector.shape_cast %get3A_2749 : vector<16xi32> to vector<16xi32>
    %add3A_2751 = arith.constant 800000 : i32
    %add3A_2752 = vector.broadcast %add3A_2751 : i32 to vector<16xi32>
    %add3A_2753 = arith.addi %get3A_2750, %add3A_2752 : vector<16xi32>
    %swap3A_2754 = arith.constant 4320 : index
    %swap3A_2755 = tpu.vector_load %arg6[%swap3A_2754] {strides = array<i32>} : memref<5632xi32, #tpu.memory_space<vmem>>, vector<16xi32>,
    %swap3A_2756 = vector.shape_cast %swap3A_2755 : vector<16xi32> to vector<16xi32>
    %swap3A_2757 = vector.shape_cast %add3A_2753 : vector<16xi32> to vector<16xi32>
    tpu.vector_store %arg6[%swap3A_2754], %swap3A_2757 {strides = array<i32>} : memref<5632xi32, #tpu.memory_space<vmem>>, vector<16xi32>,
    %get3A_2758 = arith.constant 240 : index
    %get3A_2759 = tpu.vector_load %arg5[%get3A_2758] {strides = array<i32>} : memref<512xi32, #tpu.memory_space<vmem>>, vector<16xi32>,
    %get3A_2760 = vector.shape_cast %get3A_2759 : vector<16xi32> to vector<16xi32>
    %add3A_2761 = arith.constant 800000 : i32
    %add3A_2762 = vector.broadcast %add3A_2761 : i32 to vector<16xi32>
    %add3A_2763 = arith.addi %get3A_2760, %add3A_2762 : vector<16xi32>
    %swap3A_2764 = arith.constant 4336 : index
    %swap3A_2765 = tpu.vector_load %arg6[%swap3A_2764] {strides = array<i32>} : memref<5632xi32, #tpu.memory_space<vmem>>, vector<16xi32>,
    %swap3A_2766 = vector.shape_cast %swap3A_2765 : vector<16xi32> to vector<16xi32>
    %swap3A_2767 = vector.shape_cast %add3A_2763 : vector<16xi32> to vector<16xi32>
    tpu.vector_store %arg6[%swap3A_2764], %swap3A_2767 {strides = array<i32>} : memref<5632xi32, #tpu.memory_space<vmem>>, vector<16xi32>,
    %get3A_2768 = arith.constant 256 : index
    %get3A_2769 = tpu.vector_load %arg5[%get3A_2768] {strides = array<i32>} : memref<512xi32, #tpu.memory_space<vmem>>, vector<16xi32>,
    %get3A_2770 = vector.shape_cast %get3A_2769 : vector<16xi32> to vector<16xi32>
    %add3A_2771 = arith.constant 800000 : i32
    %add3A_2772 = vector.broadcast %add3A_2771 : i32 to vector<16xi32>
    %add3A_2773 = arith.addi %get3A_2770, %add3A_2772 : vector<16xi32>
    %swap3A_2774 = arith.constant 4352 : index
    %swap3A_2775 = tpu.vector_load %arg6[%swap3A_2774] {strides = array<i32>} : memref<5632xi32, #tpu.memory_space<vmem>>, vector<16xi32>,
    %swap3A_2776 = vector.shape_cast %swap3A_2775 : vector<16xi32> to vector<16xi32>
    %swap3A_2777 = vector.shape_cast %add3A_2773 : vector<16xi32> to vector<16xi32>
    tpu.vector_store %arg6[%swap3A_2774], %swap3A_2777 {strides = array<i32>} : memref<5632xi32, #tpu.memory_space<vmem>>, vector<16xi32>,
    %get3A_2778 = arith.constant 272 : index
    %get3A_2779 = tpu.vector_load %arg5[%get3A_2778] {strides = array<i32>} : memref<512xi32, #tpu.memory_space<vmem>>, vector<16xi32>,
    %get3A_2780 = vector.shape_cast %get3A_2779 : vector<16xi32> to vector<16xi32>
    %add3A_2781 = arith.constant 800000 : i32
    %add3A_2782 = vector.broadcast %add3A_2781 : i32 to vector<16xi32>
    %add3A_2783 = arith.addi %get3A_2780, %add3A_2782 : vector<16xi32>
    %swap3A_2784 = arith.constant 4368 : index
    %swap3A_2785 = tpu.vector_load %arg6[%swap3A_2784] {strides = array<i32>} : memref<5632xi32, #tpu.memory_space<vmem>>, vector<16xi32>,
    %swap3A_2786 = vector.shape_cast %swap3A_2785 : vector<16xi32> to vector<16xi32>
    %swap3A_2787 = vector.shape_cast %add3A_2783 : vector<16xi32> to vector<16xi32>
    tpu.vector_store %arg6[%swap3A_2784], %swap3A_2787 {strides = array<i32>} : memref<5632xi32, #tpu.memory_space<vmem>>, vector<16xi32>,
    %get3A_2788 = arith.constant 288 : index
    %get3A_2789 = tpu.vector_load %arg5[%get3A_2788] {strides = array<i32>} : memref<512xi32, #tpu.memory_space<vmem>>, vector<16xi32>,
    %get3A_2790 = vector.shape_cast %get3A_2789 : vector<16xi32> to vector<16xi32>
    %add3A_2791 = arith.constant 800000 : i32
    %add3A_2792 = vector.broadcast %add3A_2791 : i32 to vector<16xi32>
    %add3A_2793 = arith.addi %get3A_2790, %add3A_2792 : vector<16xi32>
    %swap3A_2794 = arith.constant 4384 : index
    %swap3A_2795 = tpu.vector_load %arg6[%swap3A_2794] {strides = array<i32>} : memref<5632xi32, #tpu.memory_space<vmem>>, vector<16xi32>,
    %swap3A_2796 = vector.shape_cast %swap3A_2795 : vector<16xi32> to vector<16xi32>
    %swap3A_2797 = vector.shape_cast %add3A_2793 : vector<16xi32> to vector<16xi32>
    tpu.vector_store %arg6[%swap3A_2794], %swap3A_2797 {strides = array<i32>} : memref<5632xi32, #tpu.memory_space<vmem>>, vector<16xi32>,
    %get3A_2798 = arith.constant 304 : index
    %get3A_2799 = tpu.vector_load %arg5[%get3A_2798] {strides = array<i32>} : memref<512xi32, #tpu.memory_space<vmem>>, vector<16xi32>,
    %get3A_2800 = vector.shape_cast %get3A_2799 : vector<16xi32> to vector<16xi32>
    %add3A_2801 = arith.constant 800000 : i32
    %add3A_2802 = vector.broadcast %add3A_2801 : i32 to vector<16xi32>
    %add3A_2803 = arith.addi %get3A_2800, %add3A_2802 : vector<16xi32>
    %swap3A_2804 = arith.constant 4400 : index
    %swap3A_2805 = tpu.vector_load %arg6[%swap3A_2804] {strides = array<i32>} : memref<5632xi32, #tpu.memory_space<vmem>>, vector<16xi32>,
    %swap3A_2806 = vector.shape_cast %swap3A_2805 : vector<16xi32> to vector<16xi32>
    %swap3A_2807 = vector.shape_cast %add3A_2803 : vector<16xi32> to vector<16xi32>
    tpu.vector_store %arg6[%swap3A_2804], %swap3A_2807 {strides = array<i32>} : memref<5632xi32, #tpu.memory_space<vmem>>, vector<16xi32>,
    %get3A_2808 = arith.constant 320 : index
    %get3A_2809 = tpu.vector_load %arg5[%get3A_2808] {strides = array<i32>} : memref<512xi32, #tpu.memory_space<vmem>>, vector<16xi32>,
    %get3A_2810 = vector.shape_cast %get3A_2809 : vector<16xi32> to vector<16xi32>
    %add3A_2811 = arith.constant 800000 : i32
    %add3A_2812 = vector.broadcast %add3A_2811 : i32 to vector<16xi32>
    %add3A_2813 = arith.addi %get3A_2810, %add3A_2812 : vector<16xi32>
    %swap3A_2814 = arith.constant 4416 : index
    %swap3A_2815 = tpu.vector_load %arg6[%swap3A_2814] {strides = array<i32>} : memref<5632xi32, #tpu.memory_space<vmem>>, vector<16xi32>,
    %swap3A_2816 = vector.shape_cast %swap3A_2815 : vector<16xi32> to vector<16xi32>
    %swap3A_2817 = vector.shape_cast %add3A_2813 : vector<16xi32> to vector<16xi32>
    tpu.vector_store %arg6[%swap3A_2814], %swap3A_2817 {strides = array<i32>} : memref<5632xi32, #tpu.memory_space<vmem>>, vector<16xi32>,
    %get3A_2818 = arith.constant 336 : index
    %get3A_2819 = tpu.vector_load %arg5[%get3A_2818] {strides = array<i32>} : memref<512xi32, #tpu.memory_space<vmem>>, vector<16xi32>,
    %get3A_2820 = vector.shape_cast %get3A_2819 : vector<16xi32> to vector<16xi32>
    %add3A_2821 = arith.constant 800000 : i32
    %add3A_2822 = vector.broadcast %add3A_2821 : i32 to vector<16xi32>
    %add3A_2823 = arith.addi %get3A_2820, %add3A_2822 : vector<16xi32>
    %swap3A_2824 = arith.constant 4432 : index
    %swap3A_2825 = tpu.vector_load %arg6[%swap3A_2824] {strides = array<i32>} : memref<5632xi32, #tpu.memory_space<vmem>>, vector<16xi32>,
    %swap3A_2826 = vector.shape_cast %swap3A_2825 : vector<16xi32> to vector<16xi32>
    %swap3A_2827 = vector.shape_cast %add3A_2823 : vector<16xi32> to vector<16xi32>
    tpu.vector_store %arg6[%swap3A_2824], %swap3A_2827 {strides = array<i32>} : memref<5632xi32, #tpu.memory_space<vmem>>, vector<16xi32>,
    %get3A_2828 = arith.constant 352 : index
    %get3A_2829 = tpu.vector_load %arg5[%get3A_2828] {strides = array<i32>} : memref<512xi32, #tpu.memory_space<vmem>>, vector<16xi32>,
    %get3A_2830 = vector.shape_cast %get3A_2829 : vector<16xi32> to vector<16xi32>
    %add3A_2831 = arith.constant 800000 : i32
    %add3A_2832 = vector.broadcast %add3A_2831 : i32 to vector<16xi32>
    %add3A_2833 = arith.addi %get3A_2830, %add3A_2832 : vector<16xi32>
    %swap3A_2834 = arith.constant 4448 : index
    %swap3A_2835 = tpu.vector_load %arg6[%swap3A_2834] {strides = array<i32>} : memref<5632xi32, #tpu.memory_space<vmem>>, vector<16xi32>,
    %swap3A_2836 = vector.shape_cast %swap3A_2835 : vector<16xi32> to vector<16xi32>
    %swap3A_2837 = vector.shape_cast %add3A_2833 : vector<16xi32> to vector<16xi32>
    tpu.vector_store %arg6[%swap3A_2834], %swap3A_2837 {strides = array<i32>} : memref<5632xi32, #tpu.memory_space<vmem>>, vector<16xi32>,
    %get3A_2838 = arith.constant 368 : index
    %get3A_2839 = tpu.vector_load %arg5[%get3A_2838] {strides = array<i32>} : memref<512xi32, #tpu.memory_space<vmem>>, vector<16xi32>,
    %get3A_2840 = vector.shape_cast %get3A_2839 : vector<16xi32> to vector<16xi32>
    %add3A_2841 = arith.constant 800000 : i32
    %add3A_2842 = vector.broadcast %add3A_2841 : i32 to vector<16xi32>
    %add3A_2843 = arith.addi %get3A_2840, %add3A_2842 : vector<16xi32>
    %swap3A_2844 = arith.constant 4464 : index
    %swap3A_2845 = tpu.vector_load %arg6[%swap3A_2844] {strides = array<i32>} : memref<5632xi32, #tpu.memory_space<vmem>>, vector<16xi32>,
    %swap3A_2846 = vector.shape_cast %swap3A_2845 : vector<16xi32> to vector<16xi32>
    %swap3A_2847 = vector.shape_cast %add3A_2843 : vector<16xi32> to vector<16xi32>
    tpu.vector_store %arg6[%swap3A_2844], %swap3A_2847 {strides = array<i32>} : memref<5632xi32, #tpu.memory_space<vmem>>, vector<16xi32>,
    %get3A_2848 = arith.constant 384 : index
    %get3A_2849 = tpu.vector_load %arg5[%get3A_2848] {strides = array<i32>} : memref<512xi32, #tpu.memory_space<vmem>>, vector<16xi32>,
    %get3A_2850 = vector.shape_cast %get3A_2849 : vector<16xi32> to vector<16xi32>
    %add3A_2851 = arith.constant 800000 : i32
    %add3A_2852 = vector.broadcast %add3A_2851 : i32 to vector<16xi32>
    %add3A_2853 = arith.addi %get3A_2850, %add3A_2852 : vector<16xi32>
    %swap3A_2854 = arith.constant 4480 : index
    %swap3A_2855 = tpu.vector_load %arg6[%swap3A_2854] {strides = array<i32>} : memref<5632xi32, #tpu.memory_space<vmem>>, vector<16xi32>,
    %swap3A_2856 = vector.shape_cast %swap3A_2855 : vector<16xi32> to vector<16xi32>
    %swap3A_2857 = vector.shape_cast %add3A_2853 : vector<16xi32> to vector<16xi32>
    tpu.vector_store %arg6[%swap3A_2854], %swap3A_2857 {strides = array<i32>} : memref<5632xi32, #tpu.memory_space<vmem>>, vector<16xi32>,
    %get3A_2858 = arith.constant 400 : index
    %get3A_2859 = tpu.vector_load %arg5[%get3A_2858] {strides = array<i32>} : memref<512xi32, #tpu.memory_space<vmem>>, vector<16xi32>,
    %get3A_2860 = vector.shape_cast %get3A_2859 : vector<16xi32> to vector<16xi32>
    %add3A_2861 = arith.constant 800000 : i32
    %add3A_2862 = vector.broadcast %add3A_2861 : i32 to vector<16xi32>
    %add3A_2863 = arith.addi %get3A_2860, %add3A_2862 : vector<16xi32>
    %swap3A_2864 = arith.constant 4496 : index
    %swap3A_2865 = tpu.vector_load %arg6[%swap3A_2864] {strides = array<i32>} : memref<5632xi32, #tpu.memory_space<vmem>>, vector<16xi32>,
    %swap3A_2866 = vector.shape_cast %swap3A_2865 : vector<16xi32> to vector<16xi32>
    %swap3A_2867 = vector.shape_cast %add3A_2863 : vector<16xi32> to vector<16xi32>
    tpu.vector_store %arg6[%swap3A_2864], %swap3A_2867 {strides = array<i32>} : memref<5632xi32, #tpu.memory_space<vmem>>, vector<16xi32>,
    %get3A_2868 = arith.constant 416 : index
    %get3A_2869 = tpu.vector_load %arg5[%get3A_2868] {strides = array<i32>} : memref<512xi32, #tpu.memory_space<vmem>>, vector<16xi32>,
    %get3A_2870 = vector.shape_cast %get3A_2869 : vector<16xi32> to vector<16xi32>
    %add3A_2871 = arith.constant 800000 : i32
    %add3A_2872 = vector.broadcast %add3A_2871 : i32 to vector<16xi32>
    %add3A_2873 = arith.addi %get3A_2870, %add3A_2872 : vector<16xi32>
    %swap3A_2874 = arith.constant 4512 : index
    %swap3A_2875 = tpu.vector_load %arg6[%swap3A_2874] {strides = array<i32>} : memref<5632xi32, #tpu.memory_space<vmem>>, vector<16xi32>,
    %swap3A_2876 = vector.shape_cast %swap3A_2875 : vector<16xi32> to vector<16xi32>
    %swap3A_2877 = vector.shape_cast %add3A_2873 : vector<16xi32> to vector<16xi32>
    tpu.vector_store %arg6[%swap3A_2874], %swap3A_2877 {strides = array<i32>} : memref<5632xi32, #tpu.memory_space<vmem>>, vector<16xi32>,
    %get3A_2878 = arith.constant 432 : index
    %get3A_2879 = tpu.vector_load %arg5[%get3A_2878] {strides = array<i32>} : memref<512xi32, #tpu.memory_space<vmem>>, vector<16xi32>,
    %get3A_2880 = vector.shape_cast %get3A_2879 : vector<16xi32> to vector<16xi32>
    %add3A_2881 = arith.constant 800000 : i32
    %add3A_2882 = vector.broadcast %add3A_2881 : i32 to vector<16xi32>
    %add3A_2883 = arith.addi %get3A_2880, %add3A_2882 : vector<16xi32>
    %swap3A_2884 = arith.constant 4528 : index
    %swap3A_2885 = tpu.vector_load %arg6[%swap3A_2884] {strides = array<i32>} : memref<5632xi32, #tpu.memory_space<vmem>>, vector<16xi32>,
    %swap3A_2886 = vector.shape_cast %swap3A_2885 : vector<16xi32> to vector<16xi32>
    %swap3A_2887 = vector.shape_cast %add3A_2883 : vector<16xi32> to vector<16xi32>
    tpu.vector_store %arg6[%swap3A_2884], %swap3A_2887 {strides = array<i32>} : memref<5632xi32, #tpu.memory_space<vmem>>, vector<16xi32>,
    %get3A_2888 = arith.constant 448 : index
    %get3A_2889 = tpu.vector_load %arg5[%get3A_2888] {strides = array<i32>} : memref<512xi32, #tpu.memory_space<vmem>>, vector<16xi32>,
    %get3A_2890 = vector.shape_cast %get3A_2889 : vector<16xi32> to vector<16xi32>
    %add3A_2891 = arith.constant 800000 : i32
    %add3A_2892 = vector.broadcast %add3A_2891 : i32 to vector<16xi32>
    %add3A_2893 = arith.addi %get3A_2890, %add3A_2892 : vector<16xi32>
    %swap3A_2894 = arith.constant 4544 : index
    %swap3A_2895 = tpu.vector_load %arg6[%swap3A_2894] {strides = array<i32>} : memref<5632xi32, #tpu.memory_space<vmem>>, vector<16xi32>,
    %swap3A_2896 = vector.shape_cast %swap3A_2895 : vector<16xi32> to vector<16xi32>
    %swap3A_2897 = vector.shape_cast %add3A_2893 : vector<16xi32> to vector<16xi32>
    tpu.vector_store %arg6[%swap3A_2894], %swap3A_2897 {strides = array<i32>} : memref<5632xi32, #tpu.memory_space<vmem>>, vector<16xi32>,
    %get3A_2898 = arith.constant 464 : index
    %get3A_2899 = tpu.vector_load %arg5[%get3A_2898] {strides = array<i32>} : memref<512xi32, #tpu.memory_space<vmem>>, vector<16xi32>,
    %get3A_2900 = vector.shape_cast %get3A_2899 : vector<16xi32> to vector<16xi32>
    %add3A_2901 = arith.constant 800000 : i32
    %add3A_2902 = vector.broadcast %add3A_2901 : i32 to vector<16xi32>
    %add3A_2903 = arith.addi %get3A_2900, %add3A_2902 : vector<16xi32>
    %swap3A_2904 = arith.constant 4560 : index
    %swap3A_2905 = tpu.vector_load %arg6[%swap3A_2904] {strides = array<i32>} : memref<5632xi32, #tpu.memory_space<vmem>>, vector<16xi32>,
    %swap3A_2906 = vector.shape_cast %swap3A_2905 : vector<16xi32> to vector<16xi32>
    %swap3A_2907 = vector.shape_cast %add3A_2903 : vector<16xi32> to vector<16xi32>
    tpu.vector_store %arg6[%swap3A_2904], %swap3A_2907 {strides = array<i32>} : memref<5632xi32, #tpu.memory_space<vmem>>, vector<16xi32>,
    %get3A_2908 = arith.constant 480 : index
    %get3A_2909 = tpu.vector_load %arg5[%get3A_2908] {strides = array<i32>} : memref<512xi32, #tpu.memory_space<vmem>>, vector<16xi32>,
    %get3A_2910 = vector.shape_cast %get3A_2909 : vector<16xi32> to vector<16xi32>
    %add3A_2911 = arith.constant 800000 : i32
    %add3A_2912 = vector.broadcast %add3A_2911 : i32 to vector<16xi32>
    %add3A_2913 = arith.addi %get3A_2910, %add3A_2912 : vector<16xi32>
    %swap3A_2914 = arith.constant 4576 : index
    %swap3A_2915 = tpu.vector_load %arg6[%swap3A_2914] {strides = array<i32>} : memref<5632xi32, #tpu.memory_space<vmem>>, vector<16xi32>,
    %swap3A_2916 = vector.shape_cast %swap3A_2915 : vector<16xi32> to vector<16xi32>
    %swap3A_2917 = vector.shape_cast %add3A_2913 : vector<16xi32> to vector<16xi32>
    tpu.vector_store %arg6[%swap3A_2914], %swap3A_2917 {strides = array<i32>} : memref<5632xi32, #tpu.memory_space<vmem>>, vector<16xi32>,
    %get3A_2918 = arith.constant 496 : index
    %get3A_2919 = tpu.vector_load %arg5[%get3A_2918] {strides = array<i32>} : memref<512xi32, #tpu.memory_space<vmem>>, vector<16xi32>,
    %get3A_2920 = vector.shape_cast %get3A_2919 : vector<16xi32> to vector<16xi32>
    %add3A_2921 = arith.constant 800000 : i32
    %add3A_2922 = vector.broadcast %add3A_2921 : i32 to vector<16xi32>
    %add3A_2923 = arith.addi %get3A_2920, %add3A_2922 : vector<16xi32>
    %swap3A_2924 = arith.constant 4592 : index
    %swap3A_2925 = tpu.vector_load %arg6[%swap3A_2924] {strides = array<i32>} : memref<5632xi32, #tpu.memory_space<vmem>>, vector<16xi32>,
    %swap3A_2926 = vector.shape_cast %swap3A_2925 : vector<16xi32> to vector<16xi32>
    %swap3A_2927 = vector.shape_cast %add3A_2923 : vector<16xi32> to vector<16xi32>
    tpu.vector_store %arg6[%swap3A_2924], %swap3A_2927 {strides = array<i32>} : memref<5632xi32, #tpu.memory_space<vmem>>, vector<16xi32>,
    %dma_start3A_2928 = arith.constant 4096 : i32
    %dma_start3A_2929 = tpu.memref_slice %arg7[%dma_start3A_2928] : memref<5632xf32, #tpu.memory_space<vmem>> -> memref<512xf32, #tpu.memory_space<vmem>>
    %dma_start3A_2930 = arith.constant 4096 : i32
    %dma_start3A_2931 = tpu.memref_slice %arg6[%dma_start3A_2930] : memref<5632xi32, #tpu.memory_space<vmem>> -> memref<512xi32, #tpu.memory_space<vmem>>
    %dma_start3A_2932 = arith.constant 0 : i32
    %dma_start3A_2933 = tpu.memref_slice %arg3[%dma_start3A_2932] : memref<1100000xf32, #tpu.memory_space<hbm>> -> memref<1100000xf32, #tpu.memory_space<hbm>>
    tpu.enqueue_indirect_dma source(%dma_start3A_2933 : memref<1100000xf32, #tpu.memory_space<hbm>>) target(%dma_start3A_2929 : memref<512xf32, #tpu.memory_space<vmem>>) offsets(%dma_start3A_2931 : memref<512xi32, #tpu.memory_space<vmem>>) semaphore(%arg8 : memref<!tpu.dma_semaphore, #tpu.memory_space<semaphore_mem>>)
    %get3A_2934 = arith.constant 0 : index
    %get3A_2935 = tpu.vector_load %arg5[%get3A_2934] {strides = array<i32>} : memref<512xi32, #tpu.memory_space<vmem>>, vector<16xi32>,
    %get3A_2936 = vector.shape_cast %get3A_2935 : vector<16xi32> to vector<16xi32>
    %add3A_2937 = arith.constant 900000 : i32
    %add3A_2938 = vector.broadcast %add3A_2937 : i32 to vector<16xi32>
    %add3A_2939 = arith.addi %get3A_2936, %add3A_2938 : vector<16xi32>
    %swap3A_2940 = arith.constant 4608 : index
    %swap3A_2941 = tpu.vector_load %arg6[%swap3A_2940] {strides = array<i32>} : memref<5632xi32, #tpu.memory_space<vmem>>, vector<16xi32>,
    %swap3A_2942 = vector.shape_cast %swap3A_2941 : vector<16xi32> to vector<16xi32>
    %swap3A_2943 = vector.shape_cast %add3A_2939 : vector<16xi32> to vector<16xi32>
    tpu.vector_store %arg6[%swap3A_2940], %swap3A_2943 {strides = array<i32>} : memref<5632xi32, #tpu.memory_space<vmem>>, vector<16xi32>,
    %get3A_2944 = arith.constant 16 : index
    %get3A_2945 = tpu.vector_load %arg5[%get3A_2944] {strides = array<i32>} : memref<512xi32, #tpu.memory_space<vmem>>, vector<16xi32>,
    %get3A_2946 = vector.shape_cast %get3A_2945 : vector<16xi32> to vector<16xi32>
    %add3A_2947 = arith.constant 900000 : i32
    %add3A_2948 = vector.broadcast %add3A_2947 : i32 to vector<16xi32>
    %add3A_2949 = arith.addi %get3A_2946, %add3A_2948 : vector<16xi32>
    %swap3A_2950 = arith.constant 4624 : index
    %swap3A_2951 = tpu.vector_load %arg6[%swap3A_2950] {strides = array<i32>} : memref<5632xi32, #tpu.memory_space<vmem>>, vector<16xi32>,
    %swap3A_2952 = vector.shape_cast %swap3A_2951 : vector<16xi32> to vector<16xi32>
    %swap3A_2953 = vector.shape_cast %add3A_2949 : vector<16xi32> to vector<16xi32>
    tpu.vector_store %arg6[%swap3A_2950], %swap3A_2953 {strides = array<i32>} : memref<5632xi32, #tpu.memory_space<vmem>>, vector<16xi32>,
    %get3A_2954 = arith.constant 32 : index
    %get3A_2955 = tpu.vector_load %arg5[%get3A_2954] {strides = array<i32>} : memref<512xi32, #tpu.memory_space<vmem>>, vector<16xi32>,
    %get3A_2956 = vector.shape_cast %get3A_2955 : vector<16xi32> to vector<16xi32>
    %add3A_2957 = arith.constant 900000 : i32
    %add3A_2958 = vector.broadcast %add3A_2957 : i32 to vector<16xi32>
    %add3A_2959 = arith.addi %get3A_2956, %add3A_2958 : vector<16xi32>
    %swap3A_2960 = arith.constant 4640 : index
    %swap3A_2961 = tpu.vector_load %arg6[%swap3A_2960] {strides = array<i32>} : memref<5632xi32, #tpu.memory_space<vmem>>, vector<16xi32>,
    %swap3A_2962 = vector.shape_cast %swap3A_2961 : vector<16xi32> to vector<16xi32>
    %swap3A_2963 = vector.shape_cast %add3A_2959 : vector<16xi32> to vector<16xi32>
    tpu.vector_store %arg6[%swap3A_2960], %swap3A_2963 {strides = array<i32>} : memref<5632xi32, #tpu.memory_space<vmem>>, vector<16xi32>,
    %get3A_2964 = arith.constant 48 : index
    %get3A_2965 = tpu.vector_load %arg5[%get3A_2964] {strides = array<i32>} : memref<512xi32, #tpu.memory_space<vmem>>, vector<16xi32>,
    %get3A_2966 = vector.shape_cast %get3A_2965 : vector<16xi32> to vector<16xi32>
    %add3A_2967 = arith.constant 900000 : i32
    %add3A_2968 = vector.broadcast %add3A_2967 : i32 to vector<16xi32>
    %add3A_2969 = arith.addi %get3A_2966, %add3A_2968 : vector<16xi32>
    %swap3A_2970 = arith.constant 4656 : index
    %swap3A_2971 = tpu.vector_load %arg6[%swap3A_2970] {strides = array<i32>} : memref<5632xi32, #tpu.memory_space<vmem>>, vector<16xi32>,
    %swap3A_2972 = vector.shape_cast %swap3A_2971 : vector<16xi32> to vector<16xi32>
    %swap3A_2973 = vector.shape_cast %add3A_2969 : vector<16xi32> to vector<16xi32>
    tpu.vector_store %arg6[%swap3A_2970], %swap3A_2973 {strides = array<i32>} : memref<5632xi32, #tpu.memory_space<vmem>>, vector<16xi32>,
    %get3A_2974 = arith.constant 64 : index
    %get3A_2975 = tpu.vector_load %arg5[%get3A_2974] {strides = array<i32>} : memref<512xi32, #tpu.memory_space<vmem>>, vector<16xi32>,
    %get3A_2976 = vector.shape_cast %get3A_2975 : vector<16xi32> to vector<16xi32>
    %add3A_2977 = arith.constant 900000 : i32
    %add3A_2978 = vector.broadcast %add3A_2977 : i32 to vector<16xi32>
    %add3A_2979 = arith.addi %get3A_2976, %add3A_2978 : vector<16xi32>
    %swap3A_2980 = arith.constant 4672 : index
    %swap3A_2981 = tpu.vector_load %arg6[%swap3A_2980] {strides = array<i32>} : memref<5632xi32, #tpu.memory_space<vmem>>, vector<16xi32>,
    %swap3A_2982 = vector.shape_cast %swap3A_2981 : vector<16xi32> to vector<16xi32>
    %swap3A_2983 = vector.shape_cast %add3A_2979 : vector<16xi32> to vector<16xi32>
    tpu.vector_store %arg6[%swap3A_2980], %swap3A_2983 {strides = array<i32>} : memref<5632xi32, #tpu.memory_space<vmem>>, vector<16xi32>,
    %get3A_2984 = arith.constant 80 : index
    %get3A_2985 = tpu.vector_load %arg5[%get3A_2984] {strides = array<i32>} : memref<512xi32, #tpu.memory_space<vmem>>, vector<16xi32>,
    %get3A_2986 = vector.shape_cast %get3A_2985 : vector<16xi32> to vector<16xi32>
    %add3A_2987 = arith.constant 900000 : i32
    %add3A_2988 = vector.broadcast %add3A_2987 : i32 to vector<16xi32>
    %add3A_2989 = arith.addi %get3A_2986, %add3A_2988 : vector<16xi32>
    %swap3A_2990 = arith.constant 4688 : index
    %swap3A_2991 = tpu.vector_load %arg6[%swap3A_2990] {strides = array<i32>} : memref<5632xi32, #tpu.memory_space<vmem>>, vector<16xi32>,
    %swap3A_2992 = vector.shape_cast %swap3A_2991 : vector<16xi32> to vector<16xi32>
    %swap3A_2993 = vector.shape_cast %add3A_2989 : vector<16xi32> to vector<16xi32>
    tpu.vector_store %arg6[%swap3A_2990], %swap3A_2993 {strides = array<i32>} : memref<5632xi32, #tpu.memory_space<vmem>>, vector<16xi32>,
    %get3A_2994 = arith.constant 96 : index
    %get3A_2995 = tpu.vector_load %arg5[%get3A_2994] {strides = array<i32>} : memref<512xi32, #tpu.memory_space<vmem>>, vector<16xi32>,
    %get3A_2996 = vector.shape_cast %get3A_2995 : vector<16xi32> to vector<16xi32>
    %add3A_2997 = arith.constant 900000 : i32
    %add3A_2998 = vector.broadcast %add3A_2997 : i32 to vector<16xi32>
    %add3A_2999 = arith.addi %get3A_2996, %add3A_2998 : vector<16xi32>
    %swap3A_3000 = arith.constant 4704 : index
    %swap3A_3001 = tpu.vector_load %arg6[%swap3A_3000] {strides = array<i32>} : memref<5632xi32, #tpu.memory_space<vmem>>, vector<16xi32>,
    %swap3A_3002 = vector.shape_cast %swap3A_3001 : vector<16xi32> to vector<16xi32>
    %swap3A_3003 = vector.shape_cast %add3A_2999 : vector<16xi32> to vector<16xi32>
    tpu.vector_store %arg6[%swap3A_3000], %swap3A_3003 {strides = array<i32>} : memref<5632xi32, #tpu.memory_space<vmem>>, vector<16xi32>,
    %get3A_3004 = arith.constant 112 : index
    %get3A_3005 = tpu.vector_load %arg5[%get3A_3004] {strides = array<i32>} : memref<512xi32, #tpu.memory_space<vmem>>, vector<16xi32>,
    %get3A_3006 = vector.shape_cast %get3A_3005 : vector<16xi32> to vector<16xi32>
    %add3A_3007 = arith.constant 900000 : i32
    %add3A_3008 = vector.broadcast %add3A_3007 : i32 to vector<16xi32>
    %add3A_3009 = arith.addi %get3A_3006, %add3A_3008 : vector<16xi32>
    %swap3A_3010 = arith.constant 4720 : index
    %swap3A_3011 = tpu.vector_load %arg6[%swap3A_3010] {strides = array<i32>} : memref<5632xi32, #tpu.memory_space<vmem>>, vector<16xi32>,
    %swap3A_3012 = vector.shape_cast %swap3A_3011 : vector<16xi32> to vector<16xi32>
    %swap3A_3013 = vector.shape_cast %add3A_3009 : vector<16xi32> to vector<16xi32>
    tpu.vector_store %arg6[%swap3A_3010], %swap3A_3013 {strides = array<i32>} : memref<5632xi32, #tpu.memory_space<vmem>>, vector<16xi32>,
    %get3A_3014 = arith.constant 128 : index
    %get3A_3015 = tpu.vector_load %arg5[%get3A_3014] {strides = array<i32>} : memref<512xi32, #tpu.memory_space<vmem>>, vector<16xi32>,
    %get3A_3016 = vector.shape_cast %get3A_3015 : vector<16xi32> to vector<16xi32>
    %add3A_3017 = arith.constant 900000 : i32
    %add3A_3018 = vector.broadcast %add3A_3017 : i32 to vector<16xi32>
    %add3A_3019 = arith.addi %get3A_3016, %add3A_3018 : vector<16xi32>
    %swap3A_3020 = arith.constant 4736 : index
    %swap3A_3021 = tpu.vector_load %arg6[%swap3A_3020] {strides = array<i32>} : memref<5632xi32, #tpu.memory_space<vmem>>, vector<16xi32>,
    %swap3A_3022 = vector.shape_cast %swap3A_3021 : vector<16xi32> to vector<16xi32>
    %swap3A_3023 = vector.shape_cast %add3A_3019 : vector<16xi32> to vector<16xi32>
    tpu.vector_store %arg6[%swap3A_3020], %swap3A_3023 {strides = array<i32>} : memref<5632xi32, #tpu.memory_space<vmem>>, vector<16xi32>,
    %get3A_3024 = arith.constant 144 : index
    %get3A_3025 = tpu.vector_load %arg5[%get3A_3024] {strides = array<i32>} : memref<512xi32, #tpu.memory_space<vmem>>, vector<16xi32>,
    %get3A_3026 = vector.shape_cast %get3A_3025 : vector<16xi32> to vector<16xi32>
    %add3A_3027 = arith.constant 900000 : i32
    %add3A_3028 = vector.broadcast %add3A_3027 : i32 to vector<16xi32>
    %add3A_3029 = arith.addi %get3A_3026, %add3A_3028 : vector<16xi32>
    %swap3A_3030 = arith.constant 4752 : index
    %swap3A_3031 = tpu.vector_load %arg6[%swap3A_3030] {strides = array<i32>} : memref<5632xi32, #tpu.memory_space<vmem>>, vector<16xi32>,
    %swap3A_3032 = vector.shape_cast %swap3A_3031 : vector<16xi32> to vector<16xi32>
    %swap3A_3033 = vector.shape_cast %add3A_3029 : vector<16xi32> to vector<16xi32>
    tpu.vector_store %arg6[%swap3A_3030], %swap3A_3033 {strides = array<i32>} : memref<5632xi32, #tpu.memory_space<vmem>>, vector<16xi32>,
    %get3A_3034 = arith.constant 160 : index
    %get3A_3035 = tpu.vector_load %arg5[%get3A_3034] {strides = array<i32>} : memref<512xi32, #tpu.memory_space<vmem>>, vector<16xi32>,
    %get3A_3036 = vector.shape_cast %get3A_3035 : vector<16xi32> to vector<16xi32>
    %add3A_3037 = arith.constant 900000 : i32
    %add3A_3038 = vector.broadcast %add3A_3037 : i32 to vector<16xi32>
    %add3A_3039 = arith.addi %get3A_3036, %add3A_3038 : vector<16xi32>
    %swap3A_3040 = arith.constant 4768 : index
    %swap3A_3041 = tpu.vector_load %arg6[%swap3A_3040] {strides = array<i32>} : memref<5632xi32, #tpu.memory_space<vmem>>, vector<16xi32>,
    %swap3A_3042 = vector.shape_cast %swap3A_3041 : vector<16xi32> to vector<16xi32>
    %swap3A_3043 = vector.shape_cast %add3A_3039 : vector<16xi32> to vector<16xi32>
    tpu.vector_store %arg6[%swap3A_3040], %swap3A_3043 {strides = array<i32>} : memref<5632xi32, #tpu.memory_space<vmem>>, vector<16xi32>,
    %get3A_3044 = arith.constant 176 : index
    %get3A_3045 = tpu.vector_load %arg5[%get3A_3044] {strides = array<i32>} : memref<512xi32, #tpu.memory_space<vmem>>, vector<16xi32>,
    %get3A_3046 = vector.shape_cast %get3A_3045 : vector<16xi32> to vector<16xi32>
    %add3A_3047 = arith.constant 900000 : i32
    %add3A_3048 = vector.broadcast %add3A_3047 : i32 to vector<16xi32>
    %add3A_3049 = arith.addi %get3A_3046, %add3A_3048 : vector<16xi32>
    %swap3A_3050 = arith.constant 4784 : index
    %swap3A_3051 = tpu.vector_load %arg6[%swap3A_3050] {strides = array<i32>} : memref<5632xi32, #tpu.memory_space<vmem>>, vector<16xi32>,
    %swap3A_3052 = vector.shape_cast %swap3A_3051 : vector<16xi32> to vector<16xi32>
    %swap3A_3053 = vector.shape_cast %add3A_3049 : vector<16xi32> to vector<16xi32>
    tpu.vector_store %arg6[%swap3A_3050], %swap3A_3053 {strides = array<i32>} : memref<5632xi32, #tpu.memory_space<vmem>>, vector<16xi32>,
    %get3A_3054 = arith.constant 192 : index
    %get3A_3055 = tpu.vector_load %arg5[%get3A_3054] {strides = array<i32>} : memref<512xi32, #tpu.memory_space<vmem>>, vector<16xi32>,
    %get3A_3056 = vector.shape_cast %get3A_3055 : vector<16xi32> to vector<16xi32>
    %add3A_3057 = arith.constant 900000 : i32
    %add3A_3058 = vector.broadcast %add3A_3057 : i32 to vector<16xi32>
    %add3A_3059 = arith.addi %get3A_3056, %add3A_3058 : vector<16xi32>
    %swap3A_3060 = arith.constant 4800 : index
    %swap3A_3061 = tpu.vector_load %arg6[%swap3A_3060] {strides = array<i32>} : memref<5632xi32, #tpu.memory_space<vmem>>, vector<16xi32>,
    %swap3A_3062 = vector.shape_cast %swap3A_3061 : vector<16xi32> to vector<16xi32>
    %swap3A_3063 = vector.shape_cast %add3A_3059 : vector<16xi32> to vector<16xi32>
    tpu.vector_store %arg6[%swap3A_3060], %swap3A_3063 {strides = array<i32>} : memref<5632xi32, #tpu.memory_space<vmem>>, vector<16xi32>,
    %get3A_3064 = arith.constant 208 : index
    %get3A_3065 = tpu.vector_load %arg5[%get3A_3064] {strides = array<i32>} : memref<512xi32, #tpu.memory_space<vmem>>, vector<16xi32>,
    %get3A_3066 = vector.shape_cast %get3A_3065 : vector<16xi32> to vector<16xi32>
    %add3A_3067 = arith.constant 900000 : i32
    %add3A_3068 = vector.broadcast %add3A_3067 : i32 to vector<16xi32>
    %add3A_3069 = arith.addi %get3A_3066, %add3A_3068 : vector<16xi32>
    %swap3A_3070 = arith.constant 4816 : index
    %swap3A_3071 = tpu.vector_load %arg6[%swap3A_3070] {strides = array<i32>} : memref<5632xi32, #tpu.memory_space<vmem>>, vector<16xi32>,
    %swap3A_3072 = vector.shape_cast %swap3A_3071 : vector<16xi32> to vector<16xi32>
    %swap3A_3073 = vector.shape_cast %add3A_3069 : vector<16xi32> to vector<16xi32>
    tpu.vector_store %arg6[%swap3A_3070], %swap3A_3073 {strides = array<i32>} : memref<5632xi32, #tpu.memory_space<vmem>>, vector<16xi32>,
    %get3A_3074 = arith.constant 224 : index
    %get3A_3075 = tpu.vector_load %arg5[%get3A_3074] {strides = array<i32>} : memref<512xi32, #tpu.memory_space<vmem>>, vector<16xi32>,
    %get3A_3076 = vector.shape_cast %get3A_3075 : vector<16xi32> to vector<16xi32>
    %add3A_3077 = arith.constant 900000 : i32
    %add3A_3078 = vector.broadcast %add3A_3077 : i32 to vector<16xi32>
    %add3A_3079 = arith.addi %get3A_3076, %add3A_3078 : vector<16xi32>
    %swap3A_3080 = arith.constant 4832 : index
    %swap3A_3081 = tpu.vector_load %arg6[%swap3A_3080] {strides = array<i32>} : memref<5632xi32, #tpu.memory_space<vmem>>, vector<16xi32>,
    %swap3A_3082 = vector.shape_cast %swap3A_3081 : vector<16xi32> to vector<16xi32>
    %swap3A_3083 = vector.shape_cast %add3A_3079 : vector<16xi32> to vector<16xi32>
    tpu.vector_store %arg6[%swap3A_3080], %swap3A_3083 {strides = array<i32>} : memref<5632xi32, #tpu.memory_space<vmem>>, vector<16xi32>,
    %get3A_3084 = arith.constant 240 : index
    %get3A_3085 = tpu.vector_load %arg5[%get3A_3084] {strides = array<i32>} : memref<512xi32, #tpu.memory_space<vmem>>, vector<16xi32>,
    %get3A_3086 = vector.shape_cast %get3A_3085 : vector<16xi32> to vector<16xi32>
    %add3A_3087 = arith.constant 900000 : i32
    %add3A_3088 = vector.broadcast %add3A_3087 : i32 to vector<16xi32>
    %add3A_3089 = arith.addi %get3A_3086, %add3A_3088 : vector<16xi32>
    %swap3A_3090 = arith.constant 4848 : index
    %swap3A_3091 = tpu.vector_load %arg6[%swap3A_3090] {strides = array<i32>} : memref<5632xi32, #tpu.memory_space<vmem>>, vector<16xi32>,
    %swap3A_3092 = vector.shape_cast %swap3A_3091 : vector<16xi32> to vector<16xi32>
    %swap3A_3093 = vector.shape_cast %add3A_3089 : vector<16xi32> to vector<16xi32>
    tpu.vector_store %arg6[%swap3A_3090], %swap3A_3093 {strides = array<i32>} : memref<5632xi32, #tpu.memory_space<vmem>>, vector<16xi32>,
    %get3A_3094 = arith.constant 256 : index
    %get3A_3095 = tpu.vector_load %arg5[%get3A_3094] {strides = array<i32>} : memref<512xi32, #tpu.memory_space<vmem>>, vector<16xi32>,
    %get3A_3096 = vector.shape_cast %get3A_3095 : vector<16xi32> to vector<16xi32>
    %add3A_3097 = arith.constant 900000 : i32
    %add3A_3098 = vector.broadcast %add3A_3097 : i32 to vector<16xi32>
    %add3A_3099 = arith.addi %get3A_3096, %add3A_3098 : vector<16xi32>
    %swap3A_3100 = arith.constant 4864 : index
    %swap3A_3101 = tpu.vector_load %arg6[%swap3A_3100] {strides = array<i32>} : memref<5632xi32, #tpu.memory_space<vmem>>, vector<16xi32>,
    %swap3A_3102 = vector.shape_cast %swap3A_3101 : vector<16xi32> to vector<16xi32>
    %swap3A_3103 = vector.shape_cast %add3A_3099 : vector<16xi32> to vector<16xi32>
    tpu.vector_store %arg6[%swap3A_3100], %swap3A_3103 {strides = array<i32>} : memref<5632xi32, #tpu.memory_space<vmem>>, vector<16xi32>,
    %get3A_3104 = arith.constant 272 : index
    %get3A_3105 = tpu.vector_load %arg5[%get3A_3104] {strides = array<i32>} : memref<512xi32, #tpu.memory_space<vmem>>, vector<16xi32>,
    %get3A_3106 = vector.shape_cast %get3A_3105 : vector<16xi32> to vector<16xi32>
    %add3A_3107 = arith.constant 900000 : i32
    %add3A_3108 = vector.broadcast %add3A_3107 : i32 to vector<16xi32>
    %add3A_3109 = arith.addi %get3A_3106, %add3A_3108 : vector<16xi32>
    %swap3A_3110 = arith.constant 4880 : index
    %swap3A_3111 = tpu.vector_load %arg6[%swap3A_3110] {strides = array<i32>} : memref<5632xi32, #tpu.memory_space<vmem>>, vector<16xi32>,
    %swap3A_3112 = vector.shape_cast %swap3A_3111 : vector<16xi32> to vector<16xi32>
    %swap3A_3113 = vector.shape_cast %add3A_3109 : vector<16xi32> to vector<16xi32>
    tpu.vector_store %arg6[%swap3A_3110], %swap3A_3113 {strides = array<i32>} : memref<5632xi32, #tpu.memory_space<vmem>>, vector<16xi32>,
    %get3A_3114 = arith.constant 288 : index
    %get3A_3115 = tpu.vector_load %arg5[%get3A_3114] {strides = array<i32>} : memref<512xi32, #tpu.memory_space<vmem>>, vector<16xi32>,
    %get3A_3116 = vector.shape_cast %get3A_3115 : vector<16xi32> to vector<16xi32>
    %add3A_3117 = arith.constant 900000 : i32
    %add3A_3118 = vector.broadcast %add3A_3117 : i32 to vector<16xi32>
    %add3A_3119 = arith.addi %get3A_3116, %add3A_3118 : vector<16xi32>
    %swap3A_3120 = arith.constant 4896 : index
    %swap3A_3121 = tpu.vector_load %arg6[%swap3A_3120] {strides = array<i32>} : memref<5632xi32, #tpu.memory_space<vmem>>, vector<16xi32>,
    %swap3A_3122 = vector.shape_cast %swap3A_3121 : vector<16xi32> to vector<16xi32>
    %swap3A_3123 = vector.shape_cast %add3A_3119 : vector<16xi32> to vector<16xi32>
    tpu.vector_store %arg6[%swap3A_3120], %swap3A_3123 {strides = array<i32>} : memref<5632xi32, #tpu.memory_space<vmem>>, vector<16xi32>,
    %get3A_3124 = arith.constant 304 : index
    %get3A_3125 = tpu.vector_load %arg5[%get3A_3124] {strides = array<i32>} : memref<512xi32, #tpu.memory_space<vmem>>, vector<16xi32>,
    %get3A_3126 = vector.shape_cast %get3A_3125 : vector<16xi32> to vector<16xi32>
    %add3A_3127 = arith.constant 900000 : i32
    %add3A_3128 = vector.broadcast %add3A_3127 : i32 to vector<16xi32>
    %add3A_3129 = arith.addi %get3A_3126, %add3A_3128 : vector<16xi32>
    %swap3A_3130 = arith.constant 4912 : index
    %swap3A_3131 = tpu.vector_load %arg6[%swap3A_3130] {strides = array<i32>} : memref<5632xi32, #tpu.memory_space<vmem>>, vector<16xi32>,
    %swap3A_3132 = vector.shape_cast %swap3A_3131 : vector<16xi32> to vector<16xi32>
    %swap3A_3133 = vector.shape_cast %add3A_3129 : vector<16xi32> to vector<16xi32>
    tpu.vector_store %arg6[%swap3A_3130], %swap3A_3133 {strides = array<i32>} : memref<5632xi32, #tpu.memory_space<vmem>>, vector<16xi32>,
    %get3A_3134 = arith.constant 320 : index
    %get3A_3135 = tpu.vector_load %arg5[%get3A_3134] {strides = array<i32>} : memref<512xi32, #tpu.memory_space<vmem>>, vector<16xi32>,
    %get3A_3136 = vector.shape_cast %get3A_3135 : vector<16xi32> to vector<16xi32>
    %add3A_3137 = arith.constant 900000 : i32
    %add3A_3138 = vector.broadcast %add3A_3137 : i32 to vector<16xi32>
    %add3A_3139 = arith.addi %get3A_3136, %add3A_3138 : vector<16xi32>
    %swap3A_3140 = arith.constant 4928 : index
    %swap3A_3141 = tpu.vector_load %arg6[%swap3A_3140] {strides = array<i32>} : memref<5632xi32, #tpu.memory_space<vmem>>, vector<16xi32>,
    %swap3A_3142 = vector.shape_cast %swap3A_3141 : vector<16xi32> to vector<16xi32>
    %swap3A_3143 = vector.shape_cast %add3A_3139 : vector<16xi32> to vector<16xi32>
    tpu.vector_store %arg6[%swap3A_3140], %swap3A_3143 {strides = array<i32>} : memref<5632xi32, #tpu.memory_space<vmem>>, vector<16xi32>,
    %get3A_3144 = arith.constant 336 : index
    %get3A_3145 = tpu.vector_load %arg5[%get3A_3144] {strides = array<i32>} : memref<512xi32, #tpu.memory_space<vmem>>, vector<16xi32>,
    %get3A_3146 = vector.shape_cast %get3A_3145 : vector<16xi32> to vector<16xi32>
    %add3A_3147 = arith.constant 900000 : i32
    %add3A_3148 = vector.broadcast %add3A_3147 : i32 to vector<16xi32>
    %add3A_3149 = arith.addi %get3A_3146, %add3A_3148 : vector<16xi32>
    %swap3A_3150 = arith.constant 4944 : index
    %swap3A_3151 = tpu.vector_load %arg6[%swap3A_3150] {strides = array<i32>} : memref<5632xi32, #tpu.memory_space<vmem>>, vector<16xi32>,
    %swap3A_3152 = vector.shape_cast %swap3A_3151 : vector<16xi32> to vector<16xi32>
    %swap3A_3153 = vector.shape_cast %add3A_3149 : vector<16xi32> to vector<16xi32>
    tpu.vector_store %arg6[%swap3A_3150], %swap3A_3153 {strides = array<i32>} : memref<5632xi32, #tpu.memory_space<vmem>>, vector<16xi32>,
    %get3A_3154 = arith.constant 352 : index
    %get3A_3155 = tpu.vector_load %arg5[%get3A_3154] {strides = array<i32>} : memref<512xi32, #tpu.memory_space<vmem>>, vector<16xi32>,
    %get3A_3156 = vector.shape_cast %get3A_3155 : vector<16xi32> to vector<16xi32>
    %add3A_3157 = arith.constant 900000 : i32
    %add3A_3158 = vector.broadcast %add3A_3157 : i32 to vector<16xi32>
    %add3A_3159 = arith.addi %get3A_3156, %add3A_3158 : vector<16xi32>
    %swap3A_3160 = arith.constant 4960 : index
    %swap3A_3161 = tpu.vector_load %arg6[%swap3A_3160] {strides = array<i32>} : memref<5632xi32, #tpu.memory_space<vmem>>, vector<16xi32>,
    %swap3A_3162 = vector.shape_cast %swap3A_3161 : vector<16xi32> to vector<16xi32>
    %swap3A_3163 = vector.shape_cast %add3A_3159 : vector<16xi32> to vector<16xi32>
    tpu.vector_store %arg6[%swap3A_3160], %swap3A_3163 {strides = array<i32>} : memref<5632xi32, #tpu.memory_space<vmem>>, vector<16xi32>,
    %get3A_3164 = arith.constant 368 : index
    %get3A_3165 = tpu.vector_load %arg5[%get3A_3164] {strides = array<i32>} : memref<512xi32, #tpu.memory_space<vmem>>, vector<16xi32>,
    %get3A_3166 = vector.shape_cast %get3A_3165 : vector<16xi32> to vector<16xi32>
    %add3A_3167 = arith.constant 900000 : i32
    %add3A_3168 = vector.broadcast %add3A_3167 : i32 to vector<16xi32>
    %add3A_3169 = arith.addi %get3A_3166, %add3A_3168 : vector<16xi32>
    %swap3A_3170 = arith.constant 4976 : index
    %swap3A_3171 = tpu.vector_load %arg6[%swap3A_3170] {strides = array<i32>} : memref<5632xi32, #tpu.memory_space<vmem>>, vector<16xi32>,
    %swap3A_3172 = vector.shape_cast %swap3A_3171 : vector<16xi32> to vector<16xi32>
    %swap3A_3173 = vector.shape_cast %add3A_3169 : vector<16xi32> to vector<16xi32>
    tpu.vector_store %arg6[%swap3A_3170], %swap3A_3173 {strides = array<i32>} : memref<5632xi32, #tpu.memory_space<vmem>>, vector<16xi32>,
    %get3A_3174 = arith.constant 384 : index
    %get3A_3175 = tpu.vector_load %arg5[%get3A_3174] {strides = array<i32>} : memref<512xi32, #tpu.memory_space<vmem>>, vector<16xi32>,
    %get3A_3176 = vector.shape_cast %get3A_3175 : vector<16xi32> to vector<16xi32>
    %add3A_3177 = arith.constant 900000 : i32
    %add3A_3178 = vector.broadcast %add3A_3177 : i32 to vector<16xi32>
    %add3A_3179 = arith.addi %get3A_3176, %add3A_3178 : vector<16xi32>
    %swap3A_3180 = arith.constant 4992 : index
    %swap3A_3181 = tpu.vector_load %arg6[%swap3A_3180] {strides = array<i32>} : memref<5632xi32, #tpu.memory_space<vmem>>, vector<16xi32>,
    %swap3A_3182 = vector.shape_cast %swap3A_3181 : vector<16xi32> to vector<16xi32>
    %swap3A_3183 = vector.shape_cast %add3A_3179 : vector<16xi32> to vector<16xi32>
    tpu.vector_store %arg6[%swap3A_3180], %swap3A_3183 {strides = array<i32>} : memref<5632xi32, #tpu.memory_space<vmem>>, vector<16xi32>,
    %get3A_3184 = arith.constant 400 : index
    %get3A_3185 = tpu.vector_load %arg5[%get3A_3184] {strides = array<i32>} : memref<512xi32, #tpu.memory_space<vmem>>, vector<16xi32>,
    %get3A_3186 = vector.shape_cast %get3A_3185 : vector<16xi32> to vector<16xi32>
    %add3A_3187 = arith.constant 900000 : i32
    %add3A_3188 = vector.broadcast %add3A_3187 : i32 to vector<16xi32>
    %add3A_3189 = arith.addi %get3A_3186, %add3A_3188 : vector<16xi32>
    %swap3A_3190 = arith.constant 5008 : index
    %swap3A_3191 = tpu.vector_load %arg6[%swap3A_3190] {strides = array<i32>} : memref<5632xi32, #tpu.memory_space<vmem>>, vector<16xi32>,
    %swap3A_3192 = vector.shape_cast %swap3A_3191 : vector<16xi32> to vector<16xi32>
    %swap3A_3193 = vector.shape_cast %add3A_3189 : vector<16xi32> to vector<16xi32>
    tpu.vector_store %arg6[%swap3A_3190], %swap3A_3193 {strides = array<i32>} : memref<5632xi32, #tpu.memory_space<vmem>>, vector<16xi32>,
    %get3A_3194 = arith.constant 416 : index
    %get3A_3195 = tpu.vector_load %arg5[%get3A_3194] {strides = array<i32>} : memref<512xi32, #tpu.memory_space<vmem>>, vector<16xi32>,
    %get3A_3196 = vector.shape_cast %get3A_3195 : vector<16xi32> to vector<16xi32>
    %add3A_3197 = arith.constant 900000 : i32
    %add3A_3198 = vector.broadcast %add3A_3197 : i32 to vector<16xi32>
    %add3A_3199 = arith.addi %get3A_3196, %add3A_3198 : vector<16xi32>
    %swap3A_3200 = arith.constant 5024 : index
    %swap3A_3201 = tpu.vector_load %arg6[%swap3A_3200] {strides = array<i32>} : memref<5632xi32, #tpu.memory_space<vmem>>, vector<16xi32>,
    %swap3A_3202 = vector.shape_cast %swap3A_3201 : vector<16xi32> to vector<16xi32>
    %swap3A_3203 = vector.shape_cast %add3A_3199 : vector<16xi32> to vector<16xi32>
    tpu.vector_store %arg6[%swap3A_3200], %swap3A_3203 {strides = array<i32>} : memref<5632xi32, #tpu.memory_space<vmem>>, vector<16xi32>,
    %get3A_3204 = arith.constant 432 : index
    %get3A_3205 = tpu.vector_load %arg5[%get3A_3204] {strides = array<i32>} : memref<512xi32, #tpu.memory_space<vmem>>, vector<16xi32>,
    %get3A_3206 = vector.shape_cast %get3A_3205 : vector<16xi32> to vector<16xi32>
    %add3A_3207 = arith.constant 900000 : i32
    %add3A_3208 = vector.broadcast %add3A_3207 : i32 to vector<16xi32>
    %add3A_3209 = arith.addi %get3A_3206, %add3A_3208 : vector<16xi32>
    %swap3A_3210 = arith.constant 5040 : index
    %swap3A_3211 = tpu.vector_load %arg6[%swap3A_3210] {strides = array<i32>} : memref<5632xi32, #tpu.memory_space<vmem>>, vector<16xi32>,
    %swap3A_3212 = vector.shape_cast %swap3A_3211 : vector<16xi32> to vector<16xi32>
    %swap3A_3213 = vector.shape_cast %add3A_3209 : vector<16xi32> to vector<16xi32>
    tpu.vector_store %arg6[%swap3A_3210], %swap3A_3213 {strides = array<i32>} : memref<5632xi32, #tpu.memory_space<vmem>>, vector<16xi32>,
    %get3A_3214 = arith.constant 448 : index
    %get3A_3215 = tpu.vector_load %arg5[%get3A_3214] {strides = array<i32>} : memref<512xi32, #tpu.memory_space<vmem>>, vector<16xi32>,
    %get3A_3216 = vector.shape_cast %get3A_3215 : vector<16xi32> to vector<16xi32>
    %add3A_3217 = arith.constant 900000 : i32
    %add3A_3218 = vector.broadcast %add3A_3217 : i32 to vector<16xi32>
    %add3A_3219 = arith.addi %get3A_3216, %add3A_3218 : vector<16xi32>
    %swap3A_3220 = arith.constant 5056 : index
    %swap3A_3221 = tpu.vector_load %arg6[%swap3A_3220] {strides = array<i32>} : memref<5632xi32, #tpu.memory_space<vmem>>, vector<16xi32>,
    %swap3A_3222 = vector.shape_cast %swap3A_3221 : vector<16xi32> to vector<16xi32>
    %swap3A_3223 = vector.shape_cast %add3A_3219 : vector<16xi32> to vector<16xi32>
    tpu.vector_store %arg6[%swap3A_3220], %swap3A_3223 {strides = array<i32>} : memref<5632xi32, #tpu.memory_space<vmem>>, vector<16xi32>,
    %get3A_3224 = arith.constant 464 : index
    %get3A_3225 = tpu.vector_load %arg5[%get3A_3224] {strides = array<i32>} : memref<512xi32, #tpu.memory_space<vmem>>, vector<16xi32>,
    %get3A_3226 = vector.shape_cast %get3A_3225 : vector<16xi32> to vector<16xi32>
    %add3A_3227 = arith.constant 900000 : i32
    %add3A_3228 = vector.broadcast %add3A_3227 : i32 to vector<16xi32>
    %add3A_3229 = arith.addi %get3A_3226, %add3A_3228 : vector<16xi32>
    %swap3A_3230 = arith.constant 5072 : index
    %swap3A_3231 = tpu.vector_load %arg6[%swap3A_3230] {strides = array<i32>} : memref<5632xi32, #tpu.memory_space<vmem>>, vector<16xi32>,
    %swap3A_3232 = vector.shape_cast %swap3A_3231 : vector<16xi32> to vector<16xi32>
    %swap3A_3233 = vector.shape_cast %add3A_3229 : vector<16xi32> to vector<16xi32>
    tpu.vector_store %arg6[%swap3A_3230], %swap3A_3233 {strides = array<i32>} : memref<5632xi32, #tpu.memory_space<vmem>>, vector<16xi32>,
    %get3A_3234 = arith.constant 480 : index
    %get3A_3235 = tpu.vector_load %arg5[%get3A_3234] {strides = array<i32>} : memref<512xi32, #tpu.memory_space<vmem>>, vector<16xi32>,
    %get3A_3236 = vector.shape_cast %get3A_3235 : vector<16xi32> to vector<16xi32>
    %add3A_3237 = arith.constant 900000 : i32
    %add3A_3238 = vector.broadcast %add3A_3237 : i32 to vector<16xi32>
    %add3A_3239 = arith.addi %get3A_3236, %add3A_3238 : vector<16xi32>
    %swap3A_3240 = arith.constant 5088 : index
    %swap3A_3241 = tpu.vector_load %arg6[%swap3A_3240] {strides = array<i32>} : memref<5632xi32, #tpu.memory_space<vmem>>, vector<16xi32>,
    %swap3A_3242 = vector.shape_cast %swap3A_3241 : vector<16xi32> to vector<16xi32>
    %swap3A_3243 = vector.shape_cast %add3A_3239 : vector<16xi32> to vector<16xi32>
    tpu.vector_store %arg6[%swap3A_3240], %swap3A_3243 {strides = array<i32>} : memref<5632xi32, #tpu.memory_space<vmem>>, vector<16xi32>,
    %get3A_3244 = arith.constant 496 : index
    %get3A_3245 = tpu.vector_load %arg5[%get3A_3244] {strides = array<i32>} : memref<512xi32, #tpu.memory_space<vmem>>, vector<16xi32>,
    %get3A_3246 = vector.shape_cast %get3A_3245 : vector<16xi32> to vector<16xi32>
    %add3A_3247 = arith.constant 900000 : i32
    %add3A_3248 = vector.broadcast %add3A_3247 : i32 to vector<16xi32>
    %add3A_3249 = arith.addi %get3A_3246, %add3A_3248 : vector<16xi32>
    %swap3A_3250 = arith.constant 5104 : index
    %swap3A_3251 = tpu.vector_load %arg6[%swap3A_3250] {strides = array<i32>} : memref<5632xi32, #tpu.memory_space<vmem>>, vector<16xi32>,
    %swap3A_3252 = vector.shape_cast %swap3A_3251 : vector<16xi32> to vector<16xi32>
    %swap3A_3253 = vector.shape_cast %add3A_3249 : vector<16xi32> to vector<16xi32>
    tpu.vector_store %arg6[%swap3A_3250], %swap3A_3253 {strides = array<i32>} : memref<5632xi32, #tpu.memory_space<vmem>>, vector<16xi32>,
    %dma_start3A_3254 = arith.constant 4608 : i32
    %dma_start3A_3255 = tpu.memref_slice %arg7[%dma_start3A_3254] : memref<5632xf32, #tpu.memory_space<vmem>> -> memref<512xf32, #tpu.memory_space<vmem>>
    %dma_start3A_3256 = arith.constant 4608 : i32
    %dma_start3A_3257 = tpu.memref_slice %arg6[%dma_start3A_3256] : memref<5632xi32, #tpu.memory_space<vmem>> -> memref<512xi32, #tpu.memory_space<vmem>>
    %dma_start3A_3258 = arith.constant 0 : i32
    %dma_start3A_3259 = tpu.memref_slice %arg3[%dma_start3A_3258] : memref<1100000xf32, #tpu.memory_space<hbm>> -> memref<1100000xf32, #tpu.memory_space<hbm>>
    tpu.enqueue_indirect_dma source(%dma_start3A_3259 : memref<1100000xf32, #tpu.memory_space<hbm>>) target(%dma_start3A_3255 : memref<512xf32, #tpu.memory_space<vmem>>) offsets(%dma_start3A_3257 : memref<512xi32, #tpu.memory_space<vmem>>) semaphore(%arg8 : memref<!tpu.dma_semaphore, #tpu.memory_space<semaphore_mem>>)
    %get3A_3260 = arith.constant 0 : index
    %get3A_3261 = tpu.vector_load %arg5[%get3A_3260] {strides = array<i32>} : memref<512xi32, #tpu.memory_space<vmem>>, vector<16xi32>,
    %get3A_3262 = vector.shape_cast %get3A_3261 : vector<16xi32> to vector<16xi32>
    %add3A_3263 = arith.constant 1000000 : i32
    %add3A_3264 = vector.broadcast %add3A_3263 : i32 to vector<16xi32>
    %add3A_3265 = arith.addi %get3A_3262, %add3A_3264 : vector<16xi32>
    %swap3A_3266 = arith.constant 5120 : index
    %swap3A_3267 = tpu.vector_load %arg6[%swap3A_3266] {strides = array<i32>} : memref<5632xi32, #tpu.memory_space<vmem>>, vector<16xi32>,
    %swap3A_3268 = vector.shape_cast %swap3A_3267 : vector<16xi32> to vector<16xi32>
    %swap3A_3269 = vector.shape_cast %add3A_3265 : vector<16xi32> to vector<16xi32>
    tpu.vector_store %arg6[%swap3A_3266], %swap3A_3269 {strides = array<i32>} : memref<5632xi32, #tpu.memory_space<vmem>>, vector<16xi32>,
    %get3A_3270 = arith.constant 16 : index
    %get3A_3271 = tpu.vector_load %arg5[%get3A_3270] {strides = array<i32>} : memref<512xi32, #tpu.memory_space<vmem>>, vector<16xi32>,
    %get3A_3272 = vector.shape_cast %get3A_3271 : vector<16xi32> to vector<16xi32>
    %add3A_3273 = arith.constant 1000000 : i32
    %add3A_3274 = vector.broadcast %add3A_3273 : i32 to vector<16xi32>
    %add3A_3275 = arith.addi %get3A_3272, %add3A_3274 : vector<16xi32>
    %swap3A_3276 = arith.constant 5136 : index
    %swap3A_3277 = tpu.vector_load %arg6[%swap3A_3276] {strides = array<i32>} : memref<5632xi32, #tpu.memory_space<vmem>>, vector<16xi32>,
    %swap3A_3278 = vector.shape_cast %swap3A_3277 : vector<16xi32> to vector<16xi32>
    %swap3A_3279 = vector.shape_cast %add3A_3275 : vector<16xi32> to vector<16xi32>
    tpu.vector_store %arg6[%swap3A_3276], %swap3A_3279 {strides = array<i32>} : memref<5632xi32, #tpu.memory_space<vmem>>, vector<16xi32>,
    %get3A_3280 = arith.constant 32 : index
    %get3A_3281 = tpu.vector_load %arg5[%get3A_3280] {strides = array<i32>} : memref<512xi32, #tpu.memory_space<vmem>>, vector<16xi32>,
    %get3A_3282 = vector.shape_cast %get3A_3281 : vector<16xi32> to vector<16xi32>
    %add3A_3283 = arith.constant 1000000 : i32
    %add3A_3284 = vector.broadcast %add3A_3283 : i32 to vector<16xi32>
    %add3A_3285 = arith.addi %get3A_3282, %add3A_3284 : vector<16xi32>
    %swap3A_3286 = arith.constant 5152 : index
    %swap3A_3287 = tpu.vector_load %arg6[%swap3A_3286] {strides = array<i32>} : memref<5632xi32, #tpu.memory_space<vmem>>, vector<16xi32>,
    %swap3A_3288 = vector.shape_cast %swap3A_3287 : vector<16xi32> to vector<16xi32>
    %swap3A_3289 = vector.shape_cast %add3A_3285 : vector<16xi32> to vector<16xi32>
    tpu.vector_store %arg6[%swap3A_3286], %swap3A_3289 {strides = array<i32>} : memref<5632xi32, #tpu.memory_space<vmem>>, vector<16xi32>,
    %get3A_3290 = arith.constant 48 : index
    %get3A_3291 = tpu.vector_load %arg5[%get3A_3290] {strides = array<i32>} : memref<512xi32, #tpu.memory_space<vmem>>, vector<16xi32>,
    %get3A_3292 = vector.shape_cast %get3A_3291 : vector<16xi32> to vector<16xi32>
    %add3A_3293 = arith.constant 1000000 : i32
    %add3A_3294 = vector.broadcast %add3A_3293 : i32 to vector<16xi32>
    %add3A_3295 = arith.addi %get3A_3292, %add3A_3294 : vector<16xi32>
    %swap3A_3296 = arith.constant 5168 : index
    %swap3A_3297 = tpu.vector_load %arg6[%swap3A_3296] {strides = array<i32>} : memref<5632xi32, #tpu.memory_space<vmem>>, vector<16xi32>,
    %swap3A_3298 = vector.shape_cast %swap3A_3297 : vector<16xi32> to vector<16xi32>
    %swap3A_3299 = vector.shape_cast %add3A_3295 : vector<16xi32> to vector<16xi32>
    tpu.vector_store %arg6[%swap3A_3296], %swap3A_3299 {strides = array<i32>} : memref<5632xi32, #tpu.memory_space<vmem>>, vector<16xi32>,
    %get3A_3300 = arith.constant 64 : index
    %get3A_3301 = tpu.vector_load %arg5[%get3A_3300] {strides = array<i32>} : memref<512xi32, #tpu.memory_space<vmem>>, vector<16xi32>,
    %get3A_3302 = vector.shape_cast %get3A_3301 : vector<16xi32> to vector<16xi32>
    %add3A_3303 = arith.constant 1000000 : i32
    %add3A_3304 = vector.broadcast %add3A_3303 : i32 to vector<16xi32>
    %add3A_3305 = arith.addi %get3A_3302, %add3A_3304 : vector<16xi32>
    %swap3A_3306 = arith.constant 5184 : index
    %swap3A_3307 = tpu.vector_load %arg6[%swap3A_3306] {strides = array<i32>} : memref<5632xi32, #tpu.memory_space<vmem>>, vector<16xi32>,
    %swap3A_3308 = vector.shape_cast %swap3A_3307 : vector<16xi32> to vector<16xi32>
    %swap3A_3309 = vector.shape_cast %add3A_3305 : vector<16xi32> to vector<16xi32>
    tpu.vector_store %arg6[%swap3A_3306], %swap3A_3309 {strides = array<i32>} : memref<5632xi32, #tpu.memory_space<vmem>>, vector<16xi32>,
    %get3A_3310 = arith.constant 80 : index
    %get3A_3311 = tpu.vector_load %arg5[%get3A_3310] {strides = array<i32>} : memref<512xi32, #tpu.memory_space<vmem>>, vector<16xi32>,
    %get3A_3312 = vector.shape_cast %get3A_3311 : vector<16xi32> to vector<16xi32>
    %add3A_3313 = arith.constant 1000000 : i32
    %add3A_3314 = vector.broadcast %add3A_3313 : i32 to vector<16xi32>
    %add3A_3315 = arith.addi %get3A_3312, %add3A_3314 : vector<16xi32>
    %swap3A_3316 = arith.constant 5200 : index
    %swap3A_3317 = tpu.vector_load %arg6[%swap3A_3316] {strides = array<i32>} : memref<5632xi32, #tpu.memory_space<vmem>>, vector<16xi32>,
    %swap3A_3318 = vector.shape_cast %swap3A_3317 : vector<16xi32> to vector<16xi32>
    %swap3A_3319 = vector.shape_cast %add3A_3315 : vector<16xi32> to vector<16xi32>
    tpu.vector_store %arg6[%swap3A_3316], %swap3A_3319 {strides = array<i32>} : memref<5632xi32, #tpu.memory_space<vmem>>, vector<16xi32>,
    %get3A_3320 = arith.constant 96 : index
    %get3A_3321 = tpu.vector_load %arg5[%get3A_3320] {strides = array<i32>} : memref<512xi32, #tpu.memory_space<vmem>>, vector<16xi32>,
    %get3A_3322 = vector.shape_cast %get3A_3321 : vector<16xi32> to vector<16xi32>
    %add3A_3323 = arith.constant 1000000 : i32
    %add3A_3324 = vector.broadcast %add3A_3323 : i32 to vector<16xi32>
    %add3A_3325 = arith.addi %get3A_3322, %add3A_3324 : vector<16xi32>
    %swap3A_3326 = arith.constant 5216 : index
    %swap3A_3327 = tpu.vector_load %arg6[%swap3A_3326] {strides = array<i32>} : memref<5632xi32, #tpu.memory_space<vmem>>, vector<16xi32>,
    %swap3A_3328 = vector.shape_cast %swap3A_3327 : vector<16xi32> to vector<16xi32>
    %swap3A_3329 = vector.shape_cast %add3A_3325 : vector<16xi32> to vector<16xi32>
    tpu.vector_store %arg6[%swap3A_3326], %swap3A_3329 {strides = array<i32>} : memref<5632xi32, #tpu.memory_space<vmem>>, vector<16xi32>,
    %get3A_3330 = arith.constant 112 : index
    %get3A_3331 = tpu.vector_load %arg5[%get3A_3330] {strides = array<i32>} : memref<512xi32, #tpu.memory_space<vmem>>, vector<16xi32>,
    %get3A_3332 = vector.shape_cast %get3A_3331 : vector<16xi32> to vector<16xi32>
    %add3A_3333 = arith.constant 1000000 : i32
    %add3A_3334 = vector.broadcast %add3A_3333 : i32 to vector<16xi32>
    %add3A_3335 = arith.addi %get3A_3332, %add3A_3334 : vector<16xi32>
    %swap3A_3336 = arith.constant 5232 : index
    %swap3A_3337 = tpu.vector_load %arg6[%swap3A_3336] {strides = array<i32>} : memref<5632xi32, #tpu.memory_space<vmem>>, vector<16xi32>,
    %swap3A_3338 = vector.shape_cast %swap3A_3337 : vector<16xi32> to vector<16xi32>
    %swap3A_3339 = vector.shape_cast %add3A_3335 : vector<16xi32> to vector<16xi32>
    tpu.vector_store %arg6[%swap3A_3336], %swap3A_3339 {strides = array<i32>} : memref<5632xi32, #tpu.memory_space<vmem>>, vector<16xi32>,
    %get3A_3340 = arith.constant 128 : index
    %get3A_3341 = tpu.vector_load %arg5[%get3A_3340] {strides = array<i32>} : memref<512xi32, #tpu.memory_space<vmem>>, vector<16xi32>,
    %get3A_3342 = vector.shape_cast %get3A_3341 : vector<16xi32> to vector<16xi32>
    %add3A_3343 = arith.constant 1000000 : i32
    %add3A_3344 = vector.broadcast %add3A_3343 : i32 to vector<16xi32>
    %add3A_3345 = arith.addi %get3A_3342, %add3A_3344 : vector<16xi32>
    %swap3A_3346 = arith.constant 5248 : index
    %swap3A_3347 = tpu.vector_load %arg6[%swap3A_3346] {strides = array<i32>} : memref<5632xi32, #tpu.memory_space<vmem>>, vector<16xi32>,
    %swap3A_3348 = vector.shape_cast %swap3A_3347 : vector<16xi32> to vector<16xi32>
    %swap3A_3349 = vector.shape_cast %add3A_3345 : vector<16xi32> to vector<16xi32>
    tpu.vector_store %arg6[%swap3A_3346], %swap3A_3349 {strides = array<i32>} : memref<5632xi32, #tpu.memory_space<vmem>>, vector<16xi32>,
    %get3A_3350 = arith.constant 144 : index
    %get3A_3351 = tpu.vector_load %arg5[%get3A_3350] {strides = array<i32>} : memref<512xi32, #tpu.memory_space<vmem>>, vector<16xi32>,
    %get3A_3352 = vector.shape_cast %get3A_3351 : vector<16xi32> to vector<16xi32>
    %add3A_3353 = arith.constant 1000000 : i32
    %add3A_3354 = vector.broadcast %add3A_3353 : i32 to vector<16xi32>
    %add3A_3355 = arith.addi %get3A_3352, %add3A_3354 : vector<16xi32>
    %swap3A_3356 = arith.constant 5264 : index
    %swap3A_3357 = tpu.vector_load %arg6[%swap3A_3356] {strides = array<i32>} : memref<5632xi32, #tpu.memory_space<vmem>>, vector<16xi32>,
    %swap3A_3358 = vector.shape_cast %swap3A_3357 : vector<16xi32> to vector<16xi32>
    %swap3A_3359 = vector.shape_cast %add3A_3355 : vector<16xi32> to vector<16xi32>
    tpu.vector_store %arg6[%swap3A_3356], %swap3A_3359 {strides = array<i32>} : memref<5632xi32, #tpu.memory_space<vmem>>, vector<16xi32>,
    %get3A_3360 = arith.constant 160 : index
    %get3A_3361 = tpu.vector_load %arg5[%get3A_3360] {strides = array<i32>} : memref<512xi32, #tpu.memory_space<vmem>>, vector<16xi32>,
    %get3A_3362 = vector.shape_cast %get3A_3361 : vector<16xi32> to vector<16xi32>
    %add3A_3363 = arith.constant 1000000 : i32
    %add3A_3364 = vector.broadcast %add3A_3363 : i32 to vector<16xi32>
    %add3A_3365 = arith.addi %get3A_3362, %add3A_3364 : vector<16xi32>
    %swap3A_3366 = arith.constant 5280 : index
    %swap3A_3367 = tpu.vector_load %arg6[%swap3A_3366] {strides = array<i32>} : memref<5632xi32, #tpu.memory_space<vmem>>, vector<16xi32>,
    %swap3A_3368 = vector.shape_cast %swap3A_3367 : vector<16xi32> to vector<16xi32>
    %swap3A_3369 = vector.shape_cast %add3A_3365 : vector<16xi32> to vector<16xi32>
    tpu.vector_store %arg6[%swap3A_3366], %swap3A_3369 {strides = array<i32>} : memref<5632xi32, #tpu.memory_space<vmem>>, vector<16xi32>,
    %get3A_3370 = arith.constant 176 : index
    %get3A_3371 = tpu.vector_load %arg5[%get3A_3370] {strides = array<i32>} : memref<512xi32, #tpu.memory_space<vmem>>, vector<16xi32>,
    %get3A_3372 = vector.shape_cast %get3A_3371 : vector<16xi32> to vector<16xi32>
    %add3A_3373 = arith.constant 1000000 : i32
    %add3A_3374 = vector.broadcast %add3A_3373 : i32 to vector<16xi32>
    %add3A_3375 = arith.addi %get3A_3372, %add3A_3374 : vector<16xi32>
    %swap3A_3376 = arith.constant 5296 : index
    %swap3A_3377 = tpu.vector_load %arg6[%swap3A_3376] {strides = array<i32>} : memref<5632xi32, #tpu.memory_space<vmem>>, vector<16xi32>,
    %swap3A_3378 = vector.shape_cast %swap3A_3377 : vector<16xi32> to vector<16xi32>
    %swap3A_3379 = vector.shape_cast %add3A_3375 : vector<16xi32> to vector<16xi32>
    tpu.vector_store %arg6[%swap3A_3376], %swap3A_3379 {strides = array<i32>} : memref<5632xi32, #tpu.memory_space<vmem>>, vector<16xi32>,
    %get3A_3380 = arith.constant 192 : index
    %get3A_3381 = tpu.vector_load %arg5[%get3A_3380] {strides = array<i32>} : memref<512xi32, #tpu.memory_space<vmem>>, vector<16xi32>,
    %get3A_3382 = vector.shape_cast %get3A_3381 : vector<16xi32> to vector<16xi32>
    %add3A_3383 = arith.constant 1000000 : i32
    %add3A_3384 = vector.broadcast %add3A_3383 : i32 to vector<16xi32>
    %add3A_3385 = arith.addi %get3A_3382, %add3A_3384 : vector<16xi32>
    %swap3A_3386 = arith.constant 5312 : index
    %swap3A_3387 = tpu.vector_load %arg6[%swap3A_3386] {strides = array<i32>} : memref<5632xi32, #tpu.memory_space<vmem>>, vector<16xi32>,
    %swap3A_3388 = vector.shape_cast %swap3A_3387 : vector<16xi32> to vector<16xi32>
    %swap3A_3389 = vector.shape_cast %add3A_3385 : vector<16xi32> to vector<16xi32>
    tpu.vector_store %arg6[%swap3A_3386], %swap3A_3389 {strides = array<i32>} : memref<5632xi32, #tpu.memory_space<vmem>>, vector<16xi32>,
    %get3A_3390 = arith.constant 208 : index
    %get3A_3391 = tpu.vector_load %arg5[%get3A_3390] {strides = array<i32>} : memref<512xi32, #tpu.memory_space<vmem>>, vector<16xi32>,
    %get3A_3392 = vector.shape_cast %get3A_3391 : vector<16xi32> to vector<16xi32>
    %add3A_3393 = arith.constant 1000000 : i32
    %add3A_3394 = vector.broadcast %add3A_3393 : i32 to vector<16xi32>
    %add3A_3395 = arith.addi %get3A_3392, %add3A_3394 : vector<16xi32>
    %swap3A_3396 = arith.constant 5328 : index
    %swap3A_3397 = tpu.vector_load %arg6[%swap3A_3396] {strides = array<i32>} : memref<5632xi32, #tpu.memory_space<vmem>>, vector<16xi32>,
    %swap3A_3398 = vector.shape_cast %swap3A_3397 : vector<16xi32> to vector<16xi32>
    %swap3A_3399 = vector.shape_cast %add3A_3395 : vector<16xi32> to vector<16xi32>
    tpu.vector_store %arg6[%swap3A_3396], %swap3A_3399 {strides = array<i32>} : memref<5632xi32, #tpu.memory_space<vmem>>, vector<16xi32>,
    %get3A_3400 = arith.constant 224 : index
    %get3A_3401 = tpu.vector_load %arg5[%get3A_3400] {strides = array<i32>} : memref<512xi32, #tpu.memory_space<vmem>>, vector<16xi32>,
    %get3A_3402 = vector.shape_cast %get3A_3401 : vector<16xi32> to vector<16xi32>
    %add3A_3403 = arith.constant 1000000 : i32
    %add3A_3404 = vector.broadcast %add3A_3403 : i32 to vector<16xi32>
    %add3A_3405 = arith.addi %get3A_3402, %add3A_3404 : vector<16xi32>
    %swap3A_3406 = arith.constant 5344 : index
    %swap3A_3407 = tpu.vector_load %arg6[%swap3A_3406] {strides = array<i32>} : memref<5632xi32, #tpu.memory_space<vmem>>, vector<16xi32>,
    %swap3A_3408 = vector.shape_cast %swap3A_3407 : vector<16xi32> to vector<16xi32>
    %swap3A_3409 = vector.shape_cast %add3A_3405 : vector<16xi32> to vector<16xi32>
    tpu.vector_store %arg6[%swap3A_3406], %swap3A_3409 {strides = array<i32>} : memref<5632xi32, #tpu.memory_space<vmem>>, vector<16xi32>,
    %get3A_3410 = arith.constant 240 : index
    %get3A_3411 = tpu.vector_load %arg5[%get3A_3410] {strides = array<i32>} : memref<512xi32, #tpu.memory_space<vmem>>, vector<16xi32>,
    %get3A_3412 = vector.shape_cast %get3A_3411 : vector<16xi32> to vector<16xi32>
    %add3A_3413 = arith.constant 1000000 : i32
    %add3A_3414 = vector.broadcast %add3A_3413 : i32 to vector<16xi32>
    %add3A_3415 = arith.addi %get3A_3412, %add3A_3414 : vector<16xi32>
    %swap3A_3416 = arith.constant 5360 : index
    %swap3A_3417 = tpu.vector_load %arg6[%swap3A_3416] {strides = array<i32>} : memref<5632xi32, #tpu.memory_space<vmem>>, vector<16xi32>,
    %swap3A_3418 = vector.shape_cast %swap3A_3417 : vector<16xi32> to vector<16xi32>
    %swap3A_3419 = vector.shape_cast %add3A_3415 : vector<16xi32> to vector<16xi32>
    tpu.vector_store %arg6[%swap3A_3416], %swap3A_3419 {strides = array<i32>} : memref<5632xi32, #tpu.memory_space<vmem>>, vector<16xi32>,
    %get3A_3420 = arith.constant 256 : index
    %get3A_3421 = tpu.vector_load %arg5[%get3A_3420] {strides = array<i32>} : memref<512xi32, #tpu.memory_space<vmem>>, vector<16xi32>,
    %get3A_3422 = vector.shape_cast %get3A_3421 : vector<16xi32> to vector<16xi32>
    %add3A_3423 = arith.constant 1000000 : i32
    %add3A_3424 = vector.broadcast %add3A_3423 : i32 to vector<16xi32>
    %add3A_3425 = arith.addi %get3A_3422, %add3A_3424 : vector<16xi32>
    %swap3A_3426 = arith.constant 5376 : index
    %swap3A_3427 = tpu.vector_load %arg6[%swap3A_3426] {strides = array<i32>} : memref<5632xi32, #tpu.memory_space<vmem>>, vector<16xi32>,
    %swap3A_3428 = vector.shape_cast %swap3A_3427 : vector<16xi32> to vector<16xi32>
    %swap3A_3429 = vector.shape_cast %add3A_3425 : vector<16xi32> to vector<16xi32>
    tpu.vector_store %arg6[%swap3A_3426], %swap3A_3429 {strides = array<i32>} : memref<5632xi32, #tpu.memory_space<vmem>>, vector<16xi32>,
    %get3A_3430 = arith.constant 272 : index
    %get3A_3431 = tpu.vector_load %arg5[%get3A_3430] {strides = array<i32>} : memref<512xi32, #tpu.memory_space<vmem>>, vector<16xi32>,
    %get3A_3432 = vector.shape_cast %get3A_3431 : vector<16xi32> to vector<16xi32>
    %add3A_3433 = arith.constant 1000000 : i32
    %add3A_3434 = vector.broadcast %add3A_3433 : i32 to vector<16xi32>
    %add3A_3435 = arith.addi %get3A_3432, %add3A_3434 : vector<16xi32>
    %swap3A_3436 = arith.constant 5392 : index
    %swap3A_3437 = tpu.vector_load %arg6[%swap3A_3436] {strides = array<i32>} : memref<5632xi32, #tpu.memory_space<vmem>>, vector<16xi32>,
    %swap3A_3438 = vector.shape_cast %swap3A_3437 : vector<16xi32> to vector<16xi32>
    %swap3A_3439 = vector.shape_cast %add3A_3435 : vector<16xi32> to vector<16xi32>
    tpu.vector_store %arg6[%swap3A_3436], %swap3A_3439 {strides = array<i32>} : memref<5632xi32, #tpu.memory_space<vmem>>, vector<16xi32>,
    %get3A_3440 = arith.constant 288 : index
    %get3A_3441 = tpu.vector_load %arg5[%get3A_3440] {strides = array<i32>} : memref<512xi32, #tpu.memory_space<vmem>>, vector<16xi32>,
    %get3A_3442 = vector.shape_cast %get3A_3441 : vector<16xi32> to vector<16xi32>
    %add3A_3443 = arith.constant 1000000 : i32
    %add3A_3444 = vector.broadcast %add3A_3443 : i32 to vector<16xi32>
    %add3A_3445 = arith.addi %get3A_3442, %add3A_3444 : vector<16xi32>
    %swap3A_3446 = arith.constant 5408 : index
    %swap3A_3447 = tpu.vector_load %arg6[%swap3A_3446] {strides = array<i32>} : memref<5632xi32, #tpu.memory_space<vmem>>, vector<16xi32>,
    %swap3A_3448 = vector.shape_cast %swap3A_3447 : vector<16xi32> to vector<16xi32>
    %swap3A_3449 = vector.shape_cast %add3A_3445 : vector<16xi32> to vector<16xi32>
    tpu.vector_store %arg6[%swap3A_3446], %swap3A_3449 {strides = array<i32>} : memref<5632xi32, #tpu.memory_space<vmem>>, vector<16xi32>,
    %get3A_3450 = arith.constant 304 : index
    %get3A_3451 = tpu.vector_load %arg5[%get3A_3450] {strides = array<i32>} : memref<512xi32, #tpu.memory_space<vmem>>, vector<16xi32>,
    %get3A_3452 = vector.shape_cast %get3A_3451 : vector<16xi32> to vector<16xi32>
    %add3A_3453 = arith.constant 1000000 : i32
    %add3A_3454 = vector.broadcast %add3A_3453 : i32 to vector<16xi32>
    %add3A_3455 = arith.addi %get3A_3452, %add3A_3454 : vector<16xi32>
    %swap3A_3456 = arith.constant 5424 : index
    %swap3A_3457 = tpu.vector_load %arg6[%swap3A_3456] {strides = array<i32>} : memref<5632xi32, #tpu.memory_space<vmem>>, vector<16xi32>,
    %swap3A_3458 = vector.shape_cast %swap3A_3457 : vector<16xi32> to vector<16xi32>
    %swap3A_3459 = vector.shape_cast %add3A_3455 : vector<16xi32> to vector<16xi32>
    tpu.vector_store %arg6[%swap3A_3456], %swap3A_3459 {strides = array<i32>} : memref<5632xi32, #tpu.memory_space<vmem>>, vector<16xi32>,
    %get3A_3460 = arith.constant 320 : index
    %get3A_3461 = tpu.vector_load %arg5[%get3A_3460] {strides = array<i32>} : memref<512xi32, #tpu.memory_space<vmem>>, vector<16xi32>,
    %get3A_3462 = vector.shape_cast %get3A_3461 : vector<16xi32> to vector<16xi32>
    %add3A_3463 = arith.constant 1000000 : i32
    %add3A_3464 = vector.broadcast %add3A_3463 : i32 to vector<16xi32>
    %add3A_3465 = arith.addi %get3A_3462, %add3A_3464 : vector<16xi32>
    %swap3A_3466 = arith.constant 5440 : index
    %swap3A_3467 = tpu.vector_load %arg6[%swap3A_3466] {strides = array<i32>} : memref<5632xi32, #tpu.memory_space<vmem>>, vector<16xi32>,
    %swap3A_3468 = vector.shape_cast %swap3A_3467 : vector<16xi32> to vector<16xi32>
    %swap3A_3469 = vector.shape_cast %add3A_3465 : vector<16xi32> to vector<16xi32>
    tpu.vector_store %arg6[%swap3A_3466], %swap3A_3469 {strides = array<i32>} : memref<5632xi32, #tpu.memory_space<vmem>>, vector<16xi32>,
    %get3A_3470 = arith.constant 336 : index
    %get3A_3471 = tpu.vector_load %arg5[%get3A_3470] {strides = array<i32>} : memref<512xi32, #tpu.memory_space<vmem>>, vector<16xi32>,
    %get3A_3472 = vector.shape_cast %get3A_3471 : vector<16xi32> to vector<16xi32>
    %add3A_3473 = arith.constant 1000000 : i32
    %add3A_3474 = vector.broadcast %add3A_3473 : i32 to vector<16xi32>
    %add3A_3475 = arith.addi %get3A_3472, %add3A_3474 : vector<16xi32>
    %swap3A_3476 = arith.constant 5456 : index
    %swap3A_3477 = tpu.vector_load %arg6[%swap3A_3476] {strides = array<i32>} : memref<5632xi32, #tpu.memory_space<vmem>>, vector<16xi32>,
    %swap3A_3478 = vector.shape_cast %swap3A_3477 : vector<16xi32> to vector<16xi32>
    %swap3A_3479 = vector.shape_cast %add3A_3475 : vector<16xi32> to vector<16xi32>
    tpu.vector_store %arg6[%swap3A_3476], %swap3A_3479 {strides = array<i32>} : memref<5632xi32, #tpu.memory_space<vmem>>, vector<16xi32>,
    %get3A_3480 = arith.constant 352 : index
    %get3A_3481 = tpu.vector_load %arg5[%get3A_3480] {strides = array<i32>} : memref<512xi32, #tpu.memory_space<vmem>>, vector<16xi32>,
    %get3A_3482 = vector.shape_cast %get3A_3481 : vector<16xi32> to vector<16xi32>
    %add3A_3483 = arith.constant 1000000 : i32
    %add3A_3484 = vector.broadcast %add3A_3483 : i32 to vector<16xi32>
    %add3A_3485 = arith.addi %get3A_3482, %add3A_3484 : vector<16xi32>
    %swap3A_3486 = arith.constant 5472 : index
    %swap3A_3487 = tpu.vector_load %arg6[%swap3A_3486] {strides = array<i32>} : memref<5632xi32, #tpu.memory_space<vmem>>, vector<16xi32>,
    %swap3A_3488 = vector.shape_cast %swap3A_3487 : vector<16xi32> to vector<16xi32>
    %swap3A_3489 = vector.shape_cast %add3A_3485 : vector<16xi32> to vector<16xi32>
    tpu.vector_store %arg6[%swap3A_3486], %swap3A_3489 {strides = array<i32>} : memref<5632xi32, #tpu.memory_space<vmem>>, vector<16xi32>,
    %get3A_3490 = arith.constant 368 : index
    %get3A_3491 = tpu.vector_load %arg5[%get3A_3490] {strides = array<i32>} : memref<512xi32, #tpu.memory_space<vmem>>, vector<16xi32>,
    %get3A_3492 = vector.shape_cast %get3A_3491 : vector<16xi32> to vector<16xi32>
    %add3A_3493 = arith.constant 1000000 : i32
    %add3A_3494 = vector.broadcast %add3A_3493 : i32 to vector<16xi32>
    %add3A_3495 = arith.addi %get3A_3492, %add3A_3494 : vector<16xi32>
    %swap3A_3496 = arith.constant 5488 : index
    %swap3A_3497 = tpu.vector_load %arg6[%swap3A_3496] {strides = array<i32>} : memref<5632xi32, #tpu.memory_space<vmem>>, vector<16xi32>,
    %swap3A_3498 = vector.shape_cast %swap3A_3497 : vector<16xi32> to vector<16xi32>
    %swap3A_3499 = vector.shape_cast %add3A_3495 : vector<16xi32> to vector<16xi32>
    tpu.vector_store %arg6[%swap3A_3496], %swap3A_3499 {strides = array<i32>} : memref<5632xi32, #tpu.memory_space<vmem>>, vector<16xi32>,
    %get3A_3500 = arith.constant 384 : index
    %get3A_3501 = tpu.vector_load %arg5[%get3A_3500] {strides = array<i32>} : memref<512xi32, #tpu.memory_space<vmem>>, vector<16xi32>,
    %get3A_3502 = vector.shape_cast %get3A_3501 : vector<16xi32> to vector<16xi32>
    %add3A_3503 = arith.constant 1000000 : i32
    %add3A_3504 = vector.broadcast %add3A_3503 : i32 to vector<16xi32>
    %add3A_3505 = arith.addi %get3A_3502, %add3A_3504 : vector<16xi32>
    %swap3A_3506 = arith.constant 5504 : index
    %swap3A_3507 = tpu.vector_load %arg6[%swap3A_3506] {strides = array<i32>} : memref<5632xi32, #tpu.memory_space<vmem>>, vector<16xi32>,
    %swap3A_3508 = vector.shape_cast %swap3A_3507 : vector<16xi32> to vector<16xi32>
    %swap3A_3509 = vector.shape_cast %add3A_3505 : vector<16xi32> to vector<16xi32>
    tpu.vector_store %arg6[%swap3A_3506], %swap3A_3509 {strides = array<i32>} : memref<5632xi32, #tpu.memory_space<vmem>>, vector<16xi32>,
    %get3A_3510 = arith.constant 400 : index
    %get3A_3511 = tpu.vector_load %arg5[%get3A_3510] {strides = array<i32>} : memref<512xi32, #tpu.memory_space<vmem>>, vector<16xi32>,
    %get3A_3512 = vector.shape_cast %get3A_3511 : vector<16xi32> to vector<16xi32>
    %add3A_3513 = arith.constant 1000000 : i32
    %add3A_3514 = vector.broadcast %add3A_3513 : i32 to vector<16xi32>
    %add3A_3515 = arith.addi %get3A_3512, %add3A_3514 : vector<16xi32>
    %swap3A_3516 = arith.constant 5520 : index
    %swap3A_3517 = tpu.vector_load %arg6[%swap3A_3516] {strides = array<i32>} : memref<5632xi32, #tpu.memory_space<vmem>>, vector<16xi32>,
    %swap3A_3518 = vector.shape_cast %swap3A_3517 : vector<16xi32> to vector<16xi32>
    %swap3A_3519 = vector.shape_cast %add3A_3515 : vector<16xi32> to vector<16xi32>
    tpu.vector_store %arg6[%swap3A_3516], %swap3A_3519 {strides = array<i32>} : memref<5632xi32, #tpu.memory_space<vmem>>, vector<16xi32>,
    %get3A_3520 = arith.constant 416 : index
    %get3A_3521 = tpu.vector_load %arg5[%get3A_3520] {strides = array<i32>} : memref<512xi32, #tpu.memory_space<vmem>>, vector<16xi32>,
    %get3A_3522 = vector.shape_cast %get3A_3521 : vector<16xi32> to vector<16xi32>
    %add3A_3523 = arith.constant 1000000 : i32
    %add3A_3524 = vector.broadcast %add3A_3523 : i32 to vector<16xi32>
    %add3A_3525 = arith.addi %get3A_3522, %add3A_3524 : vector<16xi32>
    %swap3A_3526 = arith.constant 5536 : index
    %swap3A_3527 = tpu.vector_load %arg6[%swap3A_3526] {strides = array<i32>} : memref<5632xi32, #tpu.memory_space<vmem>>, vector<16xi32>,
    %swap3A_3528 = vector.shape_cast %swap3A_3527 : vector<16xi32> to vector<16xi32>
    %swap3A_3529 = vector.shape_cast %add3A_3525 : vector<16xi32> to vector<16xi32>
    tpu.vector_store %arg6[%swap3A_3526], %swap3A_3529 {strides = array<i32>} : memref<5632xi32, #tpu.memory_space<vmem>>, vector<16xi32>,
    %get3A_3530 = arith.constant 432 : index
    %get3A_3531 = tpu.vector_load %arg5[%get3A_3530] {strides = array<i32>} : memref<512xi32, #tpu.memory_space<vmem>>, vector<16xi32>,
    %get3A_3532 = vector.shape_cast %get3A_3531 : vector<16xi32> to vector<16xi32>
    %add3A_3533 = arith.constant 1000000 : i32
    %add3A_3534 = vector.broadcast %add3A_3533 : i32 to vector<16xi32>
    %add3A_3535 = arith.addi %get3A_3532, %add3A_3534 : vector<16xi32>
    %swap3A_3536 = arith.constant 5552 : index
    %swap3A_3537 = tpu.vector_load %arg6[%swap3A_3536] {strides = array<i32>} : memref<5632xi32, #tpu.memory_space<vmem>>, vector<16xi32>,
    %swap3A_3538 = vector.shape_cast %swap3A_3537 : vector<16xi32> to vector<16xi32>
    %swap3A_3539 = vector.shape_cast %add3A_3535 : vector<16xi32> to vector<16xi32>
    tpu.vector_store %arg6[%swap3A_3536], %swap3A_3539 {strides = array<i32>} : memref<5632xi32, #tpu.memory_space<vmem>>, vector<16xi32>,
    %get3A_3540 = arith.constant 448 : index
    %get3A_3541 = tpu.vector_load %arg5[%get3A_3540] {strides = array<i32>} : memref<512xi32, #tpu.memory_space<vmem>>, vector<16xi32>,
    %get3A_3542 = vector.shape_cast %get3A_3541 : vector<16xi32> to vector<16xi32>
    %add3A_3543 = arith.constant 1000000 : i32
    %add3A_3544 = vector.broadcast %add3A_3543 : i32 to vector<16xi32>
    %add3A_3545 = arith.addi %get3A_3542, %add3A_3544 : vector<16xi32>
    %swap3A_3546 = arith.constant 5568 : index
    %swap3A_3547 = tpu.vector_load %arg6[%swap3A_3546] {strides = array<i32>} : memref<5632xi32, #tpu.memory_space<vmem>>, vector<16xi32>,
    %swap3A_3548 = vector.shape_cast %swap3A_3547 : vector<16xi32> to vector<16xi32>
    %swap3A_3549 = vector.shape_cast %add3A_3545 : vector<16xi32> to vector<16xi32>
    tpu.vector_store %arg6[%swap3A_3546], %swap3A_3549 {strides = array<i32>} : memref<5632xi32, #tpu.memory_space<vmem>>, vector<16xi32>,
    %get3A_3550 = arith.constant 464 : index
    %get3A_3551 = tpu.vector_load %arg5[%get3A_3550] {strides = array<i32>} : memref<512xi32, #tpu.memory_space<vmem>>, vector<16xi32>,
    %get3A_3552 = vector.shape_cast %get3A_3551 : vector<16xi32> to vector<16xi32>
    %add3A_3553 = arith.constant 1000000 : i32
    %add3A_3554 = vector.broadcast %add3A_3553 : i32 to vector<16xi32>
    %add3A_3555 = arith.addi %get3A_3552, %add3A_3554 : vector<16xi32>
    %swap3A_3556 = arith.constant 5584 : index
    %swap3A_3557 = tpu.vector_load %arg6[%swap3A_3556] {strides = array<i32>} : memref<5632xi32, #tpu.memory_space<vmem>>, vector<16xi32>,
    %swap3A_3558 = vector.shape_cast %swap3A_3557 : vector<16xi32> to vector<16xi32>
    %swap3A_3559 = vector.shape_cast %add3A_3555 : vector<16xi32> to vector<16xi32>
    tpu.vector_store %arg6[%swap3A_3556], %swap3A_3559 {strides = array<i32>} : memref<5632xi32, #tpu.memory_space<vmem>>, vector<16xi32>,
    %get3A_3560 = arith.constant 480 : index
    %get3A_3561 = tpu.vector_load %arg5[%get3A_3560] {strides = array<i32>} : memref<512xi32, #tpu.memory_space<vmem>>, vector<16xi32>,
    %get3A_3562 = vector.shape_cast %get3A_3561 : vector<16xi32> to vector<16xi32>
    %add3A_3563 = arith.constant 1000000 : i32
    %add3A_3564 = vector.broadcast %add3A_3563 : i32 to vector<16xi32>
    %add3A_3565 = arith.addi %get3A_3562, %add3A_3564 : vector<16xi32>
    %swap3A_3566 = arith.constant 5600 : index
    %swap3A_3567 = tpu.vector_load %arg6[%swap3A_3566] {strides = array<i32>} : memref<5632xi32, #tpu.memory_space<vmem>>, vector<16xi32>,
    %swap3A_3568 = vector.shape_cast %swap3A_3567 : vector<16xi32> to vector<16xi32>
    %swap3A_3569 = vector.shape_cast %add3A_3565 : vector<16xi32> to vector<16xi32>
    tpu.vector_store %arg6[%swap3A_3566], %swap3A_3569 {strides = array<i32>} : memref<5632xi32, #tpu.memory_space<vmem>>, vector<16xi32>,
    %get3A_3570 = arith.constant 496 : index
    %get3A_3571 = tpu.vector_load %arg5[%get3A_3570] {strides = array<i32>} : memref<512xi32, #tpu.memory_space<vmem>>, vector<16xi32>,
    %get3A_3572 = vector.shape_cast %get3A_3571 : vector<16xi32> to vector<16xi32>
    %add3A_3573 = arith.constant 1000000 : i32
    %add3A_3574 = vector.broadcast %add3A_3573 : i32 to vector<16xi32>
    %add3A_3575 = arith.addi %get3A_3572, %add3A_3574 : vector<16xi32>
    %swap3A_3576 = arith.constant 5616 : index
    %swap3A_3577 = tpu.vector_load %arg6[%swap3A_3576] {strides = array<i32>} : memref<5632xi32, #tpu.memory_space<vmem>>, vector<16xi32>,
    %swap3A_3578 = vector.shape_cast %swap3A_3577 : vector<16xi32> to vector<16xi32>
    %swap3A_3579 = vector.shape_cast %add3A_3575 : vector<16xi32> to vector<16xi32>
    tpu.vector_store %arg6[%swap3A_3576], %swap3A_3579 {strides = array<i32>} : memref<5632xi32, #tpu.memory_space<vmem>>, vector<16xi32>,
    %dma_start3A_3580 = arith.constant 5120 : i32
    %dma_start3A_3581 = tpu.memref_slice %arg7[%dma_start3A_3580] : memref<5632xf32, #tpu.memory_space<vmem>> -> memref<512xf32, #tpu.memory_space<vmem>>
    %dma_start3A_3582 = arith.constant 5120 : i32
    %dma_start3A_3583 = tpu.memref_slice %arg6[%dma_start3A_3582] : memref<5632xi32, #tpu.memory_space<vmem>> -> memref<512xi32, #tpu.memory_space<vmem>>
    %dma_start3A_3584 = arith.constant 0 : i32
    %dma_start3A_3585 = tpu.memref_slice %arg3[%dma_start3A_3584] : memref<1100000xf32, #tpu.memory_space<hbm>> -> memref<1100000xf32, #tpu.memory_space<hbm>>
    tpu.enqueue_indirect_dma source(%dma_start3A_3585 : memref<1100000xf32, #tpu.memory_space<hbm>>) target(%dma_start3A_3581 : memref<512xf32, #tpu.memory_space<vmem>>) offsets(%dma_start3A_3583 : memref<512xi32, #tpu.memory_space<vmem>>) semaphore(%arg8 : memref<!tpu.dma_semaphore, #tpu.memory_space<semaphore_mem>>)
    %dma_wait3A = arith.constant 0 : i32
    %dma_wait3A_3586 = tpu.memref_slice %arg7[%dma_wait3A] : memref<5632xf32, #tpu.memory_space<vmem>> -> memref<512xf32, #tpu.memory_space<vmem>>
    %dma_wait3A_3587 = arith.constant 0 : i32
    %dma_wait3A_3588 = tpu.memref_slice %arg6[%dma_wait3A_3587] : memref<5632xi32, #tpu.memory_space<vmem>> -> memref<512xi32, #tpu.memory_space<vmem>>
    %dma_wait3A_3589 = arith.constant 0 : i32
    %dma_wait3A_3590 = tpu.memref_slice %arg3[%dma_wait3A_3589] : memref<1100000xf32, #tpu.memory_space<hbm>> -> memref<1100000xf32, #tpu.memory_space<hbm>>
    tpu.wait_indirect_dma semaphore(%arg8 : memref<!tpu.dma_semaphore, #tpu.memory_space<semaphore_mem>>) src(%dma_wait3A_3590 : memref<1100000xf32, #tpu.memory_space<hbm>>) dst(%dma_wait3A_3586 : memref<512xf32, #tpu.memory_space<vmem>>)
    %run_scoped3A = arith.constant 0 : i32
    "tpu.region"() ({
      %run_scoped3A_3661 = tpu.sem_alloc : memref<!tpu.dma_semaphore, #tpu.memory_space<semaphore_mem>>
      %dma_start3A_3662 = arith.constant 0 : i32
      %dma_start3A_3663 = tpu.memref_slice %arg7[%dma_start3A_3662] : memref<5632xf32, #tpu.memory_space<vmem>> -> memref<512xf32, #tpu.memory_space<vmem>>
      %dma_start3A_3664 = tpu.memref_slice %arg4[%run_scoped3A, %mul3A_2] : memref<11x16384xf32, #tpu.memory_space<hbm>> -> memref<1x512xf32, #tpu.memory_space<hbm>>
      %dma_start3A_3665 = tpu.memref_squeeze %dma_start3A_3664 : memref<1x512xf32, #tpu.memory_space<hbm>> -> memref<512xf32, #tpu.memory_space<hbm>>
      %dma_start3A_3666 = tpu.memref_slice %arg4[%run_scoped3A, %mul3A_2] : memref<11x16384xf32, #tpu.memory_space<hbm>> -> memref<1x512xf32, #tpu.memory_space<hbm>>
      %dma_start3A_3667 = tpu.memref_squeeze %dma_start3A_3666 : memref<1x512xf32, #tpu.memory_space<hbm>> -> memref<512xf32, #tpu.memory_space<hbm>>
      %dma_start3A_3668 = arith.constant 0 : i32
      %dma_start3A_3669 = tpu.memref_slice %arg7[%dma_start3A_3668] : memref<5632xf32, #tpu.memory_space<vmem>> -> memref<512xf32, #tpu.memory_space<vmem>>
      tpu.enqueue_dma source(%dma_start3A_3669 : memref<512xf32, #tpu.memory_space<vmem>>) target(%dma_start3A_3667 : memref<512xf32, #tpu.memory_space<hbm>>) target_semaphore(%run_scoped3A_3661 : memref<!tpu.dma_semaphore, #tpu.memory_space<semaphore_mem>>)
      %dma_wait3A_3670 = arith.constant 0 : i32
      %dma_wait3A_3671 = tpu.memref_slice %arg7[%dma_wait3A_3670] : memref<5632xf32, #tpu.memory_space<vmem>> -> memref<512xf32, #tpu.memory_space<vmem>>
      %dma_wait3A_3672 = tpu.memref_slice %arg4[%run_scoped3A, %mul3A_2] : memref<11x16384xf32, #tpu.memory_space<hbm>> -> memref<1x512xf32, #tpu.memory_space<hbm>>
      %dma_wait3A_3673 = tpu.memref_squeeze %dma_wait3A_3672 : memref<1x512xf32, #tpu.memory_space<hbm>> -> memref<512xf32, #tpu.memory_space<hbm>>
      %dma_wait3A_3674 = tpu.memref_slice %arg4[%run_scoped3A, %mul3A_2] : memref<11x16384xf32, #tpu.memory_space<hbm>> -> memref<1x512xf32, #tpu.memory_space<hbm>>
      %dma_wait3A_3675 = tpu.memref_squeeze %dma_wait3A_3674 : memref<1x512xf32, #tpu.memory_space<hbm>> -> memref<512xf32, #tpu.memory_space<hbm>>
      %dma_wait3A_3676 = arith.constant 0 : i32
      %dma_wait3A_3677 = tpu.memref_slice %arg7[%dma_wait3A_3676] : memref<5632xf32, #tpu.memory_space<vmem>> -> memref<512xf32, #tpu.memory_space<vmem>>
      tpu.wait_dma2 semaphore(%run_scoped3A_3661 : memref<!tpu.dma_semaphore, #tpu.memory_space<semaphore_mem>>) src(%dma_wait3A_3677 : memref<512xf32, #tpu.memory_space<vmem>>) dst(%dma_wait3A_3675 : memref<512xf32, #tpu.memory_space<hbm>>)
      tpu.yield
    }) : () -> ()
    %dma_wait3A_3591 = arith.constant 512 : i32
    %dma_wait3A_3592 = tpu.memref_slice %arg7[%dma_wait3A_3591] : memref<5632xf32, #tpu.memory_space<vmem>> -> memref<512xf32, #tpu.memory_space<vmem>>
    %dma_wait3A_3593 = arith.constant 512 : i32
    %dma_wait3A_3594 = tpu.memref_slice %arg6[%dma_wait3A_3593] : memref<5632xi32, #tpu.memory_space<vmem>> -> memref<512xi32, #tpu.memory_space<vmem>>
    %dma_wait3A_3595 = arith.constant 0 : i32
    %dma_wait3A_3596 = tpu.memref_slice %arg3[%dma_wait3A_3595] : memref<1100000xf32, #tpu.memory_space<hbm>> -> memref<1100000xf32, #tpu.memory_space<hbm>>
    tpu.wait_indirect_dma semaphore(%arg8 : memref<!tpu.dma_semaphore, #tpu.memory_space<semaphore_mem>>) src(%dma_wait3A_3596 : memref<1100000xf32, #tpu.memory_space<hbm>>) dst(%dma_wait3A_3592 : memref<512xf32, #tpu.memory_space<vmem>>)
    %run_scoped3A_3597 = arith.constant 1 : i32
    "tpu.region"() ({
      %run_scoped3A_3661 = tpu.sem_alloc : memref<!tpu.dma_semaphore, #tpu.memory_space<semaphore_mem>>
      %dma_start3A_3662 = arith.constant 512 : i32
      %dma_start3A_3663 = tpu.memref_slice %arg7[%dma_start3A_3662] : memref<5632xf32, #tpu.memory_space<vmem>> -> memref<512xf32, #tpu.memory_space<vmem>>
      %dma_start3A_3664 = tpu.memref_slice %arg4[%run_scoped3A_3597, %mul3A_2] : memref<11x16384xf32, #tpu.memory_space<hbm>> -> memref<1x512xf32, #tpu.memory_space<hbm>>
      %dma_start3A_3665 = tpu.memref_squeeze %dma_start3A_3664 : memref<1x512xf32, #tpu.memory_space<hbm>> -> memref<512xf32, #tpu.memory_space<hbm>>
      %dma_start3A_3666 = tpu.memref_slice %arg4[%run_scoped3A_3597, %mul3A_2] : memref<11x16384xf32, #tpu.memory_space<hbm>> -> memref<1x512xf32, #tpu.memory_space<hbm>>
      %dma_start3A_3667 = tpu.memref_squeeze %dma_start3A_3666 : memref<1x512xf32, #tpu.memory_space<hbm>> -> memref<512xf32, #tpu.memory_space<hbm>>
      %dma_start3A_3668 = arith.constant 512 : i32
      %dma_start3A_3669 = tpu.memref_slice %arg7[%dma_start3A_3668] : memref<5632xf32, #tpu.memory_space<vmem>> -> memref<512xf32, #tpu.memory_space<vmem>>
      tpu.enqueue_dma source(%dma_start3A_3669 : memref<512xf32, #tpu.memory_space<vmem>>) target(%dma_start3A_3667 : memref<512xf32, #tpu.memory_space<hbm>>) target_semaphore(%run_scoped3A_3661 : memref<!tpu.dma_semaphore, #tpu.memory_space<semaphore_mem>>)
      %dma_wait3A_3670 = arith.constant 512 : i32
      %dma_wait3A_3671 = tpu.memref_slice %arg7[%dma_wait3A_3670] : memref<5632xf32, #tpu.memory_space<vmem>> -> memref<512xf32, #tpu.memory_space<vmem>>
      %dma_wait3A_3672 = tpu.memref_slice %arg4[%run_scoped3A_3597, %mul3A_2] : memref<11x16384xf32, #tpu.memory_space<hbm>> -> memref<1x512xf32, #tpu.memory_space<hbm>>
      %dma_wait3A_3673 = tpu.memref_squeeze %dma_wait3A_3672 : memref<1x512xf32, #tpu.memory_space<hbm>> -> memref<512xf32, #tpu.memory_space<hbm>>
      %dma_wait3A_3674 = tpu.memref_slice %arg4[%run_scoped3A_3597, %mul3A_2] : memref<11x16384xf32, #tpu.memory_space<hbm>> -> memref<1x512xf32, #tpu.memory_space<hbm>>
      %dma_wait3A_3675 = tpu.memref_squeeze %dma_wait3A_3674 : memref<1x512xf32, #tpu.memory_space<hbm>> -> memref<512xf32, #tpu.memory_space<hbm>>
      %dma_wait3A_3676 = arith.constant 512 : i32
      %dma_wait3A_3677 = tpu.memref_slice %arg7[%dma_wait3A_3676] : memref<5632xf32, #tpu.memory_space<vmem>> -> memref<512xf32, #tpu.memory_space<vmem>>
      tpu.wait_dma2 semaphore(%run_scoped3A_3661 : memref<!tpu.dma_semaphore, #tpu.memory_space<semaphore_mem>>) src(%dma_wait3A_3677 : memref<512xf32, #tpu.memory_space<vmem>>) dst(%dma_wait3A_3675 : memref<512xf32, #tpu.memory_space<hbm>>)
      tpu.yield
    }) : () -> ()
    %dma_wait3A_3598 = arith.constant 1024 : i32
    %dma_wait3A_3599 = tpu.memref_slice %arg7[%dma_wait3A_3598] : memref<5632xf32, #tpu.memory_space<vmem>> -> memref<512xf32, #tpu.memory_space<vmem>>
    %dma_wait3A_3600 = arith.constant 1024 : i32
    %dma_wait3A_3601 = tpu.memref_slice %arg6[%dma_wait3A_3600] : memref<5632xi32, #tpu.memory_space<vmem>> -> memref<512xi32, #tpu.memory_space<vmem>>
    %dma_wait3A_3602 = arith.constant 0 : i32
    %dma_wait3A_3603 = tpu.memref_slice %arg3[%dma_wait3A_3602] : memref<1100000xf32, #tpu.memory_space<hbm>> -> memref<1100000xf32, #tpu.memory_space<hbm>>
    tpu.wait_indirect_dma semaphore(%arg8 : memref<!tpu.dma_semaphore, #tpu.memory_space<semaphore_mem>>) src(%dma_wait3A_3603 : memref<1100000xf32, #tpu.memory_space<hbm>>) dst(%dma_wait3A_3599 : memref<512xf32, #tpu.memory_space<vmem>>)
    %run_scoped3A_3604 = arith.constant 2 : i32
    "tpu.region"() ({
      %run_scoped3A_3661 = tpu.sem_alloc : memref<!tpu.dma_semaphore, #tpu.memory_space<semaphore_mem>>
      %dma_start3A_3662 = arith.constant 1024 : i32
      %dma_start3A_3663 = tpu.memref_slice %arg7[%dma_start3A_3662] : memref<5632xf32, #tpu.memory_space<vmem>> -> memref<512xf32, #tpu.memory_space<vmem>>
      %dma_start3A_3664 = tpu.memref_slice %arg4[%run_scoped3A_3604, %mul3A_2] : memref<11x16384xf32, #tpu.memory_space<hbm>> -> memref<1x512xf32, #tpu.memory_space<hbm>>
      %dma_start3A_3665 = tpu.memref_squeeze %dma_start3A_3664 : memref<1x512xf32, #tpu.memory_space<hbm>> -> memref<512xf32, #tpu.memory_space<hbm>>
      %dma_start3A_3666 = tpu.memref_slice %arg4[%run_scoped3A_3604, %mul3A_2] : memref<11x16384xf32, #tpu.memory_space<hbm>> -> memref<1x512xf32, #tpu.memory_space<hbm>>
      %dma_start3A_3667 = tpu.memref_squeeze %dma_start3A_3666 : memref<1x512xf32, #tpu.memory_space<hbm>> -> memref<512xf32, #tpu.memory_space<hbm>>
      %dma_start3A_3668 = arith.constant 1024 : i32
      %dma_start3A_3669 = tpu.memref_slice %arg7[%dma_start3A_3668] : memref<5632xf32, #tpu.memory_space<vmem>> -> memref<512xf32, #tpu.memory_space<vmem>>
      tpu.enqueue_dma source(%dma_start3A_3669 : memref<512xf32, #tpu.memory_space<vmem>>) target(%dma_start3A_3667 : memref<512xf32, #tpu.memory_space<hbm>>) target_semaphore(%run_scoped3A_3661 : memref<!tpu.dma_semaphore, #tpu.memory_space<semaphore_mem>>)
      %dma_wait3A_3670 = arith.constant 1024 : i32
      %dma_wait3A_3671 = tpu.memref_slice %arg7[%dma_wait3A_3670] : memref<5632xf32, #tpu.memory_space<vmem>> -> memref<512xf32, #tpu.memory_space<vmem>>
      %dma_wait3A_3672 = tpu.memref_slice %arg4[%run_scoped3A_3604, %mul3A_2] : memref<11x16384xf32, #tpu.memory_space<hbm>> -> memref<1x512xf32, #tpu.memory_space<hbm>>
      %dma_wait3A_3673 = tpu.memref_squeeze %dma_wait3A_3672 : memref<1x512xf32, #tpu.memory_space<hbm>> -> memref<512xf32, #tpu.memory_space<hbm>>
      %dma_wait3A_3674 = tpu.memref_slice %arg4[%run_scoped3A_3604, %mul3A_2] : memref<11x16384xf32, #tpu.memory_space<hbm>> -> memref<1x512xf32, #tpu.memory_space<hbm>>
      %dma_wait3A_3675 = tpu.memref_squeeze %dma_wait3A_3674 : memref<1x512xf32, #tpu.memory_space<hbm>> -> memref<512xf32, #tpu.memory_space<hbm>>
      %dma_wait3A_3676 = arith.constant 1024 : i32
      %dma_wait3A_3677 = tpu.memref_slice %arg7[%dma_wait3A_3676] : memref<5632xf32, #tpu.memory_space<vmem>> -> memref<512xf32, #tpu.memory_space<vmem>>
      tpu.wait_dma2 semaphore(%run_scoped3A_3661 : memref<!tpu.dma_semaphore, #tpu.memory_space<semaphore_mem>>) src(%dma_wait3A_3677 : memref<512xf32, #tpu.memory_space<vmem>>) dst(%dma_wait3A_3675 : memref<512xf32, #tpu.memory_space<hbm>>)
      tpu.yield
    }) : () -> ()
    %dma_wait3A_3605 = arith.constant 1536 : i32
    %dma_wait3A_3606 = tpu.memref_slice %arg7[%dma_wait3A_3605] : memref<5632xf32, #tpu.memory_space<vmem>> -> memref<512xf32, #tpu.memory_space<vmem>>
    %dma_wait3A_3607 = arith.constant 1536 : i32
    %dma_wait3A_3608 = tpu.memref_slice %arg6[%dma_wait3A_3607] : memref<5632xi32, #tpu.memory_space<vmem>> -> memref<512xi32, #tpu.memory_space<vmem>>
    %dma_wait3A_3609 = arith.constant 0 : i32
    %dma_wait3A_3610 = tpu.memref_slice %arg3[%dma_wait3A_3609] : memref<1100000xf32, #tpu.memory_space<hbm>> -> memref<1100000xf32, #tpu.memory_space<hbm>>
    tpu.wait_indirect_dma semaphore(%arg8 : memref<!tpu.dma_semaphore, #tpu.memory_space<semaphore_mem>>) src(%dma_wait3A_3610 : memref<1100000xf32, #tpu.memory_space<hbm>>) dst(%dma_wait3A_3606 : memref<512xf32, #tpu.memory_space<vmem>>)
    %run_scoped3A_3611 = arith.constant 3 : i32
    "tpu.region"() ({
      %run_scoped3A_3661 = tpu.sem_alloc : memref<!tpu.dma_semaphore, #tpu.memory_space<semaphore_mem>>
      %dma_start3A_3662 = arith.constant 1536 : i32
      %dma_start3A_3663 = tpu.memref_slice %arg7[%dma_start3A_3662] : memref<5632xf32, #tpu.memory_space<vmem>> -> memref<512xf32, #tpu.memory_space<vmem>>
      %dma_start3A_3664 = tpu.memref_slice %arg4[%run_scoped3A_3611, %mul3A_2] : memref<11x16384xf32, #tpu.memory_space<hbm>> -> memref<1x512xf32, #tpu.memory_space<hbm>>
      %dma_start3A_3665 = tpu.memref_squeeze %dma_start3A_3664 : memref<1x512xf32, #tpu.memory_space<hbm>> -> memref<512xf32, #tpu.memory_space<hbm>>
      %dma_start3A_3666 = tpu.memref_slice %arg4[%run_scoped3A_3611, %mul3A_2] : memref<11x16384xf32, #tpu.memory_space<hbm>> -> memref<1x512xf32, #tpu.memory_space<hbm>>
      %dma_start3A_3667 = tpu.memref_squeeze %dma_start3A_3666 : memref<1x512xf32, #tpu.memory_space<hbm>> -> memref<512xf32, #tpu.memory_space<hbm>>
      %dma_start3A_3668 = arith.constant 1536 : i32
      %dma_start3A_3669 = tpu.memref_slice %arg7[%dma_start3A_3668] : memref<5632xf32, #tpu.memory_space<vmem>> -> memref<512xf32, #tpu.memory_space<vmem>>
      tpu.enqueue_dma source(%dma_start3A_3669 : memref<512xf32, #tpu.memory_space<vmem>>) target(%dma_start3A_3667 : memref<512xf32, #tpu.memory_space<hbm>>) target_semaphore(%run_scoped3A_3661 : memref<!tpu.dma_semaphore, #tpu.memory_space<semaphore_mem>>)
      %dma_wait3A_3670 = arith.constant 1536 : i32
      %dma_wait3A_3671 = tpu.memref_slice %arg7[%dma_wait3A_3670] : memref<5632xf32, #tpu.memory_space<vmem>> -> memref<512xf32, #tpu.memory_space<vmem>>
      %dma_wait3A_3672 = tpu.memref_slice %arg4[%run_scoped3A_3611, %mul3A_2] : memref<11x16384xf32, #tpu.memory_space<hbm>> -> memref<1x512xf32, #tpu.memory_space<hbm>>
      %dma_wait3A_3673 = tpu.memref_squeeze %dma_wait3A_3672 : memref<1x512xf32, #tpu.memory_space<hbm>> -> memref<512xf32, #tpu.memory_space<hbm>>
      %dma_wait3A_3674 = tpu.memref_slice %arg4[%run_scoped3A_3611, %mul3A_2] : memref<11x16384xf32, #tpu.memory_space<hbm>> -> memref<1x512xf32, #tpu.memory_space<hbm>>
      %dma_wait3A_3675 = tpu.memref_squeeze %dma_wait3A_3674 : memref<1x512xf32, #tpu.memory_space<hbm>> -> memref<512xf32, #tpu.memory_space<hbm>>
      %dma_wait3A_3676 = arith.constant 1536 : i32
      %dma_wait3A_3677 = tpu.memref_slice %arg7[%dma_wait3A_3676] : memref<5632xf32, #tpu.memory_space<vmem>> -> memref<512xf32, #tpu.memory_space<vmem>>
      tpu.wait_dma2 semaphore(%run_scoped3A_3661 : memref<!tpu.dma_semaphore, #tpu.memory_space<semaphore_mem>>) src(%dma_wait3A_3677 : memref<512xf32, #tpu.memory_space<vmem>>) dst(%dma_wait3A_3675 : memref<512xf32, #tpu.memory_space<hbm>>)
      tpu.yield
    }) : () -> ()
    %dma_wait3A_3612 = arith.constant 2048 : i32
    %dma_wait3A_3613 = tpu.memref_slice %arg7[%dma_wait3A_3612] : memref<5632xf32, #tpu.memory_space<vmem>> -> memref<512xf32, #tpu.memory_space<vmem>>
    %dma_wait3A_3614 = arith.constant 2048 : i32
    %dma_wait3A_3615 = tpu.memref_slice %arg6[%dma_wait3A_3614] : memref<5632xi32, #tpu.memory_space<vmem>> -> memref<512xi32, #tpu.memory_space<vmem>>
    %dma_wait3A_3616 = arith.constant 0 : i32
    %dma_wait3A_3617 = tpu.memref_slice %arg3[%dma_wait3A_3616] : memref<1100000xf32, #tpu.memory_space<hbm>> -> memref<1100000xf32, #tpu.memory_space<hbm>>
    tpu.wait_indirect_dma semaphore(%arg8 : memref<!tpu.dma_semaphore, #tpu.memory_space<semaphore_mem>>) src(%dma_wait3A_3617 : memref<1100000xf32, #tpu.memory_space<hbm>>) dst(%dma_wait3A_3613 : memref<512xf32, #tpu.memory_space<vmem>>)
    %run_scoped3A_3618 = arith.constant 4 : i32
    "tpu.region"() ({
      %run_scoped3A_3661 = tpu.sem_alloc : memref<!tpu.dma_semaphore, #tpu.memory_space<semaphore_mem>>
      %dma_start3A_3662 = arith.constant 2048 : i32
      %dma_start3A_3663 = tpu.memref_slice %arg7[%dma_start3A_3662] : memref<5632xf32, #tpu.memory_space<vmem>> -> memref<512xf32, #tpu.memory_space<vmem>>
      %dma_start3A_3664 = tpu.memref_slice %arg4[%run_scoped3A_3618, %mul3A_2] : memref<11x16384xf32, #tpu.memory_space<hbm>> -> memref<1x512xf32, #tpu.memory_space<hbm>>
      %dma_start3A_3665 = tpu.memref_squeeze %dma_start3A_3664 : memref<1x512xf32, #tpu.memory_space<hbm>> -> memref<512xf32, #tpu.memory_space<hbm>>
      %dma_start3A_3666 = tpu.memref_slice %arg4[%run_scoped3A_3618, %mul3A_2] : memref<11x16384xf32, #tpu.memory_space<hbm>> -> memref<1x512xf32, #tpu.memory_space<hbm>>
      %dma_start3A_3667 = tpu.memref_squeeze %dma_start3A_3666 : memref<1x512xf32, #tpu.memory_space<hbm>> -> memref<512xf32, #tpu.memory_space<hbm>>
      %dma_start3A_3668 = arith.constant 2048 : i32
      %dma_start3A_3669 = tpu.memref_slice %arg7[%dma_start3A_3668] : memref<5632xf32, #tpu.memory_space<vmem>> -> memref<512xf32, #tpu.memory_space<vmem>>
      tpu.enqueue_dma source(%dma_start3A_3669 : memref<512xf32, #tpu.memory_space<vmem>>) target(%dma_start3A_3667 : memref<512xf32, #tpu.memory_space<hbm>>) target_semaphore(%run_scoped3A_3661 : memref<!tpu.dma_semaphore, #tpu.memory_space<semaphore_mem>>)
      %dma_wait3A_3670 = arith.constant 2048 : i32
      %dma_wait3A_3671 = tpu.memref_slice %arg7[%dma_wait3A_3670] : memref<5632xf32, #tpu.memory_space<vmem>> -> memref<512xf32, #tpu.memory_space<vmem>>
      %dma_wait3A_3672 = tpu.memref_slice %arg4[%run_scoped3A_3618, %mul3A_2] : memref<11x16384xf32, #tpu.memory_space<hbm>> -> memref<1x512xf32, #tpu.memory_space<hbm>>
      %dma_wait3A_3673 = tpu.memref_squeeze %dma_wait3A_3672 : memref<1x512xf32, #tpu.memory_space<hbm>> -> memref<512xf32, #tpu.memory_space<hbm>>
      %dma_wait3A_3674 = tpu.memref_slice %arg4[%run_scoped3A_3618, %mul3A_2] : memref<11x16384xf32, #tpu.memory_space<hbm>> -> memref<1x512xf32, #tpu.memory_space<hbm>>
      %dma_wait3A_3675 = tpu.memref_squeeze %dma_wait3A_3674 : memref<1x512xf32, #tpu.memory_space<hbm>> -> memref<512xf32, #tpu.memory_space<hbm>>
      %dma_wait3A_3676 = arith.constant 2048 : i32
      %dma_wait3A_3677 = tpu.memref_slice %arg7[%dma_wait3A_3676] : memref<5632xf32, #tpu.memory_space<vmem>> -> memref<512xf32, #tpu.memory_space<vmem>>
      tpu.wait_dma2 semaphore(%run_scoped3A_3661 : memref<!tpu.dma_semaphore, #tpu.memory_space<semaphore_mem>>) src(%dma_wait3A_3677 : memref<512xf32, #tpu.memory_space<vmem>>) dst(%dma_wait3A_3675 : memref<512xf32, #tpu.memory_space<hbm>>)
      tpu.yield
    }) : () -> ()
    %dma_wait3A_3619 = arith.constant 2560 : i32
    %dma_wait3A_3620 = tpu.memref_slice %arg7[%dma_wait3A_3619] : memref<5632xf32, #tpu.memory_space<vmem>> -> memref<512xf32, #tpu.memory_space<vmem>>
    %dma_wait3A_3621 = arith.constant 2560 : i32
    %dma_wait3A_3622 = tpu.memref_slice %arg6[%dma_wait3A_3621] : memref<5632xi32, #tpu.memory_space<vmem>> -> memref<512xi32, #tpu.memory_space<vmem>>
    %dma_wait3A_3623 = arith.constant 0 : i32
    %dma_wait3A_3624 = tpu.memref_slice %arg3[%dma_wait3A_3623] : memref<1100000xf32, #tpu.memory_space<hbm>> -> memref<1100000xf32, #tpu.memory_space<hbm>>
    tpu.wait_indirect_dma semaphore(%arg8 : memref<!tpu.dma_semaphore, #tpu.memory_space<semaphore_mem>>) src(%dma_wait3A_3624 : memref<1100000xf32, #tpu.memory_space<hbm>>) dst(%dma_wait3A_3620 : memref<512xf32, #tpu.memory_space<vmem>>)
    %run_scoped3A_3625 = arith.constant 5 : i32
    "tpu.region"() ({
      %run_scoped3A_3661 = tpu.sem_alloc : memref<!tpu.dma_semaphore, #tpu.memory_space<semaphore_mem>>
      %dma_start3A_3662 = arith.constant 2560 : i32
      %dma_start3A_3663 = tpu.memref_slice %arg7[%dma_start3A_3662] : memref<5632xf32, #tpu.memory_space<vmem>> -> memref<512xf32, #tpu.memory_space<vmem>>
      %dma_start3A_3664 = tpu.memref_slice %arg4[%run_scoped3A_3625, %mul3A_2] : memref<11x16384xf32, #tpu.memory_space<hbm>> -> memref<1x512xf32, #tpu.memory_space<hbm>>
      %dma_start3A_3665 = tpu.memref_squeeze %dma_start3A_3664 : memref<1x512xf32, #tpu.memory_space<hbm>> -> memref<512xf32, #tpu.memory_space<hbm>>
      %dma_start3A_3666 = tpu.memref_slice %arg4[%run_scoped3A_3625, %mul3A_2] : memref<11x16384xf32, #tpu.memory_space<hbm>> -> memref<1x512xf32, #tpu.memory_space<hbm>>
      %dma_start3A_3667 = tpu.memref_squeeze %dma_start3A_3666 : memref<1x512xf32, #tpu.memory_space<hbm>> -> memref<512xf32, #tpu.memory_space<hbm>>
      %dma_start3A_3668 = arith.constant 2560 : i32
      %dma_start3A_3669 = tpu.memref_slice %arg7[%dma_start3A_3668] : memref<5632xf32, #tpu.memory_space<vmem>> -> memref<512xf32, #tpu.memory_space<vmem>>
      tpu.enqueue_dma source(%dma_start3A_3669 : memref<512xf32, #tpu.memory_space<vmem>>) target(%dma_start3A_3667 : memref<512xf32, #tpu.memory_space<hbm>>) target_semaphore(%run_scoped3A_3661 : memref<!tpu.dma_semaphore, #tpu.memory_space<semaphore_mem>>)
      %dma_wait3A_3670 = arith.constant 2560 : i32
      %dma_wait3A_3671 = tpu.memref_slice %arg7[%dma_wait3A_3670] : memref<5632xf32, #tpu.memory_space<vmem>> -> memref<512xf32, #tpu.memory_space<vmem>>
      %dma_wait3A_3672 = tpu.memref_slice %arg4[%run_scoped3A_3625, %mul3A_2] : memref<11x16384xf32, #tpu.memory_space<hbm>> -> memref<1x512xf32, #tpu.memory_space<hbm>>
      %dma_wait3A_3673 = tpu.memref_squeeze %dma_wait3A_3672 : memref<1x512xf32, #tpu.memory_space<hbm>> -> memref<512xf32, #tpu.memory_space<hbm>>
      %dma_wait3A_3674 = tpu.memref_slice %arg4[%run_scoped3A_3625, %mul3A_2] : memref<11x16384xf32, #tpu.memory_space<hbm>> -> memref<1x512xf32, #tpu.memory_space<hbm>>
      %dma_wait3A_3675 = tpu.memref_squeeze %dma_wait3A_3674 : memref<1x512xf32, #tpu.memory_space<hbm>> -> memref<512xf32, #tpu.memory_space<hbm>>
      %dma_wait3A_3676 = arith.constant 2560 : i32
      %dma_wait3A_3677 = tpu.memref_slice %arg7[%dma_wait3A_3676] : memref<5632xf32, #tpu.memory_space<vmem>> -> memref<512xf32, #tpu.memory_space<vmem>>
      tpu.wait_dma2 semaphore(%run_scoped3A_3661 : memref<!tpu.dma_semaphore, #tpu.memory_space<semaphore_mem>>) src(%dma_wait3A_3677 : memref<512xf32, #tpu.memory_space<vmem>>) dst(%dma_wait3A_3675 : memref<512xf32, #tpu.memory_space<hbm>>)
      tpu.yield
    }) : () -> ()
    %dma_wait3A_3626 = arith.constant 3072 : i32
    %dma_wait3A_3627 = tpu.memref_slice %arg7[%dma_wait3A_3626] : memref<5632xf32, #tpu.memory_space<vmem>> -> memref<512xf32, #tpu.memory_space<vmem>>
    %dma_wait3A_3628 = arith.constant 3072 : i32
    %dma_wait3A_3629 = tpu.memref_slice %arg6[%dma_wait3A_3628] : memref<5632xi32, #tpu.memory_space<vmem>> -> memref<512xi32, #tpu.memory_space<vmem>>
    %dma_wait3A_3630 = arith.constant 0 : i32
    %dma_wait3A_3631 = tpu.memref_slice %arg3[%dma_wait3A_3630] : memref<1100000xf32, #tpu.memory_space<hbm>> -> memref<1100000xf32, #tpu.memory_space<hbm>>
    tpu.wait_indirect_dma semaphore(%arg8 : memref<!tpu.dma_semaphore, #tpu.memory_space<semaphore_mem>>) src(%dma_wait3A_3631 : memref<1100000xf32, #tpu.memory_space<hbm>>) dst(%dma_wait3A_3627 : memref<512xf32, #tpu.memory_space<vmem>>)
    %run_scoped3A_3632 = arith.constant 6 : i32
    "tpu.region"() ({
      %run_scoped3A_3661 = tpu.sem_alloc : memref<!tpu.dma_semaphore, #tpu.memory_space<semaphore_mem>>
      %dma_start3A_3662 = arith.constant 3072 : i32
      %dma_start3A_3663 = tpu.memref_slice %arg7[%dma_start3A_3662] : memref<5632xf32, #tpu.memory_space<vmem>> -> memref<512xf32, #tpu.memory_space<vmem>>
      %dma_start3A_3664 = tpu.memref_slice %arg4[%run_scoped3A_3632, %mul3A_2] : memref<11x16384xf32, #tpu.memory_space<hbm>> -> memref<1x512xf32, #tpu.memory_space<hbm>>
      %dma_start3A_3665 = tpu.memref_squeeze %dma_start3A_3664 : memref<1x512xf32, #tpu.memory_space<hbm>> -> memref<512xf32, #tpu.memory_space<hbm>>
      %dma_start3A_3666 = tpu.memref_slice %arg4[%run_scoped3A_3632, %mul3A_2] : memref<11x16384xf32, #tpu.memory_space<hbm>> -> memref<1x512xf32, #tpu.memory_space<hbm>>
      %dma_start3A_3667 = tpu.memref_squeeze %dma_start3A_3666 : memref<1x512xf32, #tpu.memory_space<hbm>> -> memref<512xf32, #tpu.memory_space<hbm>>
      %dma_start3A_3668 = arith.constant 3072 : i32
      %dma_start3A_3669 = tpu.memref_slice %arg7[%dma_start3A_3668] : memref<5632xf32, #tpu.memory_space<vmem>> -> memref<512xf32, #tpu.memory_space<vmem>>
      tpu.enqueue_dma source(%dma_start3A_3669 : memref<512xf32, #tpu.memory_space<vmem>>) target(%dma_start3A_3667 : memref<512xf32, #tpu.memory_space<hbm>>) target_semaphore(%run_scoped3A_3661 : memref<!tpu.dma_semaphore, #tpu.memory_space<semaphore_mem>>)
      %dma_wait3A_3670 = arith.constant 3072 : i32
      %dma_wait3A_3671 = tpu.memref_slice %arg7[%dma_wait3A_3670] : memref<5632xf32, #tpu.memory_space<vmem>> -> memref<512xf32, #tpu.memory_space<vmem>>
      %dma_wait3A_3672 = tpu.memref_slice %arg4[%run_scoped3A_3632, %mul3A_2] : memref<11x16384xf32, #tpu.memory_space<hbm>> -> memref<1x512xf32, #tpu.memory_space<hbm>>
      %dma_wait3A_3673 = tpu.memref_squeeze %dma_wait3A_3672 : memref<1x512xf32, #tpu.memory_space<hbm>> -> memref<512xf32, #tpu.memory_space<hbm>>
      %dma_wait3A_3674 = tpu.memref_slice %arg4[%run_scoped3A_3632, %mul3A_2] : memref<11x16384xf32, #tpu.memory_space<hbm>> -> memref<1x512xf32, #tpu.memory_space<hbm>>
      %dma_wait3A_3675 = tpu.memref_squeeze %dma_wait3A_3674 : memref<1x512xf32, #tpu.memory_space<hbm>> -> memref<512xf32, #tpu.memory_space<hbm>>
      %dma_wait3A_3676 = arith.constant 3072 : i32
      %dma_wait3A_3677 = tpu.memref_slice %arg7[%dma_wait3A_3676] : memref<5632xf32, #tpu.memory_space<vmem>> -> memref<512xf32, #tpu.memory_space<vmem>>
      tpu.wait_dma2 semaphore(%run_scoped3A_3661 : memref<!tpu.dma_semaphore, #tpu.memory_space<semaphore_mem>>) src(%dma_wait3A_3677 : memref<512xf32, #tpu.memory_space<vmem>>) dst(%dma_wait3A_3675 : memref<512xf32, #tpu.memory_space<hbm>>)
      tpu.yield
    }) : () -> ()
    %dma_wait3A_3633 = arith.constant 3584 : i32
    %dma_wait3A_3634 = tpu.memref_slice %arg7[%dma_wait3A_3633] : memref<5632xf32, #tpu.memory_space<vmem>> -> memref<512xf32, #tpu.memory_space<vmem>>
    %dma_wait3A_3635 = arith.constant 3584 : i32
    %dma_wait3A_3636 = tpu.memref_slice %arg6[%dma_wait3A_3635] : memref<5632xi32, #tpu.memory_space<vmem>> -> memref<512xi32, #tpu.memory_space<vmem>>
    %dma_wait3A_3637 = arith.constant 0 : i32
    %dma_wait3A_3638 = tpu.memref_slice %arg3[%dma_wait3A_3637] : memref<1100000xf32, #tpu.memory_space<hbm>> -> memref<1100000xf32, #tpu.memory_space<hbm>>
    tpu.wait_indirect_dma semaphore(%arg8 : memref<!tpu.dma_semaphore, #tpu.memory_space<semaphore_mem>>) src(%dma_wait3A_3638 : memref<1100000xf32, #tpu.memory_space<hbm>>) dst(%dma_wait3A_3634 : memref<512xf32, #tpu.memory_space<vmem>>)
    %run_scoped3A_3639 = arith.constant 7 : i32
    "tpu.region"() ({
      %run_scoped3A_3661 = tpu.sem_alloc : memref<!tpu.dma_semaphore, #tpu.memory_space<semaphore_mem>>
      %dma_start3A_3662 = arith.constant 3584 : i32
      %dma_start3A_3663 = tpu.memref_slice %arg7[%dma_start3A_3662] : memref<5632xf32, #tpu.memory_space<vmem>> -> memref<512xf32, #tpu.memory_space<vmem>>
      %dma_start3A_3664 = tpu.memref_slice %arg4[%run_scoped3A_3639, %mul3A_2] : memref<11x16384xf32, #tpu.memory_space<hbm>> -> memref<1x512xf32, #tpu.memory_space<hbm>>
      %dma_start3A_3665 = tpu.memref_squeeze %dma_start3A_3664 : memref<1x512xf32, #tpu.memory_space<hbm>> -> memref<512xf32, #tpu.memory_space<hbm>>
      %dma_start3A_3666 = tpu.memref_slice %arg4[%run_scoped3A_3639, %mul3A_2] : memref<11x16384xf32, #tpu.memory_space<hbm>> -> memref<1x512xf32, #tpu.memory_space<hbm>>
      %dma_start3A_3667 = tpu.memref_squeeze %dma_start3A_3666 : memref<1x512xf32, #tpu.memory_space<hbm>> -> memref<512xf32, #tpu.memory_space<hbm>>
      %dma_start3A_3668 = arith.constant 3584 : i32
      %dma_start3A_3669 = tpu.memref_slice %arg7[%dma_start3A_3668] : memref<5632xf32, #tpu.memory_space<vmem>> -> memref<512xf32, #tpu.memory_space<vmem>>
      tpu.enqueue_dma source(%dma_start3A_3669 : memref<512xf32, #tpu.memory_space<vmem>>) target(%dma_start3A_3667 : memref<512xf32, #tpu.memory_space<hbm>>) target_semaphore(%run_scoped3A_3661 : memref<!tpu.dma_semaphore, #tpu.memory_space<semaphore_mem>>)
      %dma_wait3A_3670 = arith.constant 3584 : i32
      %dma_wait3A_3671 = tpu.memref_slice %arg7[%dma_wait3A_3670] : memref<5632xf32, #tpu.memory_space<vmem>> -> memref<512xf32, #tpu.memory_space<vmem>>
      %dma_wait3A_3672 = tpu.memref_slice %arg4[%run_scoped3A_3639, %mul3A_2] : memref<11x16384xf32, #tpu.memory_space<hbm>> -> memref<1x512xf32, #tpu.memory_space<hbm>>
      %dma_wait3A_3673 = tpu.memref_squeeze %dma_wait3A_3672 : memref<1x512xf32, #tpu.memory_space<hbm>> -> memref<512xf32, #tpu.memory_space<hbm>>
      %dma_wait3A_3674 = tpu.memref_slice %arg4[%run_scoped3A_3639, %mul3A_2] : memref<11x16384xf32, #tpu.memory_space<hbm>> -> memref<1x512xf32, #tpu.memory_space<hbm>>
      %dma_wait3A_3675 = tpu.memref_squeeze %dma_wait3A_3674 : memref<1x512xf32, #tpu.memory_space<hbm>> -> memref<512xf32, #tpu.memory_space<hbm>>
      %dma_wait3A_3676 = arith.constant 3584 : i32
      %dma_wait3A_3677 = tpu.memref_slice %arg7[%dma_wait3A_3676] : memref<5632xf32, #tpu.memory_space<vmem>> -> memref<512xf32, #tpu.memory_space<vmem>>
      tpu.wait_dma2 semaphore(%run_scoped3A_3661 : memref<!tpu.dma_semaphore, #tpu.memory_space<semaphore_mem>>) src(%dma_wait3A_3677 : memref<512xf32, #tpu.memory_space<vmem>>) dst(%dma_wait3A_3675 : memref<512xf32, #tpu.memory_space<hbm>>)
      tpu.yield
    }) : () -> ()
    %dma_wait3A_3640 = arith.constant 4096 : i32
    %dma_wait3A_3641 = tpu.memref_slice %arg7[%dma_wait3A_3640] : memref<5632xf32, #tpu.memory_space<vmem>> -> memref<512xf32, #tpu.memory_space<vmem>>
    %dma_wait3A_3642 = arith.constant 4096 : i32
    %dma_wait3A_3643 = tpu.memref_slice %arg6[%dma_wait3A_3642] : memref<5632xi32, #tpu.memory_space<vmem>> -> memref<512xi32, #tpu.memory_space<vmem>>
    %dma_wait3A_3644 = arith.constant 0 : i32
    %dma_wait3A_3645 = tpu.memref_slice %arg3[%dma_wait3A_3644] : memref<1100000xf32, #tpu.memory_space<hbm>> -> memref<1100000xf32, #tpu.memory_space<hbm>>
    tpu.wait_indirect_dma semaphore(%arg8 : memref<!tpu.dma_semaphore, #tpu.memory_space<semaphore_mem>>) src(%dma_wait3A_3645 : memref<1100000xf32, #tpu.memory_space<hbm>>) dst(%dma_wait3A_3641 : memref<512xf32, #tpu.memory_space<vmem>>)
    %run_scoped3A_3646 = arith.constant 8 : i32
    "tpu.region"() ({
      %run_scoped3A_3661 = tpu.sem_alloc : memref<!tpu.dma_semaphore, #tpu.memory_space<semaphore_mem>>
      %dma_start3A_3662 = arith.constant 4096 : i32
      %dma_start3A_3663 = tpu.memref_slice %arg7[%dma_start3A_3662] : memref<5632xf32, #tpu.memory_space<vmem>> -> memref<512xf32, #tpu.memory_space<vmem>>
      %dma_start3A_3664 = tpu.memref_slice %arg4[%run_scoped3A_3646, %mul3A_2] : memref<11x16384xf32, #tpu.memory_space<hbm>> -> memref<1x512xf32, #tpu.memory_space<hbm>>
      %dma_start3A_3665 = tpu.memref_squeeze %dma_start3A_3664 : memref<1x512xf32, #tpu.memory_space<hbm>> -> memref<512xf32, #tpu.memory_space<hbm>>
      %dma_start3A_3666 = tpu.memref_slice %arg4[%run_scoped3A_3646, %mul3A_2] : memref<11x16384xf32, #tpu.memory_space<hbm>> -> memref<1x512xf32, #tpu.memory_space<hbm>>
      %dma_start3A_3667 = tpu.memref_squeeze %dma_start3A_3666 : memref<1x512xf32, #tpu.memory_space<hbm>> -> memref<512xf32, #tpu.memory_space<hbm>>
      %dma_start3A_3668 = arith.constant 4096 : i32
      %dma_start3A_3669 = tpu.memref_slice %arg7[%dma_start3A_3668] : memref<5632xf32, #tpu.memory_space<vmem>> -> memref<512xf32, #tpu.memory_space<vmem>>
      tpu.enqueue_dma source(%dma_start3A_3669 : memref<512xf32, #tpu.memory_space<vmem>>) target(%dma_start3A_3667 : memref<512xf32, #tpu.memory_space<hbm>>) target_semaphore(%run_scoped3A_3661 : memref<!tpu.dma_semaphore, #tpu.memory_space<semaphore_mem>>)
      %dma_wait3A_3670 = arith.constant 4096 : i32
      %dma_wait3A_3671 = tpu.memref_slice %arg7[%dma_wait3A_3670] : memref<5632xf32, #tpu.memory_space<vmem>> -> memref<512xf32, #tpu.memory_space<vmem>>
      %dma_wait3A_3672 = tpu.memref_slice %arg4[%run_scoped3A_3646, %mul3A_2] : memref<11x16384xf32, #tpu.memory_space<hbm>> -> memref<1x512xf32, #tpu.memory_space<hbm>>
      %dma_wait3A_3673 = tpu.memref_squeeze %dma_wait3A_3672 : memref<1x512xf32, #tpu.memory_space<hbm>> -> memref<512xf32, #tpu.memory_space<hbm>>
      %dma_wait3A_3674 = tpu.memref_slice %arg4[%run_scoped3A_3646, %mul3A_2] : memref<11x16384xf32, #tpu.memory_space<hbm>> -> memref<1x512xf32, #tpu.memory_space<hbm>>
      %dma_wait3A_3675 = tpu.memref_squeeze %dma_wait3A_3674 : memref<1x512xf32, #tpu.memory_space<hbm>> -> memref<512xf32, #tpu.memory_space<hbm>>
      %dma_wait3A_3676 = arith.constant 4096 : i32
      %dma_wait3A_3677 = tpu.memref_slice %arg7[%dma_wait3A_3676] : memref<5632xf32, #tpu.memory_space<vmem>> -> memref<512xf32, #tpu.memory_space<vmem>>
      tpu.wait_dma2 semaphore(%run_scoped3A_3661 : memref<!tpu.dma_semaphore, #tpu.memory_space<semaphore_mem>>) src(%dma_wait3A_3677 : memref<512xf32, #tpu.memory_space<vmem>>) dst(%dma_wait3A_3675 : memref<512xf32, #tpu.memory_space<hbm>>)
      tpu.yield
    }) : () -> ()
    %dma_wait3A_3647 = arith.constant 4608 : i32
    %dma_wait3A_3648 = tpu.memref_slice %arg7[%dma_wait3A_3647] : memref<5632xf32, #tpu.memory_space<vmem>> -> memref<512xf32, #tpu.memory_space<vmem>>
    %dma_wait3A_3649 = arith.constant 4608 : i32
    %dma_wait3A_3650 = tpu.memref_slice %arg6[%dma_wait3A_3649] : memref<5632xi32, #tpu.memory_space<vmem>> -> memref<512xi32, #tpu.memory_space<vmem>>
    %dma_wait3A_3651 = arith.constant 0 : i32
    %dma_wait3A_3652 = tpu.memref_slice %arg3[%dma_wait3A_3651] : memref<1100000xf32, #tpu.memory_space<hbm>> -> memref<1100000xf32, #tpu.memory_space<hbm>>
    tpu.wait_indirect_dma semaphore(%arg8 : memref<!tpu.dma_semaphore, #tpu.memory_space<semaphore_mem>>) src(%dma_wait3A_3652 : memref<1100000xf32, #tpu.memory_space<hbm>>) dst(%dma_wait3A_3648 : memref<512xf32, #tpu.memory_space<vmem>>)
    %run_scoped3A_3653 = arith.constant 9 : i32
    "tpu.region"() ({
      %run_scoped3A_3661 = tpu.sem_alloc : memref<!tpu.dma_semaphore, #tpu.memory_space<semaphore_mem>>
      %dma_start3A_3662 = arith.constant 4608 : i32
      %dma_start3A_3663 = tpu.memref_slice %arg7[%dma_start3A_3662] : memref<5632xf32, #tpu.memory_space<vmem>> -> memref<512xf32, #tpu.memory_space<vmem>>
      %dma_start3A_3664 = tpu.memref_slice %arg4[%run_scoped3A_3653, %mul3A_2] : memref<11x16384xf32, #tpu.memory_space<hbm>> -> memref<1x512xf32, #tpu.memory_space<hbm>>
      %dma_start3A_3665 = tpu.memref_squeeze %dma_start3A_3664 : memref<1x512xf32, #tpu.memory_space<hbm>> -> memref<512xf32, #tpu.memory_space<hbm>>
      %dma_start3A_3666 = tpu.memref_slice %arg4[%run_scoped3A_3653, %mul3A_2] : memref<11x16384xf32, #tpu.memory_space<hbm>> -> memref<1x512xf32, #tpu.memory_space<hbm>>
      %dma_start3A_3667 = tpu.memref_squeeze %dma_start3A_3666 : memref<1x512xf32, #tpu.memory_space<hbm>> -> memref<512xf32, #tpu.memory_space<hbm>>
      %dma_start3A_3668 = arith.constant 4608 : i32
      %dma_start3A_3669 = tpu.memref_slice %arg7[%dma_start3A_3668] : memref<5632xf32, #tpu.memory_space<vmem>> -> memref<512xf32, #tpu.memory_space<vmem>>
      tpu.enqueue_dma source(%dma_start3A_3669 : memref<512xf32, #tpu.memory_space<vmem>>) target(%dma_start3A_3667 : memref<512xf32, #tpu.memory_space<hbm>>) target_semaphore(%run_scoped3A_3661 : memref<!tpu.dma_semaphore, #tpu.memory_space<semaphore_mem>>)
      %dma_wait3A_3670 = arith.constant 4608 : i32
      %dma_wait3A_3671 = tpu.memref_slice %arg7[%dma_wait3A_3670] : memref<5632xf32, #tpu.memory_space<vmem>> -> memref<512xf32, #tpu.memory_space<vmem>>
      %dma_wait3A_3672 = tpu.memref_slice %arg4[%run_scoped3A_3653, %mul3A_2] : memref<11x16384xf32, #tpu.memory_space<hbm>> -> memref<1x512xf32, #tpu.memory_space<hbm>>
      %dma_wait3A_3673 = tpu.memref_squeeze %dma_wait3A_3672 : memref<1x512xf32, #tpu.memory_space<hbm>> -> memref<512xf32, #tpu.memory_space<hbm>>
      %dma_wait3A_3674 = tpu.memref_slice %arg4[%run_scoped3A_3653, %mul3A_2] : memref<11x16384xf32, #tpu.memory_space<hbm>> -> memref<1x512xf32, #tpu.memory_space<hbm>>
      %dma_wait3A_3675 = tpu.memref_squeeze %dma_wait3A_3674 : memref<1x512xf32, #tpu.memory_space<hbm>> -> memref<512xf32, #tpu.memory_space<hbm>>
      %dma_wait3A_3676 = arith.constant 4608 : i32
      %dma_wait3A_3677 = tpu.memref_slice %arg7[%dma_wait3A_3676] : memref<5632xf32, #tpu.memory_space<vmem>> -> memref<512xf32, #tpu.memory_space<vmem>>
      tpu.wait_dma2 semaphore(%run_scoped3A_3661 : memref<!tpu.dma_semaphore, #tpu.memory_space<semaphore_mem>>) src(%dma_wait3A_3677 : memref<512xf32, #tpu.memory_space<vmem>>) dst(%dma_wait3A_3675 : memref<512xf32, #tpu.memory_space<hbm>>)
      tpu.yield
    }) : () -> ()
    %dma_wait3A_3654 = arith.constant 5120 : i32
    %dma_wait3A_3655 = tpu.memref_slice %arg7[%dma_wait3A_3654] : memref<5632xf32, #tpu.memory_space<vmem>> -> memref<512xf32, #tpu.memory_space<vmem>>
    %dma_wait3A_3656 = arith.constant 5120 : i32
    %dma_wait3A_3657 = tpu.memref_slice %arg6[%dma_wait3A_3656] : memref<5632xi32, #tpu.memory_space<vmem>> -> memref<512xi32, #tpu.memory_space<vmem>>
    %dma_wait3A_3658 = arith.constant 0 : i32
    %dma_wait3A_3659 = tpu.memref_slice %arg3[%dma_wait3A_3658] : memref<1100000xf32, #tpu.memory_space<hbm>> -> memref<1100000xf32, #tpu.memory_space<hbm>>
    tpu.wait_indirect_dma semaphore(%arg8 : memref<!tpu.dma_semaphore, #tpu.memory_space<semaphore_mem>>) src(%dma_wait3A_3659 : memref<1100000xf32, #tpu.memory_space<hbm>>) dst(%dma_wait3A_3655 : memref<512xf32, #tpu.memory_space<vmem>>)
    %run_scoped3A_3660 = arith.constant 10 : i32
    "tpu.region"() ({
      %run_scoped3A_3661 = tpu.sem_alloc : memref<!tpu.dma_semaphore, #tpu.memory_space<semaphore_mem>>
      %dma_start3A_3662 = arith.constant 5120 : i32
      %dma_start3A_3663 = tpu.memref_slice %arg7[%dma_start3A_3662] : memref<5632xf32, #tpu.memory_space<vmem>> -> memref<512xf32, #tpu.memory_space<vmem>>
      %dma_start3A_3664 = tpu.memref_slice %arg4[%run_scoped3A_3660, %mul3A_2] : memref<11x16384xf32, #tpu.memory_space<hbm>> -> memref<1x512xf32, #tpu.memory_space<hbm>>
      %dma_start3A_3665 = tpu.memref_squeeze %dma_start3A_3664 : memref<1x512xf32, #tpu.memory_space<hbm>> -> memref<512xf32, #tpu.memory_space<hbm>>
      %dma_start3A_3666 = tpu.memref_slice %arg4[%run_scoped3A_3660, %mul3A_2] : memref<11x16384xf32, #tpu.memory_space<hbm>> -> memref<1x512xf32, #tpu.memory_space<hbm>>
      %dma_start3A_3667 = tpu.memref_squeeze %dma_start3A_3666 : memref<1x512xf32, #tpu.memory_space<hbm>> -> memref<512xf32, #tpu.memory_space<hbm>>
      %dma_start3A_3668 = arith.constant 5120 : i32
      %dma_start3A_3669 = tpu.memref_slice %arg7[%dma_start3A_3668] : memref<5632xf32, #tpu.memory_space<vmem>> -> memref<512xf32, #tpu.memory_space<vmem>>
      tpu.enqueue_dma source(%dma_start3A_3669 : memref<512xf32, #tpu.memory_space<vmem>>) target(%dma_start3A_3667 : memref<512xf32, #tpu.memory_space<hbm>>) target_semaphore(%run_scoped3A_3661 : memref<!tpu.dma_semaphore, #tpu.memory_space<semaphore_mem>>)
      %dma_wait3A_3670 = arith.constant 5120 : i32
      %dma_wait3A_3671 = tpu.memref_slice %arg7[%dma_wait3A_3670] : memref<5632xf32, #tpu.memory_space<vmem>> -> memref<512xf32, #tpu.memory_space<vmem>>
      %dma_wait3A_3672 = tpu.memref_slice %arg4[%run_scoped3A_3660, %mul3A_2] : memref<11x16384xf32, #tpu.memory_space<hbm>> -> memref<1x512xf32, #tpu.memory_space<hbm>>
      %dma_wait3A_3673 = tpu.memref_squeeze %dma_wait3A_3672 : memref<1x512xf32, #tpu.memory_space<hbm>> -> memref<512xf32, #tpu.memory_space<hbm>>
      %dma_wait3A_3674 = tpu.memref_slice %arg4[%run_scoped3A_3660, %mul3A_2] : memref<11x16384xf32, #tpu.memory_space<hbm>> -> memref<1x512xf32, #tpu.memory_space<hbm>>
      %dma_wait3A_3675 = tpu.memref_squeeze %dma_wait3A_3674 : memref<1x512xf32, #tpu.memory_space<hbm>> -> memref<512xf32, #tpu.memory_space<hbm>>
      %dma_wait3A_3676 = arith.constant 5120 : i32
      %dma_wait3A_3677 = tpu.memref_slice %arg7[%dma_wait3A_3676] : memref<5632xf32, #tpu.memory_space<vmem>> -> memref<512xf32, #tpu.memory_space<vmem>>
      tpu.wait_dma2 semaphore(%run_scoped3A_3661 : memref<!tpu.dma_semaphore, #tpu.memory_space<semaphore_mem>>) src(%dma_wait3A_3677 : memref<512xf32, #tpu.memory_space<vmem>>) dst(%dma_wait3A_3675 : memref<512xf32, #tpu.memory_space<hbm>>)
      tpu.yield
    }) : () -> ()
    return
  }
}

</mosaic_0001>

<sc_bundles>
// kernel: _gather.3.cloned.1.call-start
scs
__scs_entry_jumppad:
0x0: {  	(pc) =	sbr.rel $0x88, $3  }
0x1: {  	(tag) =	ssettag $0x0;
	lr =	simm.s32 $0x1  }
0x2: {  	[smem:$0x3F9F] =	sst lr;
	_ =	strace $0xD0000000  }
0x3: {  	_ = 	snop  }
0x4: {  	_ = 	snop  }
0x5: {  	_ = 	snop  }
0x6: {  	_ = 	snop  }
0x7: {  	_ = 	snop  }
__scs_overlays_trampoline_lowered:
0x8: {  	[smem:$0x3FAE] =	sst s0  }
0x9: {  	[smem:$0x3FAF] =	sst s1  }
0xa: {  	[smem:$0x3FB0] =	sst s2  }
0xb: {  	[smem:$0x3FB1] =	sst s3  }
0xc: {  	[smem:$0x3FB2] =	sst s4  }
0xd: {  	[smem:$0x3FB3] =	sst s5  }
0xe: {  	[smem:$0x3FB4] =	sst s6  }
0xf: {  	[smem:$0x3FB5] =	sst s7  }
0x10: {  	[smem:$0x3FB6] =	sst s8  }
0x11: {  	[smem:$0x3FB7] =	sst s9;
	s0 =	simm.s32 @!p0 $0x0  }
0x12: {  	s1 =	sld [smem:$0x3F9D];
	s0 =	simm.s32 @p0 $0x1  }
0x13: {  	[smem:$0x3FB8] =	sst s0;
	s0 =	simm.s32 @!p1 $0x0  }
0x14: {  	s2 =	sld [smem:$0x3F9C];
	s0 =	simm.s32 @p1 $0x1  }
0x15: {  	[smem:$0x3FB9] =	sst s0;
	s0 =	simm.s32 @!p2 $0x0  }
0x16: {  	s3 =	sld [smem:$0x3FDB];
	s0 =	simm.s32 @p2 $0x1  }
0x17: {  	s4 =	simm.s32 $0x1BF5;
	[smem:$0x3FBB] =	sst s0  }
0x18: {  	s0 =	sld [smem:$0x3F9E];
	_ =	swait.ge [sflag:s4], $0x0  }
0x19: {  	s7 =	sld [smem:$0x3F9F]  }
0x1a: {  	s8 =	sadd.s32 $0xFFFFE003, lr  }
0x1b: {  	s9 =	sadd.s32 $0xFFFFFEF7, lr;
	s5 =	simm.s32 $0xFFFFFFFF;
	p2 =	slt.u32 s8, $0xFFFFF086  }
0x1c: {  	p1 =	slt.u32 s9, $0xF7A;
	s5 =	simm.s32 @!p2 $0x0  }
0x1d: {  	s5 =	simm.s32 @p1 $0x1;
	p0 =	seq.s32 s7, s2  }
0x1e: {  	s7 =	smul.u32 @!p0 $0xF7A, s2;
	p2 =	seq.s32 @!p0 s5, $0x0  }
0x1f: {  	s9 =	smul.u32 $0xF7A, s1;
	s8 =	simm.s32 @!p0 $0x1BF5;
	p2 =	por !p2, p0  }
0x20: {  	[sflag:s8] =	ssyncset.s32 @!p0 $0xFFFFF086;
	s6 =	sadd.s32 @!p0 s3, s7;
	s7 =	simm.s32 @!p0 $0x108  }
0x21: {  	s3 =	sadd.s32 s3, s9;
	s6 =	sadd.s32 @!p0 $0x88, s6;
	s7 =	simm.s32 @p2 $0x1082  }
0x22: {  	[simem:s7], [sflag:s8] =	dma.local @!p0 [hbm:s6], $0xF7A  }
0x23: {  	s9 =	sor.u32 $0xD0000000, s2;
	s6 =	simm.s32 $0x108;
	_ =	swait.ge @!p0 [sflag:s8], $0x0  }
0x24: {  	s3 =	sadd.s32 $0x88, s3;
	s6 =	simm.s32 @!p1 $0x1082;
	[sflag:s4] =	ssyncset.s32 $0xFFFFF086  }
0x25: {  	[simem:s6], [sflag:s4] =	dma.local [hbm:s3], $0xF7A  }
0x26: {  	[smem:$0x3F9F] =	sst s1;
	(tag) =	ssettag s2;
	_ =	strace s9  }
0x27: {  	s1 =	sld [smem:$0x3FAF]  }
0x28: {  	s2 =	sld [smem:$0x3FB0]  }
0x29: {  	s4 =	sld [smem:$0x3FB2]  }
0x2a: {  	p0 =	seq.s32 s5, $0x0;
	s5 =	sld [smem:$0x3FB3]  }
0x2b: {  	s6 =	sld [smem:$0x3FB4]  }
0x2c: {  	s7 =	sld [smem:$0x3FB5]  }
0x2d: {  	s3 =	simm.s32 $0x108;
	s8 =	sld [smem:$0x3FB6]  }
0x2e: {  	s3 =	simm.s32 @!p0 $0x1082;
	s9 =	sld [smem:$0x3FB7]  }
0x2f: {  	lr =	sadd.s32 s0, s3;
	s0 =	sld [smem:$0x3FAE]  }
0x30: {  	s3 =	sld [smem:$0x3FB1]  }
0x31: {  	[smem:$0x3FBA] =	sst s10  }
0x32: {  	s10 =	sld [smem:$0x3FB8];
	_ =	sdelay $0x3  }
0x33: {  	p0 =	seq.s32 s10, $0x1;
	s10 =	sld [smem:$0x3FBA];
	_ =	sdelay $0x3  }
0x34: {  	[smem:$0x3FBA] =	sst s10  }
0x35: {  	s10 =	sld [smem:$0x3FB9];
	_ =	sdelay $0x3  }
0x36: {  	p1 =	seq.s32 s10, $0x1;
	s10 =	sld [smem:$0x3FBA];
	_ =	sdelay $0x3  }
0x37: {  	[smem:$0x3FBA] =	sst s10  }
0x38: {  	s10 =	sld [smem:$0x3FBB]  }
0x39: {  	_ = 	snop;
	(pc) =	sbr.ind lr, $3  }
0x3a: {  	_ = 	snop  }
0x3b: {  	_ = 	snop  }
0x3c: {  	p2 =	seq.s32 s10, $0x1;
	s10 =	sld [smem:$0x3FBA]  }
0x3d: {  	_ =	shalt  }
0x3e: {  	_ =	shalt  }
0x3f: {  	_ =	shalt  }
0x40: {  	_ =	shalt  }
0x41: {  	_ =	shalt  }
0x42: {  	_ =	shalt  }
0x43: {  	_ =	shalt  }
0x44: {  	_ =	shalt  }
0x45: {  	_ =	shalt  }
0x46: {  	_ =	shalt  }
0x47: {  	_ =	shalt  }
0x48: {  	_ =	shalt  }
0x49: {  	_ =	shalt  }
0x4a: {  	_ =	shalt  }
0x4b: {  	_ =	shalt  }
0x4c: {  	_ =	shalt  }
0x4d: {  	_ =	shalt  }
0x4e: {  	_ =	shalt  }
0x4f: {  	_ =	shalt  }
0x50: {  	_ =	shalt  }
0x51: {  	_ =	shalt  }
0x52: {  	_ =	shalt  }
0x53: {  	_ =	shalt  }
0x54: {  	_ =	shalt  }
0x55: {  	_ =	shalt  }
0x56: {  	_ =	shalt  }
0x57: {  	_ =	shalt  }
0x58: {  	_ =	shalt  }
0x59: {  	_ =	shalt  }
0x5a: {  	_ =	shalt  }
0x5b: {  	_ =	shalt  }
0x5c: {  	_ =	shalt  }
0x5d: {  	_ =	shalt  }
0x5e: {  	_ =	shalt  }
0x5f: {  	_ =	shalt  }
0x60: {  	_ =	shalt  }
0x61: {  	_ =	shalt  }
0x62: {  	_ =	shalt  }
0x63: {  	_ =	shalt  }
0x64: {  	_ =	shalt  }
0x65: {  	_ =	shalt  }
0x66: {  	_ =	shalt  }
0x67: {  	_ =	shalt  }
0x68: {  	_ =	shalt  }
0x69: {  	_ =	shalt  }
0x6a: {  	_ =	shalt  }
0x6b: {  	_ =	shalt  }
0x6c: {  	_ =	shalt  }
0x6d: {  	_ =	shalt  }
0x6e: {  	_ =	shalt  }
0x6f: {  	_ =	shalt  }
0x70: {  	_ =	shalt  }
0x71: {  	_ =	shalt  }
0x72: {  	_ =	shalt  }
0x73: {  	_ =	shalt  }
0x74: {  	_ =	shalt  }
0x75: {  	_ =	shalt  }
0x76: {  	_ =	shalt  }
0x77: {  	_ =	shalt  }
0x78: {  	_ =	shalt  }
0x79: {  	_ =	shalt  }
0x7a: {  	_ =	shalt  }
0x7b: {  	_ =	shalt  }
0x7c: {  	_ =	shalt  }
0x7d: {  	_ =	shalt  }
0x7e: {  	_ =	shalt  }
0x7f: {  	_ =	shalt  }
0x80: {  	_ =	shalt  }
0x81: {  	_ =	shalt  }
0x82: {  	_ =	shalt  }
0x83: {  	_ =	shalt  }
0x84: {  	_ =	shalt  }
0x85: {  	_ =	shalt  }
0x86: {  	_ =	shalt  }
0x87: {  	_ =	shalt  }
.Lfunc_end0:
.L_simem_size_0:
called_computation_lowered:
.L_overlay_start_0:
0x88: {  	s2 =	sld [smem:$0x3FD9]  }
0x89: {  	s3 =	sld [smem:$0x3FFE];
	_ =	sdelay $0x1  }
0x8a: {  	s1 =	srdreg.scid  }
0x8b: {  	s0 =	sand.u32 $0x1, s1  }
0x8c: {  	s17 =	sshll.u32 s0, $0xA;
	s2 =	sadd.s32 s3, s2  }
0x8d: {  	s2 =	sadd.s32 s2, s17  }
0x8e: {  	[smem:$0x3FC6] =	sst s2  }
0x8f: {  	_ = 	snop  }
0x90: {  	s2 =	sld [smem:$0x3FC9]  }
0x91: {  	s18 =	sld [smem:$0x3FC8];
	(tm) =	ssettm $0x1  }
0x92: {  	s4 =	sld [smem:$0x3FFB];
	_ =	sdelay $0x3  }
0x93: {  	_ =	strace s4  }
0x94: {  	s4 =	sld [smem:$0x3FFC];
	_ =	sdelay $0x3  }
0x95: {  	_ =	strace s4  }
0x96: {  	s4 =	sld [smem:$0x3FFD];
	_ =	sdelay $0x3  }
0x97: {  	_ =	strace s4  }
0x98: {  	_ =	strace $0x8FFFFFFF  }
0x99: {  	s19 =	sld [smem:$0x3FDB];
	_ =	sdelay $0x1  }
0x9a: {  	s5 =	simm.s32 $_scs_section_size  }
0x9b: {  	s6 =	simm.s32 $_size__tile_overlayer_lowered;
	s7 =	simm.s32 $_tile_overlayer_lowered  }
0x9c: {  	s22 =	simm.s32 $0x1BFF;
	s21 =	sshll.u32 s7, $0x1;
	s4 =	sadd.s32 s5, s19  }
0x9d: {  	s8 =	simm.s32 $0x0;
	s20 =	sshll.u32 s6, $0x1;
	s6 =	sadd.s32 s21, s4  }
0x9e: {  	[timem:s8], [sflag:s22] =	dma.local [hbm:s6], s20  }
0x9f: {  	_ =	swait.ge [sflag:s22], s20  }
0xa0: {  	s5 =	ssub.s32 $0x0, s20;
	[sflag:s22] =	ssyncset.done $0x0  }
0xa1: {  	[sflag:s22] =	ssyncadd.s32 s5;
	_ =	sdelay $0x1  }
0xa2: {  	s23 =	simm.s32 $0x1B8B  }
0xa3: {  	_ =	swait.ge [sflag:s23], $0x1  }
0xa4: {  	[sflag:s23] =	ssyncset.done $0x0  }
0xa5: {  	s25 =	simm.s32 $0x1B8E;
	s24 =	sld [smem:$0x3FFE];
	[sflag:s23] =	ssyncadd.s32 $0xFFFFFFFF  }
0xa6: {  	s26 =	simm.s32 $execute0_lowered;
	[smem:$0x3FD2] =	sst s25  }
0xa7: {  	s6 =	sshll.u32 s26, $0x1;
	_ =	strace $0x80000046;
	[dreg:$0x1] =	wrdreg $0xFFFFFFFF  }
0xa8: {  	s28 =	simm.s32 $_size_execute0_lowered;
	s4 =	sadd.s32 s4, s6;
	[dreg:$0x0] =	wrdreg $0x0  }
0xa9: {  	s6 =	sshll.u32 s28, $0x1;
	[dreg:$0x2] =	wrdreg s4  }
0xaa: {  	[dreg:$0x3] =	wrdreg s6  }
0xab: {  	[dreg:$0x4] =	wrdreg $0xC0  }
0xac: {  	_ =	task [dreg:s8], $0x5FFFF  }
0xad: {  	[dreg:$0x1] =	wrdreg $0xFFFFFFFF  }
0xae: {  	[dreg:$0x0] =	wrdreg $0x60  }
0xaf: {  	[dreg:$0x2] =	wrdreg s2  }
0xb0: {  	[dreg:$0x3] =	wrdreg s18  }
0xb1: {  	[dreg:$0x4] =	wrdreg s24  }
0xb2: {  	[dreg:$0x5] =	wrdreg $0x9  }
0xb3: {  	_ =	task.clear_ibuf [dreg:s8], $0x6FFFF;
	_ =	strace $0x90000046  }
0xb4: {  	s29 =	simm.s32 $0x9;
	_ =	strace $0x80000048  }
0xb5: {  	_ =	swait.ge [sflag:s29], $0x1  }
0xb6: {  	[sflag:s29] =	ssyncadd.s32 $0xFFFFFFFF  }
0xb7: {  	_ =	strace $0x90000048  }
0xb8: {  	_ =	sfence  }
0xb9: {  	s30 =	sld [smem:$0x0];
	_ =	sdelay $0x2  }
0xba: {  	s31 =	sshll.u32 s1, $0xD;
	s1 =	sshrl.u32 s1, $0x2  }
0xbb: {  	s3 =	sand.u32 $0x4000, s31;
	s1 =	sadd.s32 s1, s30  }
0xbc: {  	s0 =	sor.u32 s3, s0;
	s1 =	sshll.u32 s1, $0x11  }
0xbd: {  	s0 =	sor.u32 s1, s0  }
0xbe: {  	s0 =	sadd.s32 $0x8F2B, s0  }
0xbf: {  	[sflag:s0] =	ssyncadd.remote.s32 $0x1  }
0xc0: {  	_ =	sfence.sel $0xFFFF  }
0xc1: {  	[dreg:$0x0] =	wrdreg $0xFFFFFFFF;
	(pc) =	sbr.abs _section_cstart, $3  }
0xc2: {  	[dreg:$0x1] =	wrdreg $0xFFFFFFFF  }
0xc3: {  	_ =	task.clear_ibuf [dreg:s8], $0x2FFFF;
	_ =	strace $0x9FFFFFFF  }
0xc4: {  	(tm) =	ssettm $0x7FFFFFFF  }
0xc5: {  	_ =	shalt  }
tec
execute0_lowered:
.L_overlay_start_1:
0x0: {  	(tag) =	ssettag $0x1  }
0x1: {  	s0 =	rddreg [dreg:$0x0]  }
0x2: {  	s2 =	rddreg [dreg:$0x1]  }
0x3: {  	s4 =	rddreg [dreg:$0x2]  }
0x4: {  	s3 =	srdreg.scid;
	s1 =	stileid.u32  }
0x5: {  	s9 =	simm.s32 $0x200;
	s10 =	simm.s32 $0x1800;
	s11 =	simm.s32 $0x400  }
0x6: {  	s12 =	simm.s32 $0x1A00;
	s13 =	simm.s32 $0x600;
	s14 =	simm.s32 $0x1C00  }
0x7: {  	s15 =	simm.s32 $0x800;
	s16 =	simm.s32 $0x1E00;
	s17 =	simm.s32 $0xA00  }
0x8: {  	s28 =	simm.s32 $0x1400;
	s29 =	simm.s32 $0x2A00;
	s30 =	simm.s32 $0x1600  }
0x9: {  	s31 =	simm.s32 $0x2C00;
	s5 =	sand.u32 $0x1, s3;
	s3 =	simm.s32 $0x0  }
0xa: {  	s6 =	sshll.u32 s1, $0x7;
	s7 =	sshll.u32 s5, $0x6;
	[smem:$0x7FF] =	sst s3  }
0xb: {  	s24 =	ssub.s32 $0x2, s5;
	s6 =	sor.u32 s7, s6;
	_ =	strace $0x80000047  }
0xc: {  	s5 =	sshrl.u32 s24, $0x1;
	s7 =	sadd.s32 s6, s4;
	s0 =	sadd.s32 s0, s6  }
0xd: {  	s8 =	ssub.s32 s24, s5;
	[dreg:$0x4] =	wrdreg s0;
	s18 =	sadd.s32 $0x400, s7  }
0xe: {  	s24 =	simm.s32 $0x2600;
	s19 =	sadd.s32 $0xC00, s7;
	[dreg:$0x5] =	wrdreg s18  }
0xf: {  	s20 =	sadd.s32 $0x1400, s7;
	s21 =	sadd.s32 $0x1C00, s7;
	[dreg:$0x6] =	wrdreg s19  }
0x10: {  	s22 =	sadd.s32 $0x2400, s7;
	s23 =	sadd.s32 $0x2C00, s7;
	[dreg:$0x7] =	wrdreg s20  }
0x11: {  	s25 =	sadd.s32 $0x3400, s7;
	s26 =	sadd.s32 $0x3C00, s7;
	[dreg:$0x8] =	wrdreg s21  }
0x12: {  	s4 =	sadd.s32 $0x4400, s7;
	s5 =	sadd.s32 $0x4C00, s7;
	[dreg:$0x9] =	wrdreg s22  }
0x13: {  	s6 =	sadd.s32 $0x5400, s7;
	s7 =	smax.u32 s8, $0x1;
	[dreg:$0xa] =	wrdreg s23  }
0x14: {  	s8 =	simm.s32 $0x2;
	s0 =	simm.s32 $0x1;
	[dreg:$0xb] =	wrdreg s25  }
0x15: {  	[dreg:$0xc] =	wrdreg s26;
	s18 =	simm.s32 $0x2000;
	s19 =	simm.s32 $0xC00  }
0x16: {  	s20 =	simm.s32 $0x2200;
	s21 =	simm.s32 $0xE00;
	s22 =	simm.s32 $0x2400  }
0x17: {  	s23 =	simm.s32 $0x1000;
	s25 =	simm.s32 $0x1200;
	s26 =	simm.s32 $0x2800  }
.LBB2_1:
0x18: {  	s1 =	rddreg [dreg:$0x4]  }
0x19: {  	[tilespmem:s3], [sflag:$0x2] =	stream.linear.gather [hbm4b:s1+s3], $0x200, $0x38;
	[tilespmem:$0x2E00] =	vst v63  }
0x1a: {  	_ =	swait.ge [sflag:s8], $0x200  }
0x1b: {  	[sflag:s8] =	ssyncset.done $0x0  }
0x1c: {  	[sflag:s8] =	ssyncadd.s32 $0xFFFFFE00  }
0x1d: {  	v0 =	vld [tilespmem:$0x0]  }
0x1e: {  	v1 =	vld [tilespmem:$0x10]  }
0x1f: {  	v2 =	vld [tilespmem:$0x20]  }
0x20: {  	v3 =	vld [tilespmem:$0x30]  }
0x21: {  	v4 =	vld [tilespmem:$0x40]  }
0x22: {  	v34 =	vld [tilespmem:$0x50];
	[tilespmem:$0x200] =	vst v0  }
0x23: {  	v35 =	vld [tilespmem:$0x60];
	[tilespmem:$0x210] =	vst v1  }
0x24: {  	v36 =	vld [tilespmem:$0x70];
	[tilespmem:$0x220] =	vst v2  }
0x25: {  	v37 =	vld [tilespmem:$0x80];
	[tilespmem:$0x230] =	vst v3  }
0x26: {  	v38 =	vld [tilespmem:$0x90];
	[tilespmem:$0x240] =	vst v4  }
0x27: {  	v39 =	vld [tilespmem:$0xA0];
	[tilespmem:$0x250] =	vst v34  }
0x28: {  	v40 =	vld [tilespmem:$0xB0];
	[tilespmem:$0x260] =	vst v35  }
0x29: {  	v41 =	vld [tilespmem:$0xC0];
	[tilespmem:$0x270] =	vst v36  }
0x2a: {  	v42 =	vld [tilespmem:$0xD0];
	[tilespmem:$0x280] =	vst v37  }
0x2b: {  	v43 =	vld [tilespmem:$0xE0];
	[tilespmem:$0x290] =	vst v38  }
0x2c: {  	v44 =	vld [tilespmem:$0xF0];
	[tilespmem:$0x2A0] =	vst v39  }
0x2d: {  	v45 =	vld [tilespmem:$0x100];
	[tilespmem:$0x2B0] =	vst v40  }
0x2e: {  	v46 =	vld [tilespmem:$0x110];
	[tilespmem:$0x2C0] =	vst v41  }
0x2f: {  	v47 =	vld [tilespmem:$0x120];
	[tilespmem:$0x2D0] =	vst v42  }
0x30: {  	v48 =	vld [tilespmem:$0x130];
	[tilespmem:$0x2E0] =	vst v43  }
0x31: {  	v49 =	vld [tilespmem:$0x140];
	[tilespmem:$0x2F0] =	vst v44  }
0x32: {  	v50 =	vld [tilespmem:$0x150];
	[tilespmem:$0x300] =	vst v45  }
0x33: {  	v51 =	vld [tilespmem:$0x160];
	[tilespmem:$0x310] =	vst v46  }
0x34: {  	v52 =	vld [tilespmem:$0x170];
	[tilespmem:$0x320] =	vst v47  }
0x35: {  	v53 =	vld [tilespmem:$0x180];
	[tilespmem:$0x330] =	vst v48  }
0x36: {  	v54 =	vld [tilespmem:$0x190];
	[tilespmem:$0x340] =	vst v49  }
0x37: {  	v55 =	vld [tilespmem:$0x1A0];
	[tilespmem:$0x350] =	vst v50  }
0x38: {  	v56 =	vld [tilespmem:$0x1B0];
	[tilespmem:$0x360] =	vst v51  }
0x39: {  	v57 =	vld [tilespmem:$0x1C0];
	[tilespmem:$0x370] =	vst v52  }
0x3a: {  	v58 =	vld [tilespmem:$0x1D0];
	[tilespmem:$0x380] =	vst v53  }
0x3b: {  	v59 =	vld [tilespmem:$0x1E0];
	[tilespmem:$0x390] =	vst v54  }
0x3c: {  	v60 =	vld [tilespmem:$0x1F0];
	[tilespmem:$0x3A0] =	vst v55  }
0x3d: {  	[tilespmem:$0x3B0] =	vst v56  }
0x3e: {  	[tilespmem:$0x3C0] =	vst v57  }
0x3f: {  	[tilespmem:$0x3D0] =	vst v58  }
0x40: {  	[tilespmem:$0x3E0] =	vst v59  }
0x41: {  	[tilespmem:$0x3F0] =	vst v60  }
0x42: {  	[tilespmem:s10], [sflag:$0x1] =	stream.indirect.gather [hbm4b:s2+s9], $0x1, s9, s9, $0xb8;
	[tilespmem:$0x2E00] =	vst v63  }
0x43: {  	v61 =	vld [tilespmem:$0x0]  }
0x44: {  	v62 =	vld [tilespmem:$0x10]  }
0x45: {  	v63 =	vld [tilespmem:$0x20]  }
0x46: {  	v8 =	vld [tilespmem:$0x30]  }
0x47: {  	v9 =	vld [tilespmem:$0x40]  }
0x48: {  	v5 =	vld [tilespmem:$0x50];
	v0 =	vadd.s32 $0x186A0, v61  }
0x49: {  	v11 =	vld [tilespmem:$0x60];
	v10 =	vadd.s32 $0x186A0, v62;
	[tilespmem:$0x400] =	vst v0  }
0x4a: {  	v13 =	vld [tilespmem:$0x70];
	v12 =	vadd.s32 $0x186A0, v63;
	[tilespmem:$0x410] =	vst v10  }
0x4b: {  	v15 =	vld [tilespmem:$0x80];
	v14 =	vadd.s32 $0x186A0, v8;
	[tilespmem:$0x420] =	vst v12  }
0x4c: {  	v17 =	vld [tilespmem:$0x90];
	v16 =	vadd.s32 $0x186A0, v9;
	[tilespmem:$0x430] =	vst v14  }
0x4d: {  	v19 =	vld [tilespmem:$0xA0];
	v18 =	vadd.s32 $0x186A0, v5;
	[tilespmem:$0x440] =	vst v16  }
0x4e: {  	v21 =	vld [tilespmem:$0xB0];
	v20 =	vadd.s32 $0x186A0, v11;
	[tilespmem:$0x450] =	vst v18  }
0x4f: {  	v23 =	vld [tilespmem:$0xC0];
	v22 =	vadd.s32 $0x186A0, v13;
	[tilespmem:$0x460] =	vst v20  }
0x50: {  	v25 =	vld [tilespmem:$0xD0];
	v24 =	vadd.s32 $0x186A0, v15;
	[tilespmem:$0x470] =	vst v22  }
0x51: {  	v27 =	vld [tilespmem:$0xE0];
	v26 =	vadd.s32 $0x186A0, v17;
	[tilespmem:$0x480] =	vst v24  }
0x52: {  	v29 =	vld [tilespmem:$0xF0];
	v28 =	vadd.s32 $0x186A0, v19;
	[tilespmem:$0x490] =	vst v26  }
0x53: {  	v31 =	vld [tilespmem:$0x100];
	v30 =	vadd.s32 $0x186A0, v21;
	[tilespmem:$0x4A0] =	vst v28  }
0x54: {  	v33 =	vld [tilespmem:$0x110];
	v32 =	vadd.s32 $0x186A0, v23;
	[tilespmem:$0x4B0] =	vst v30  }
0x55: {  	v35 =	vld [tilespmem:$0x120];
	v34 =	vadd.s32 $0x186A0, v25;
	[tilespmem:$0x4C0] =	vst v32  }
0x56: {  	v37 =	vld [tilespmem:$0x130];
	v36 =	vadd.s32 $0x186A0, v27;
	[tilespmem:$0x4D0] =	vst v34  }
0x57: {  	v39 =	vld [tilespmem:$0x140];
	v38 =	vadd.s32 $0x186A0, v29;
	[tilespmem:$0x4E0] =	vst v36  }
0x58: {  	v41 =	vld [tilespmem:$0x150];
	v40 =	vadd.s32 $0x186A0, v31;
	[tilespmem:$0x4F0] =	vst v38  }
0x59: {  	v43 =	vld [tilespmem:$0x160];
	v42 =	vadd.s32 $0x186A0, v33;
	[tilespmem:$0x500] =	vst v40  }
0x5a: {  	v45 =	vld [tilespmem:$0x170];
	v44 =	vadd.s32 $0x186A0, v35;
	[tilespmem:$0x510] =	vst v42  }
0x5b: {  	v47 =	vld [tilespmem:$0x180];
	v46 =	vadd.s32 $0x186A0, v37;
	[tilespmem:$0x520] =	vst v44  }
0x5c: {  	v49 =	vld [tilespmem:$0x190];
	v48 =	vadd.s32 $0x186A0, v39;
	[tilespmem:$0x530] =	vst v46  }
0x5d: {  	v51 =	vld [tilespmem:$0x1A0];
	v50 =	vadd.s32 $0x186A0, v41;
	[tilespmem:$0x540] =	vst v48  }
0x5e: {  	v53 =	vld [tilespmem:$0x1B0];
	v52 =	vadd.s32 $0x186A0, v43;
	[tilespmem:$0x550] =	vst v50  }
0x5f: {  	v55 =	vld [tilespmem:$0x1C0];
	v54 =	vadd.s32 $0x186A0, v45;
	[tilespmem:$0x560] =	vst v52  }
0x60: {  	v57 =	vld [tilespmem:$0x1D0];
	v56 =	vadd.s32 $0x186A0, v47;
	[tilespmem:$0x570] =	vst v54  }
0x61: {  	v59 =	vld [tilespmem:$0x1E0];
	v58 =	vadd.s32 $0x186A0, v49;
	[tilespmem:$0x580] =	vst v56  }
0x62: {  	v60 =	vadd.s32 $0x186A0, v51;
	v61 =	vld [tilespmem:$0x1F0];
	[tilespmem:$0x590] =	vst v58  }
0x63: {  	v62 =	vadd.s32 $0x186A0, v53;
	[tilespmem:$0x5A0] =	vst v60  }
0x64: {  	v63 =	vadd.s32 $0x186A0, v55;
	[tilespmem:$0x5B0] =	vst v62  }
0x65: {  	v4 =	vadd.s32 $0x186A0, v57;
	[tilespmem:$0x5C0] =	vst v63  }
0x66: {  	v6 =	vadd.s32 $0x186A0, v59;
	[tilespmem:$0x5D0] =	vst v4  }
0x67: {  	[tilespmem:$0x5E0] =	vst v6;
	v7 =	vadd.s32 $0x186A0, v61  }
0x68: {  	[tilespmem:$0x5F0] =	vst v7  }
0x69: {  	[tilespmem:s12], [sflag:$0x1] =	stream.indirect.gather [hbm4b:s2+s9], $0x1, s11, s9, $0xb8;
	[tilespmem:$0x2E00] =	vst v63  }
0x6a: {  	v8 =	vld [tilespmem:$0x0]  }
0x6b: {  	v9 =	vld [tilespmem:$0x10]  }
0x6c: {  	v10 =	vld [tilespmem:$0x20]  }
0x6d: {  	v11 =	vld [tilespmem:$0x30]  }
0x6e: {  	v12 =	vld [tilespmem:$0x40]  }
0x6f: {  	v13 =	vld [tilespmem:$0x50];
	v0 =	vadd.s32 $0x30D40, v8  }
0x70: {  	v15 =	vld [tilespmem:$0x60];
	v14 =	vadd.s32 $0x30D40, v9;
	[tilespmem:$0x600] =	vst v0  }
0x71: {  	v17 =	vld [tilespmem:$0x70];
	v16 =	vadd.s32 $0x30D40, v10;
	[tilespmem:$0x610] =	vst v14  }
0x72: {  	v19 =	vld [tilespmem:$0x80];
	v18 =	vadd.s32 $0x30D40, v11;
	[tilespmem:$0x620] =	vst v16  }
0x73: {  	v21 =	vld [tilespmem:$0x90];
	v20 =	vadd.s32 $0x30D40, v12;
	[tilespmem:$0x630] =	vst v18  }
0x74: {  	v23 =	vld [tilespmem:$0xA0];
	v22 =	vadd.s32 $0x30D40, v13;
	[tilespmem:$0x640] =	vst v20  }
0x75: {  	v25 =	vld [tilespmem:$0xB0];
	v24 =	vadd.s32 $0x30D40, v15;
	[tilespmem:$0x650] =	vst v22  }
0x76: {  	v27 =	vld [tilespmem:$0xC0];
	v26 =	vadd.s32 $0x30D40, v17;
	[tilespmem:$0x660] =	vst v24  }
0x77: {  	v29 =	vld [tilespmem:$0xD0];
	v28 =	vadd.s32 $0x30D40, v19;
	[tilespmem:$0x670] =	vst v26  }
0x78: {  	v31 =	vld [tilespmem:$0xE0];
	v30 =	vadd.s32 $0x30D40, v21;
	[tilespmem:$0x680] =	vst v28  }
0x79: {  	v33 =	vld [tilespmem:$0xF0];
	v32 =	vadd.s32 $0x30D40, v23;
	[tilespmem:$0x690] =	vst v30  }
0x7a: {  	v35 =	vld [tilespmem:$0x100];
	v34 =	vadd.s32 $0x30D40, v25;
	[tilespmem:$0x6A0] =	vst v32  }
0x7b: {  	v37 =	vld [tilespmem:$0x110];
	v36 =	vadd.s32 $0x30D40, v27;
	[tilespmem:$0x6B0] =	vst v34  }
0x7c: {  	v39 =	vld [tilespmem:$0x120];
	v38 =	vadd.s32 $0x30D40, v29;
	[tilespmem:$0x6C0] =	vst v36  }
0x7d: {  	v41 =	vld [tilespmem:$0x130];
	v40 =	vadd.s32 $0x30D40, v31;
	[tilespmem:$0x6D0] =	vst v38  }
0x7e: {  	v43 =	vld [tilespmem:$0x140];
	v42 =	vadd.s32 $0x30D40, v33;
	[tilespmem:$0x6E0] =	vst v40  }
0x7f: {  	v45 =	vld [tilespmem:$0x150];
	v44 =	vadd.s32 $0x30D40, v35;
	[tilespmem:$0x6F0] =	vst v42  }
0x80: {  	v47 =	vld [tilespmem:$0x160];
	v46 =	vadd.s32 $0x30D40, v37;
	[tilespmem:$0x700] =	vst v44  }
0x81: {  	v49 =	vld [tilespmem:$0x170];
	v48 =	vadd.s32 $0x30D40, v39;
	[tilespmem:$0x710] =	vst v46  }
0x82: {  	v51 =	vld [tilespmem:$0x180];
	v50 =	vadd.s32 $0x30D40, v41;
	[tilespmem:$0x720] =	vst v48  }
0x83: {  	v53 =	vld [tilespmem:$0x190];
	v52 =	vadd.s32 $0x30D40, v43;
	[tilespmem:$0x730] =	vst v50  }
0x84: {  	v55 =	vld [tilespmem:$0x1A0];
	v54 =	vadd.s32 $0x30D40, v45;
	[tilespmem:$0x740] =	vst v52  }
0x85: {  	v57 =	vld [tilespmem:$0x1B0];
	v56 =	vadd.s32 $0x30D40, v47;
	[tilespmem:$0x750] =	vst v54  }
0x86: {  	v59 =	vld [tilespmem:$0x1C0];
	v58 =	vadd.s32 $0x30D40, v49;
	[tilespmem:$0x760] =	vst v56  }
0x87: {  	v61 =	vld [tilespmem:$0x1D0];
	v60 =	vadd.s32 $0x30D40, v51;
	[tilespmem:$0x770] =	vst v58  }
0x88: {  	v63 =	vld [tilespmem:$0x1E0];
	v62 =	vadd.s32 $0x30D40, v53;
	[tilespmem:$0x780] =	vst v60  }
0x89: {  	v7 =	vadd.s32 $0x30D40, v55;
	v8 =	vld [tilespmem:$0x1F0];
	[tilespmem:$0x790] =	vst v62  }
0x8a: {  	v9 =	vadd.s32 $0x30D40, v57;
	[tilespmem:$0x7A0] =	vst v7  }
0x8b: {  	v10 =	vadd.s32 $0x30D40, v59;
	[tilespmem:$0x7B0] =	vst v9  }
0x8c: {  	v11 =	vadd.s32 $0x30D40, v61;
	[tilespmem:$0x7C0] =	vst v10  }
0x8d: {  	v12 =	vadd.s32 $0x30D40, v63;
	[tilespmem:$0x7D0] =	vst v11  }
0x8e: {  	[tilespmem:$0x7E0] =	vst v12;
	v13 =	vadd.s32 $0x30D40, v8  }
0x8f: {  	[tilespmem:$0x7F0] =	vst v13  }
0x90: {  	[tilespmem:s14], [sflag:$0x1] =	stream.indirect.gather [hbm4b:s2+s9], $0x1, s13, s9, $0xb8;
	[tilespmem:$0x2E00] =	vst v63  }
0x91: {  	v14 =	vld [tilespmem:$0x0]  }
0x92: {  	v15 =	vld [tilespmem:$0x10]  }
0x93: {  	v16 =	vld [tilespmem:$0x20]  }
0x94: {  	v17 =	vld [tilespmem:$0x30]  }
0x95: {  	v18 =	vld [tilespmem:$0x40]  }
0x96: {  	v19 =	vld [tilespmem:$0x50];
	v0 =	vadd.s32 $0x493E0, v14  }
0x97: {  	v21 =	vld [tilespmem:$0x60];
	v20 =	vadd.s32 $0x493E0, v15;
	[tilespmem:$0x800] =	vst v0  }
0x98: {  	v23 =	vld [tilespmem:$0x70];
	v22 =	vadd.s32 $0x493E0, v16;
	[tilespmem:$0x810] =	vst v20  }
0x99: {  	v25 =	vld [tilespmem:$0x80];
	v24 =	vadd.s32 $0x493E0, v17;
	[tilespmem:$0x820] =	vst v22  }
0x9a: {  	v27 =	vld [tilespmem:$0x90];
	v26 =	vadd.s32 $0x493E0, v18;
	[tilespmem:$0x830] =	vst v24  }
0x9b: {  	v29 =	vld [tilespmem:$0xA0];
	v28 =	vadd.s32 $0x493E0, v19;
	[tilespmem:$0x840] =	vst v26  }
0x9c: {  	v31 =	vld [tilespmem:$0xB0];
	v30 =	vadd.s32 $0x493E0, v21;
	[tilespmem:$0x850] =	vst v28  }
0x9d: {  	v33 =	vld [tilespmem:$0xC0];
	v32 =	vadd.s32 $0x493E0, v23;
	[tilespmem:$0x860] =	vst v30  }
0x9e: {  	v35 =	vld [tilespmem:$0xD0];
	v34 =	vadd.s32 $0x493E0, v25;
	[tilespmem:$0x870] =	vst v32  }
0x9f: {  	v37 =	vld [tilespmem:$0xE0];
	v36 =	vadd.s32 $0x493E0, v27;
	[tilespmem:$0x880] =	vst v34  }
0xa0: {  	v39 =	vld [tilespmem:$0xF0];
	v38 =	vadd.s32 $0x493E0, v29;
	[tilespmem:$0x890] =	vst v36  }
0xa1: {  	v41 =	vld [tilespmem:$0x100];
	v40 =	vadd.s32 $0x493E0, v31;
	[tilespmem:$0x8A0] =	vst v38  }
0xa2: {  	v43 =	vld [tilespmem:$0x110];
	v42 =	vadd.s32 $0x493E0, v33;
	[tilespmem:$0x8B0] =	vst v40  }
0xa3: {  	v45 =	vld [tilespmem:$0x120];
	v44 =	vadd.s32 $0x493E0, v35;
	[tilespmem:$0x8C0] =	vst v42  }
0xa4: {  	v47 =	vld [tilespmem:$0x130];
	v46 =	vadd.s32 $0x493E0, v37;
	[tilespmem:$0x8D0] =	vst v44  }
0xa5: {  	v49 =	vld [tilespmem:$0x140];
	v48 =	vadd.s32 $0x493E0, v39;
	[tilespmem:$0x8E0] =	vst v46  }
0xa6: {  	v51 =	vld [tilespmem:$0x150];
	v50 =	vadd.s32 $0x493E0, v41;
	[tilespmem:$0x8F0] =	vst v48  }
0xa7: {  	v53 =	vld [tilespmem:$0x160];
	v52 =	vadd.s32 $0x493E0, v43;
	[tilespmem:$0x900] =	vst v50  }
0xa8: {  	v55 =	vld [tilespmem:$0x170];
	v54 =	vadd.s32 $0x493E0, v45;
	[tilespmem:$0x910] =	vst v52  }
0xa9: {  	v57 =	vld [tilespmem:$0x180];
	v56 =	vadd.s32 $0x493E0, v47;
	[tilespmem:$0x920] =	vst v54  }
0xaa: {  	v59 =	vld [tilespmem:$0x190];
	v58 =	vadd.s32 $0x493E0, v49;
	[tilespmem:$0x930] =	vst v56  }
0xab: {  	v61 =	vld [tilespmem:$0x1A0];
	v60 =	vadd.s32 $0x493E0, v51;
	[tilespmem:$0x940] =	vst v58  }
0xac: {  	v63 =	vld [tilespmem:$0x1B0];
	v62 =	vadd.s32 $0x493E0, v53;
	[tilespmem:$0x950] =	vst v60  }
0xad: {  	v8 =	vld [tilespmem:$0x1C0];
	v7 =	vadd.s32 $0x493E0, v55;
	[tilespmem:$0x960] =	vst v62  }
0xae: {  	v10 =	vld [tilespmem:$0x1D0];
	v9 =	vadd.s32 $0x493E0, v57;
	[tilespmem:$0x970] =	vst v7  }
0xaf: {  	v12 =	vld [tilespmem:$0x1E0];
	v11 =	vadd.s32 $0x493E0, v59;
	[tilespmem:$0x980] =	vst v9  }
0xb0: {  	v13 =	vadd.s32 $0x493E0, v61;
	v14 =	vld [tilespmem:$0x1F0];
	[tilespmem:$0x990] =	vst v11  }
0xb1: {  	v15 =	vadd.s32 $0x493E0, v63;
	[tilespmem:$0x9A0] =	vst v13  }
0xb2: {  	v16 =	vadd.s32 $0x493E0, v8;
	[tilespmem:$0x9B0] =	vst v15  }
0xb3: {  	v17 =	vadd.s32 $0x493E0, v10;
	[tilespmem:$0x9C0] =	vst v16  }
0xb4: {  	v18 =	vadd.s32 $0x493E0, v12;
	[tilespmem:$0x9D0] =	vst v17  }
0xb5: {  	[tilespmem:$0x9E0] =	vst v18;
	v19 =	vadd.s32 $0x493E0, v14  }
0xb6: {  	[tilespmem:$0x9F0] =	vst v19  }
0xb7: {  	[tilespmem:s16], [sflag:$0x1] =	stream.indirect.gather [hbm4b:s2+s9], $0x1, s15, s9, $0xb8;
	[tilespmem:$0x2E00] =	vst v63  }
0xb8: {  	v20 =	vld [tilespmem:$0x0]  }
0xb9: {  	v21 =	vld [tilespmem:$0x10]  }
0xba: {  	v22 =	vld [tilespmem:$0x20]  }
0xbb: {  	v23 =	vld [tilespmem:$0x30]  }
0xbc: {  	v24 =	vld [tilespmem:$0x40]  }
0xbd: {  	v25 =	vld [tilespmem:$0x50];
	v0 =	vadd.s32 $0x61A80, v20  }
0xbe: {  	v27 =	vld [tilespmem:$0x60];
	v26 =	vadd.s32 $0x61A80, v21;
	[tilespmem:$0xA00] =	vst v0  }
0xbf: {  	v29 =	vld [tilespmem:$0x70];
	v28 =	vadd.s32 $0x61A80, v22;
	[tilespmem:$0xA10] =	vst v26  }
0xc0: {  	v31 =	vld [tilespmem:$0x80];
	v30 =	vadd.s32 $0x61A80, v23;
	[tilespmem:$0xA20] =	vst v28  }
0xc1: {  	v32 =	vadd.s32 $0x61A80, v24;
	[tilespmem:$0xA30] =	vst v30  }
0xc2: {  	v33 =	vadd.s32 $0x61A80, v25;
	[tilespmem:$0xA40] =	vst v32  }
0xc3: {  	v34 =	vadd.s32 $0x61A80, v27;
	[tilespmem:$0xA50] =	vst v33  }
0xc4: {  	v35 =	vadd.s32 $0x61A80, v29;
	[tilespmem:$0xA60] =	vst v34  }
0xc5: {  	v36 =	vadd.s32 $0x61A80, v31;
	[tilespmem:$0xA70] =	vst v35  }
0xc6: {  	[tilespmem:$0xA80] =	vst v36  }
0xc7: {  	v0 =	vld [tilespmem:$0x90]  }
0xc8: {  	v37 =	vld [tilespmem:$0xA0]  }
0xc9: {  	v38 =	vld [tilespmem:$0xB0]  }
0xca: {  	v39 =	vld [tilespmem:$0xC0]  }
0xcb: {  	v40 =	vld [tilespmem:$0xD0]  }
0xcc: {  	v41 =	vld [tilespmem:$0xE0];
	v0 =	vadd.s32 $0x61A80, v0  }
0xcd: {  	v43 =	vld [tilespmem:$0xF0];
	v42 =	vadd.s32 $0x61A80, v37;
	[tilespmem:$0xA90] =	vst v0  }
0xce: {  	v45 =	vld [tilespmem:$0x100];
	v44 =	vadd.s32 $0x61A80, v38;
	[tilespmem:$0xAA0] =	vst v42  }
0xcf: {  	v47 =	vld [tilespmem:$0x110];
	v46 =	vadd.s32 $0x61A80, v39;
	[tilespmem:$0xAB0] =	vst v44  }
0xd0: {  	v49 =	vld [tilespmem:$0x120];
	v48 =	vadd.s32 $0x61A80, v40;
	[tilespmem:$0xAC0] =	vst v46  }
0xd1: {  	v51 =	vld [tilespmem:$0x130];
	v50 =	vadd.s32 $0x61A80, v41;
	[tilespmem:$0xAD0] =	vst v48  }
0xd2: {  	v53 =	vld [tilespmem:$0x140];
	v52 =	vadd.s32 $0x61A80, v43;
	[tilespmem:$0xAE0] =	vst v50  }
0xd3: {  	v55 =	vld [tilespmem:$0x150];
	v54 =	vadd.s32 $0x61A80, v45;
	[tilespmem:$0xAF0] =	vst v52  }
0xd4: {  	v57 =	vld [tilespmem:$0x160];
	v56 =	vadd.s32 $0x61A80, v47;
	[tilespmem:$0xB00] =	vst v54  }
0xd5: {  	v59 =	vld [tilespmem:$0x170];
	v58 =	vadd.s32 $0x61A80, v49;
	[tilespmem:$0xB10] =	vst v56  }
0xd6: {  	v61 =	vld [tilespmem:$0x180];
	v60 =	vadd.s32 $0x61A80, v51;
	[tilespmem:$0xB20] =	vst v58  }
0xd7: {  	v63 =	vld [tilespmem:$0x190];
	v62 =	vadd.s32 $0x61A80, v53;
	[tilespmem:$0xB30] =	vst v60  }
0xd8: {  	v8 =	vld [tilespmem:$0x1A0];
	v7 =	vadd.s32 $0x61A80, v55;
	[tilespmem:$0xB40] =	vst v62  }
0xd9: {  	v10 =	vld [tilespmem:$0x1B0];
	v9 =	vadd.s32 $0x61A80, v57;
	[tilespmem:$0xB50] =	vst v7  }
0xda: {  	v12 =	vld [tilespmem:$0x1C0];
	v11 =	vadd.s32 $0x61A80, v59;
	[tilespmem:$0xB60] =	vst v9  }
0xdb: {  	v14 =	vld [tilespmem:$0x1D0];
	v13 =	vadd.s32 $0x61A80, v61;
	[tilespmem:$0xB70] =	vst v11  }
0xdc: {  	v16 =	vld [tilespmem:$0x1E0];
	v15 =	vadd.s32 $0x61A80, v63;
	[tilespmem:$0xB80] =	vst v13  }
0xdd: {  	v18 =	vld [tilespmem:$0x1F0];
	v17 =	vadd.s32 $0x61A80, v8;
	[tilespmem:$0xB90] =	vst v15  }
0xde: {  	v19 =	vadd.s32 $0x61A80, v10;
	[tilespmem:$0xBA0] =	vst v17  }
0xdf: {  	v20 =	vadd.s32 $0x61A80, v12;
	[tilespmem:$0xBB0] =	vst v19  }
0xe0: {  	v21 =	vadd.s32 $0x61A80, v14;
	[tilespmem:$0xBC0] =	vst v20  }
0xe1: {  	v22 =	vadd.s32 $0x61A80, v16;
	[tilespmem:$0xBD0] =	vst v21  }
0xe2: {  	v23 =	vadd.s32 $0x61A80, v18;
	[tilespmem:$0xBE0] =	vst v22  }
0xe3: {  	[tilespmem:$0xBF0] =	vst v23  }
0xe4: {  	[tilespmem:s18], [sflag:$0x1] =	stream.indirect.gather [hbm4b:s2+s9], $0x1, s17, s9, $0xb8;
	[tilespmem:$0x2E00] =	vst v63  }
0xe5: {  	v24 =	vld [tilespmem:$0x0]  }
0xe6: {  	v25 =	vld [tilespmem:$0x10]  }
0xe7: {  	v26 =	vld [tilespmem:$0x20]  }
0xe8: {  	v27 =	vld [tilespmem:$0x30]  }
0xe9: {  	v28 =	vld [tilespmem:$0x40]  }
0xea: {  	v29 =	vld [tilespmem:$0x50];
	v0 =	vadd.s32 $0x7A120, v24  }
0xeb: {  	v31 =	vld [tilespmem:$0x60];
	v30 =	vadd.s32 $0x7A120, v25;
	[tilespmem:$0xC00] =	vst v0  }
0xec: {  	v33 =	vld [tilespmem:$0x70];
	v32 =	vadd.s32 $0x7A120, v26;
	[tilespmem:$0xC10] =	vst v30  }
0xed: {  	v35 =	vld [tilespmem:$0x80];
	v34 =	vadd.s32 $0x7A120, v27;
	[tilespmem:$0xC20] =	vst v32  }
0xee: {  	v37 =	vld [tilespmem:$0x90];
	v36 =	vadd.s32 $0x7A120, v28;
	[tilespmem:$0xC30] =	vst v34  }
0xef: {  	v39 =	vld [tilespmem:$0xA0];
	v38 =	vadd.s32 $0x7A120, v29;
	[tilespmem:$0xC40] =	vst v36  }
0xf0: {  	v41 =	vld [tilespmem:$0xB0];
	v40 =	vadd.s32 $0x7A120, v31;
	[tilespmem:$0xC50] =	vst v38  }
0xf1: {  	v43 =	vld [tilespmem:$0xC0];
	v42 =	vadd.s32 $0x7A120, v33;
	[tilespmem:$0xC60] =	vst v40  }
0xf2: {  	v45 =	vld [tilespmem:$0xD0];
	v44 =	vadd.s32 $0x7A120, v35;
	[tilespmem:$0xC70] =	vst v42  }
0xf3: {  	v47 =	vld [tilespmem:$0xE0];
	v46 =	vadd.s32 $0x7A120, v37;
	[tilespmem:$0xC80] =	vst v44  }
0xf4: {  	v49 =	vld [tilespmem:$0xF0];
	v48 =	vadd.s32 $0x7A120, v39;
	[tilespmem:$0xC90] =	vst v46  }
0xf5: {  	v51 =	vld [tilespmem:$0x100];
	v50 =	vadd.s32 $0x7A120, v41;
	[tilespmem:$0xCA0] =	vst v48  }
0xf6: {  	v53 =	vld [tilespmem:$0x110];
	v52 =	vadd.s32 $0x7A120, v43;
	[tilespmem:$0xCB0] =	vst v50  }
0xf7: {  	v55 =	vld [tilespmem:$0x120];
	v54 =	vadd.s32 $0x7A120, v45;
	[tilespmem:$0xCC0] =	vst v52  }
0xf8: {  	v57 =	vld [tilespmem:$0x130];
	v56 =	vadd.s32 $0x7A120, v47;
	[tilespmem:$0xCD0] =	vst v54  }
0xf9: {  	v59 =	vld [tilespmem:$0x140];
	v58 =	vadd.s32 $0x7A120, v49;
	[tilespmem:$0xCE0] =	vst v56  }
0xfa: {  	v61 =	vld [tilespmem:$0x150];
	v60 =	vadd.s32 $0x7A120, v51;
	[tilespmem:$0xCF0] =	vst v58  }
0xfb: {  	v63 =	vld [tilespmem:$0x160];
	v62 =	vadd.s32 $0x7A120, v53;
	[tilespmem:$0xD00] =	vst v60  }
0xfc: {  	v9 =	vld [tilespmem:$0x170];
	v8 =	vadd.s32 $0x7A120, v55;
	[tilespmem:$0xD10] =	vst v62  }
0xfd: {  	v11 =	vld [tilespmem:$0x180];
	v10 =	vadd.s32 $0x7A120, v57;
	[tilespmem:$0xD20] =	vst v8  }
0xfe: {  	v13 =	vld [tilespmem:$0x190];
	v12 =	vadd.s32 $0x7A120, v59;
	[tilespmem:$0xD30] =	vst v10  }
0xff: {  	v15 =	vld [tilespmem:$0x1A0];
	v14 =	vadd.s32 $0x7A120, v61;
	[tilespmem:$0xD40] =	vst v12  }
0x100: {  	v17 =	vld [tilespmem:$0x1B0];
	v16 =	vadd.s32 $0x7A120, v63;
	[tilespmem:$0xD50] =	vst v14  }
0x101: {  	v19 =	vld [tilespmem:$0x1C0];
	v18 =	vadd.s32 $0x7A120, v9;
	[tilespmem:$0xD60] =	vst v16  }
0x102: {  	v21 =	vld [tilespmem:$0x1D0];
	v20 =	vadd.s32 $0x7A120, v11;
	[tilespmem:$0xD70] =	vst v18  }
0x103: {  	v23 =	vld [tilespmem:$0x1E0];
	v22 =	vadd.s32 $0x7A120, v13;
	[tilespmem:$0xD80] =	vst v20  }
0x104: {  	v24 =	vadd.s32 $0x7A120, v15;
	v25 =	vld [tilespmem:$0x1F0];
	[tilespmem:$0xD90] =	vst v22  }
0x105: {  	v26 =	vadd.s32 $0x7A120, v17;
	[tilespmem:$0xDA0] =	vst v24  }
0x106: {  	v27 =	vadd.s32 $0x7A120, v19;
	[tilespmem:$0xDB0] =	vst v26  }
0x107: {  	v28 =	vadd.s32 $0x7A120, v21;
	[tilespmem:$0xDC0] =	vst v27  }
0x108: {  	v29 =	vadd.s32 $0x7A120, v23;
	[tilespmem:$0xDD0] =	vst v28  }
0x109: {  	[tilespmem:$0xDE0] =	vst v29;
	v30 =	vadd.s32 $0x7A120, v25  }
0x10a: {  	[tilespmem:$0xDF0] =	vst v30  }
0x10b: {  	[tilespmem:s20], [sflag:$0x1] =	stream.indirect.gather [hbm4b:s2+s9], $0x1, s19, s9, $0xb8;
	[tilespmem:$0x2E00] =	vst v63  }
0x10c: {  	v31 =	vld [tilespmem:$0x0]  }
0x10d: {  	v32 =	vld [tilespmem:$0x10]  }
0x10e: {  	v33 =	vld [tilespmem:$0x20]  }
0x10f: {  	v34 =	vld [tilespmem:$0x30]  }
0x110: {  	v35 =	vld [tilespmem:$0x40]  }
0x111: {  	v36 =	vld [tilespmem:$0x50];
	v0 =	vadd.s32 $0x927C0, v31  }
0x112: {  	v38 =	vld [tilespmem:$0x60];
	v37 =	vadd.s32 $0x927C0, v32;
	[tilespmem:$0xE00] =	vst v0  }
0x113: {  	v40 =	vld [tilespmem:$0x70];
	v39 =	vadd.s32 $0x927C0, v33;
	[tilespmem:$0xE10] =	vst v37  }
0x114: {  	v42 =	vld [tilespmem:$0x80];
	v41 =	vadd.s32 $0x927C0, v34;
	[tilespmem:$0xE20] =	vst v39  }
0x115: {  	v44 =	vld [tilespmem:$0x90];
	v43 =	vadd.s32 $0x927C0, v35;
	[tilespmem:$0xE30] =	vst v41  }
0x116: {  	v46 =	vld [tilespmem:$0xA0];
	v45 =	vadd.s32 $0x927C0, v36;
	[tilespmem:$0xE40] =	vst v43  }
0x117: {  	v48 =	vld [tilespmem:$0xB0];
	v47 =	vadd.s32 $0x927C0, v38;
	[tilespmem:$0xE50] =	vst v45  }
0x118: {  	v50 =	vld [tilespmem:$0xC0];
	v49 =	vadd.s32 $0x927C0, v40;
	[tilespmem:$0xE60] =	vst v47  }
0x119: {  	v52 =	vld [tilespmem:$0xD0];
	v51 =	vadd.s32 $0x927C0, v42;
	[tilespmem:$0xE70] =	vst v49  }
0x11a: {  	v54 =	vld [tilespmem:$0xE0];
	v53 =	vadd.s32 $0x927C0, v44;
	[tilespmem:$0xE80] =	vst v51  }
0x11b: {  	v56 =	vld [tilespmem:$0xF0];
	v55 =	vadd.s32 $0x927C0, v46;
	[tilespmem:$0xE90] =	vst v53  }
0x11c: {  	v58 =	vld [tilespmem:$0x100];
	v57 =	vadd.s32 $0x927C0, v48;
	[tilespmem:$0xEA0] =	vst v55  }
0x11d: {  	v60 =	vld [tilespmem:$0x110];
	v59 =	vadd.s32 $0x927C0, v50;
	[tilespmem:$0xEB0] =	vst v57  }
0x11e: {  	v62 =	vld [tilespmem:$0x120];
	v61 =	vadd.s32 $0x927C0, v52;
	[tilespmem:$0xEC0] =	vst v59  }
0x11f: {  	v8 =	vld [tilespmem:$0x130];
	v63 =	vadd.s32 $0x927C0, v54;
	[tilespmem:$0xED0] =	vst v61  }
0x120: {  	v10 =	vld [tilespmem:$0x140];
	v9 =	vadd.s32 $0x927C0, v56;
	[tilespmem:$0xEE0] =	vst v63  }
0x121: {  	v12 =	vld [tilespmem:$0x150];
	v11 =	vadd.s32 $0x927C0, v58;
	[tilespmem:$0xEF0] =	vst v9  }
0x122: {  	v14 =	vld [tilespmem:$0x160];
	v13 =	vadd.s32 $0x927C0, v60;
	[tilespmem:$0xF00] =	vst v11  }
0x123: {  	v16 =	vld [tilespmem:$0x170];
	v15 =	vadd.s32 $0x927C0, v62;
	[tilespmem:$0xF10] =	vst v13  }
0x124: {  	v18 =	vld [tilespmem:$0x180];
	v17 =	vadd.s32 $0x927C0, v8;
	[tilespmem:$0xF20] =	vst v15  }
0x125: {  	v20 =	vld [tilespmem:$0x190];
	v19 =	vadd.s32 $0x927C0, v10;
	[tilespmem:$0xF30] =	vst v17  }
0x126: {  	v22 =	vld [tilespmem:$0x1A0];
	v21 =	vadd.s32 $0x927C0, v12;
	[tilespmem:$0xF40] =	vst v19  }
0x127: {  	v24 =	vld [tilespmem:$0x1B0];
	v23 =	vadd.s32 $0x927C0, v14;
	[tilespmem:$0xF50] =	vst v21  }
0x128: {  	v26 =	vld [tilespmem:$0x1C0];
	v25 =	vadd.s32 $0x927C0, v16;
	[tilespmem:$0xF60] =	vst v23  }
0x129: {  	v28 =	vld [tilespmem:$0x1D0];
	v27 =	vadd.s32 $0x927C0, v18;
	[tilespmem:$0xF70] =	vst v25  }
0x12a: {  	v30 =	vld [tilespmem:$0x1E0];
	v29 =	vadd.s32 $0x927C0, v20;
	[tilespmem:$0xF80] =	vst v27  }
0x12b: {  	v31 =	vadd.s32 $0x927C0, v22;
	v32 =	vld [tilespmem:$0x1F0];
	[tilespmem:$0xF90] =	vst v29  }
0x12c: {  	v33 =	vadd.s32 $0x927C0, v24;
	[tilespmem:$0xFA0] =	vst v31  }
0x12d: {  	v34 =	vadd.s32 $0x927C0, v26;
	[tilespmem:$0xFB0] =	vst v33  }
0x12e: {  	v35 =	vadd.s32 $0x927C0, v28;
	[tilespmem:$0xFC0] =	vst v34  }
0x12f: {  	v36 =	vadd.s32 $0x927C0, v30;
	[tilespmem:$0xFD0] =	vst v35  }
0x130: {  	[tilespmem:$0xFE0] =	vst v36;
	v37 =	vadd.s32 $0x927C0, v32  }
0x131: {  	[tilespmem:$0xFF0] =	vst v37  }
0x132: {  	[tilespmem:s22], [sflag:$0x1] =	stream.indirect.gather [hbm4b:s2+s9], $0x1, s21, s9, $0xb8;
	[tilespmem:$0x2E00] =	vst v63  }
0x133: {  	v38 =	vld [tilespmem:$0x0]  }
0x134: {  	v39 =	vld [tilespmem:$0x10]  }
0x135: {  	v40 =	vld [tilespmem:$0x20]  }
0x136: {  	v41 =	vld [tilespmem:$0x30]  }
0x137: {  	v42 =	vld [tilespmem:$0x40]  }
0x138: {  	v43 =	vld [tilespmem:$0x50];
	v0 =	vadd.s32 $0xAAE60, v38  }
0x139: {  	v45 =	vld [tilespmem:$0x60];
	v44 =	vadd.s32 $0xAAE60, v39;
	[tilespmem:$0x1000] =	vst v0  }
0x13a: {  	v47 =	vld [tilespmem:$0x70];
	v46 =	vadd.s32 $0xAAE60, v40;
	[tilespmem:$0x1010] =	vst v44  }
0x13b: {  	v49 =	vld [tilespmem:$0x80];
	v48 =	vadd.s32 $0xAAE60, v41;
	[tilespmem:$0x1020] =	vst v46  }
0x13c: {  	v51 =	vld [tilespmem:$0x90];
	v50 =	vadd.s32 $0xAAE60, v42;
	[tilespmem:$0x1030] =	vst v48  }
0x13d: {  	v53 =	vld [tilespmem:$0xA0];
	v52 =	vadd.s32 $0xAAE60, v43;
	[tilespmem:$0x1040] =	vst v50  }
0x13e: {  	v55 =	vld [tilespmem:$0xB0];
	v54 =	vadd.s32 $0xAAE60, v45;
	[tilespmem:$0x1050] =	vst v52  }
0x13f: {  	v57 =	vld [tilespmem:$0xC0];
	v56 =	vadd.s32 $0xAAE60, v47;
	[tilespmem:$0x1060] =	vst v54  }
0x140: {  	v59 =	vld [tilespmem:$0xD0];
	v58 =	vadd.s32 $0xAAE60, v49;
	[tilespmem:$0x1070] =	vst v56  }
0x141: {  	v61 =	vld [tilespmem:$0xE0];
	v60 =	vadd.s32 $0xAAE60, v51;
	[tilespmem:$0x1080] =	vst v58  }
0x142: {  	v63 =	vld [tilespmem:$0xF0];
	v62 =	vadd.s32 $0xAAE60, v53;
	[tilespmem:$0x1090] =	vst v60  }
0x143: {  	v8 =	vld [tilespmem:$0x100];
	v7 =	vadd.s32 $0xAAE60, v55;
	[tilespmem:$0x10A0] =	vst v62  }
0x144: {  	v10 =	vld [tilespmem:$0x110];
	v9 =	vadd.s32 $0xAAE60, v57;
	[tilespmem:$0x10B0] =	vst v7  }
0x145: {  	v12 =	vld [tilespmem:$0x120];
	v11 =	vadd.s32 $0xAAE60, v59;
	[tilespmem:$0x10C0] =	vst v9  }
0x146: {  	v14 =	vld [tilespmem:$0x130];
	v13 =	vadd.s32 $0xAAE60, v61;
	[tilespmem:$0x10D0] =	vst v11  }
0x147: {  	v16 =	vld [tilespmem:$0x140];
	v15 =	vadd.s32 $0xAAE60, v63;
	[tilespmem:$0x10E0] =	vst v13  }
0x148: {  	v18 =	vld [tilespmem:$0x150];
	v17 =	vadd.s32 $0xAAE60, v8;
	[tilespmem:$0x10F0] =	vst v15  }
0x149: {  	v20 =	vld [tilespmem:$0x160];
	v19 =	vadd.s32 $0xAAE60, v10;
	[tilespmem:$0x1100] =	vst v17  }
0x14a: {  	v22 =	vld [tilespmem:$0x170];
	v21 =	vadd.s32 $0xAAE60, v12;
	[tilespmem:$0x1110] =	vst v19  }
0x14b: {  	v24 =	vld [tilespmem:$0x180];
	v23 =	vadd.s32 $0xAAE60, v14;
	[tilespmem:$0x1120] =	vst v21  }
0x14c: {  	v26 =	vld [tilespmem:$0x190];
	v25 =	vadd.s32 $0xAAE60, v16;
	[tilespmem:$0x1130] =	vst v23  }
0x14d: {  	v28 =	vld [tilespmem:$0x1A0];
	v27 =	vadd.s32 $0xAAE60, v18;
	[tilespmem:$0x1140] =	vst v25  }
0x14e: {  	v30 =	vld [tilespmem:$0x1B0];
	v29 =	vadd.s32 $0xAAE60, v20;
	[tilespmem:$0x1150] =	vst v27  }
0x14f: {  	v32 =	vld [tilespmem:$0x1C0];
	v31 =	vadd.s32 $0xAAE60, v22;
	[tilespmem:$0x1160] =	vst v29  }
0x150: {  	v34 =	vld [tilespmem:$0x1D0];
	v33 =	vadd.s32 $0xAAE60, v24;
	[tilespmem:$0x1170] =	vst v31  }
0x151: {  	v36 =	vld [tilespmem:$0x1E0];
	v35 =	vadd.s32 $0xAAE60, v26;
	[tilespmem:$0x1180] =	vst v33  }
0x152: {  	v37 =	vadd.s32 $0xAAE60, v28;
	v38 =	vld [tilespmem:$0x1F0];
	[tilespmem:$0x1190] =	vst v35  }
0x153: {  	v39 =	vadd.s32 $0xAAE60, v30;
	[tilespmem:$0x11A0] =	vst v37  }
0x154: {  	v40 =	vadd.s32 $0xAAE60, v32;
	[tilespmem:$0x11B0] =	vst v39  }
0x155: {  	v41 =	vadd.s32 $0xAAE60, v34;
	[tilespmem:$0x11C0] =	vst v40  }
0x156: {  	v42 =	vadd.s32 $0xAAE60, v36;
	[tilespmem:$0x11D0] =	vst v41  }
0x157: {  	[tilespmem:$0x11E0] =	vst v42;
	v43 =	vadd.s32 $0xAAE60, v38  }
0x158: {  	[tilespmem:$0x11F0] =	vst v43  }
0x159: {  	[tilespmem:s24], [sflag:$0x1] =	stream.indirect.gather [hbm4b:s2+s9], $0x1, s23, s9, $0xb8;
	[tilespmem:$0x2E00] =	vst v63  }
0x15a: {  	v44 =	vld [tilespmem:$0x0]  }
0x15b: {  	v45 =	vld [tilespmem:$0x10]  }
0x15c: {  	v46 =	vld [tilespmem:$0x20]  }
0x15d: {  	v47 =	vld [tilespmem:$0x30]  }
0x15e: {  	v48 =	vld [tilespmem:$0x40]  }
0x15f: {  	v49 =	vld [tilespmem:$0x50];
	v0 =	vadd.s32 $0xC3500, v44  }
0x160: {  	v51 =	vld [tilespmem:$0x60];
	v50 =	vadd.s32 $0xC3500, v45;
	[tilespmem:$0x1200] =	vst v0  }
0x161: {  	v53 =	vld [tilespmem:$0x70];
	v52 =	vadd.s32 $0xC3500, v46;
	[tilespmem:$0x1210] =	vst v50  }
0x162: {  	v55 =	vld [tilespmem:$0x80];
	v54 =	vadd.s32 $0xC3500, v47;
	[tilespmem:$0x1220] =	vst v52  }
0x163: {  	v57 =	vld [tilespmem:$0x90];
	v56 =	vadd.s32 $0xC3500, v48;
	[tilespmem:$0x1230] =	vst v54  }
0x164: {  	v59 =	vld [tilespmem:$0xA0];
	v58 =	vadd.s32 $0xC3500, v49;
	[tilespmem:$0x1240] =	vst v56  }
0x165: {  	v61 =	vld [tilespmem:$0xB0];
	v60 =	vadd.s32 $0xC3500, v51;
	[tilespmem:$0x1250] =	vst v58  }
0x166: {  	v63 =	vld [tilespmem:$0xC0];
	v62 =	vadd.s32 $0xC3500, v53;
	[tilespmem:$0x1260] =	vst v60  }
0x167: {  	v9 =	vld [tilespmem:$0xD0];
	v8 =	vadd.s32 $0xC3500, v55;
	[tilespmem:$0x1270] =	vst v62  }
0x168: {  	v11 =	vld [tilespmem:$0xE0];
	v10 =	vadd.s32 $0xC3500, v57;
	[tilespmem:$0x1280] =	vst v8  }
0x169: {  	v13 =	vld [tilespmem:$0xF0];
	v12 =	vadd.s32 $0xC3500, v59;
	[tilespmem:$0x1290] =	vst v10  }
0x16a: {  	v15 =	vld [tilespmem:$0x100];
	v14 =	vadd.s32 $0xC3500, v61;
	[tilespmem:$0x12A0] =	vst v12  }
0x16b: {  	v17 =	vld [tilespmem:$0x110];
	v16 =	vadd.s32 $0xC3500, v63;
	[tilespmem:$0x12B0] =	vst v14  }
0x16c: {  	v19 =	vld [tilespmem:$0x120];
	v18 =	vadd.s32 $0xC3500, v9;
	[tilespmem:$0x12C0] =	vst v16  }
0x16d: {  	v21 =	vld [tilespmem:$0x130];
	v20 =	vadd.s32 $0xC3500, v11;
	[tilespmem:$0x12D0] =	vst v18  }
0x16e: {  	v23 =	vld [tilespmem:$0x140];
	v22 =	vadd.s32 $0xC3500, v13;
	[tilespmem:$0x12E0] =	vst v20  }
0x16f: {  	v25 =	vld [tilespmem:$0x150];
	v24 =	vadd.s32 $0xC3500, v15;
	[tilespmem:$0x12F0] =	vst v22  }
0x170: {  	v27 =	vld [tilespmem:$0x160];
	v26 =	vadd.s32 $0xC3500, v17;
	[tilespmem:$0x1300] =	vst v24  }
0x171: {  	v29 =	vld [tilespmem:$0x170];
	v28 =	vadd.s32 $0xC3500, v19;
	[tilespmem:$0x1310] =	vst v26  }
0x172: {  	v31 =	vld [tilespmem:$0x180];
	v30 =	vadd.s32 $0xC3500, v21;
	[tilespmem:$0x1320] =	vst v28  }
0x173: {  	v33 =	vld [tilespmem:$0x190];
	v32 =	vadd.s32 $0xC3500, v23;
	[tilespmem:$0x1330] =	vst v30  }
0x174: {  	v35 =	vld [tilespmem:$0x1A0];
	v34 =	vadd.s32 $0xC3500, v25;
	[tilespmem:$0x1340] =	vst v32  }
0x175: {  	v37 =	vld [tilespmem:$0x1B0];
	v36 =	vadd.s32 $0xC3500, v27;
	[tilespmem:$0x1350] =	vst v34  }
0x176: {  	v39 =	vld [tilespmem:$0x1C0];
	v38 =	vadd.s32 $0xC3500, v29;
	[tilespmem:$0x1360] =	vst v36  }
0x177: {  	v41 =	vld [tilespmem:$0x1D0];
	v40 =	vadd.s32 $0xC3500, v31;
	[tilespmem:$0x1370] =	vst v38  }
0x178: {  	v43 =	vld [tilespmem:$0x1E0];
	v42 =	vadd.s32 $0xC3500, v33;
	[tilespmem:$0x1380] =	vst v40  }
0x179: {  	v44 =	vadd.s32 $0xC3500, v35;
	v45 =	vld [tilespmem:$0x1F0];
	[tilespmem:$0x1390] =	vst v42  }
0x17a: {  	v46 =	vadd.s32 $0xC3500, v37;
	[tilespmem:$0x13A0] =	vst v44  }
0x17b: {  	v47 =	vadd.s32 $0xC3500, v39;
	[tilespmem:$0x13B0] =	vst v46  }
0x17c: {  	v48 =	vadd.s32 $0xC3500, v41;
	[tilespmem:$0x13C0] =	vst v47  }
0x17d: {  	v49 =	vadd.s32 $0xC3500, v43;
	[tilespmem:$0x13D0] =	vst v48  }
0x17e: {  	[tilespmem:$0x13E0] =	vst v49;
	v50 =	vadd.s32 $0xC3500, v45  }
0x17f: {  	[tilespmem:$0x13F0] =	vst v50  }
0x180: {  	[tilespmem:s26], [sflag:$0x1] =	stream.indirect.gather [hbm4b:s2+s9], $0x1, s25, s9, $0xb8;
	[tilespmem:$0x2E00] =	vst v63  }
0x181: {  	v51 =	vld [tilespmem:$0x0]  }
0x182: {  	v52 =	vld [tilespmem:$0x10]  }
0x183: {  	v53 =	vld [tilespmem:$0x20]  }
0x184: {  	v54 =	vld [tilespmem:$0x30]  }
0x185: {  	v55 =	vld [tilespmem:$0x40]  }
0x186: {  	v56 =	vld [tilespmem:$0x50];
	v0 =	vadd.s32 $0xDBBA0, v51  }
0x187: {  	v58 =	vld [tilespmem:$0x60];
	v57 =	vadd.s32 $0xDBBA0, v52;
	[tilespmem:$0x1400] =	vst v0  }
0x188: {  	v60 =	vld [tilespmem:$0x70];
	v59 =	vadd.s32 $0xDBBA0, v53;
	[tilespmem:$0x1410] =	vst v57  }
0x189: {  	v62 =	vld [tilespmem:$0x80];
	v61 =	vadd.s32 $0xDBBA0, v54;
	[tilespmem:$0x1420] =	vst v59  }
0x18a: {  	v8 =	vld [tilespmem:$0x90];
	v63 =	vadd.s32 $0xDBBA0, v55;
	[tilespmem:$0x1430] =	vst v61  }
0x18b: {  	v10 =	vld [tilespmem:$0xA0];
	v9 =	vadd.s32 $0xDBBA0, v56;
	[tilespmem:$0x1440] =	vst v63  }
0x18c: {  	v12 =	vld [tilespmem:$0xB0];
	v11 =	vadd.s32 $0xDBBA0, v58;
	[tilespmem:$0x1450] =	vst v9  }
0x18d: {  	v14 =	vld [tilespmem:$0xC0];
	v13 =	vadd.s32 $0xDBBA0, v60;
	[tilespmem:$0x1460] =	vst v11  }
0x18e: {  	v16 =	vld [tilespmem:$0xD0];
	v15 =	vadd.s32 $0xDBBA0, v62;
	[tilespmem:$0x1470] =	vst v13  }
0x18f: {  	v18 =	vld [tilespmem:$0xE0];
	v17 =	vadd.s32 $0xDBBA0, v8;
	[tilespmem:$0x1480] =	vst v15  }
0x190: {  	v20 =	vld [tilespmem:$0xF0];
	v19 =	vadd.s32 $0xDBBA0, v10;
	[tilespmem:$0x1490] =	vst v17  }
0x191: {  	v22 =	vld [tilespmem:$0x100];
	v21 =	vadd.s32 $0xDBBA0, v12;
	[tilespmem:$0x14A0] =	vst v19  }
0x192: {  	v24 =	vld [tilespmem:$0x110];
	v23 =	vadd.s32 $0xDBBA0, v14;
	[tilespmem:$0x14B0] =	vst v21  }
0x193: {  	v26 =	vld [tilespmem:$0x120];
	v25 =	vadd.s32 $0xDBBA0, v16;
	[tilespmem:$0x14C0] =	vst v23  }
0x194: {  	v28 =	vld [tilespmem:$0x130];
	v27 =	vadd.s32 $0xDBBA0, v18;
	[tilespmem:$0x14D0] =	vst v25  }
0x195: {  	v30 =	vld [tilespmem:$0x140];
	v29 =	vadd.s32 $0xDBBA0, v20;
	[tilespmem:$0x14E0] =	vst v27  }
0x196: {  	v32 =	vld [tilespmem:$0x150];
	v31 =	vadd.s32 $0xDBBA0, v22;
	[tilespmem:$0x14F0] =	vst v29  }
0x197: {  	v34 =	vld [tilespmem:$0x160];
	v33 =	vadd.s32 $0xDBBA0, v24;
	[tilespmem:$0x1500] =	vst v31  }
0x198: {  	v36 =	vld [tilespmem:$0x170];
	v35 =	vadd.s32 $0xDBBA0, v26;
	[tilespmem:$0x1510] =	vst v33  }
0x199: {  	v38 =	vld [tilespmem:$0x180];
	v37 =	vadd.s32 $0xDBBA0, v28;
	[tilespmem:$0x1520] =	vst v35  }
0x19a: {  	v40 =	vld [tilespmem:$0x190];
	v39 =	vadd.s32 $0xDBBA0, v30;
	[tilespmem:$0x1530] =	vst v37  }
0x19b: {  	v42 =	vld [tilespmem:$0x1A0];
	v41 =	vadd.s32 $0xDBBA0, v32;
	[tilespmem:$0x1540] =	vst v39  }
0x19c: {  	v44 =	vld [tilespmem:$0x1B0];
	v43 =	vadd.s32 $0xDBBA0, v34;
	[tilespmem:$0x1550] =	vst v41  }
0x19d: {  	v46 =	vld [tilespmem:$0x1C0];
	v45 =	vadd.s32 $0xDBBA0, v36;
	[tilespmem:$0x1560] =	vst v43  }
0x19e: {  	v48 =	vld [tilespmem:$0x1D0];
	v47 =	vadd.s32 $0xDBBA0, v38;
	[tilespmem:$0x1570] =	vst v45  }
0x19f: {  	v50 =	vld [tilespmem:$0x1E0];
	v49 =	vadd.s32 $0xDBBA0, v40;
	[tilespmem:$0x1580] =	vst v47  }
0x1a0: {  	v51 =	vadd.s32 $0xDBBA0, v42;
	v52 =	vld [tilespmem:$0x1F0];
	[tilespmem:$0x1590] =	vst v49  }
0x1a1: {  	v53 =	vadd.s32 $0xDBBA0, v44;
	[tilespmem:$0x15A0] =	vst v51  }
0x1a2: {  	v54 =	vadd.s32 $0xDBBA0, v46;
	[tilespmem:$0x15B0] =	vst v53  }
0x1a3: {  	v55 =	vadd.s32 $0xDBBA0, v48;
	[tilespmem:$0x15C0] =	vst v54  }
0x1a4: {  	v56 =	vadd.s32 $0xDBBA0, v50;
	[tilespmem:$0x15D0] =	vst v55  }
0x1a5: {  	[tilespmem:$0x15E0] =	vst v56;
	v57 =	vadd.s32 $0xDBBA0, v52  }
0x1a6: {  	[tilespmem:$0x15F0] =	vst v57  }
0x1a7: {  	[tilespmem:s29], [sflag:$0x1] =	stream.indirect.gather [hbm4b:s2+s9], $0x1, s28, s9, $0xb8;
	[tilespmem:$0x2E00] =	vst v63  }
0x1a8: {  	v58 =	vld [tilespmem:$0x0]  }
0x1a9: {  	v59 =	vld [tilespmem:$0x10]  }
0x1aa: {  	v60 =	vld [tilespmem:$0x20]  }
0x1ab: {  	v61 =	vld [tilespmem:$0x30]  }
0x1ac: {  	v62 =	vld [tilespmem:$0x40]  }
0x1ad: {  	v63 =	vld [tilespmem:$0x50];
	v0 =	vadd.s32 $0xF4240, v58  }
0x1ae: {  	v8 =	vld [tilespmem:$0x60];
	v7 =	vadd.s32 $0xF4240, v59;
	[tilespmem:$0x1600] =	vst v0  }
0x1af: {  	v10 =	vld [tilespmem:$0x70];
	v9 =	vadd.s32 $0xF4240, v60;
	[tilespmem:$0x1610] =	vst v7  }
0x1b0: {  	v12 =	vld [tilespmem:$0x80];
	v11 =	vadd.s32 $0xF4240, v61;
	[tilespmem:$0x1620] =	vst v9  }
0x1b1: {  	v14 =	vld [tilespmem:$0x90];
	v13 =	vadd.s32 $0xF4240, v62;
	[tilespmem:$0x1630] =	vst v11  }
0x1b2: {  	v16 =	vld [tilespmem:$0xA0];
	v15 =	vadd.s32 $0xF4240, v63;
	[tilespmem:$0x1640] =	vst v13  }
0x1b3: {  	v18 =	vld [tilespmem:$0xB0];
	v17 =	vadd.s32 $0xF4240, v8;
	[tilespmem:$0x1650] =	vst v15  }
0x1b4: {  	v20 =	vld [tilespmem:$0xC0];
	v19 =	vadd.s32 $0xF4240, v10;
	[tilespmem:$0x1660] =	vst v17  }
0x1b5: {  	v22 =	vld [tilespmem:$0xD0];
	v21 =	vadd.s32 $0xF4240, v12;
	[tilespmem:$0x1670] =	vst v19  }
0x1b6: {  	v24 =	vld [tilespmem:$0xE0];
	v23 =	vadd.s32 $0xF4240, v14;
	[tilespmem:$0x1680] =	vst v21  }
0x1b7: {  	v26 =	vld [tilespmem:$0xF0];
	v25 =	vadd.s32 $0xF4240, v16;
	[tilespmem:$0x1690] =	vst v23  }
0x1b8: {  	v28 =	vld [tilespmem:$0x100];
	v27 =	vadd.s32 $0xF4240, v18;
	[tilespmem:$0x16A0] =	vst v25  }
0x1b9: {  	v30 =	vld [tilespmem:$0x110];
	v29 =	vadd.s32 $0xF4240, v20;
	[tilespmem:$0x16B0] =	vst v27  }
0x1ba: {  	v32 =	vld [tilespmem:$0x120];
	v31 =	vadd.s32 $0xF4240, v22;
	[tilespmem:$0x16C0] =	vst v29  }
0x1bb: {  	v34 =	vld [tilespmem:$0x130];
	v33 =	vadd.s32 $0xF4240, v24;
	[tilespmem:$0x16D0] =	vst v31  }
0x1bc: {  	v36 =	vld [tilespmem:$0x140];
	v35 =	vadd.s32 $0xF4240, v26;
	[tilespmem:$0x16E0] =	vst v33  }
0x1bd: {  	v38 =	vld [tilespmem:$0x150];
	v37 =	vadd.s32 $0xF4240, v28;
	[tilespmem:$0x16F0] =	vst v35  }
0x1be: {  	v40 =	vld [tilespmem:$0x160];
	v39 =	vadd.s32 $0xF4240, v30;
	[tilespmem:$0x1700] =	vst v37  }
0x1bf: {  	v42 =	vld [tilespmem:$0x170];
	v41 =	vadd.s32 $0xF4240, v32;
	[tilespmem:$0x1710] =	vst v39  }
0x1c0: {  	v44 =	vld [tilespmem:$0x180];
	v43 =	vadd.s32 $0xF4240, v34;
	[tilespmem:$0x1720] =	vst v41  }
0x1c1: {  	v46 =	vld [tilespmem:$0x190];
	v45 =	vadd.s32 $0xF4240, v36;
	[tilespmem:$0x1730] =	vst v43  }
0x1c2: {  	v48 =	vld [tilespmem:$0x1A0];
	v47 =	vadd.s32 $0xF4240, v38;
	[tilespmem:$0x1740] =	vst v45  }
0x1c3: {  	v50 =	vld [tilespmem:$0x1B0];
	v49 =	vadd.s32 $0xF4240, v40;
	[tilespmem:$0x1750] =	vst v47  }
0x1c4: {  	v52 =	vld [tilespmem:$0x1C0];
	v51 =	vadd.s32 $0xF4240, v42;
	[tilespmem:$0x1760] =	vst v49  }
0x1c5: {  	v54 =	vld [tilespmem:$0x1D0];
	v53 =	vadd.s32 $0xF4240, v44;
	[tilespmem:$0x1770] =	vst v51  }
0x1c6: {  	v56 =	vld [tilespmem:$0x1E0];
	v55 =	vadd.s32 $0xF4240, v46;
	[tilespmem:$0x1780] =	vst v53  }
0x1c7: {  	v57 =	vadd.s32 $0xF4240, v48;
	v58 =	vld [tilespmem:$0x1F0];
	[tilespmem:$0x1790] =	vst v55  }
0x1c8: {  	v59 =	vadd.s32 $0xF4240, v50;
	[tilespmem:$0x17A0] =	vst v57  }
0x1c9: {  	v60 =	vadd.s32 $0xF4240, v52;
	[tilespmem:$0x17B0] =	vst v59  }
0x1ca: {  	v61 =	vadd.s32 $0xF4240, v54;
	[tilespmem:$0x17C0] =	vst v60  }
0x1cb: {  	v62 =	vadd.s32 $0xF4240, v56;
	[tilespmem:$0x17D0] =	vst v61  }
0x1cc: {  	[tilespmem:$0x17E0] =	vst v62;
	v63 =	vadd.s32 $0xF4240, v58  }
0x1cd: {  	[tilespmem:$0x17F0] =	vst v63  }
0x1ce: {  	[tilespmem:s31], [sflag:$0x1] =	stream.indirect.gather [hbm4b:s2+s9], $0x1, s30, s9, $0xb8;
	[tilespmem:$0x2E00] =	vst v63  }
0x1cf: {  	_ =	swait.ge [sflag:s0], $0x200  }
0x1d0: {  	[sflag:s0] =	ssyncset.done $0x0  }
0x1d1: {  	s1 =	rddreg [dreg:$0x5];
	[sflag:s0] =	ssyncadd.s32 $0xFFFFFE00  }
0x1d2: {  	[hbm4b:s1+s3] =	stream.linear.scatter [tilespmem:s10], [sflag:$0x2], $0x200, $0x38;
	[tilespmem:$0x2E00] =	vst v63  }
0x1d3: {  	_ =	swait.ge [sflag:s8], $0x200  }
0x1d4: {  	[sflag:s8] =	ssyncset.done $0x0  }
0x1d5: {  	[sflag:s8] =	ssyncadd.s32 $0xFFFFFE00  }
0x1d6: {  	_ =	swait.ge [sflag:s0], $0x200  }
0x1d7: {  	[sflag:s0] =	ssyncset.done $0x0  }
0x1d8: {  	s1 =	rddreg [dreg:$0x6];
	[sflag:s0] =	ssyncadd.s32 $0xFFFFFE00  }
0x1d9: {  	[hbm4b:s1+s3] =	stream.linear.scatter [tilespmem:s12], [sflag:$0x2], $0x200, $0x38;
	[tilespmem:$0x2E00] =	vst v63  }
0x1da: {  	_ =	swait.ge [sflag:s8], $0x200  }
0x1db: {  	[sflag:s8] =	ssyncset.done $0x0  }
0x1dc: {  	[sflag:s8] =	ssyncadd.s32 $0xFFFFFE00  }
0x1dd: {  	_ =	swait.ge [sflag:s0], $0x200  }
0x1de: {  	[sflag:s0] =	ssyncset.done $0x0  }
0x1df: {  	s1 =	rddreg [dreg:$0x7];
	[sflag:s0] =	ssyncadd.s32 $0xFFFFFE00  }
0x1e0: {  	[hbm4b:s1+s3] =	stream.linear.scatter [tilespmem:s14], [sflag:$0x2], $0x200, $0x38;
	[tilespmem:$0x2E00] =	vst v63  }
0x1e1: {  	_ =	swait.ge [sflag:s8], $0x200  }
0x1e2: {  	[sflag:s8] =	ssyncset.done $0x0  }
0x1e3: {  	[sflag:s8] =	ssyncadd.s32 $0xFFFFFE00  }
0x1e4: {  	_ =	swait.ge [sflag:s0], $0x200  }
0x1e5: {  	[sflag:s0] =	ssyncset.done $0x0  }
0x1e6: {  	s1 =	rddreg [dreg:$0x8];
	[sflag:s0] =	ssyncadd.s32 $0xFFFFFE00  }
0x1e7: {  	[hbm4b:s1+s3] =	stream.linear.scatter [tilespmem:s16], [sflag:$0x2], $0x200, $0x38;
	[tilespmem:$0x2E00] =	vst v63  }
0x1e8: {  	_ =	swait.ge [sflag:s8], $0x200  }
0x1e9: {  	[sflag:s8] =	ssyncset.done $0x0  }
0x1ea: {  	[sflag:s8] =	ssyncadd.s32 $0xFFFFFE00  }
0x1eb: {  	_ =	swait.ge [sflag:s0], $0x200  }
0x1ec: {  	[sflag:s0] =	ssyncset.done $0x0  }
0x1ed: {  	s1 =	rddreg [dreg:$0x9];
	[sflag:s0] =	ssyncadd.s32 $0xFFFFFE00  }
0x1ee: {  	[hbm4b:s1+s3] =	stream.linear.scatter [tilespmem:s18], [sflag:$0x2], $0x200, $0x38;
	[tilespmem:$0x2E00] =	vst v63  }
0x1ef: {  	_ =	swait.ge [sflag:s8], $0x200  }
0x1f0: {  	[sflag:s8] =	ssyncset.done $0x0  }
0x1f1: {  	[sflag:s8] =	ssyncadd.s32 $0xFFFFFE00  }
0x1f2: {  	_ =	swait.ge [sflag:s0], $0x200  }
0x1f3: {  	[sflag:s0] =	ssyncset.done $0x0  }
0x1f4: {  	s1 =	rddreg [dreg:$0xa];
	[sflag:s0] =	ssyncadd.s32 $0xFFFFFE00  }
0x1f5: {  	[hbm4b:s1+s3] =	stream.linear.scatter [tilespmem:s20], [sflag:$0x2], $0x200, $0x38;
	[tilespmem:$0x2E00] =	vst v63  }
0x1f6: {  	_ =	swait.ge [sflag:s8], $0x200  }
0x1f7: {  	[sflag:s8] =	ssyncset.done $0x0  }
0x1f8: {  	[sflag:s8] =	ssyncadd.s32 $0xFFFFFE00  }
0x1f9: {  	_ =	swait.ge [sflag:s0], $0x200  }
0x1fa: {  	[sflag:s0] =	ssyncset.done $0x0  }
0x1fb: {  	s1 =	rddreg [dreg:$0xb];
	[sflag:s0] =	ssyncadd.s32 $0xFFFFFE00  }
0x1fc: {  	[hbm4b:s1+s3] =	stream.linear.scatter [tilespmem:s22], [sflag:$0x2], $0x200, $0x38;
	[tilespmem:$0x2E00] =	vst v63  }
0x1fd: {  	_ =	swait.ge [sflag:s8], $0x200  }
0x1fe: {  	[sflag:s8] =	ssyncset.done $0x0  }
0x1ff: {  	[sflag:s8] =	ssyncadd.s32 $0xFFFFFE00  }
0x200: {  	_ =	swait.ge [sflag:s0], $0x200  }
0x201: {  	[sflag:s0] =	ssyncset.done $0x0  }
0x202: {  	s1 =	rddreg [dreg:$0xc];
	[sflag:s0] =	ssyncadd.s32 $0xFFFFFE00  }
0x203: {  	[hbm4b:s1+s3] =	stream.linear.scatter [tilespmem:s24], [sflag:$0x2], $0x200, $0x38;
	[tilespmem:$0x2E00] =	vst v63  }
0x204: {  	_ =	swait.ge [sflag:s8], $0x200  }
0x205: {  	[sflag:s8] =	ssyncset.done $0x0  }
0x206: {  	[sflag:s8] =	ssyncadd.s32 $0xFFFFFE00  }
0x207: {  	_ =	swait.ge [sflag:s0], $0x200  }
0x208: {  	[sflag:s0] =	ssyncset.done $0x0  }
0x209: {  	[sflag:s0] =	ssyncadd.s32 $0xFFFFFE00  }
0x20a: {  	[hbm4b:s4+s3] =	stream.linear.scatter [tilespmem:s26], [sflag:$0x2], $0x200, $0x38;
	[tilespmem:$0x2E00] =	vst v63  }
0x20b: {  	_ =	swait.ge [sflag:s8], $0x200  }
0x20c: {  	[sflag:s8] =	ssyncset.done $0x0  }
0x20d: {  	[sflag:s8] =	ssyncadd.s32 $0xFFFFFE00  }
0x20e: {  	_ =	swait.ge [sflag:s0], $0x200  }
0x20f: {  	[sflag:s0] =	ssyncset.done $0x0  }
0x210: {  	[sflag:s0] =	ssyncadd.s32 $0xFFFFFE00  }
0x211: {  	[hbm4b:s5+s3] =	stream.linear.scatter [tilespmem:s29], [sflag:$0x2], $0x200, $0x38;
	[tilespmem:$0x2E00] =	vst v63  }
0x212: {  	_ =	swait.ge [sflag:s8], $0x200  }
0x213: {  	[sflag:s8] =	ssyncset.done $0x0  }
0x214: {  	[sflag:s8] =	ssyncadd.s32 $0xFFFFFE00  }
0x215: {  	_ =	swait.ge [sflag:s0], $0x200  }
0x216: {  	p0 =	sne.s32 s7, $0x1;
	[sflag:s0] =	ssyncset.done $0x0  }
.Ltmp0:
0x217: {  	[sflag:s0] =	ssyncadd.s32 $0xFFFFFE00;
	(pc) =	sbr.rel @p0 .LBB2_1-.Ltmp0, $4  }
0x218: {  	[hbm4b:s6+s3] =	stream.linear.scatter [tilespmem:s31], [sflag:$0x2], $0x200, $0x38;
	[tilespmem:$0x2E00] =	vst v63  }
0x219: {  	_ =	swait.ge [sflag:s8], $0x200  }
0x21a: {  	[sflag:s8] =	ssyncset.done $0x0  }
0x21b: {  	s7 =	sadd.s32 $0xFFFFFFFF, s7;
	[sflag:s8] =	ssyncadd.s32 $0xFFFFFE00  }
0x21c: {  	_ =	sfence.sel $0x180000  }
0x21d: {  	[bflag:$0x0] =	sbarrier.arrive $0xFFFF  }
0x21e: {  	_ =	strace $0x90000047  }
0x21f: {  	s0 =	stileid.u32;
	[bflag:$0x2] =	sbarrier.arrive $0xFFFF  }
0x220: {  	p0 =	sne.s32 s0, $0x0;
	s0 =	rddreg [dreg:$0x3]  }
0x221: {  	s0 =	sadd.s32 @!p0 $0x100000, s0  }
0x222: {  	[sflag:s0] =	ssyncadd.tile.s32 @!p0 $0x1;
	_ =	shalt  }
.Lfunc_end2:
_tile_overlayer_lowered:
.L_overlay_start_2:
0x223: {  	(tag) =	ssettag $0x2  }
0x224: {  	s0 =	rddreg [dreg:$0x0];
	s2 =	stileid.u32  }
0x225: {  	s1 =	rddreg [dreg:$0x1];
	p0 =	sne.s32 s2, $0x0  }
0x226: {  	s3 =	rddreg [dreg:$0x2];
	[bflag:$0x3] =	sbarrier.arrive $0xFFFF;
	s2 =	simm.s32 @!p0 $0x1C02  }
0x227: {  	[timem:s3], [sflag:s2] =	dma.local @!p0 [hbm:s0], s1  }
0x228: {  	s0 =	simm.s32 @!p0 $0x2  }
0x229: {  	_ =	swait.ge @!p0 [sflag:s0], s1  }
0x22a: {  	s1 =	ssub.s32 @!p0 $0x0, s1;
	[sflag:s0] =	ssyncset.done @!p0 $0x0  }
0x22b: {  	[sflag:s0] =	ssyncadd.s32 @!p0 s1  }
0x22c: {  	[bflag:$0x3] =	sbarrier.arrive $0xFFFF  }
0x22d: {  	_ =	shalt  }

</sc_bundles>
